<compile_context>
chip_gen: v7x
topology: tpu7x:2x2x1
jax: 0.10.2.dev20260603
libtpu: 0.0.44.dev20260713+nightly
codegen_flags: <defaults>
</compile_context>

<pallas_src>
import jax
import jax.numpy as jnp
from jax import lax
from jax.experimental import pallas as pl
from jax.experimental.pallas import tpu as pltpu
from jax.experimental.pallas import tpu_sc as plsc

_CONF = 0.3
_IOU = 0.6
_MAX_DET = 300
_MAX_WH = 4096.0

_N = 20000
_B = 8
_CHUNK = 5000
_HALF = _N // 2
_C = 512
_CP = _C + 16
_NCH = _CP // 16
_ROWS = (_MAX_DET + 1) * 16
_BISECT_ITERS = 22


def _prep_body(x_ref, f_ref):
    xr = x_ref[0, 0]
    obj = xr[:, 4:5]
    scs = xr[:, 5:85] * obj
    score = jnp.max(scs, axis=1, keepdims=True)
    li = lax.broadcasted_iota(jnp.int32, (_CHUNK, 80), 1)
    clsi = jnp.min(jnp.where(scs == score, li, 127), axis=1, keepdims=True)
    clsf = clsi.astype(jnp.float32)
    valid = (obj > _CONF) & (score > _CONF)
    run = jnp.where(valid, score, -1.0)
    cx = xr[:, 0:1]
    cy = xr[:, 1:2]
    w = xr[:, 2:3]
    h = xr[:, 3:4]
    x1 = cx - w / 2
    y1 = cy - h / 2
    x2 = cx + w / 2
    y2 = cy + h / 2
    zero = jnp.zeros((_CHUNK, 2), dtype=jnp.float32)
    f_ref[0] = jnp.concatenate([run, x1, y1, x2, y2, clsf, zero], axis=1)


def _prep(x):
    return pl.pallas_call(
        _prep_body,
        grid=(_B, _N // _CHUNK),
        in_specs=[pl.BlockSpec((1, 1, _CHUNK, 85), lambda b, k: (0, b, k, 0))],
        out_specs=pl.BlockSpec((1, _CHUNK, 8), lambda b, k: (b, k, 0)),
        out_shape=jax.ShapeDtypeStruct((_B, _N, 8), jnp.float32),
    )(x)


def _bisect_body(r_ref, t_ref):
    run = r_ref[0]
    cap = jnp.float32(_C)

    def body(_, carry):
        lo, hi = carry
        mid = (lo + hi) * 0.5
        cnt = jnp.sum(jnp.where(run > mid, 1.0, 0.0))
        big = cnt > cap
        return jnp.where(big, mid, lo), jnp.where(big, hi, mid)

    _, hi = lax.fori_loop(0, _BISECT_ITERS, body, (jnp.float32(_CONF), jnp.float32(1.0)))
    t_ref[0] = jnp.full((1, 128), hi, dtype=jnp.float32)


def _bisect(run3):
    return pl.pallas_call(
        _bisect_body,
        grid=(_B,),
        in_specs=[pl.BlockSpec((1, 1, _N), lambda b: (b, 0, 0))],
        out_specs=pl.BlockSpec((1, 1, 128), lambda b: (b, 0, 0)),
        out_shape=jax.ShapeDtypeStruct((_B, 1, 128), jnp.float32),
    )(run3)


def _sc_body(f_hbm, t_hbm, out_hbm, fld_v, t_v,
             run_c, bx1_c, by1_c, bx2_c, by2_c, cls_c,
             ox1_c, oy1_c, ox2_c, oy2_c, oa_c, rows_v):
    cid = lax.axis_index("c")
    sid = lax.axis_index("s")
    wid = sid * 2 + cid

    @pl.when(wid < _B)
    def _():
        b = wid
        pltpu.sync_copy(t_hbm.at[b], t_v)
        tv = t_v[0, pl.ds(0, 16)]

        neg = jnp.full((16,), -1.0, dtype=jnp.float32)
        zero = jnp.zeros((16,), dtype=jnp.float32)
        lane = lax.iota(jnp.int32, 16)

        def fill(k, _):
            run_c[pl.ds(k * 16, 16)] = neg
            for o in (bx1_c, by1_c, bx2_c, by2_c, cls_c):
                o[pl.ds(k * 16, 16)] = zero
            return 0

        lax.fori_loop(0, _NCH, fill, 0)

        def zfill(k, _):
            rows_v[pl.ds(k * 16, 16)] = zero
            return 0

        lax.fori_loop(0, _ROWS // 16, zfill, 0)

        outs = (run_c, bx1_c, by1_c, bx2_c, by2_c, cls_c)
        off = jnp.int32(0)
        for h in range(_N // _HALF):
            pltpu.sync_copy(f_hbm.at[b, pl.ds(h * _HALF, _HALF)], fld_v)

            def step(k, off):
                ridx = k * 16 + lane
                rv = plsc.load_gather(fld_v, [ridx, jnp.zeros((16,), jnp.int32)])
                m = rv > tv
                ones = jnp.where(m, 1, 0).astype(jnp.int32)
                cs = plsc.cumsum(ones)
                pos = cs + (off - 1)
                msk = m & (pos < _C)
                for f in range(1, 6):
                    vf = plsc.load_gather(
                        fld_v, [ridx, jnp.full((16,), f, jnp.int32)])
                    plsc.store_scatter(outs[f], [pos], vf, mask=msk)
                plsc.store_scatter(outs[0], [pos], rv, mask=msk)
                pc = plsc.all_reduce_population_count(m)
                return off + pc[0]

            off = lax.fori_loop(0, _HALF // 16, step, off, unroll=8)

        binit = jnp.full((16,), -3.0e38, dtype=jnp.float32)
        kinit = jnp.zeros((16,), dtype=jnp.int32)

        def derive(k, carry):
            best, bk = carry
            sl = pl.ds(k * 16, 16)
            c = cls_c[sl]
            o = c * _MAX_WH
            x1v = bx1_c[sl]
            y1v = by1_c[sl]
            x2v = bx2_c[sl]
            y2v = by2_c[sl]
            a = x1v + o
            bq = y1v + o
            cq = x2v + o
            dq = y2v + o
            ox1_c[sl] = a
            oy1_c[sl] = bq
            ox2_c[sl] = cq
            oy2_c[sl] = dq
            oa_c[sl] = (cq - a) * (dq - bq)
            rv = run_c[sl]
            gt = rv > best
            return jnp.where(gt, rv, best), jnp.where(gt, k, bk)

        best, bk = lax.fori_loop(0, _NCH, derive, (binit, kinit))

        def sel_step(s, carry):
            best, bk = carry
            m = jnp.max(best)
            gv = jnp.where(best == m, bk * 16 + lane, jnp.int32(2**30))
            i = jnp.minimum(jnp.min(gv), jnp.int32(_C - 1))
            ok = m > 0.0
            isl = pl.ds(i, 16)
            sx1 = ox1_c[isl][0]
            sy1 = oy1_c[isl][0]
            sx2 = ox2_c[isl][0]
            sy2 = oy2_c[isl][0]
            a1 = (sx2 - sx1) * (sy2 - sy1)

            @pl.when(ok)
            def _():
                vals = (bx1_c[isl][0], by1_c[isl][0], bx2_c[isl][0],
                        by2_c[isl][0], m, cls_c[isl][0])
                row = jnp.zeros((16,), dtype=jnp.float32)
                for j, v in enumerate(vals):
                    row = jnp.where(lane == j, v, row)
                rows_v[pl.ds(s * 16, 16)] = row

            def sweep(k, carry2):
                nbest, nbk = carry2
                sl = pl.ds(k * 16, 16)
                rv = run_c[sl]
                ox1v = ox1_c[sl]
                oy1v = oy1_c[sl]
                ox2v = ox2_c[sl]
                oy2v = oy2_c[sl]
                oav = oa_c[sl]
                xx1 = jnp.maximum(sx1, ox1v)
                yy1 = jnp.maximum(sy1, oy1v)
                xx2 = jnp.minimum(sx2, ox2v)
                yy2 = jnp.minimum(sy2, oy2v)
                inter = jnp.maximum(xx2 - xx1, 0.0) * jnp.maximum(yy2 - yy1, 0.0)
                iou = inter / (a1 + oav - inter + 1e-9)
                onehot = (k * 16 + lane) == i
                nr = jnp.where((iou > _IOU) | onehot, -1.0, rv)
                run_c[sl] = nr
                gt = nr > nbest
                return jnp.where(gt, nr, nbest), jnp.where(gt, k, nbk)

            return lax.fori_loop(0, _NCH, sweep, (binit, kinit), unroll=_NCH)

        lax.fori_loop(0, _MAX_DET, sel_step, (best, bk))

        pltpu.sync_copy(rows_v, out_hbm.at[b])


def _sc_nms(fields_cm, t8):
    mesh = plsc.VectorSubcoreMesh(core_axis_name="c", subcore_axis_name="s")
    kfn = pl.kernel(
        _sc_body,
        out_type=jax.ShapeDtypeStruct((_B, _ROWS), jnp.float32),
        mesh=mesh,
        compiler_params=pltpu.CompilerParams(
            needs_layout_passes=False, use_tc_tiling_on_sc=False),
        scratch_types=[
            pltpu.VMEM((_HALF, 8), jnp.float32),
            pltpu.VMEM((1, 128), jnp.float32),
        ] + [pltpu.VMEM((_CP,), jnp.float32) for _ in range(11)]
        + [pltpu.VMEM((_ROWS,), jnp.float32)],
    )
    return kfn(fields_cm, t8)


def kernel(x):
    fields_cm = _prep(x)
    run3 = fields_cm[:, :, 0].reshape(_B, 1, _N)
    t8 = _bisect(run3)
    rows = _sc_nms(fields_cm, t8)
    rows = rows.reshape(_B, _MAX_DET + 1, 16)
    return rows[:, :_MAX_DET, :6]

# --- scband reference (transcript-rebuilt; emitter-appended) ---
"""Pipeline reference for scband-nms-52372831207837 (READ-ONLY COPY).

The authoritative reference and input builder live on the scoring server;
editing this copy changes nothing except your own understanding.
"""

import jax, jax.numpy as jnp
import numpy as np

CONF = 0.3
IOU = 0.6
MAX_DET = 300
MAX_WH = 4096.0


def setup_inputs(seed: int = 0) -> dict:
    key = jax.random.key(seed)
    x = jax.random.uniform(key, (1, 8, 20000, 85), dtype=jnp.float32)
    return {"x": x}


def _xywh2xyxy(b):
    cx, cy, w, h = b[:, 0], b[:, 1], b[:, 2], b[:, 3]
    return jnp.stack([cx - w / 2, cy - h / 2, cx + w / 2, cy + h / 2], axis=1)


def _iou_one_vs_all(box, boxes):
    x1 = jnp.maximum(box[0], boxes[:, 0])
    y1 = jnp.maximum(box[1], boxes[:, 1])
    x2 = jnp.minimum(box[2], boxes[:, 2])
    y2 = jnp.minimum(box[3], boxes[:, 3])
    inter = jnp.clip(x2 - x1, 0.0) * jnp.clip(y2 - y1, 0.0)
    a1 = (box[2] - box[0]) * (box[3] - box[1])
    a2 = (boxes[:, 2] - boxes[:, 0]) * (boxes[:, 3] - boxes[:, 1])
    return inter / (a1 + a2 - inter + 1e-9)


def _nms_single(pred):
    # pred: [N, 85] = (cx, cy, w, h, obj, 80 class scores)
    boxes = _xywh2xyxy(pred[:, :4])
    obj = pred[:, 4]
    cls_scores = pred[:, 5:] * obj[:, None]  # conf = obj_conf * cls_conf
    score = jnp.max(cls_scores, axis=1)
    cls_id = jnp.argmax(cls_scores, axis=1).astype(jnp.float32)
    valid = (obj > CONF) & (score > CONF)
    sc0 = jnp.where(valid, score, 0.0)
    run = jnp.where(valid, score, -1.0)
    # class-offset trick so per-class NMS happens in one pass
    ob = boxes + (cls_id * MAX_WH)[:, None]

    def body(run, _):
        i = jnp.argmax(run)
        ok = run[i] > 0.0
        iou = _iou_one_vs_all(ob[i], ob)
        sup = iou > IOU
        new_run = jnp.where(sup, -1.0, run)
        new_run = new_run.at[i].set(-1.0)
        row = jnp.concatenate([boxes[i], sc0[i][None], cls_id[i][None]])
        row = jnp.where(ok, row, jnp.zeros(6, dtype=row.dtype))
        return new_run, row

    _, rows = jax.lax.scan(body, run, None, length=MAX_DET)
    return rows  # [MAX_DET, 6] = (x1, y1, x2, y2, conf, cls), zero-padded


def reference(x):
    pred = x[0]  # [B, N, 85]
    return jax.vmap(_nms_single)(pred)  # [B, MAX_DET, 6]

if __name__ == "__main__":
    import jax
    _d = setup_inputs()
    print(jax.jit(kernel)(*tuple(_d.values())))

</pallas_src>

<mosaic_0001>
#map = affine_map<(d0, d1) -> (0, 0, 0)>
#map1 = affine_map<(d0, d1) -> (0, 0)>
module attributes {stable_mosaic.version = 14 : i64} {
  func.func @_sc_body(%arg0: i32, %arg1: i32, %arg2: memref<8x20000x8xf32, #tpu.memory_space<hbm>>, %arg3: memref<8x1x128xf32, #tpu.memory_space<hbm>>, %arg4: memref<8x4816xf32, #tpu.memory_space<hbm>>, %arg5: memref<10000x8xf32, #tpu.memory_space<vmem>>, %arg6: memref<1x128xf32, #tpu.memory_space<vmem>>, %arg7: memref<528xf32, #tpu.memory_space<vmem>>, %arg8: memref<528xf32, #tpu.memory_space<vmem>>, %arg9: memref<528xf32, #tpu.memory_space<vmem>>, %arg10: memref<528xf32, #tpu.memory_space<vmem>>, %arg11: memref<528xf32, #tpu.memory_space<vmem>>, %arg12: memref<528xf32, #tpu.memory_space<vmem>>, %arg13: memref<528xf32, #tpu.memory_space<vmem>>, %arg14: memref<528xf32, #tpu.memory_space<vmem>>, %arg15: memref<528xf32, #tpu.memory_space<vmem>>, %arg16: memref<528xf32, #tpu.memory_space<vmem>>, %arg17: memref<528xf32, #tpu.memory_space<vmem>>, %arg18: memref<4816xf32, #tpu.memory_space<vmem>>) attributes {dimension_semantics = [#tpu.dimension_semantics<core_parallel>, #tpu.dimension_semantics<subcore_parallel>], iteration_bounds = array<i64: 2, 16>, scalar_prefetch = 0 : i64, scratch_operands = 14 : i64, tpu.core_type = #tpu.core_type<sc_vector_subcore>, window_params = [{transform_indices = #map}, {transform_indices = #map}, {transform_indices = #map1}]} {
    %mul3A = arith.constant 2 : i32
    %mul3A_0 = arith.muli %arg1, %mul3A : i32
    %add3A = arith.addi %mul3A_0, %arg0 : i32
    %lt3A = arith.constant 8 : i32
    %lt3A_1 = arith.cmpi slt, %add3A, %lt3A : i32
    %convert_element_type3A = arith.extui %lt3A_1 : i1 to i32
    %cond3A = arith.constant 0 : i32
    %cond3A_2 = arith.cmpi ne, %convert_element_type3A, %cond3A : i32
    scf.if %cond3A_2 {
      "tpu.region"() ({
        %run_scoped3A = tpu.sem_alloc : memref<!tpu.dma_semaphore, #tpu.memory_space<semaphore_mem>>
        %dma_start3A = arith.constant 0 : i32
        %dma_start3A_131 = arith.constant 0 : i32
        %dma_start3A_132 = tpu.memref_slice %arg3[%add3A, %dma_start3A, %dma_start3A_131] : memref<8x1x128xf32, #tpu.memory_space<hbm>> -> memref<1x1x128xf32, #tpu.memory_space<hbm>>
        %dma_start3A_133 = tpu.memref_squeeze %dma_start3A_132 : memref<1x1x128xf32, #tpu.memory_space<hbm>> -> memref<1x128xf32, #tpu.memory_space<hbm>>
        %dma_start3A_134 = arith.constant 0 : i32
        %dma_start3A_135 = arith.constant 0 : i32
        %dma_start3A_136 = tpu.memref_slice %arg3[%add3A, %dma_start3A_134, %dma_start3A_135] : memref<8x1x128xf32, #tpu.memory_space<hbm>> -> memref<1x1x128xf32, #tpu.memory_space<hbm>>
        %dma_start3A_137 = tpu.memref_squeeze %dma_start3A_136 : memref<1x1x128xf32, #tpu.memory_space<hbm>> -> memref<1x128xf32, #tpu.memory_space<hbm>>
        tpu.enqueue_dma source(%dma_start3A_137 : memref<1x128xf32, #tpu.memory_space<hbm>>) target(%arg6 : memref<1x128xf32, #tpu.memory_space<vmem>>) target_semaphore(%run_scoped3A : memref<!tpu.dma_semaphore, #tpu.memory_space<semaphore_mem>>)
        %dma_wait3A = arith.constant 0 : i32
        %dma_wait3A_138 = arith.constant 0 : i32
        %dma_wait3A_139 = tpu.memref_slice %arg3[%add3A, %dma_wait3A, %dma_wait3A_138] : memref<8x1x128xf32, #tpu.memory_space<hbm>> -> memref<1x1x128xf32, #tpu.memory_space<hbm>>
        %dma_wait3A_140 = tpu.memref_squeeze %dma_wait3A_139 : memref<1x1x128xf32, #tpu.memory_space<hbm>> -> memref<1x128xf32, #tpu.memory_space<hbm>>
        %dma_wait3A_141 = arith.constant 0 : i32
        %dma_wait3A_142 = arith.constant 0 : i32
        %dma_wait3A_143 = tpu.memref_slice %arg3[%add3A, %dma_wait3A_141, %dma_wait3A_142] : memref<8x1x128xf32, #tpu.memory_space<hbm>> -> memref<1x1x128xf32, #tpu.memory_space<hbm>>
        %dma_wait3A_144 = tpu.memref_squeeze %dma_wait3A_143 : memref<1x1x128xf32, #tpu.memory_space<hbm>> -> memref<1x128xf32, #tpu.memory_space<hbm>>
        tpu.wait_dma2 semaphore(%run_scoped3A : memref<!tpu.dma_semaphore, #tpu.memory_space<semaphore_mem>>) src(%dma_wait3A_144 : memref<1x128xf32, #tpu.memory_space<hbm>>) dst(%arg6 : memref<1x128xf32, #tpu.memory_space<vmem>>)
        tpu.yield
      }) : () -> ()
      %get3A = arith.constant 0 : i32
      %get3A_3 = arith.index_cast %get3A : i32 to index
      %get3A_4 = arith.constant 0 : index
      %get3A_5 = tpu.vector_load %arg6[%get3A_3, %get3A_4] {strides = array<i32>} : memref<1x128xf32, #tpu.memory_space<vmem>>, vector<16xf32>,
      %broadcast_in_dim3A = arith.constant -1.000000e+00 : f32
      %broadcast_in_dim3A_6 = vector.broadcast %broadcast_in_dim3A : f32 to vector<16xf32>
      %broadcast_in_dim3A_7 = arith.constant 0.000000e+00 : f32
      %broadcast_in_dim3A_8 = vector.broadcast %broadcast_in_dim3A_7 : f32 to vector<16xf32>
      %iota3A = tpu.iota {dimensions = array<i32: 0>} : vector<16xi32>
      %scan3A = arith.constant 0 : i32
      %scan3A_9 = arith.constant 0 : i32
      %scan3A_10 = arith.constant 33 : i32
      %scan3A_11 = arith.addi %scan3A_9, %scan3A_10 : i32
      %scan3A_12 = arith.constant 1 : i32
      %scan3A_13 = scf.for %scan3A_131 = %scan3A_9 to %scan3A_11 step %scan3A_12 iter_args(%scan3A_132 = %scan3A) -> (i32)  : i32 {
        %mul3A_133 = arith.constant 16 : i32
        %mul3A_134 = arith.muli %scan3A_131, %mul3A_133 : i32
        %swap3A = arith.index_cast %mul3A_134 : i32 to index
        %swap3A_135 = tpu.vector_load %arg7[%swap3A] {strides = array<i32>} : memref<528xf32, #tpu.memory_space<vmem>>, vector<16xf32>,
        tpu.vector_store %arg7[%swap3A], %broadcast_in_dim3A_6 {strides = array<i32>} : memref<528xf32, #tpu.memory_space<vmem>>, vector<16xf32>,
        %mul3A_136 = arith.constant 16 : i32
        %mul3A_137 = arith.muli %scan3A_131, %mul3A_136 : i32
        %swap3A_138 = arith.index_cast %mul3A_137 : i32 to index
        %swap3A_139 = tpu.vector_load %arg8[%swap3A_138] {strides = array<i32>} : memref<528xf32, #tpu.memory_space<vmem>>, vector<16xf32>,
        tpu.vector_store %arg8[%swap3A_138], %broadcast_in_dim3A_8 {strides = array<i32>} : memref<528xf32, #tpu.memory_space<vmem>>, vector<16xf32>,
        %mul3A_140 = arith.constant 16 : i32
        %mul3A_141 = arith.muli %scan3A_131, %mul3A_140 : i32
        %swap3A_142 = arith.index_cast %mul3A_141 : i32 to index
        %swap3A_143 = tpu.vector_load %arg9[%swap3A_142] {strides = array<i32>} : memref<528xf32, #tpu.memory_space<vmem>>, vector<16xf32>,
        tpu.vector_store %arg9[%swap3A_142], %broadcast_in_dim3A_8 {strides = array<i32>} : memref<528xf32, #tpu.memory_space<vmem>>, vector<16xf32>,
        %mul3A_144 = arith.constant 16 : i32
        %mul3A_145 = arith.muli %scan3A_131, %mul3A_144 : i32
        %swap3A_146 = arith.index_cast %mul3A_145 : i32 to index
        %swap3A_147 = tpu.vector_load %arg10[%swap3A_146] {strides = array<i32>} : memref<528xf32, #tpu.memory_space<vmem>>, vector<16xf32>,
        tpu.vector_store %arg10[%swap3A_146], %broadcast_in_dim3A_8 {strides = array<i32>} : memref<528xf32, #tpu.memory_space<vmem>>, vector<16xf32>,
        %mul3A_148 = arith.constant 16 : i32
        %mul3A_149 = arith.muli %scan3A_131, %mul3A_148 : i32
        %swap3A_150 = arith.index_cast %mul3A_149 : i32 to index
        %swap3A_151 = tpu.vector_load %arg11[%swap3A_150] {strides = array<i32>} : memref<528xf32, #tpu.memory_space<vmem>>, vector<16xf32>,
        tpu.vector_store %arg11[%swap3A_150], %broadcast_in_dim3A_8 {strides = array<i32>} : memref<528xf32, #tpu.memory_space<vmem>>, vector<16xf32>,
        %mul3A_152 = arith.constant 16 : i32
        %mul3A_153 = arith.muli %scan3A_131, %mul3A_152 : i32
        %swap3A_154 = arith.index_cast %mul3A_153 : i32 to index
        %swap3A_155 = tpu.vector_load %arg12[%swap3A_154] {strides = array<i32>} : memref<528xf32, #tpu.memory_space<vmem>>, vector<16xf32>,
        tpu.vector_store %arg12[%swap3A_154], %broadcast_in_dim3A_8 {strides = array<i32>} : memref<528xf32, #tpu.memory_space<vmem>>, vector<16xf32>,
        %scan3A_156 = arith.constant 0 : i32
        scf.yield %scan3A_156 : i32
      }
      %scan3A_14 = arith.constant 33 : i32
      %scan3A_15 = arith.constant 0 : i32
      %scan3A_16 = arith.constant 0 : i32
      %scan3A_17 = arith.constant 301 : i32
      %scan3A_18 = arith.addi %scan3A_16, %scan3A_17 : i32
      %scan3A_19 = arith.constant 1 : i32
      %scan3A_20 = scf.for %scan3A_131 = %scan3A_16 to %scan3A_18 step %scan3A_19 iter_args(%scan3A_132 = %scan3A_15) -> (i32)  : i32 {
        %mul3A_133 = arith.constant 16 : i32
        %mul3A_134 = arith.muli %scan3A_131, %mul3A_133 : i32
        %swap3A = arith.index_cast %mul3A_134 : i32 to index
        %swap3A_135 = tpu.vector_load %arg18[%swap3A] {strides = array<i32>} : memref<4816xf32, #tpu.memory_space<vmem>>, vector<16xf32>,
        tpu.vector_store %arg18[%swap3A], %broadcast_in_dim3A_8 {strides = array<i32>} : memref<4816xf32, #tpu.memory_space<vmem>>, vector<16xf32>,
        %scan3A_136 = arith.constant 0 : i32
        scf.yield %scan3A_136 : i32
      }
      %scan3A_21 = arith.constant 301 : i32
      "tpu.region"() ({
        %run_scoped3A = tpu.sem_alloc : memref<!tpu.dma_semaphore, #tpu.memory_space<semaphore_mem>>
        %dma_start3A = arith.constant 0 : i32
        %dma_start3A_131 = arith.constant 0 : i32
        %dma_start3A_132 = tpu.memref_slice %arg2[%add3A, %dma_start3A, %dma_start3A_131] : memref<8x20000x8xf32, #tpu.memory_space<hbm>> -> memref<1x10000x8xf32, #tpu.memory_space<hbm>>
        %dma_start3A_133 = tpu.memref_squeeze %dma_start3A_132 : memref<1x10000x8xf32, #tpu.memory_space<hbm>> -> memref<10000x8xf32, #tpu.memory_space<hbm>>
        %dma_start3A_134 = arith.constant 0 : i32
        %dma_start3A_135 = arith.constant 0 : i32
        %dma_start3A_136 = tpu.memref_slice %arg2[%add3A, %dma_start3A_134, %dma_start3A_135] : memref<8x20000x8xf32, #tpu.memory_space<hbm>> -> memref<1x10000x8xf32, #tpu.memory_space<hbm>>
        %dma_start3A_137 = tpu.memref_squeeze %dma_start3A_136 : memref<1x10000x8xf32, #tpu.memory_space<hbm>> -> memref<10000x8xf32, #tpu.memory_space<hbm>>
        tpu.enqueue_dma source(%dma_start3A_137 : memref<10000x8xf32, #tpu.memory_space<hbm>>) target(%arg5 : memref<10000x8xf32, #tpu.memory_space<vmem>>) target_semaphore(%run_scoped3A : memref<!tpu.dma_semaphore, #tpu.memory_space<semaphore_mem>>)
        %dma_wait3A = arith.constant 0 : i32
        %dma_wait3A_138 = arith.constant 0 : i32
        %dma_wait3A_139 = tpu.memref_slice %arg2[%add3A, %dma_wait3A, %dma_wait3A_138] : memref<8x20000x8xf32, #tpu.memory_space<hbm>> -> memref<1x10000x8xf32, #tpu.memory_space<hbm>>
        %dma_wait3A_140 = tpu.memref_squeeze %dma_wait3A_139 : memref<1x10000x8xf32, #tpu.memory_space<hbm>> -> memref<10000x8xf32, #tpu.memory_space<hbm>>
        %dma_wait3A_141 = arith.constant 0 : i32
        %dma_wait3A_142 = arith.constant 0 : i32
        %dma_wait3A_143 = tpu.memref_slice %arg2[%add3A, %dma_wait3A_141, %dma_wait3A_142] : memref<8x20000x8xf32, #tpu.memory_space<hbm>> -> memref<1x10000x8xf32, #tpu.memory_space<hbm>>
        %dma_wait3A_144 = tpu.memref_squeeze %dma_wait3A_143 : memref<1x10000x8xf32, #tpu.memory_space<hbm>> -> memref<10000x8xf32, #tpu.memory_space<hbm>>
        tpu.wait_dma2 semaphore(%run_scoped3A : memref<!tpu.dma_semaphore, #tpu.memory_space<semaphore_mem>>) src(%dma_wait3A_144 : memref<10000x8xf32, #tpu.memory_space<hbm>>) dst(%arg5 : memref<10000x8xf32, #tpu.memory_space<vmem>>)
        tpu.yield
      }) : () -> ()
      %scan3A_22 = arith.constant 0 : i32
      %scan3A_23 = arith.constant 0 : i32
      %scan3A_24 = arith.constant 624 : i32
      %scan3A_25 = arith.addi %scan3A_23, %scan3A_24 : i32
      %scan3A_26 = arith.constant 8 : i32
      %scan3A_27 = scf.for %scan3A_131 = %scan3A_23 to %scan3A_25 step %scan3A_26 iter_args(%scan3A_132 = %scan3A_22) -> (i32)  : i32 {
        %mul3A_133 = arith.constant 16 : i32
        %mul3A_134 = arith.muli %scan3A_131, %mul3A_133 : i32
        %add3A_135 = vector.broadcast %mul3A_134 : i32 to vector<16xi32>
        %add3A_136 = arith.addi %add3A_135, %iota3A : vector<16xi32>
        %broadcast_in_dim3A_137 = arith.constant 0 : i32
        %broadcast_in_dim3A_138 = vector.broadcast %broadcast_in_dim3A_137 : i32 to vector<16xi32>
        %gather3A_139 = tpu.vector_load_idx %arg5[%add3A_136, %broadcast_in_dim3A_138] : memref<10000x8xf32, #tpu.memory_space<vmem>>[vector<16xi32>, vector<16xi32>], vector<16xf32>,
        %gt3A_140 = arith.cmpf ogt, %gather3A_139, %get3A_5 : vector<16xf32>
        %jit3A_141 = arith.constant 1 : i32
        %jit3A_142 = arith.constant 0 : i32
        %broadcast_in_dim3A_143 = vector.broadcast %jit3A_141 : i32 to vector<16xi32>
        %broadcast_in_dim3A_144 = vector.broadcast %jit3A_142 : i32 to vector<16xi32>
        %select_n3A_145 = arith.select %gt3A_140, %broadcast_in_dim3A_143, %broadcast_in_dim3A_144 : vector<16xi1>, vector<16xi32>
        %broadcast_in_dim3A_146 = arith.constant true
        %broadcast_in_dim3A_147 = vector.broadcast %broadcast_in_dim3A_146 : i1 to vector<16xi1>
        %masked_cumsum3A_148 = tpu.scan <sum>, %select_n3A_145 masked %broadcast_in_dim3A_147 : vector<16xi32>, vector<16xi1> -> vector<16xi32>
        %sub3A_149 = arith.constant 1 : i32
        %sub3A_150 = arith.subi %scan3A_132, %sub3A_149 : i32
        %add3A_151 = vector.broadcast %sub3A_150 : i32 to vector<16xi32>
        %add3A_152 = arith.addi %masked_cumsum3A_148, %add3A_151 : vector<16xi32>
        %lt3A_153 = arith.constant 512 : i32
        %lt3A_154 = vector.broadcast %lt3A_153 : i32 to vector<16xi32>
        %lt3A_155 = arith.cmpi slt, %add3A_152, %lt3A_154 : vector<16xi32>
        %and3A_156 = arith.andi %gt3A_140, %lt3A_155 : vector<16xi1>
        %broadcast_in_dim3A_157 = arith.constant 1 : i32
        %broadcast_in_dim3A_158 = vector.broadcast %broadcast_in_dim3A_157 : i32 to vector<16xi32>
        %gather3A_159 = tpu.vector_load_idx %arg5[%add3A_136, %broadcast_in_dim3A_158] : memref<10000x8xf32, #tpu.memory_space<vmem>>[vector<16xi32>, vector<16xi32>], vector<16xf32>,
        tpu.vector_store_idx %arg8[%add3A_152], %gather3A_159 masked %and3A_156 : memref<528xf32, #tpu.memory_space<vmem>>[vector<16xi32>], vector<16xf32>, vector<16xi1>
        %broadcast_in_dim3A_160 = arith.constant 2 : i32
        %broadcast_in_dim3A_161 = vector.broadcast %broadcast_in_dim3A_160 : i32 to vector<16xi32>
        %gather3A_162 = tpu.vector_load_idx %arg5[%add3A_136, %broadcast_in_dim3A_161] : memref<10000x8xf32, #tpu.memory_space<vmem>>[vector<16xi32>, vector<16xi32>], vector<16xf32>,
        tpu.vector_store_idx %arg9[%add3A_152], %gather3A_162 masked %and3A_156 : memref<528xf32, #tpu.memory_space<vmem>>[vector<16xi32>], vector<16xf32>, vector<16xi1>
        %broadcast_in_dim3A_163 = arith.constant 3 : i32
        %broadcast_in_dim3A_164 = vector.broadcast %broadcast_in_dim3A_163 : i32 to vector<16xi32>
        %gather3A_165 = tpu.vector_load_idx %arg5[%add3A_136, %broadcast_in_dim3A_164] : memref<10000x8xf32, #tpu.memory_space<vmem>>[vector<16xi32>, vector<16xi32>], vector<16xf32>,
        tpu.vector_store_idx %arg10[%add3A_152], %gather3A_165 masked %and3A_156 : memref<528xf32, #tpu.memory_space<vmem>>[vector<16xi32>], vector<16xf32>, vector<16xi1>
        %broadcast_in_dim3A_166 = arith.constant 4 : i32
        %broadcast_in_dim3A_167 = vector.broadcast %broadcast_in_dim3A_166 : i32 to vector<16xi32>
        %gather3A_168 = tpu.vector_load_idx %arg5[%add3A_136, %broadcast_in_dim3A_167] : memref<10000x8xf32, #tpu.memory_space<vmem>>[vector<16xi32>, vector<16xi32>], vector<16xf32>,
        tpu.vector_store_idx %arg11[%add3A_152], %gather3A_168 masked %and3A_156 : memref<528xf32, #tpu.memory_space<vmem>>[vector<16xi32>], vector<16xf32>, vector<16xi1>
        %broadcast_in_dim3A_169 = arith.constant 5 : i32
        %broadcast_in_dim3A_170 = vector.broadcast %broadcast_in_dim3A_169 : i32 to vector<16xi32>
        %gather3A_171 = tpu.vector_load_idx %arg5[%add3A_136, %broadcast_in_dim3A_170] : memref<10000x8xf32, #tpu.memory_space<vmem>>[vector<16xi32>, vector<16xi32>], vector<16xf32>,
        tpu.vector_store_idx %arg12[%add3A_152], %gather3A_171 masked %and3A_156 : memref<528xf32, #tpu.memory_space<vmem>>[vector<16xi32>], vector<16xf32>, vector<16xi1>
        tpu.vector_store_idx %arg7[%add3A_152], %gather3A_139 masked %and3A_156 : memref<528xf32, #tpu.memory_space<vmem>>[vector<16xi32>], vector<16xf32>, vector<16xi1>
        %all_reduce_population_count3A_172 = tpu.all_reduce %gt3A_140 {dim = 0 : i64, kind = #tpu.reduction_kind<sum>} : vector<16xi1> -> vector<16xi32>
        %slice3A_173 = vector.extract_strided_slice %all_reduce_population_count3A_172 {offsets = [0], sizes = [1], strides = [1]} : vector<16xi32> to vector<1xi32>
        %squeeze3A_174 = vector.extract %slice3A_173[0] : i32 from vector<1xi32>
        %add3A_175 = arith.addi %scan3A_132, %squeeze3A_174 : i32
        %scan3A_176 = arith.constant 1 : i32
        %scan3A_177 = arith.addi %scan3A_131, %scan3A_176 : i32
        %mul3A_178 = arith.constant 16 : i32
        %mul3A_179 = arith.muli %scan3A_177, %mul3A_178 : i32
        %add3A_180 = vector.broadcast %mul3A_179 : i32 to vector<16xi32>
        %add3A_181 = arith.addi %add3A_180, %iota3A : vector<16xi32>
        %broadcast_in_dim3A_182 = arith.constant 0 : i32
        %broadcast_in_dim3A_183 = vector.broadcast %broadcast_in_dim3A_182 : i32 to vector<16xi32>
        %gather3A_184 = tpu.vector_load_idx %arg5[%add3A_181, %broadcast_in_dim3A_183] : memref<10000x8xf32, #tpu.memory_space<vmem>>[vector<16xi32>, vector<16xi32>], vector<16xf32>,
        %gt3A_185 = arith.cmpf ogt, %gather3A_184, %get3A_5 : vector<16xf32>
        %jit3A_186 = arith.constant 1 : i32
        %jit3A_187 = arith.constant 0 : i32
        %broadcast_in_dim3A_188 = vector.broadcast %jit3A_186 : i32 to vector<16xi32>
        %broadcast_in_dim3A_189 = vector.broadcast %jit3A_187 : i32 to vector<16xi32>
        %select_n3A_190 = arith.select %gt3A_185, %broadcast_in_dim3A_188, %broadcast_in_dim3A_189 : vector<16xi1>, vector<16xi32>
        %broadcast_in_dim3A_191 = arith.constant true
        %broadcast_in_dim3A_192 = vector.broadcast %broadcast_in_dim3A_191 : i1 to vector<16xi1>
        %masked_cumsum3A_193 = tpu.scan <sum>, %select_n3A_190 masked %broadcast_in_dim3A_192 : vector<16xi32>, vector<16xi1> -> vector<16xi32>
        %sub3A_194 = arith.constant 1 : i32
        %sub3A_195 = arith.subi %add3A_175, %sub3A_194 : i32
        %add3A_196 = vector.broadcast %sub3A_195 : i32 to vector<16xi32>
        %add3A_197 = arith.addi %masked_cumsum3A_193, %add3A_196 : vector<16xi32>
        %lt3A_198 = arith.constant 512 : i32
        %lt3A_199 = vector.broadcast %lt3A_198 : i32 to vector<16xi32>
        %lt3A_200 = arith.cmpi slt, %add3A_197, %lt3A_199 : vector<16xi32>
        %and3A_201 = arith.andi %gt3A_185, %lt3A_200 : vector<16xi1>
        %broadcast_in_dim3A_202 = arith.constant 1 : i32
        %broadcast_in_dim3A_203 = vector.broadcast %broadcast_in_dim3A_202 : i32 to vector<16xi32>
        %gather3A_204 = tpu.vector_load_idx %arg5[%add3A_181, %broadcast_in_dim3A_203] : memref<10000x8xf32, #tpu.memory_space<vmem>>[vector<16xi32>, vector<16xi32>], vector<16xf32>,
        tpu.vector_store_idx %arg8[%add3A_197], %gather3A_204 masked %and3A_201 : memref<528xf32, #tpu.memory_space<vmem>>[vector<16xi32>], vector<16xf32>, vector<16xi1>
        %broadcast_in_dim3A_205 = arith.constant 2 : i32
        %broadcast_in_dim3A_206 = vector.broadcast %broadcast_in_dim3A_205 : i32 to vector<16xi32>
        %gather3A_207 = tpu.vector_load_idx %arg5[%add3A_181, %broadcast_in_dim3A_206] : memref<10000x8xf32, #tpu.memory_space<vmem>>[vector<16xi32>, vector<16xi32>], vector<16xf32>,
        tpu.vector_store_idx %arg9[%add3A_197], %gather3A_207 masked %and3A_201 : memref<528xf32, #tpu.memory_space<vmem>>[vector<16xi32>], vector<16xf32>, vector<16xi1>
        %broadcast_in_dim3A_208 = arith.constant 3 : i32
        %broadcast_in_dim3A_209 = vector.broadcast %broadcast_in_dim3A_208 : i32 to vector<16xi32>
        %gather3A_210 = tpu.vector_load_idx %arg5[%add3A_181, %broadcast_in_dim3A_209] : memref<10000x8xf32, #tpu.memory_space<vmem>>[vector<16xi32>, vector<16xi32>], vector<16xf32>,
        tpu.vector_store_idx %arg10[%add3A_197], %gather3A_210 masked %and3A_201 : memref<528xf32, #tpu.memory_space<vmem>>[vector<16xi32>], vector<16xf32>, vector<16xi1>
        %broadcast_in_dim3A_211 = arith.constant 4 : i32
        %broadcast_in_dim3A_212 = vector.broadcast %broadcast_in_dim3A_211 : i32 to vector<16xi32>
        %gather3A_213 = tpu.vector_load_idx %arg5[%add3A_181, %broadcast_in_dim3A_212] : memref<10000x8xf32, #tpu.memory_space<vmem>>[vector<16xi32>, vector<16xi32>], vector<16xf32>,
        tpu.vector_store_idx %arg11[%add3A_197], %gather3A_213 masked %and3A_201 : memref<528xf32, #tpu.memory_space<vmem>>[vector<16xi32>], vector<16xf32>, vector<16xi1>
        %broadcast_in_dim3A_214 = arith.constant 5 : i32
        %broadcast_in_dim3A_215 = vector.broadcast %broadcast_in_dim3A_214 : i32 to vector<16xi32>
        %gather3A_216 = tpu.vector_load_idx %arg5[%add3A_181, %broadcast_in_dim3A_215] : memref<10000x8xf32, #tpu.memory_space<vmem>>[vector<16xi32>, vector<16xi32>], vector<16xf32>,
        tpu.vector_store_idx %arg12[%add3A_197], %gather3A_216 masked %and3A_201 : memref<528xf32, #tpu.memory_space<vmem>>[vector<16xi32>], vector<16xf32>, vector<16xi1>
        tpu.vector_store_idx %arg7[%add3A_197], %gather3A_184 masked %and3A_201 : memref<528xf32, #tpu.memory_space<vmem>>[vector<16xi32>], vector<16xf32>, vector<16xi1>
        %all_reduce_population_count3A_217 = tpu.all_reduce %gt3A_185 {dim = 0 : i64, kind = #tpu.reduction_kind<sum>} : vector<16xi1> -> vector<16xi32>
        %slice3A_218 = vector.extract_strided_slice %all_reduce_population_count3A_217 {offsets = [0], sizes = [1], strides = [1]} : vector<16xi32> to vector<1xi32>
        %squeeze3A_219 = vector.extract %slice3A_218[0] : i32 from vector<1xi32>
        %add3A_220 = arith.addi %add3A_175, %squeeze3A_219 : i32
        %scan3A_221 = arith.constant 2 : i32
        %scan3A_222 = arith.addi %scan3A_131, %scan3A_221 : i32
        %mul3A_223 = arith.constant 16 : i32
        %mul3A_224 = arith.muli %scan3A_222, %mul3A_223 : i32
        %add3A_225 = vector.broadcast %mul3A_224 : i32 to vector<16xi32>
        %add3A_226 = arith.addi %add3A_225, %iota3A : vector<16xi32>
        %broadcast_in_dim3A_227 = arith.constant 0 : i32
        %broadcast_in_dim3A_228 = vector.broadcast %broadcast_in_dim3A_227 : i32 to vector<16xi32>
        %gather3A_229 = tpu.vector_load_idx %arg5[%add3A_226, %broadcast_in_dim3A_228] : memref<10000x8xf32, #tpu.memory_space<vmem>>[vector<16xi32>, vector<16xi32>], vector<16xf32>,
        %gt3A_230 = arith.cmpf ogt, %gather3A_229, %get3A_5 : vector<16xf32>
        %jit3A_231 = arith.constant 1 : i32
        %jit3A_232 = arith.constant 0 : i32
        %broadcast_in_dim3A_233 = vector.broadcast %jit3A_231 : i32 to vector<16xi32>
        %broadcast_in_dim3A_234 = vector.broadcast %jit3A_232 : i32 to vector<16xi32>
        %select_n3A_235 = arith.select %gt3A_230, %broadcast_in_dim3A_233, %broadcast_in_dim3A_234 : vector<16xi1>, vector<16xi32>
        %broadcast_in_dim3A_236 = arith.constant true
        %broadcast_in_dim3A_237 = vector.broadcast %broadcast_in_dim3A_236 : i1 to vector<16xi1>
        %masked_cumsum3A_238 = tpu.scan <sum>, %select_n3A_235 masked %broadcast_in_dim3A_237 : vector<16xi32>, vector<16xi1> -> vector<16xi32>
        %sub3A_239 = arith.constant 1 : i32
        %sub3A_240 = arith.subi %add3A_220, %sub3A_239 : i32
        %add3A_241 = vector.broadcast %sub3A_240 : i32 to vector<16xi32>
        %add3A_242 = arith.addi %masked_cumsum3A_238, %add3A_241 : vector<16xi32>
        %lt3A_243 = arith.constant 512 : i32
        %lt3A_244 = vector.broadcast %lt3A_243 : i32 to vector<16xi32>
        %lt3A_245 = arith.cmpi slt, %add3A_242, %lt3A_244 : vector<16xi32>
        %and3A_246 = arith.andi %gt3A_230, %lt3A_245 : vector<16xi1>
        %broadcast_in_dim3A_247 = arith.constant 1 : i32
        %broadcast_in_dim3A_248 = vector.broadcast %broadcast_in_dim3A_247 : i32 to vector<16xi32>
        %gather3A_249 = tpu.vector_load_idx %arg5[%add3A_226, %broadcast_in_dim3A_248] : memref<10000x8xf32, #tpu.memory_space<vmem>>[vector<16xi32>, vector<16xi32>], vector<16xf32>,
        tpu.vector_store_idx %arg8[%add3A_242], %gather3A_249 masked %and3A_246 : memref<528xf32, #tpu.memory_space<vmem>>[vector<16xi32>], vector<16xf32>, vector<16xi1>
        %broadcast_in_dim3A_250 = arith.constant 2 : i32
        %broadcast_in_dim3A_251 = vector.broadcast %broadcast_in_dim3A_250 : i32 to vector<16xi32>
        %gather3A_252 = tpu.vector_load_idx %arg5[%add3A_226, %broadcast_in_dim3A_251] : memref<10000x8xf32, #tpu.memory_space<vmem>>[vector<16xi32>, vector<16xi32>], vector<16xf32>,
        tpu.vector_store_idx %arg9[%add3A_242], %gather3A_252 masked %and3A_246 : memref<528xf32, #tpu.memory_space<vmem>>[vector<16xi32>], vector<16xf32>, vector<16xi1>
        %broadcast_in_dim3A_253 = arith.constant 3 : i32
        %broadcast_in_dim3A_254 = vector.broadcast %broadcast_in_dim3A_253 : i32 to vector<16xi32>
        %gather3A_255 = tpu.vector_load_idx %arg5[%add3A_226, %broadcast_in_dim3A_254] : memref<10000x8xf32, #tpu.memory_space<vmem>>[vector<16xi32>, vector<16xi32>], vector<16xf32>,
        tpu.vector_store_idx %arg10[%add3A_242], %gather3A_255 masked %and3A_246 : memref<528xf32, #tpu.memory_space<vmem>>[vector<16xi32>], vector<16xf32>, vector<16xi1>
        %broadcast_in_dim3A_256 = arith.constant 4 : i32
        %broadcast_in_dim3A_257 = vector.broadcast %broadcast_in_dim3A_256 : i32 to vector<16xi32>
        %gather3A_258 = tpu.vector_load_idx %arg5[%add3A_226, %broadcast_in_dim3A_257] : memref<10000x8xf32, #tpu.memory_space<vmem>>[vector<16xi32>, vector<16xi32>], vector<16xf32>,
        tpu.vector_store_idx %arg11[%add3A_242], %gather3A_258 masked %and3A_246 : memref<528xf32, #tpu.memory_space<vmem>>[vector<16xi32>], vector<16xf32>, vector<16xi1>
        %broadcast_in_dim3A_259 = arith.constant 5 : i32
        %broadcast_in_dim3A_260 = vector.broadcast %broadcast_in_dim3A_259 : i32 to vector<16xi32>
        %gather3A_261 = tpu.vector_load_idx %arg5[%add3A_226, %broadcast_in_dim3A_260] : memref<10000x8xf32, #tpu.memory_space<vmem>>[vector<16xi32>, vector<16xi32>], vector<16xf32>,
        tpu.vector_store_idx %arg12[%add3A_242], %gather3A_261 masked %and3A_246 : memref<528xf32, #tpu.memory_space<vmem>>[vector<16xi32>], vector<16xf32>, vector<16xi1>
        tpu.vector_store_idx %arg7[%add3A_242], %gather3A_229 masked %and3A_246 : memref<528xf32, #tpu.memory_space<vmem>>[vector<16xi32>], vector<16xf32>, vector<16xi1>
        %all_reduce_population_count3A_262 = tpu.all_reduce %gt3A_230 {dim = 0 : i64, kind = #tpu.reduction_kind<sum>} : vector<16xi1> -> vector<16xi32>
        %slice3A_263 = vector.extract_strided_slice %all_reduce_population_count3A_262 {offsets = [0], sizes = [1], strides = [1]} : vector<16xi32> to vector<1xi32>
        %squeeze3A_264 = vector.extract %slice3A_263[0] : i32 from vector<1xi32>
        %add3A_265 = arith.addi %add3A_220, %squeeze3A_264 : i32
        %scan3A_266 = arith.constant 3 : i32
        %scan3A_267 = arith.addi %scan3A_131, %scan3A_266 : i32
        %mul3A_268 = arith.constant 16 : i32
        %mul3A_269 = arith.muli %scan3A_267, %mul3A_268 : i32
        %add3A_270 = vector.broadcast %mul3A_269 : i32 to vector<16xi32>
        %add3A_271 = arith.addi %add3A_270, %iota3A : vector<16xi32>
        %broadcast_in_dim3A_272 = arith.constant 0 : i32
        %broadcast_in_dim3A_273 = vector.broadcast %broadcast_in_dim3A_272 : i32 to vector<16xi32>
        %gather3A_274 = tpu.vector_load_idx %arg5[%add3A_271, %broadcast_in_dim3A_273] : memref<10000x8xf32, #tpu.memory_space<vmem>>[vector<16xi32>, vector<16xi32>], vector<16xf32>,
        %gt3A_275 = arith.cmpf ogt, %gather3A_274, %get3A_5 : vector<16xf32>
        %jit3A_276 = arith.constant 1 : i32
        %jit3A_277 = arith.constant 0 : i32
        %broadcast_in_dim3A_278 = vector.broadcast %jit3A_276 : i32 to vector<16xi32>
        %broadcast_in_dim3A_279 = vector.broadcast %jit3A_277 : i32 to vector<16xi32>
        %select_n3A_280 = arith.select %gt3A_275, %broadcast_in_dim3A_278, %broadcast_in_dim3A_279 : vector<16xi1>, vector<16xi32>
        %broadcast_in_dim3A_281 = arith.constant true
        %broadcast_in_dim3A_282 = vector.broadcast %broadcast_in_dim3A_281 : i1 to vector<16xi1>
        %masked_cumsum3A_283 = tpu.scan <sum>, %select_n3A_280 masked %broadcast_in_dim3A_282 : vector<16xi32>, vector<16xi1> -> vector<16xi32>
        %sub3A_284 = arith.constant 1 : i32
        %sub3A_285 = arith.subi %add3A_265, %sub3A_284 : i32
        %add3A_286 = vector.broadcast %sub3A_285 : i32 to vector<16xi32>
        %add3A_287 = arith.addi %masked_cumsum3A_283, %add3A_286 : vector<16xi32>
        %lt3A_288 = arith.constant 512 : i32
        %lt3A_289 = vector.broadcast %lt3A_288 : i32 to vector<16xi32>
        %lt3A_290 = arith.cmpi slt, %add3A_287, %lt3A_289 : vector<16xi32>
        %and3A_291 = arith.andi %gt3A_275, %lt3A_290 : vector<16xi1>
        %broadcast_in_dim3A_292 = arith.constant 1 : i32
        %broadcast_in_dim3A_293 = vector.broadcast %broadcast_in_dim3A_292 : i32 to vector<16xi32>
        %gather3A_294 = tpu.vector_load_idx %arg5[%add3A_271, %broadcast_in_dim3A_293] : memref<10000x8xf32, #tpu.memory_space<vmem>>[vector<16xi32>, vector<16xi32>], vector<16xf32>,
        tpu.vector_store_idx %arg8[%add3A_287], %gather3A_294 masked %and3A_291 : memref<528xf32, #tpu.memory_space<vmem>>[vector<16xi32>], vector<16xf32>, vector<16xi1>
        %broadcast_in_dim3A_295 = arith.constant 2 : i32
        %broadcast_in_dim3A_296 = vector.broadcast %broadcast_in_dim3A_295 : i32 to vector<16xi32>
        %gather3A_297 = tpu.vector_load_idx %arg5[%add3A_271, %broadcast_in_dim3A_296] : memref<10000x8xf32, #tpu.memory_space<vmem>>[vector<16xi32>, vector<16xi32>], vector<16xf32>,
        tpu.vector_store_idx %arg9[%add3A_287], %gather3A_297 masked %and3A_291 : memref<528xf32, #tpu.memory_space<vmem>>[vector<16xi32>], vector<16xf32>, vector<16xi1>
        %broadcast_in_dim3A_298 = arith.constant 3 : i32
        %broadcast_in_dim3A_299 = vector.broadcast %broadcast_in_dim3A_298 : i32 to vector<16xi32>
        %gather3A_300 = tpu.vector_load_idx %arg5[%add3A_271, %broadcast_in_dim3A_299] : memref<10000x8xf32, #tpu.memory_space<vmem>>[vector<16xi32>, vector<16xi32>], vector<16xf32>,
        tpu.vector_store_idx %arg10[%add3A_287], %gather3A_300 masked %and3A_291 : memref<528xf32, #tpu.memory_space<vmem>>[vector<16xi32>], vector<16xf32>, vector<16xi1>
        %broadcast_in_dim3A_301 = arith.constant 4 : i32
        %broadcast_in_dim3A_302 = vector.broadcast %broadcast_in_dim3A_301 : i32 to vector<16xi32>
        %gather3A_303 = tpu.vector_load_idx %arg5[%add3A_271, %broadcast_in_dim3A_302] : memref<10000x8xf32, #tpu.memory_space<vmem>>[vector<16xi32>, vector<16xi32>], vector<16xf32>,
        tpu.vector_store_idx %arg11[%add3A_287], %gather3A_303 masked %and3A_291 : memref<528xf32, #tpu.memory_space<vmem>>[vector<16xi32>], vector<16xf32>, vector<16xi1>
        %broadcast_in_dim3A_304 = arith.constant 5 : i32
        %broadcast_in_dim3A_305 = vector.broadcast %broadcast_in_dim3A_304 : i32 to vector<16xi32>
        %gather3A_306 = tpu.vector_load_idx %arg5[%add3A_271, %broadcast_in_dim3A_305] : memref<10000x8xf32, #tpu.memory_space<vmem>>[vector<16xi32>, vector<16xi32>], vector<16xf32>,
        tpu.vector_store_idx %arg12[%add3A_287], %gather3A_306 masked %and3A_291 : memref<528xf32, #tpu.memory_space<vmem>>[vector<16xi32>], vector<16xf32>, vector<16xi1>
        tpu.vector_store_idx %arg7[%add3A_287], %gather3A_274 masked %and3A_291 : memref<528xf32, #tpu.memory_space<vmem>>[vector<16xi32>], vector<16xf32>, vector<16xi1>
        %all_reduce_population_count3A_307 = tpu.all_reduce %gt3A_275 {dim = 0 : i64, kind = #tpu.reduction_kind<sum>} : vector<16xi1> -> vector<16xi32>
        %slice3A_308 = vector.extract_strided_slice %all_reduce_population_count3A_307 {offsets = [0], sizes = [1], strides = [1]} : vector<16xi32> to vector<1xi32>
        %squeeze3A_309 = vector.extract %slice3A_308[0] : i32 from vector<1xi32>
        %add3A_310 = arith.addi %add3A_265, %squeeze3A_309 : i32
        %scan3A_311 = arith.constant 4 : i32
        %scan3A_312 = arith.addi %scan3A_131, %scan3A_311 : i32
        %mul3A_313 = arith.constant 16 : i32
        %mul3A_314 = arith.muli %scan3A_312, %mul3A_313 : i32
        %add3A_315 = vector.broadcast %mul3A_314 : i32 to vector<16xi32>
        %add3A_316 = arith.addi %add3A_315, %iota3A : vector<16xi32>
        %broadcast_in_dim3A_317 = arith.constant 0 : i32
        %broadcast_in_dim3A_318 = vector.broadcast %broadcast_in_dim3A_317 : i32 to vector<16xi32>
        %gather3A_319 = tpu.vector_load_idx %arg5[%add3A_316, %broadcast_in_dim3A_318] : memref<10000x8xf32, #tpu.memory_space<vmem>>[vector<16xi32>, vector<16xi32>], vector<16xf32>,
        %gt3A_320 = arith.cmpf ogt, %gather3A_319, %get3A_5 : vector<16xf32>
        %jit3A_321 = arith.constant 1 : i32
        %jit3A_322 = arith.constant 0 : i32
        %broadcast_in_dim3A_323 = vector.broadcast %jit3A_321 : i32 to vector<16xi32>
        %broadcast_in_dim3A_324 = vector.broadcast %jit3A_322 : i32 to vector<16xi32>
        %select_n3A_325 = arith.select %gt3A_320, %broadcast_in_dim3A_323, %broadcast_in_dim3A_324 : vector<16xi1>, vector<16xi32>
        %broadcast_in_dim3A_326 = arith.constant true
        %broadcast_in_dim3A_327 = vector.broadcast %broadcast_in_dim3A_326 : i1 to vector<16xi1>
        %masked_cumsum3A_328 = tpu.scan <sum>, %select_n3A_325 masked %broadcast_in_dim3A_327 : vector<16xi32>, vector<16xi1> -> vector<16xi32>
        %sub3A_329 = arith.constant 1 : i32
        %sub3A_330 = arith.subi %add3A_310, %sub3A_329 : i32
        %add3A_331 = vector.broadcast %sub3A_330 : i32 to vector<16xi32>
        %add3A_332 = arith.addi %masked_cumsum3A_328, %add3A_331 : vector<16xi32>
        %lt3A_333 = arith.constant 512 : i32
        %lt3A_334 = vector.broadcast %lt3A_333 : i32 to vector<16xi32>
        %lt3A_335 = arith.cmpi slt, %add3A_332, %lt3A_334 : vector<16xi32>
        %and3A_336 = arith.andi %gt3A_320, %lt3A_335 : vector<16xi1>
        %broadcast_in_dim3A_337 = arith.constant 1 : i32
        %broadcast_in_dim3A_338 = vector.broadcast %broadcast_in_dim3A_337 : i32 to vector<16xi32>
        %gather3A_339 = tpu.vector_load_idx %arg5[%add3A_316, %broadcast_in_dim3A_338] : memref<10000x8xf32, #tpu.memory_space<vmem>>[vector<16xi32>, vector<16xi32>], vector<16xf32>,
        tpu.vector_store_idx %arg8[%add3A_332], %gather3A_339 masked %and3A_336 : memref<528xf32, #tpu.memory_space<vmem>>[vector<16xi32>], vector<16xf32>, vector<16xi1>
        %broadcast_in_dim3A_340 = arith.constant 2 : i32
        %broadcast_in_dim3A_341 = vector.broadcast %broadcast_in_dim3A_340 : i32 to vector<16xi32>
        %gather3A_342 = tpu.vector_load_idx %arg5[%add3A_316, %broadcast_in_dim3A_341] : memref<10000x8xf32, #tpu.memory_space<vmem>>[vector<16xi32>, vector<16xi32>], vector<16xf32>,
        tpu.vector_store_idx %arg9[%add3A_332], %gather3A_342 masked %and3A_336 : memref<528xf32, #tpu.memory_space<vmem>>[vector<16xi32>], vector<16xf32>, vector<16xi1>
        %broadcast_in_dim3A_343 = arith.constant 3 : i32
        %broadcast_in_dim3A_344 = vector.broadcast %broadcast_in_dim3A_343 : i32 to vector<16xi32>
        %gather3A_345 = tpu.vector_load_idx %arg5[%add3A_316, %broadcast_in_dim3A_344] : memref<10000x8xf32, #tpu.memory_space<vmem>>[vector<16xi32>, vector<16xi32>], vector<16xf32>,
        tpu.vector_store_idx %arg10[%add3A_332], %gather3A_345 masked %and3A_336 : memref<528xf32, #tpu.memory_space<vmem>>[vector<16xi32>], vector<16xf32>, vector<16xi1>
        %broadcast_in_dim3A_346 = arith.constant 4 : i32
        %broadcast_in_dim3A_347 = vector.broadcast %broadcast_in_dim3A_346 : i32 to vector<16xi32>
        %gather3A_348 = tpu.vector_load_idx %arg5[%add3A_316, %broadcast_in_dim3A_347] : memref<10000x8xf32, #tpu.memory_space<vmem>>[vector<16xi32>, vector<16xi32>], vector<16xf32>,
        tpu.vector_store_idx %arg11[%add3A_332], %gather3A_348 masked %and3A_336 : memref<528xf32, #tpu.memory_space<vmem>>[vector<16xi32>], vector<16xf32>, vector<16xi1>
        %broadcast_in_dim3A_349 = arith.constant 5 : i32
        %broadcast_in_dim3A_350 = vector.broadcast %broadcast_in_dim3A_349 : i32 to vector<16xi32>
        %gather3A_351 = tpu.vector_load_idx %arg5[%add3A_316, %broadcast_in_dim3A_350] : memref<10000x8xf32, #tpu.memory_space<vmem>>[vector<16xi32>, vector<16xi32>], vector<16xf32>,
        tpu.vector_store_idx %arg12[%add3A_332], %gather3A_351 masked %and3A_336 : memref<528xf32, #tpu.memory_space<vmem>>[vector<16xi32>], vector<16xf32>, vector<16xi1>
        tpu.vector_store_idx %arg7[%add3A_332], %gather3A_319 masked %and3A_336 : memref<528xf32, #tpu.memory_space<vmem>>[vector<16xi32>], vector<16xf32>, vector<16xi1>
        %all_reduce_population_count3A_352 = tpu.all_reduce %gt3A_320 {dim = 0 : i64, kind = #tpu.reduction_kind<sum>} : vector<16xi1> -> vector<16xi32>
        %slice3A_353 = vector.extract_strided_slice %all_reduce_population_count3A_352 {offsets = [0], sizes = [1], strides = [1]} : vector<16xi32> to vector<1xi32>
        %squeeze3A_354 = vector.extract %slice3A_353[0] : i32 from vector<1xi32>
        %add3A_355 = arith.addi %add3A_310, %squeeze3A_354 : i32
        %scan3A_356 = arith.constant 5 : i32
        %scan3A_357 = arith.addi %scan3A_131, %scan3A_356 : i32
        %mul3A_358 = arith.constant 16 : i32
        %mul3A_359 = arith.muli %scan3A_357, %mul3A_358 : i32
        %add3A_360 = vector.broadcast %mul3A_359 : i32 to vector<16xi32>
        %add3A_361 = arith.addi %add3A_360, %iota3A : vector<16xi32>
        %broadcast_in_dim3A_362 = arith.constant 0 : i32
        %broadcast_in_dim3A_363 = vector.broadcast %broadcast_in_dim3A_362 : i32 to vector<16xi32>
        %gather3A_364 = tpu.vector_load_idx %arg5[%add3A_361, %broadcast_in_dim3A_363] : memref<10000x8xf32, #tpu.memory_space<vmem>>[vector<16xi32>, vector<16xi32>], vector<16xf32>,
        %gt3A_365 = arith.cmpf ogt, %gather3A_364, %get3A_5 : vector<16xf32>
        %jit3A_366 = arith.constant 1 : i32
        %jit3A_367 = arith.constant 0 : i32
        %broadcast_in_dim3A_368 = vector.broadcast %jit3A_366 : i32 to vector<16xi32>
        %broadcast_in_dim3A_369 = vector.broadcast %jit3A_367 : i32 to vector<16xi32>
        %select_n3A_370 = arith.select %gt3A_365, %broadcast_in_dim3A_368, %broadcast_in_dim3A_369 : vector<16xi1>, vector<16xi32>
        %broadcast_in_dim3A_371 = arith.constant true
        %broadcast_in_dim3A_372 = vector.broadcast %broadcast_in_dim3A_371 : i1 to vector<16xi1>
        %masked_cumsum3A_373 = tpu.scan <sum>, %select_n3A_370 masked %broadcast_in_dim3A_372 : vector<16xi32>, vector<16xi1> -> vector<16xi32>
        %sub3A_374 = arith.constant 1 : i32
        %sub3A_375 = arith.subi %add3A_355, %sub3A_374 : i32
        %add3A_376 = vector.broadcast %sub3A_375 : i32 to vector<16xi32>
        %add3A_377 = arith.addi %masked_cumsum3A_373, %add3A_376 : vector<16xi32>
        %lt3A_378 = arith.constant 512 : i32
        %lt3A_379 = vector.broadcast %lt3A_378 : i32 to vector<16xi32>
        %lt3A_380 = arith.cmpi slt, %add3A_377, %lt3A_379 : vector<16xi32>
        %and3A_381 = arith.andi %gt3A_365, %lt3A_380 : vector<16xi1>
        %broadcast_in_dim3A_382 = arith.constant 1 : i32
        %broadcast_in_dim3A_383 = vector.broadcast %broadcast_in_dim3A_382 : i32 to vector<16xi32>
        %gather3A_384 = tpu.vector_load_idx %arg5[%add3A_361, %broadcast_in_dim3A_383] : memref<10000x8xf32, #tpu.memory_space<vmem>>[vector<16xi32>, vector<16xi32>], vector<16xf32>,
        tpu.vector_store_idx %arg8[%add3A_377], %gather3A_384 masked %and3A_381 : memref<528xf32, #tpu.memory_space<vmem>>[vector<16xi32>], vector<16xf32>, vector<16xi1>
        %broadcast_in_dim3A_385 = arith.constant 2 : i32
        %broadcast_in_dim3A_386 = vector.broadcast %broadcast_in_dim3A_385 : i32 to vector<16xi32>
        %gather3A_387 = tpu.vector_load_idx %arg5[%add3A_361, %broadcast_in_dim3A_386] : memref<10000x8xf32, #tpu.memory_space<vmem>>[vector<16xi32>, vector<16xi32>], vector<16xf32>,
        tpu.vector_store_idx %arg9[%add3A_377], %gather3A_387 masked %and3A_381 : memref<528xf32, #tpu.memory_space<vmem>>[vector<16xi32>], vector<16xf32>, vector<16xi1>
        %broadcast_in_dim3A_388 = arith.constant 3 : i32
        %broadcast_in_dim3A_389 = vector.broadcast %broadcast_in_dim3A_388 : i32 to vector<16xi32>
        %gather3A_390 = tpu.vector_load_idx %arg5[%add3A_361, %broadcast_in_dim3A_389] : memref<10000x8xf32, #tpu.memory_space<vmem>>[vector<16xi32>, vector<16xi32>], vector<16xf32>,
        tpu.vector_store_idx %arg10[%add3A_377], %gather3A_390 masked %and3A_381 : memref<528xf32, #tpu.memory_space<vmem>>[vector<16xi32>], vector<16xf32>, vector<16xi1>
        %broadcast_in_dim3A_391 = arith.constant 4 : i32
        %broadcast_in_dim3A_392 = vector.broadcast %broadcast_in_dim3A_391 : i32 to vector<16xi32>
        %gather3A_393 = tpu.vector_load_idx %arg5[%add3A_361, %broadcast_in_dim3A_392] : memref<10000x8xf32, #tpu.memory_space<vmem>>[vector<16xi32>, vector<16xi32>], vector<16xf32>,
        tpu.vector_store_idx %arg11[%add3A_377], %gather3A_393 masked %and3A_381 : memref<528xf32, #tpu.memory_space<vmem>>[vector<16xi32>], vector<16xf32>, vector<16xi1>
        %broadcast_in_dim3A_394 = arith.constant 5 : i32
        %broadcast_in_dim3A_395 = vector.broadcast %broadcast_in_dim3A_394 : i32 to vector<16xi32>
        %gather3A_396 = tpu.vector_load_idx %arg5[%add3A_361, %broadcast_in_dim3A_395] : memref<10000x8xf32, #tpu.memory_space<vmem>>[vector<16xi32>, vector<16xi32>], vector<16xf32>,
        tpu.vector_store_idx %arg12[%add3A_377], %gather3A_396 masked %and3A_381 : memref<528xf32, #tpu.memory_space<vmem>>[vector<16xi32>], vector<16xf32>, vector<16xi1>
        tpu.vector_store_idx %arg7[%add3A_377], %gather3A_364 masked %and3A_381 : memref<528xf32, #tpu.memory_space<vmem>>[vector<16xi32>], vector<16xf32>, vector<16xi1>
        %all_reduce_population_count3A_397 = tpu.all_reduce %gt3A_365 {dim = 0 : i64, kind = #tpu.reduction_kind<sum>} : vector<16xi1> -> vector<16xi32>
        %slice3A_398 = vector.extract_strided_slice %all_reduce_population_count3A_397 {offsets = [0], sizes = [1], strides = [1]} : vector<16xi32> to vector<1xi32>
        %squeeze3A_399 = vector.extract %slice3A_398[0] : i32 from vector<1xi32>
        %add3A_400 = arith.addi %add3A_355, %squeeze3A_399 : i32
        %scan3A_401 = arith.constant 6 : i32
        %scan3A_402 = arith.addi %scan3A_131, %scan3A_401 : i32
        %mul3A_403 = arith.constant 16 : i32
        %mul3A_404 = arith.muli %scan3A_402, %mul3A_403 : i32
        %add3A_405 = vector.broadcast %mul3A_404 : i32 to vector<16xi32>
        %add3A_406 = arith.addi %add3A_405, %iota3A : vector<16xi32>
        %broadcast_in_dim3A_407 = arith.constant 0 : i32
        %broadcast_in_dim3A_408 = vector.broadcast %broadcast_in_dim3A_407 : i32 to vector<16xi32>
        %gather3A_409 = tpu.vector_load_idx %arg5[%add3A_406, %broadcast_in_dim3A_408] : memref<10000x8xf32, #tpu.memory_space<vmem>>[vector<16xi32>, vector<16xi32>], vector<16xf32>,
        %gt3A_410 = arith.cmpf ogt, %gather3A_409, %get3A_5 : vector<16xf32>
        %jit3A_411 = arith.constant 1 : i32
        %jit3A_412 = arith.constant 0 : i32
        %broadcast_in_dim3A_413 = vector.broadcast %jit3A_411 : i32 to vector<16xi32>
        %broadcast_in_dim3A_414 = vector.broadcast %jit3A_412 : i32 to vector<16xi32>
        %select_n3A_415 = arith.select %gt3A_410, %broadcast_in_dim3A_413, %broadcast_in_dim3A_414 : vector<16xi1>, vector<16xi32>
        %broadcast_in_dim3A_416 = arith.constant true
        %broadcast_in_dim3A_417 = vector.broadcast %broadcast_in_dim3A_416 : i1 to vector<16xi1>
        %masked_cumsum3A_418 = tpu.scan <sum>, %select_n3A_415 masked %broadcast_in_dim3A_417 : vector<16xi32>, vector<16xi1> -> vector<16xi32>
        %sub3A_419 = arith.constant 1 : i32
        %sub3A_420 = arith.subi %add3A_400, %sub3A_419 : i32
        %add3A_421 = vector.broadcast %sub3A_420 : i32 to vector<16xi32>
        %add3A_422 = arith.addi %masked_cumsum3A_418, %add3A_421 : vector<16xi32>
        %lt3A_423 = arith.constant 512 : i32
        %lt3A_424 = vector.broadcast %lt3A_423 : i32 to vector<16xi32>
        %lt3A_425 = arith.cmpi slt, %add3A_422, %lt3A_424 : vector<16xi32>
        %and3A_426 = arith.andi %gt3A_410, %lt3A_425 : vector<16xi1>
        %broadcast_in_dim3A_427 = arith.constant 1 : i32
        %broadcast_in_dim3A_428 = vector.broadcast %broadcast_in_dim3A_427 : i32 to vector<16xi32>
        %gather3A_429 = tpu.vector_load_idx %arg5[%add3A_406, %broadcast_in_dim3A_428] : memref<10000x8xf32, #tpu.memory_space<vmem>>[vector<16xi32>, vector<16xi32>], vector<16xf32>,
        tpu.vector_store_idx %arg8[%add3A_422], %gather3A_429 masked %and3A_426 : memref<528xf32, #tpu.memory_space<vmem>>[vector<16xi32>], vector<16xf32>, vector<16xi1>
        %broadcast_in_dim3A_430 = arith.constant 2 : i32
        %broadcast_in_dim3A_431 = vector.broadcast %broadcast_in_dim3A_430 : i32 to vector<16xi32>
        %gather3A_432 = tpu.vector_load_idx %arg5[%add3A_406, %broadcast_in_dim3A_431] : memref<10000x8xf32, #tpu.memory_space<vmem>>[vector<16xi32>, vector<16xi32>], vector<16xf32>,
        tpu.vector_store_idx %arg9[%add3A_422], %gather3A_432 masked %and3A_426 : memref<528xf32, #tpu.memory_space<vmem>>[vector<16xi32>], vector<16xf32>, vector<16xi1>
        %broadcast_in_dim3A_433 = arith.constant 3 : i32
        %broadcast_in_dim3A_434 = vector.broadcast %broadcast_in_dim3A_433 : i32 to vector<16xi32>
        %gather3A_435 = tpu.vector_load_idx %arg5[%add3A_406, %broadcast_in_dim3A_434] : memref<10000x8xf32, #tpu.memory_space<vmem>>[vector<16xi32>, vector<16xi32>], vector<16xf32>,
        tpu.vector_store_idx %arg10[%add3A_422], %gather3A_435 masked %and3A_426 : memref<528xf32, #tpu.memory_space<vmem>>[vector<16xi32>], vector<16xf32>, vector<16xi1>
        %broadcast_in_dim3A_436 = arith.constant 4 : i32
        %broadcast_in_dim3A_437 = vector.broadcast %broadcast_in_dim3A_436 : i32 to vector<16xi32>
        %gather3A_438 = tpu.vector_load_idx %arg5[%add3A_406, %broadcast_in_dim3A_437] : memref<10000x8xf32, #tpu.memory_space<vmem>>[vector<16xi32>, vector<16xi32>], vector<16xf32>,
        tpu.vector_store_idx %arg11[%add3A_422], %gather3A_438 masked %and3A_426 : memref<528xf32, #tpu.memory_space<vmem>>[vector<16xi32>], vector<16xf32>, vector<16xi1>
        %broadcast_in_dim3A_439 = arith.constant 5 : i32
        %broadcast_in_dim3A_440 = vector.broadcast %broadcast_in_dim3A_439 : i32 to vector<16xi32>
        %gather3A_441 = tpu.vector_load_idx %arg5[%add3A_406, %broadcast_in_dim3A_440] : memref<10000x8xf32, #tpu.memory_space<vmem>>[vector<16xi32>, vector<16xi32>], vector<16xf32>,
        tpu.vector_store_idx %arg12[%add3A_422], %gather3A_441 masked %and3A_426 : memref<528xf32, #tpu.memory_space<vmem>>[vector<16xi32>], vector<16xf32>, vector<16xi1>
        tpu.vector_store_idx %arg7[%add3A_422], %gather3A_409 masked %and3A_426 : memref<528xf32, #tpu.memory_space<vmem>>[vector<16xi32>], vector<16xf32>, vector<16xi1>
        %all_reduce_population_count3A_442 = tpu.all_reduce %gt3A_410 {dim = 0 : i64, kind = #tpu.reduction_kind<sum>} : vector<16xi1> -> vector<16xi32>
        %slice3A_443 = vector.extract_strided_slice %all_reduce_population_count3A_442 {offsets = [0], sizes = [1], strides = [1]} : vector<16xi32> to vector<1xi32>
        %squeeze3A_444 = vector.extract %slice3A_443[0] : i32 from vector<1xi32>
        %add3A_445 = arith.addi %add3A_400, %squeeze3A_444 : i32
        %scan3A_446 = arith.constant 7 : i32
        %scan3A_447 = arith.addi %scan3A_131, %scan3A_446 : i32
        %mul3A_448 = arith.constant 16 : i32
        %mul3A_449 = arith.muli %scan3A_447, %mul3A_448 : i32
        %add3A_450 = vector.broadcast %mul3A_449 : i32 to vector<16xi32>
        %add3A_451 = arith.addi %add3A_450, %iota3A : vector<16xi32>
        %broadcast_in_dim3A_452 = arith.constant 0 : i32
        %broadcast_in_dim3A_453 = vector.broadcast %broadcast_in_dim3A_452 : i32 to vector<16xi32>
        %gather3A_454 = tpu.vector_load_idx %arg5[%add3A_451, %broadcast_in_dim3A_453] : memref<10000x8xf32, #tpu.memory_space<vmem>>[vector<16xi32>, vector<16xi32>], vector<16xf32>,
        %gt3A_455 = arith.cmpf ogt, %gather3A_454, %get3A_5 : vector<16xf32>
        %jit3A_456 = arith.constant 1 : i32
        %jit3A_457 = arith.constant 0 : i32
        %broadcast_in_dim3A_458 = vector.broadcast %jit3A_456 : i32 to vector<16xi32>
        %broadcast_in_dim3A_459 = vector.broadcast %jit3A_457 : i32 to vector<16xi32>
        %select_n3A_460 = arith.select %gt3A_455, %broadcast_in_dim3A_458, %broadcast_in_dim3A_459 : vector<16xi1>, vector<16xi32>
        %broadcast_in_dim3A_461 = arith.constant true
        %broadcast_in_dim3A_462 = vector.broadcast %broadcast_in_dim3A_461 : i1 to vector<16xi1>
        %masked_cumsum3A_463 = tpu.scan <sum>, %select_n3A_460 masked %broadcast_in_dim3A_462 : vector<16xi32>, vector<16xi1> -> vector<16xi32>
        %sub3A_464 = arith.constant 1 : i32
        %sub3A_465 = arith.subi %add3A_445, %sub3A_464 : i32
        %add3A_466 = vector.broadcast %sub3A_465 : i32 to vector<16xi32>
        %add3A_467 = arith.addi %masked_cumsum3A_463, %add3A_466 : vector<16xi32>
        %lt3A_468 = arith.constant 512 : i32
        %lt3A_469 = vector.broadcast %lt3A_468 : i32 to vector<16xi32>
        %lt3A_470 = arith.cmpi slt, %add3A_467, %lt3A_469 : vector<16xi32>
        %and3A_471 = arith.andi %gt3A_455, %lt3A_470 : vector<16xi1>
        %broadcast_in_dim3A_472 = arith.constant 1 : i32
        %broadcast_in_dim3A_473 = vector.broadcast %broadcast_in_dim3A_472 : i32 to vector<16xi32>
        %gather3A_474 = tpu.vector_load_idx %arg5[%add3A_451, %broadcast_in_dim3A_473] : memref<10000x8xf32, #tpu.memory_space<vmem>>[vector<16xi32>, vector<16xi32>], vector<16xf32>,
        tpu.vector_store_idx %arg8[%add3A_467], %gather3A_474 masked %and3A_471 : memref<528xf32, #tpu.memory_space<vmem>>[vector<16xi32>], vector<16xf32>, vector<16xi1>
        %broadcast_in_dim3A_475 = arith.constant 2 : i32
        %broadcast_in_dim3A_476 = vector.broadcast %broadcast_in_dim3A_475 : i32 to vector<16xi32>
        %gather3A_477 = tpu.vector_load_idx %arg5[%add3A_451, %broadcast_in_dim3A_476] : memref<10000x8xf32, #tpu.memory_space<vmem>>[vector<16xi32>, vector<16xi32>], vector<16xf32>,
        tpu.vector_store_idx %arg9[%add3A_467], %gather3A_477 masked %and3A_471 : memref<528xf32, #tpu.memory_space<vmem>>[vector<16xi32>], vector<16xf32>, vector<16xi1>
        %broadcast_in_dim3A_478 = arith.constant 3 : i32
        %broadcast_in_dim3A_479 = vector.broadcast %broadcast_in_dim3A_478 : i32 to vector<16xi32>
        %gather3A_480 = tpu.vector_load_idx %arg5[%add3A_451, %broadcast_in_dim3A_479] : memref<10000x8xf32, #tpu.memory_space<vmem>>[vector<16xi32>, vector<16xi32>], vector<16xf32>,
        tpu.vector_store_idx %arg10[%add3A_467], %gather3A_480 masked %and3A_471 : memref<528xf32, #tpu.memory_space<vmem>>[vector<16xi32>], vector<16xf32>, vector<16xi1>
        %broadcast_in_dim3A_481 = arith.constant 4 : i32
        %broadcast_in_dim3A_482 = vector.broadcast %broadcast_in_dim3A_481 : i32 to vector<16xi32>
        %gather3A_483 = tpu.vector_load_idx %arg5[%add3A_451, %broadcast_in_dim3A_482] : memref<10000x8xf32, #tpu.memory_space<vmem>>[vector<16xi32>, vector<16xi32>], vector<16xf32>,
        tpu.vector_store_idx %arg11[%add3A_467], %gather3A_483 masked %and3A_471 : memref<528xf32, #tpu.memory_space<vmem>>[vector<16xi32>], vector<16xf32>, vector<16xi1>
        %broadcast_in_dim3A_484 = arith.constant 5 : i32
        %broadcast_in_dim3A_485 = vector.broadcast %broadcast_in_dim3A_484 : i32 to vector<16xi32>
        %gather3A_486 = tpu.vector_load_idx %arg5[%add3A_451, %broadcast_in_dim3A_485] : memref<10000x8xf32, #tpu.memory_space<vmem>>[vector<16xi32>, vector<16xi32>], vector<16xf32>,
        tpu.vector_store_idx %arg12[%add3A_467], %gather3A_486 masked %and3A_471 : memref<528xf32, #tpu.memory_space<vmem>>[vector<16xi32>], vector<16xf32>, vector<16xi1>
        tpu.vector_store_idx %arg7[%add3A_467], %gather3A_454 masked %and3A_471 : memref<528xf32, #tpu.memory_space<vmem>>[vector<16xi32>], vector<16xf32>, vector<16xi1>
        %all_reduce_population_count3A_487 = tpu.all_reduce %gt3A_455 {dim = 0 : i64, kind = #tpu.reduction_kind<sum>} : vector<16xi1> -> vector<16xi32>
        %slice3A_488 = vector.extract_strided_slice %all_reduce_population_count3A_487 {offsets = [0], sizes = [1], strides = [1]} : vector<16xi32> to vector<1xi32>
        %squeeze3A_489 = vector.extract %slice3A_488[0] : i32 from vector<1xi32>
        %add3A_490 = arith.addi %add3A_445, %squeeze3A_489 : i32
        scf.yield %add3A_490 : i32
      }
      %scan3A_28 = arith.constant 624 : i32
      %scan3A_29 = arith.addi %scan3A_23, %scan3A_28 : i32
      %mul3A_30 = arith.constant 16 : i32
      %mul3A_31 = arith.muli %scan3A_29, %mul3A_30 : i32
      %add3A_32 = vector.broadcast %mul3A_31 : i32 to vector<16xi32>
      %add3A_33 = arith.addi %add3A_32, %iota3A : vector<16xi32>
      %broadcast_in_dim3A_34 = arith.constant 0 : i32
      %broadcast_in_dim3A_35 = vector.broadcast %broadcast_in_dim3A_34 : i32 to vector<16xi32>
      %gather3A = tpu.vector_load_idx %arg5[%add3A_33, %broadcast_in_dim3A_35] : memref<10000x8xf32, #tpu.memory_space<vmem>>[vector<16xi32>, vector<16xi32>], vector<16xf32>,
      %gt3A = arith.cmpf ogt, %gather3A, %get3A_5 : vector<16xf32>
      %jit3A = arith.constant 1 : i32
      %jit3A_36 = arith.constant 0 : i32
      %broadcast_in_dim3A_37 = vector.broadcast %jit3A : i32 to vector<16xi32>
      %broadcast_in_dim3A_38 = vector.broadcast %jit3A_36 : i32 to vector<16xi32>
      %select_n3A = arith.select %gt3A, %broadcast_in_dim3A_37, %broadcast_in_dim3A_38 : vector<16xi1>, vector<16xi32>
      %broadcast_in_dim3A_39 = arith.constant true
      %broadcast_in_dim3A_40 = vector.broadcast %broadcast_in_dim3A_39 : i1 to vector<16xi1>
      %masked_cumsum3A = tpu.scan <sum>, %select_n3A masked %broadcast_in_dim3A_40 : vector<16xi32>, vector<16xi1> -> vector<16xi32>
      %sub3A = arith.constant 1 : i32
      %sub3A_41 = arith.subi %scan3A_27, %sub3A : i32
      %add3A_42 = vector.broadcast %sub3A_41 : i32 to vector<16xi32>
      %add3A_43 = arith.addi %masked_cumsum3A, %add3A_42 : vector<16xi32>
      %lt3A_44 = arith.constant 512 : i32
      %lt3A_45 = vector.broadcast %lt3A_44 : i32 to vector<16xi32>
      %lt3A_46 = arith.cmpi slt, %add3A_43, %lt3A_45 : vector<16xi32>
      %and3A = arith.andi %gt3A, %lt3A_46 : vector<16xi1>
      %broadcast_in_dim3A_47 = arith.constant 1 : i32
      %broadcast_in_dim3A_48 = vector.broadcast %broadcast_in_dim3A_47 : i32 to vector<16xi32>
      %gather3A_49 = tpu.vector_load_idx %arg5[%add3A_33, %broadcast_in_dim3A_48] : memref<10000x8xf32, #tpu.memory_space<vmem>>[vector<16xi32>, vector<16xi32>], vector<16xf32>,
      tpu.vector_store_idx %arg8[%add3A_43], %gather3A_49 masked %and3A : memref<528xf32, #tpu.memory_space<vmem>>[vector<16xi32>], vector<16xf32>, vector<16xi1>
      %broadcast_in_dim3A_50 = arith.constant 2 : i32
      %broadcast_in_dim3A_51 = vector.broadcast %broadcast_in_dim3A_50 : i32 to vector<16xi32>
      %gather3A_52 = tpu.vector_load_idx %arg5[%add3A_33, %broadcast_in_dim3A_51] : memref<10000x8xf32, #tpu.memory_space<vmem>>[vector<16xi32>, vector<16xi32>], vector<16xf32>,
      tpu.vector_store_idx %arg9[%add3A_43], %gather3A_52 masked %and3A : memref<528xf32, #tpu.memory_space<vmem>>[vector<16xi32>], vector<16xf32>, vector<16xi1>
      %broadcast_in_dim3A_53 = arith.constant 3 : i32
      %broadcast_in_dim3A_54 = vector.broadcast %broadcast_in_dim3A_53 : i32 to vector<16xi32>
      %gather3A_55 = tpu.vector_load_idx %arg5[%add3A_33, %broadcast_in_dim3A_54] : memref<10000x8xf32, #tpu.memory_space<vmem>>[vector<16xi32>, vector<16xi32>], vector<16xf32>,
      tpu.vector_store_idx %arg10[%add3A_43], %gather3A_55 masked %and3A : memref<528xf32, #tpu.memory_space<vmem>>[vector<16xi32>], vector<16xf32>, vector<16xi1>
      %broadcast_in_dim3A_56 = arith.constant 4 : i32
      %broadcast_in_dim3A_57 = vector.broadcast %broadcast_in_dim3A_56 : i32 to vector<16xi32>
      %gather3A_58 = tpu.vector_load_idx %arg5[%add3A_33, %broadcast_in_dim3A_57] : memref<10000x8xf32, #tpu.memory_space<vmem>>[vector<16xi32>, vector<16xi32>], vector<16xf32>,
      tpu.vector_store_idx %arg11[%add3A_43], %gather3A_58 masked %and3A : memref<528xf32, #tpu.memory_space<vmem>>[vector<16xi32>], vector<16xf32>, vector<16xi1>
      %broadcast_in_dim3A_59 = arith.constant 5 : i32
      %broadcast_in_dim3A_60 = vector.broadcast %broadcast_in_dim3A_59 : i32 to vector<16xi32>
      %gather3A_61 = tpu.vector_load_idx %arg5[%add3A_33, %broadcast_in_dim3A_60] : memref<10000x8xf32, #tpu.memory_space<vmem>>[vector<16xi32>, vector<16xi32>], vector<16xf32>,
      tpu.vector_store_idx %arg12[%add3A_43], %gather3A_61 masked %and3A : memref<528xf32, #tpu.memory_space<vmem>>[vector<16xi32>], vector<16xf32>, vector<16xi1>
      tpu.vector_store_idx %arg7[%add3A_43], %gather3A masked %and3A : memref<528xf32, #tpu.memory_space<vmem>>[vector<16xi32>], vector<16xf32>, vector<16xi1>
      %all_reduce_population_count3A = tpu.all_reduce %gt3A {dim = 0 : i64, kind = #tpu.reduction_kind<sum>} : vector<16xi1> -> vector<16xi32>
      %slice3A = vector.extract_strided_slice %all_reduce_population_count3A {offsets = [0], sizes = [1], strides = [1]} : vector<16xi32> to vector<1xi32>
      %squeeze3A = vector.extract %slice3A[0] : i32 from vector<1xi32>
      %add3A_62 = arith.addi %scan3A_27, %squeeze3A : i32
      %scan3A_63 = arith.constant 625 : i32
      "tpu.region"() ({
        %run_scoped3A = tpu.sem_alloc : memref<!tpu.dma_semaphore, #tpu.memory_space<semaphore_mem>>
        %dma_start3A = arith.constant 10000 : i32
        %dma_start3A_131 = arith.constant 0 : i32
        %dma_start3A_132 = tpu.memref_slice %arg2[%add3A, %dma_start3A, %dma_start3A_131] : memref<8x20000x8xf32, #tpu.memory_space<hbm>> -> memref<1x10000x8xf32, #tpu.memory_space<hbm>>
        %dma_start3A_133 = tpu.memref_squeeze %dma_start3A_132 : memref<1x10000x8xf32, #tpu.memory_space<hbm>> -> memref<10000x8xf32, #tpu.memory_space<hbm>>
        %dma_start3A_134 = arith.constant 10000 : i32
        %dma_start3A_135 = arith.constant 0 : i32
        %dma_start3A_136 = tpu.memref_slice %arg2[%add3A, %dma_start3A_134, %dma_start3A_135] : memref<8x20000x8xf32, #tpu.memory_space<hbm>> -> memref<1x10000x8xf32, #tpu.memory_space<hbm>>
        %dma_start3A_137 = tpu.memref_squeeze %dma_start3A_136 : memref<1x10000x8xf32, #tpu.memory_space<hbm>> -> memref<10000x8xf32, #tpu.memory_space<hbm>>
        tpu.enqueue_dma source(%dma_start3A_137 : memref<10000x8xf32, #tpu.memory_space<hbm>>) target(%arg5 : memref<10000x8xf32, #tpu.memory_space<vmem>>) target_semaphore(%run_scoped3A : memref<!tpu.dma_semaphore, #tpu.memory_space<semaphore_mem>>)
        %dma_wait3A = arith.constant 10000 : i32
        %dma_wait3A_138 = arith.constant 0 : i32
        %dma_wait3A_139 = tpu.memref_slice %arg2[%add3A, %dma_wait3A, %dma_wait3A_138] : memref<8x20000x8xf32, #tpu.memory_space<hbm>> -> memref<1x10000x8xf32, #tpu.memory_space<hbm>>
        %dma_wait3A_140 = tpu.memref_squeeze %dma_wait3A_139 : memref<1x10000x8xf32, #tpu.memory_space<hbm>> -> memref<10000x8xf32, #tpu.memory_space<hbm>>
        %dma_wait3A_141 = arith.constant 10000 : i32
        %dma_wait3A_142 = arith.constant 0 : i32
        %dma_wait3A_143 = tpu.memref_slice %arg2[%add3A, %dma_wait3A_141, %dma_wait3A_142] : memref<8x20000x8xf32, #tpu.memory_space<hbm>> -> memref<1x10000x8xf32, #tpu.memory_space<hbm>>
        %dma_wait3A_144 = tpu.memref_squeeze %dma_wait3A_143 : memref<1x10000x8xf32, #tpu.memory_space<hbm>> -> memref<10000x8xf32, #tpu.memory_space<hbm>>
        tpu.wait_dma2 semaphore(%run_scoped3A : memref<!tpu.dma_semaphore, #tpu.memory_space<semaphore_mem>>) src(%dma_wait3A_144 : memref<10000x8xf32, #tpu.memory_space<hbm>>) dst(%arg5 : memref<10000x8xf32, #tpu.memory_space<vmem>>)
        tpu.yield
      }) : () -> ()
      %scan3A_64 = arith.constant 0 : i32
      %scan3A_65 = arith.constant 624 : i32
      %scan3A_66 = arith.addi %scan3A_64, %scan3A_65 : i32
      %scan3A_67 = arith.constant 8 : i32
      %scan3A_68 = scf.for %scan3A_131 = %scan3A_64 to %scan3A_66 step %scan3A_67 iter_args(%scan3A_132 = %add3A_62) -> (i32)  : i32 {
        %mul3A_133 = arith.constant 16 : i32
        %mul3A_134 = arith.muli %scan3A_131, %mul3A_133 : i32
        %add3A_135 = vector.broadcast %mul3A_134 : i32 to vector<16xi32>
        %add3A_136 = arith.addi %add3A_135, %iota3A : vector<16xi32>
        %broadcast_in_dim3A_137 = arith.constant 0 : i32
        %broadcast_in_dim3A_138 = vector.broadcast %broadcast_in_dim3A_137 : i32 to vector<16xi32>
        %gather3A_139 = tpu.vector_load_idx %arg5[%add3A_136, %broadcast_in_dim3A_138] : memref<10000x8xf32, #tpu.memory_space<vmem>>[vector<16xi32>, vector<16xi32>], vector<16xf32>,
        %gt3A_140 = arith.cmpf ogt, %gather3A_139, %get3A_5 : vector<16xf32>
        %jit3A_141 = arith.constant 1 : i32
        %jit3A_142 = arith.constant 0 : i32
        %broadcast_in_dim3A_143 = vector.broadcast %jit3A_141 : i32 to vector<16xi32>
        %broadcast_in_dim3A_144 = vector.broadcast %jit3A_142 : i32 to vector<16xi32>
        %select_n3A_145 = arith.select %gt3A_140, %broadcast_in_dim3A_143, %broadcast_in_dim3A_144 : vector<16xi1>, vector<16xi32>
        %broadcast_in_dim3A_146 = arith.constant true
        %broadcast_in_dim3A_147 = vector.broadcast %broadcast_in_dim3A_146 : i1 to vector<16xi1>
        %masked_cumsum3A_148 = tpu.scan <sum>, %select_n3A_145 masked %broadcast_in_dim3A_147 : vector<16xi32>, vector<16xi1> -> vector<16xi32>
        %sub3A_149 = arith.constant 1 : i32
        %sub3A_150 = arith.subi %scan3A_132, %sub3A_149 : i32
        %add3A_151 = vector.broadcast %sub3A_150 : i32 to vector<16xi32>
        %add3A_152 = arith.addi %masked_cumsum3A_148, %add3A_151 : vector<16xi32>
        %lt3A_153 = arith.constant 512 : i32
        %lt3A_154 = vector.broadcast %lt3A_153 : i32 to vector<16xi32>
        %lt3A_155 = arith.cmpi slt, %add3A_152, %lt3A_154 : vector<16xi32>
        %and3A_156 = arith.andi %gt3A_140, %lt3A_155 : vector<16xi1>
        %broadcast_in_dim3A_157 = arith.constant 1 : i32
        %broadcast_in_dim3A_158 = vector.broadcast %broadcast_in_dim3A_157 : i32 to vector<16xi32>
        %gather3A_159 = tpu.vector_load_idx %arg5[%add3A_136, %broadcast_in_dim3A_158] : memref<10000x8xf32, #tpu.memory_space<vmem>>[vector<16xi32>, vector<16xi32>], vector<16xf32>,
        tpu.vector_store_idx %arg8[%add3A_152], %gather3A_159 masked %and3A_156 : memref<528xf32, #tpu.memory_space<vmem>>[vector<16xi32>], vector<16xf32>, vector<16xi1>
        %broadcast_in_dim3A_160 = arith.constant 2 : i32
        %broadcast_in_dim3A_161 = vector.broadcast %broadcast_in_dim3A_160 : i32 to vector<16xi32>
        %gather3A_162 = tpu.vector_load_idx %arg5[%add3A_136, %broadcast_in_dim3A_161] : memref<10000x8xf32, #tpu.memory_space<vmem>>[vector<16xi32>, vector<16xi32>], vector<16xf32>,
        tpu.vector_store_idx %arg9[%add3A_152], %gather3A_162 masked %and3A_156 : memref<528xf32, #tpu.memory_space<vmem>>[vector<16xi32>], vector<16xf32>, vector<16xi1>
        %broadcast_in_dim3A_163 = arith.constant 3 : i32
        %broadcast_in_dim3A_164 = vector.broadcast %broadcast_in_dim3A_163 : i32 to vector<16xi32>
        %gather3A_165 = tpu.vector_load_idx %arg5[%add3A_136, %broadcast_in_dim3A_164] : memref<10000x8xf32, #tpu.memory_space<vmem>>[vector<16xi32>, vector<16xi32>], vector<16xf32>,
        tpu.vector_store_idx %arg10[%add3A_152], %gather3A_165 masked %and3A_156 : memref<528xf32, #tpu.memory_space<vmem>>[vector<16xi32>], vector<16xf32>, vector<16xi1>
        %broadcast_in_dim3A_166 = arith.constant 4 : i32
        %broadcast_in_dim3A_167 = vector.broadcast %broadcast_in_dim3A_166 : i32 to vector<16xi32>
        %gather3A_168 = tpu.vector_load_idx %arg5[%add3A_136, %broadcast_in_dim3A_167] : memref<10000x8xf32, #tpu.memory_space<vmem>>[vector<16xi32>, vector<16xi32>], vector<16xf32>,
        tpu.vector_store_idx %arg11[%add3A_152], %gather3A_168 masked %and3A_156 : memref<528xf32, #tpu.memory_space<vmem>>[vector<16xi32>], vector<16xf32>, vector<16xi1>
        %broadcast_in_dim3A_169 = arith.constant 5 : i32
        %broadcast_in_dim3A_170 = vector.broadcast %broadcast_in_dim3A_169 : i32 to vector<16xi32>
        %gather3A_171 = tpu.vector_load_idx %arg5[%add3A_136, %broadcast_in_dim3A_170] : memref<10000x8xf32, #tpu.memory_space<vmem>>[vector<16xi32>, vector<16xi32>], vector<16xf32>,
        tpu.vector_store_idx %arg12[%add3A_152], %gather3A_171 masked %and3A_156 : memref<528xf32, #tpu.memory_space<vmem>>[vector<16xi32>], vector<16xf32>, vector<16xi1>
        tpu.vector_store_idx %arg7[%add3A_152], %gather3A_139 masked %and3A_156 : memref<528xf32, #tpu.memory_space<vmem>>[vector<16xi32>], vector<16xf32>, vector<16xi1>
        %all_reduce_population_count3A_172 = tpu.all_reduce %gt3A_140 {dim = 0 : i64, kind = #tpu.reduction_kind<sum>} : vector<16xi1> -> vector<16xi32>
        %slice3A_173 = vector.extract_strided_slice %all_reduce_population_count3A_172 {offsets = [0], sizes = [1], strides = [1]} : vector<16xi32> to vector<1xi32>
        %squeeze3A_174 = vector.extract %slice3A_173[0] : i32 from vector<1xi32>
        %add3A_175 = arith.addi %scan3A_132, %squeeze3A_174 : i32
        %scan3A_176 = arith.constant 1 : i32
        %scan3A_177 = arith.addi %scan3A_131, %scan3A_176 : i32
        %mul3A_178 = arith.constant 16 : i32
        %mul3A_179 = arith.muli %scan3A_177, %mul3A_178 : i32
        %add3A_180 = vector.broadcast %mul3A_179 : i32 to vector<16xi32>
        %add3A_181 = arith.addi %add3A_180, %iota3A : vector<16xi32>
        %broadcast_in_dim3A_182 = arith.constant 0 : i32
        %broadcast_in_dim3A_183 = vector.broadcast %broadcast_in_dim3A_182 : i32 to vector<16xi32>
        %gather3A_184 = tpu.vector_load_idx %arg5[%add3A_181, %broadcast_in_dim3A_183] : memref<10000x8xf32, #tpu.memory_space<vmem>>[vector<16xi32>, vector<16xi32>], vector<16xf32>,
        %gt3A_185 = arith.cmpf ogt, %gather3A_184, %get3A_5 : vector<16xf32>
        %jit3A_186 = arith.constant 1 : i32
        %jit3A_187 = arith.constant 0 : i32
        %broadcast_in_dim3A_188 = vector.broadcast %jit3A_186 : i32 to vector<16xi32>
        %broadcast_in_dim3A_189 = vector.broadcast %jit3A_187 : i32 to vector<16xi32>
        %select_n3A_190 = arith.select %gt3A_185, %broadcast_in_dim3A_188, %broadcast_in_dim3A_189 : vector<16xi1>, vector<16xi32>
        %broadcast_in_dim3A_191 = arith.constant true
        %broadcast_in_dim3A_192 = vector.broadcast %broadcast_in_dim3A_191 : i1 to vector<16xi1>
        %masked_cumsum3A_193 = tpu.scan <sum>, %select_n3A_190 masked %broadcast_in_dim3A_192 : vector<16xi32>, vector<16xi1> -> vector<16xi32>
        %sub3A_194 = arith.constant 1 : i32
        %sub3A_195 = arith.subi %add3A_175, %sub3A_194 : i32
        %add3A_196 = vector.broadcast %sub3A_195 : i32 to vector<16xi32>
        %add3A_197 = arith.addi %masked_cumsum3A_193, %add3A_196 : vector<16xi32>
        %lt3A_198 = arith.constant 512 : i32
        %lt3A_199 = vector.broadcast %lt3A_198 : i32 to vector<16xi32>
        %lt3A_200 = arith.cmpi slt, %add3A_197, %lt3A_199 : vector<16xi32>
        %and3A_201 = arith.andi %gt3A_185, %lt3A_200 : vector<16xi1>
        %broadcast_in_dim3A_202 = arith.constant 1 : i32
        %broadcast_in_dim3A_203 = vector.broadcast %broadcast_in_dim3A_202 : i32 to vector<16xi32>
        %gather3A_204 = tpu.vector_load_idx %arg5[%add3A_181, %broadcast_in_dim3A_203] : memref<10000x8xf32, #tpu.memory_space<vmem>>[vector<16xi32>, vector<16xi32>], vector<16xf32>,
        tpu.vector_store_idx %arg8[%add3A_197], %gather3A_204 masked %and3A_201 : memref<528xf32, #tpu.memory_space<vmem>>[vector<16xi32>], vector<16xf32>, vector<16xi1>
        %broadcast_in_dim3A_205 = arith.constant 2 : i32
        %broadcast_in_dim3A_206 = vector.broadcast %broadcast_in_dim3A_205 : i32 to vector<16xi32>
        %gather3A_207 = tpu.vector_load_idx %arg5[%add3A_181, %broadcast_in_dim3A_206] : memref<10000x8xf32, #tpu.memory_space<vmem>>[vector<16xi32>, vector<16xi32>], vector<16xf32>,
        tpu.vector_store_idx %arg9[%add3A_197], %gather3A_207 masked %and3A_201 : memref<528xf32, #tpu.memory_space<vmem>>[vector<16xi32>], vector<16xf32>, vector<16xi1>
        %broadcast_in_dim3A_208 = arith.constant 3 : i32
        %broadcast_in_dim3A_209 = vector.broadcast %broadcast_in_dim3A_208 : i32 to vector<16xi32>
        %gather3A_210 = tpu.vector_load_idx %arg5[%add3A_181, %broadcast_in_dim3A_209] : memref<10000x8xf32, #tpu.memory_space<vmem>>[vector<16xi32>, vector<16xi32>], vector<16xf32>,
        tpu.vector_store_idx %arg10[%add3A_197], %gather3A_210 masked %and3A_201 : memref<528xf32, #tpu.memory_space<vmem>>[vector<16xi32>], vector<16xf32>, vector<16xi1>
        %broadcast_in_dim3A_211 = arith.constant 4 : i32
        %broadcast_in_dim3A_212 = vector.broadcast %broadcast_in_dim3A_211 : i32 to vector<16xi32>
        %gather3A_213 = tpu.vector_load_idx %arg5[%add3A_181, %broadcast_in_dim3A_212] : memref<10000x8xf32, #tpu.memory_space<vmem>>[vector<16xi32>, vector<16xi32>], vector<16xf32>,
        tpu.vector_store_idx %arg11[%add3A_197], %gather3A_213 masked %and3A_201 : memref<528xf32, #tpu.memory_space<vmem>>[vector<16xi32>], vector<16xf32>, vector<16xi1>
        %broadcast_in_dim3A_214 = arith.constant 5 : i32
        %broadcast_in_dim3A_215 = vector.broadcast %broadcast_in_dim3A_214 : i32 to vector<16xi32>
        %gather3A_216 = tpu.vector_load_idx %arg5[%add3A_181, %broadcast_in_dim3A_215] : memref<10000x8xf32, #tpu.memory_space<vmem>>[vector<16xi32>, vector<16xi32>], vector<16xf32>,
        tpu.vector_store_idx %arg12[%add3A_197], %gather3A_216 masked %and3A_201 : memref<528xf32, #tpu.memory_space<vmem>>[vector<16xi32>], vector<16xf32>, vector<16xi1>
        tpu.vector_store_idx %arg7[%add3A_197], %gather3A_184 masked %and3A_201 : memref<528xf32, #tpu.memory_space<vmem>>[vector<16xi32>], vector<16xf32>, vector<16xi1>
        %all_reduce_population_count3A_217 = tpu.all_reduce %gt3A_185 {dim = 0 : i64, kind = #tpu.reduction_kind<sum>} : vector<16xi1> -> vector<16xi32>
        %slice3A_218 = vector.extract_strided_slice %all_reduce_population_count3A_217 {offsets = [0], sizes = [1], strides = [1]} : vector<16xi32> to vector<1xi32>
        %squeeze3A_219 = vector.extract %slice3A_218[0] : i32 from vector<1xi32>
        %add3A_220 = arith.addi %add3A_175, %squeeze3A_219 : i32
        %scan3A_221 = arith.constant 2 : i32
        %scan3A_222 = arith.addi %scan3A_131, %scan3A_221 : i32
        %mul3A_223 = arith.constant 16 : i32
        %mul3A_224 = arith.muli %scan3A_222, %mul3A_223 : i32
        %add3A_225 = vector.broadcast %mul3A_224 : i32 to vector<16xi32>
        %add3A_226 = arith.addi %add3A_225, %iota3A : vector<16xi32>
        %broadcast_in_dim3A_227 = arith.constant 0 : i32
        %broadcast_in_dim3A_228 = vector.broadcast %broadcast_in_dim3A_227 : i32 to vector<16xi32>
        %gather3A_229 = tpu.vector_load_idx %arg5[%add3A_226, %broadcast_in_dim3A_228] : memref<10000x8xf32, #tpu.memory_space<vmem>>[vector<16xi32>, vector<16xi32>], vector<16xf32>,
        %gt3A_230 = arith.cmpf ogt, %gather3A_229, %get3A_5 : vector<16xf32>
        %jit3A_231 = arith.constant 1 : i32
        %jit3A_232 = arith.constant 0 : i32
        %broadcast_in_dim3A_233 = vector.broadcast %jit3A_231 : i32 to vector<16xi32>
        %broadcast_in_dim3A_234 = vector.broadcast %jit3A_232 : i32 to vector<16xi32>
        %select_n3A_235 = arith.select %gt3A_230, %broadcast_in_dim3A_233, %broadcast_in_dim3A_234 : vector<16xi1>, vector<16xi32>
        %broadcast_in_dim3A_236 = arith.constant true
        %broadcast_in_dim3A_237 = vector.broadcast %broadcast_in_dim3A_236 : i1 to vector<16xi1>
        %masked_cumsum3A_238 = tpu.scan <sum>, %select_n3A_235 masked %broadcast_in_dim3A_237 : vector<16xi32>, vector<16xi1> -> vector<16xi32>
        %sub3A_239 = arith.constant 1 : i32
        %sub3A_240 = arith.subi %add3A_220, %sub3A_239 : i32
        %add3A_241 = vector.broadcast %sub3A_240 : i32 to vector<16xi32>
        %add3A_242 = arith.addi %masked_cumsum3A_238, %add3A_241 : vector<16xi32>
        %lt3A_243 = arith.constant 512 : i32
        %lt3A_244 = vector.broadcast %lt3A_243 : i32 to vector<16xi32>
        %lt3A_245 = arith.cmpi slt, %add3A_242, %lt3A_244 : vector<16xi32>
        %and3A_246 = arith.andi %gt3A_230, %lt3A_245 : vector<16xi1>
        %broadcast_in_dim3A_247 = arith.constant 1 : i32
        %broadcast_in_dim3A_248 = vector.broadcast %broadcast_in_dim3A_247 : i32 to vector<16xi32>
        %gather3A_249 = tpu.vector_load_idx %arg5[%add3A_226, %broadcast_in_dim3A_248] : memref<10000x8xf32, #tpu.memory_space<vmem>>[vector<16xi32>, vector<16xi32>], vector<16xf32>,
        tpu.vector_store_idx %arg8[%add3A_242], %gather3A_249 masked %and3A_246 : memref<528xf32, #tpu.memory_space<vmem>>[vector<16xi32>], vector<16xf32>, vector<16xi1>
        %broadcast_in_dim3A_250 = arith.constant 2 : i32
        %broadcast_in_dim3A_251 = vector.broadcast %broadcast_in_dim3A_250 : i32 to vector<16xi32>
        %gather3A_252 = tpu.vector_load_idx %arg5[%add3A_226, %broadcast_in_dim3A_251] : memref<10000x8xf32, #tpu.memory_space<vmem>>[vector<16xi32>, vector<16xi32>], vector<16xf32>,
        tpu.vector_store_idx %arg9[%add3A_242], %gather3A_252 masked %and3A_246 : memref<528xf32, #tpu.memory_space<vmem>>[vector<16xi32>], vector<16xf32>, vector<16xi1>
        %broadcast_in_dim3A_253 = arith.constant 3 : i32
        %broadcast_in_dim3A_254 = vector.broadcast %broadcast_in_dim3A_253 : i32 to vector<16xi32>
        %gather3A_255 = tpu.vector_load_idx %arg5[%add3A_226, %broadcast_in_dim3A_254] : memref<10000x8xf32, #tpu.memory_space<vmem>>[vector<16xi32>, vector<16xi32>], vector<16xf32>,
        tpu.vector_store_idx %arg10[%add3A_242], %gather3A_255 masked %and3A_246 : memref<528xf32, #tpu.memory_space<vmem>>[vector<16xi32>], vector<16xf32>, vector<16xi1>
        %broadcast_in_dim3A_256 = arith.constant 4 : i32
        %broadcast_in_dim3A_257 = vector.broadcast %broadcast_in_dim3A_256 : i32 to vector<16xi32>
        %gather3A_258 = tpu.vector_load_idx %arg5[%add3A_226, %broadcast_in_dim3A_257] : memref<10000x8xf32, #tpu.memory_space<vmem>>[vector<16xi32>, vector<16xi32>], vector<16xf32>,
        tpu.vector_store_idx %arg11[%add3A_242], %gather3A_258 masked %and3A_246 : memref<528xf32, #tpu.memory_space<vmem>>[vector<16xi32>], vector<16xf32>, vector<16xi1>
        %broadcast_in_dim3A_259 = arith.constant 5 : i32
        %broadcast_in_dim3A_260 = vector.broadcast %broadcast_in_dim3A_259 : i32 to vector<16xi32>
        %gather3A_261 = tpu.vector_load_idx %arg5[%add3A_226, %broadcast_in_dim3A_260] : memref<10000x8xf32, #tpu.memory_space<vmem>>[vector<16xi32>, vector<16xi32>], vector<16xf32>,
        tpu.vector_store_idx %arg12[%add3A_242], %gather3A_261 masked %and3A_246 : memref<528xf32, #tpu.memory_space<vmem>>[vector<16xi32>], vector<16xf32>, vector<16xi1>
        tpu.vector_store_idx %arg7[%add3A_242], %gather3A_229 masked %and3A_246 : memref<528xf32, #tpu.memory_space<vmem>>[vector<16xi32>], vector<16xf32>, vector<16xi1>
        %all_reduce_population_count3A_262 = tpu.all_reduce %gt3A_230 {dim = 0 : i64, kind = #tpu.reduction_kind<sum>} : vector<16xi1> -> vector<16xi32>
        %slice3A_263 = vector.extract_strided_slice %all_reduce_population_count3A_262 {offsets = [0], sizes = [1], strides = [1]} : vector<16xi32> to vector<1xi32>
        %squeeze3A_264 = vector.extract %slice3A_263[0] : i32 from vector<1xi32>
        %add3A_265 = arith.addi %add3A_220, %squeeze3A_264 : i32
        %scan3A_266 = arith.constant 3 : i32
        %scan3A_267 = arith.addi %scan3A_131, %scan3A_266 : i32
        %mul3A_268 = arith.constant 16 : i32
        %mul3A_269 = arith.muli %scan3A_267, %mul3A_268 : i32
        %add3A_270 = vector.broadcast %mul3A_269 : i32 to vector<16xi32>
        %add3A_271 = arith.addi %add3A_270, %iota3A : vector<16xi32>
        %broadcast_in_dim3A_272 = arith.constant 0 : i32
        %broadcast_in_dim3A_273 = vector.broadcast %broadcast_in_dim3A_272 : i32 to vector<16xi32>
        %gather3A_274 = tpu.vector_load_idx %arg5[%add3A_271, %broadcast_in_dim3A_273] : memref<10000x8xf32, #tpu.memory_space<vmem>>[vector<16xi32>, vector<16xi32>], vector<16xf32>,
        %gt3A_275 = arith.cmpf ogt, %gather3A_274, %get3A_5 : vector<16xf32>
        %jit3A_276 = arith.constant 1 : i32
        %jit3A_277 = arith.constant 0 : i32
        %broadcast_in_dim3A_278 = vector.broadcast %jit3A_276 : i32 to vector<16xi32>
        %broadcast_in_dim3A_279 = vector.broadcast %jit3A_277 : i32 to vector<16xi32>
        %select_n3A_280 = arith.select %gt3A_275, %broadcast_in_dim3A_278, %broadcast_in_dim3A_279 : vector<16xi1>, vector<16xi32>
        %broadcast_in_dim3A_281 = arith.constant true
        %broadcast_in_dim3A_282 = vector.broadcast %broadcast_in_dim3A_281 : i1 to vector<16xi1>
        %masked_cumsum3A_283 = tpu.scan <sum>, %select_n3A_280 masked %broadcast_in_dim3A_282 : vector<16xi32>, vector<16xi1> -> vector<16xi32>
        %sub3A_284 = arith.constant 1 : i32
        %sub3A_285 = arith.subi %add3A_265, %sub3A_284 : i32
        %add3A_286 = vector.broadcast %sub3A_285 : i32 to vector<16xi32>
        %add3A_287 = arith.addi %masked_cumsum3A_283, %add3A_286 : vector<16xi32>
        %lt3A_288 = arith.constant 512 : i32
        %lt3A_289 = vector.broadcast %lt3A_288 : i32 to vector<16xi32>
        %lt3A_290 = arith.cmpi slt, %add3A_287, %lt3A_289 : vector<16xi32>
        %and3A_291 = arith.andi %gt3A_275, %lt3A_290 : vector<16xi1>
        %broadcast_in_dim3A_292 = arith.constant 1 : i32
        %broadcast_in_dim3A_293 = vector.broadcast %broadcast_in_dim3A_292 : i32 to vector<16xi32>
        %gather3A_294 = tpu.vector_load_idx %arg5[%add3A_271, %broadcast_in_dim3A_293] : memref<10000x8xf32, #tpu.memory_space<vmem>>[vector<16xi32>, vector<16xi32>], vector<16xf32>,
        tpu.vector_store_idx %arg8[%add3A_287], %gather3A_294 masked %and3A_291 : memref<528xf32, #tpu.memory_space<vmem>>[vector<16xi32>], vector<16xf32>, vector<16xi1>
        %broadcast_in_dim3A_295 = arith.constant 2 : i32
        %broadcast_in_dim3A_296 = vector.broadcast %broadcast_in_dim3A_295 : i32 to vector<16xi32>
        %gather3A_297 = tpu.vector_load_idx %arg5[%add3A_271, %broadcast_in_dim3A_296] : memref<10000x8xf32, #tpu.memory_space<vmem>>[vector<16xi32>, vector<16xi32>], vector<16xf32>,
        tpu.vector_store_idx %arg9[%add3A_287], %gather3A_297 masked %and3A_291 : memref<528xf32, #tpu.memory_space<vmem>>[vector<16xi32>], vector<16xf32>, vector<16xi1>
        %broadcast_in_dim3A_298 = arith.constant 3 : i32
        %broadcast_in_dim3A_299 = vector.broadcast %broadcast_in_dim3A_298 : i32 to vector<16xi32>
        %gather3A_300 = tpu.vector_load_idx %arg5[%add3A_271, %broadcast_in_dim3A_299] : memref<10000x8xf32, #tpu.memory_space<vmem>>[vector<16xi32>, vector<16xi32>], vector<16xf32>,
        tpu.vector_store_idx %arg10[%add3A_287], %gather3A_300 masked %and3A_291 : memref<528xf32, #tpu.memory_space<vmem>>[vector<16xi32>], vector<16xf32>, vector<16xi1>
        %broadcast_in_dim3A_301 = arith.constant 4 : i32
        %broadcast_in_dim3A_302 = vector.broadcast %broadcast_in_dim3A_301 : i32 to vector<16xi32>
        %gather3A_303 = tpu.vector_load_idx %arg5[%add3A_271, %broadcast_in_dim3A_302] : memref<10000x8xf32, #tpu.memory_space<vmem>>[vector<16xi32>, vector<16xi32>], vector<16xf32>,
        tpu.vector_store_idx %arg11[%add3A_287], %gather3A_303 masked %and3A_291 : memref<528xf32, #tpu.memory_space<vmem>>[vector<16xi32>], vector<16xf32>, vector<16xi1>
        %broadcast_in_dim3A_304 = arith.constant 5 : i32
        %broadcast_in_dim3A_305 = vector.broadcast %broadcast_in_dim3A_304 : i32 to vector<16xi32>
        %gather3A_306 = tpu.vector_load_idx %arg5[%add3A_271, %broadcast_in_dim3A_305] : memref<10000x8xf32, #tpu.memory_space<vmem>>[vector<16xi32>, vector<16xi32>], vector<16xf32>,
        tpu.vector_store_idx %arg12[%add3A_287], %gather3A_306 masked %and3A_291 : memref<528xf32, #tpu.memory_space<vmem>>[vector<16xi32>], vector<16xf32>, vector<16xi1>
        tpu.vector_store_idx %arg7[%add3A_287], %gather3A_274 masked %and3A_291 : memref<528xf32, #tpu.memory_space<vmem>>[vector<16xi32>], vector<16xf32>, vector<16xi1>
        %all_reduce_population_count3A_307 = tpu.all_reduce %gt3A_275 {dim = 0 : i64, kind = #tpu.reduction_kind<sum>} : vector<16xi1> -> vector<16xi32>
        %slice3A_308 = vector.extract_strided_slice %all_reduce_population_count3A_307 {offsets = [0], sizes = [1], strides = [1]} : vector<16xi32> to vector<1xi32>
        %squeeze3A_309 = vector.extract %slice3A_308[0] : i32 from vector<1xi32>
        %add3A_310 = arith.addi %add3A_265, %squeeze3A_309 : i32
        %scan3A_311 = arith.constant 4 : i32
        %scan3A_312 = arith.addi %scan3A_131, %scan3A_311 : i32
        %mul3A_313 = arith.constant 16 : i32
        %mul3A_314 = arith.muli %scan3A_312, %mul3A_313 : i32
        %add3A_315 = vector.broadcast %mul3A_314 : i32 to vector<16xi32>
        %add3A_316 = arith.addi %add3A_315, %iota3A : vector<16xi32>
        %broadcast_in_dim3A_317 = arith.constant 0 : i32
        %broadcast_in_dim3A_318 = vector.broadcast %broadcast_in_dim3A_317 : i32 to vector<16xi32>
        %gather3A_319 = tpu.vector_load_idx %arg5[%add3A_316, %broadcast_in_dim3A_318] : memref<10000x8xf32, #tpu.memory_space<vmem>>[vector<16xi32>, vector<16xi32>], vector<16xf32>,
        %gt3A_320 = arith.cmpf ogt, %gather3A_319, %get3A_5 : vector<16xf32>
        %jit3A_321 = arith.constant 1 : i32
        %jit3A_322 = arith.constant 0 : i32
        %broadcast_in_dim3A_323 = vector.broadcast %jit3A_321 : i32 to vector<16xi32>
        %broadcast_in_dim3A_324 = vector.broadcast %jit3A_322 : i32 to vector<16xi32>
        %select_n3A_325 = arith.select %gt3A_320, %broadcast_in_dim3A_323, %broadcast_in_dim3A_324 : vector<16xi1>, vector<16xi32>
        %broadcast_in_dim3A_326 = arith.constant true
        %broadcast_in_dim3A_327 = vector.broadcast %broadcast_in_dim3A_326 : i1 to vector<16xi1>
        %masked_cumsum3A_328 = tpu.scan <sum>, %select_n3A_325 masked %broadcast_in_dim3A_327 : vector<16xi32>, vector<16xi1> -> vector<16xi32>
        %sub3A_329 = arith.constant 1 : i32
        %sub3A_330 = arith.subi %add3A_310, %sub3A_329 : i32
        %add3A_331 = vector.broadcast %sub3A_330 : i32 to vector<16xi32>
        %add3A_332 = arith.addi %masked_cumsum3A_328, %add3A_331 : vector<16xi32>
        %lt3A_333 = arith.constant 512 : i32
        %lt3A_334 = vector.broadcast %lt3A_333 : i32 to vector<16xi32>
        %lt3A_335 = arith.cmpi slt, %add3A_332, %lt3A_334 : vector<16xi32>
        %and3A_336 = arith.andi %gt3A_320, %lt3A_335 : vector<16xi1>
        %broadcast_in_dim3A_337 = arith.constant 1 : i32
        %broadcast_in_dim3A_338 = vector.broadcast %broadcast_in_dim3A_337 : i32 to vector<16xi32>
        %gather3A_339 = tpu.vector_load_idx %arg5[%add3A_316, %broadcast_in_dim3A_338] : memref<10000x8xf32, #tpu.memory_space<vmem>>[vector<16xi32>, vector<16xi32>], vector<16xf32>,
        tpu.vector_store_idx %arg8[%add3A_332], %gather3A_339 masked %and3A_336 : memref<528xf32, #tpu.memory_space<vmem>>[vector<16xi32>], vector<16xf32>, vector<16xi1>
        %broadcast_in_dim3A_340 = arith.constant 2 : i32
        %broadcast_in_dim3A_341 = vector.broadcast %broadcast_in_dim3A_340 : i32 to vector<16xi32>
        %gather3A_342 = tpu.vector_load_idx %arg5[%add3A_316, %broadcast_in_dim3A_341] : memref<10000x8xf32, #tpu.memory_space<vmem>>[vector<16xi32>, vector<16xi32>], vector<16xf32>,
        tpu.vector_store_idx %arg9[%add3A_332], %gather3A_342 masked %and3A_336 : memref<528xf32, #tpu.memory_space<vmem>>[vector<16xi32>], vector<16xf32>, vector<16xi1>
        %broadcast_in_dim3A_343 = arith.constant 3 : i32
        %broadcast_in_dim3A_344 = vector.broadcast %broadcast_in_dim3A_343 : i32 to vector<16xi32>
        %gather3A_345 = tpu.vector_load_idx %arg5[%add3A_316, %broadcast_in_dim3A_344] : memref<10000x8xf32, #tpu.memory_space<vmem>>[vector<16xi32>, vector<16xi32>], vector<16xf32>,
        tpu.vector_store_idx %arg10[%add3A_332], %gather3A_345 masked %and3A_336 : memref<528xf32, #tpu.memory_space<vmem>>[vector<16xi32>], vector<16xf32>, vector<16xi1>
        %broadcast_in_dim3A_346 = arith.constant 4 : i32
        %broadcast_in_dim3A_347 = vector.broadcast %broadcast_in_dim3A_346 : i32 to vector<16xi32>
        %gather3A_348 = tpu.vector_load_idx %arg5[%add3A_316, %broadcast_in_dim3A_347] : memref<10000x8xf32, #tpu.memory_space<vmem>>[vector<16xi32>, vector<16xi32>], vector<16xf32>,
        tpu.vector_store_idx %arg11[%add3A_332], %gather3A_348 masked %and3A_336 : memref<528xf32, #tpu.memory_space<vmem>>[vector<16xi32>], vector<16xf32>, vector<16xi1>
        %broadcast_in_dim3A_349 = arith.constant 5 : i32
        %broadcast_in_dim3A_350 = vector.broadcast %broadcast_in_dim3A_349 : i32 to vector<16xi32>
        %gather3A_351 = tpu.vector_load_idx %arg5[%add3A_316, %broadcast_in_dim3A_350] : memref<10000x8xf32, #tpu.memory_space<vmem>>[vector<16xi32>, vector<16xi32>], vector<16xf32>,
        tpu.vector_store_idx %arg12[%add3A_332], %gather3A_351 masked %and3A_336 : memref<528xf32, #tpu.memory_space<vmem>>[vector<16xi32>], vector<16xf32>, vector<16xi1>
        tpu.vector_store_idx %arg7[%add3A_332], %gather3A_319 masked %and3A_336 : memref<528xf32, #tpu.memory_space<vmem>>[vector<16xi32>], vector<16xf32>, vector<16xi1>
        %all_reduce_population_count3A_352 = tpu.all_reduce %gt3A_320 {dim = 0 : i64, kind = #tpu.reduction_kind<sum>} : vector<16xi1> -> vector<16xi32>
        %slice3A_353 = vector.extract_strided_slice %all_reduce_population_count3A_352 {offsets = [0], sizes = [1], strides = [1]} : vector<16xi32> to vector<1xi32>
        %squeeze3A_354 = vector.extract %slice3A_353[0] : i32 from vector<1xi32>
        %add3A_355 = arith.addi %add3A_310, %squeeze3A_354 : i32
        %scan3A_356 = arith.constant 5 : i32
        %scan3A_357 = arith.addi %scan3A_131, %scan3A_356 : i32
        %mul3A_358 = arith.constant 16 : i32
        %mul3A_359 = arith.muli %scan3A_357, %mul3A_358 : i32
        %add3A_360 = vector.broadcast %mul3A_359 : i32 to vector<16xi32>
        %add3A_361 = arith.addi %add3A_360, %iota3A : vector<16xi32>
        %broadcast_in_dim3A_362 = arith.constant 0 : i32
        %broadcast_in_dim3A_363 = vector.broadcast %broadcast_in_dim3A_362 : i32 to vector<16xi32>
        %gather3A_364 = tpu.vector_load_idx %arg5[%add3A_361, %broadcast_in_dim3A_363] : memref<10000x8xf32, #tpu.memory_space<vmem>>[vector<16xi32>, vector<16xi32>], vector<16xf32>,
        %gt3A_365 = arith.cmpf ogt, %gather3A_364, %get3A_5 : vector<16xf32>
        %jit3A_366 = arith.constant 1 : i32
        %jit3A_367 = arith.constant 0 : i32
        %broadcast_in_dim3A_368 = vector.broadcast %jit3A_366 : i32 to vector<16xi32>
        %broadcast_in_dim3A_369 = vector.broadcast %jit3A_367 : i32 to vector<16xi32>
        %select_n3A_370 = arith.select %gt3A_365, %broadcast_in_dim3A_368, %broadcast_in_dim3A_369 : vector<16xi1>, vector<16xi32>
        %broadcast_in_dim3A_371 = arith.constant true
        %broadcast_in_dim3A_372 = vector.broadcast %broadcast_in_dim3A_371 : i1 to vector<16xi1>
        %masked_cumsum3A_373 = tpu.scan <sum>, %select_n3A_370 masked %broadcast_in_dim3A_372 : vector<16xi32>, vector<16xi1> -> vector<16xi32>
        %sub3A_374 = arith.constant 1 : i32
        %sub3A_375 = arith.subi %add3A_355, %sub3A_374 : i32
        %add3A_376 = vector.broadcast %sub3A_375 : i32 to vector<16xi32>
        %add3A_377 = arith.addi %masked_cumsum3A_373, %add3A_376 : vector<16xi32>
        %lt3A_378 = arith.constant 512 : i32
        %lt3A_379 = vector.broadcast %lt3A_378 : i32 to vector<16xi32>
        %lt3A_380 = arith.cmpi slt, %add3A_377, %lt3A_379 : vector<16xi32>
        %and3A_381 = arith.andi %gt3A_365, %lt3A_380 : vector<16xi1>
        %broadcast_in_dim3A_382 = arith.constant 1 : i32
        %broadcast_in_dim3A_383 = vector.broadcast %broadcast_in_dim3A_382 : i32 to vector<16xi32>
        %gather3A_384 = tpu.vector_load_idx %arg5[%add3A_361, %broadcast_in_dim3A_383] : memref<10000x8xf32, #tpu.memory_space<vmem>>[vector<16xi32>, vector<16xi32>], vector<16xf32>,
        tpu.vector_store_idx %arg8[%add3A_377], %gather3A_384 masked %and3A_381 : memref<528xf32, #tpu.memory_space<vmem>>[vector<16xi32>], vector<16xf32>, vector<16xi1>
        %broadcast_in_dim3A_385 = arith.constant 2 : i32
        %broadcast_in_dim3A_386 = vector.broadcast %broadcast_in_dim3A_385 : i32 to vector<16xi32>
        %gather3A_387 = tpu.vector_load_idx %arg5[%add3A_361, %broadcast_in_dim3A_386] : memref<10000x8xf32, #tpu.memory_space<vmem>>[vector<16xi32>, vector<16xi32>], vector<16xf32>,
        tpu.vector_store_idx %arg9[%add3A_377], %gather3A_387 masked %and3A_381 : memref<528xf32, #tpu.memory_space<vmem>>[vector<16xi32>], vector<16xf32>, vector<16xi1>
        %broadcast_in_dim3A_388 = arith.constant 3 : i32
        %broadcast_in_dim3A_389 = vector.broadcast %broadcast_in_dim3A_388 : i32 to vector<16xi32>
        %gather3A_390 = tpu.vector_load_idx %arg5[%add3A_361, %broadcast_in_dim3A_389] : memref<10000x8xf32, #tpu.memory_space<vmem>>[vector<16xi32>, vector<16xi32>], vector<16xf32>,
        tpu.vector_store_idx %arg10[%add3A_377], %gather3A_390 masked %and3A_381 : memref<528xf32, #tpu.memory_space<vmem>>[vector<16xi32>], vector<16xf32>, vector<16xi1>
        %broadcast_in_dim3A_391 = arith.constant 4 : i32
        %broadcast_in_dim3A_392 = vector.broadcast %broadcast_in_dim3A_391 : i32 to vector<16xi32>
        %gather3A_393 = tpu.vector_load_idx %arg5[%add3A_361, %broadcast_in_dim3A_392] : memref<10000x8xf32, #tpu.memory_space<vmem>>[vector<16xi32>, vector<16xi32>], vector<16xf32>,
        tpu.vector_store_idx %arg11[%add3A_377], %gather3A_393 masked %and3A_381 : memref<528xf32, #tpu.memory_space<vmem>>[vector<16xi32>], vector<16xf32>, vector<16xi1>
        %broadcast_in_dim3A_394 = arith.constant 5 : i32
        %broadcast_in_dim3A_395 = vector.broadcast %broadcast_in_dim3A_394 : i32 to vector<16xi32>
        %gather3A_396 = tpu.vector_load_idx %arg5[%add3A_361, %broadcast_in_dim3A_395] : memref<10000x8xf32, #tpu.memory_space<vmem>>[vector<16xi32>, vector<16xi32>], vector<16xf32>,
        tpu.vector_store_idx %arg12[%add3A_377], %gather3A_396 masked %and3A_381 : memref<528xf32, #tpu.memory_space<vmem>>[vector<16xi32>], vector<16xf32>, vector<16xi1>
        tpu.vector_store_idx %arg7[%add3A_377], %gather3A_364 masked %and3A_381 : memref<528xf32, #tpu.memory_space<vmem>>[vector<16xi32>], vector<16xf32>, vector<16xi1>
        %all_reduce_population_count3A_397 = tpu.all_reduce %gt3A_365 {dim = 0 : i64, kind = #tpu.reduction_kind<sum>} : vector<16xi1> -> vector<16xi32>
        %slice3A_398 = vector.extract_strided_slice %all_reduce_population_count3A_397 {offsets = [0], sizes = [1], strides = [1]} : vector<16xi32> to vector<1xi32>
        %squeeze3A_399 = vector.extract %slice3A_398[0] : i32 from vector<1xi32>
        %add3A_400 = arith.addi %add3A_355, %squeeze3A_399 : i32
        %scan3A_401 = arith.constant 6 : i32
        %scan3A_402 = arith.addi %scan3A_131, %scan3A_401 : i32
        %mul3A_403 = arith.constant 16 : i32
        %mul3A_404 = arith.muli %scan3A_402, %mul3A_403 : i32
        %add3A_405 = vector.broadcast %mul3A_404 : i32 to vector<16xi32>
        %add3A_406 = arith.addi %add3A_405, %iota3A : vector<16xi32>
        %broadcast_in_dim3A_407 = arith.constant 0 : i32
        %broadcast_in_dim3A_408 = vector.broadcast %broadcast_in_dim3A_407 : i32 to vector<16xi32>
        %gather3A_409 = tpu.vector_load_idx %arg5[%add3A_406, %broadcast_in_dim3A_408] : memref<10000x8xf32, #tpu.memory_space<vmem>>[vector<16xi32>, vector<16xi32>], vector<16xf32>,
        %gt3A_410 = arith.cmpf ogt, %gather3A_409, %get3A_5 : vector<16xf32>
        %jit3A_411 = arith.constant 1 : i32
        %jit3A_412 = arith.constant 0 : i32
        %broadcast_in_dim3A_413 = vector.broadcast %jit3A_411 : i32 to vector<16xi32>
        %broadcast_in_dim3A_414 = vector.broadcast %jit3A_412 : i32 to vector<16xi32>
        %select_n3A_415 = arith.select %gt3A_410, %broadcast_in_dim3A_413, %broadcast_in_dim3A_414 : vector<16xi1>, vector<16xi32>
        %broadcast_in_dim3A_416 = arith.constant true
        %broadcast_in_dim3A_417 = vector.broadcast %broadcast_in_dim3A_416 : i1 to vector<16xi1>
        %masked_cumsum3A_418 = tpu.scan <sum>, %select_n3A_415 masked %broadcast_in_dim3A_417 : vector<16xi32>, vector<16xi1> -> vector<16xi32>
        %sub3A_419 = arith.constant 1 : i32
        %sub3A_420 = arith.subi %add3A_400, %sub3A_419 : i32
        %add3A_421 = vector.broadcast %sub3A_420 : i32 to vector<16xi32>
        %add3A_422 = arith.addi %masked_cumsum3A_418, %add3A_421 : vector<16xi32>
        %lt3A_423 = arith.constant 512 : i32
        %lt3A_424 = vector.broadcast %lt3A_423 : i32 to vector<16xi32>
        %lt3A_425 = arith.cmpi slt, %add3A_422, %lt3A_424 : vector<16xi32>
        %and3A_426 = arith.andi %gt3A_410, %lt3A_425 : vector<16xi1>
        %broadcast_in_dim3A_427 = arith.constant 1 : i32
        %broadcast_in_dim3A_428 = vector.broadcast %broadcast_in_dim3A_427 : i32 to vector<16xi32>
        %gather3A_429 = tpu.vector_load_idx %arg5[%add3A_406, %broadcast_in_dim3A_428] : memref<10000x8xf32, #tpu.memory_space<vmem>>[vector<16xi32>, vector<16xi32>], vector<16xf32>,
        tpu.vector_store_idx %arg8[%add3A_422], %gather3A_429 masked %and3A_426 : memref<528xf32, #tpu.memory_space<vmem>>[vector<16xi32>], vector<16xf32>, vector<16xi1>
        %broadcast_in_dim3A_430 = arith.constant 2 : i32
        %broadcast_in_dim3A_431 = vector.broadcast %broadcast_in_dim3A_430 : i32 to vector<16xi32>
        %gather3A_432 = tpu.vector_load_idx %arg5[%add3A_406, %broadcast_in_dim3A_431] : memref<10000x8xf32, #tpu.memory_space<vmem>>[vector<16xi32>, vector<16xi32>], vector<16xf32>,
        tpu.vector_store_idx %arg9[%add3A_422], %gather3A_432 masked %and3A_426 : memref<528xf32, #tpu.memory_space<vmem>>[vector<16xi32>], vector<16xf32>, vector<16xi1>
        %broadcast_in_dim3A_433 = arith.constant 3 : i32
        %broadcast_in_dim3A_434 = vector.broadcast %broadcast_in_dim3A_433 : i32 to vector<16xi32>
        %gather3A_435 = tpu.vector_load_idx %arg5[%add3A_406, %broadcast_in_dim3A_434] : memref<10000x8xf32, #tpu.memory_space<vmem>>[vector<16xi32>, vector<16xi32>], vector<16xf32>,
        tpu.vector_store_idx %arg10[%add3A_422], %gather3A_435 masked %and3A_426 : memref<528xf32, #tpu.memory_space<vmem>>[vector<16xi32>], vector<16xf32>, vector<16xi1>
        %broadcast_in_dim3A_436 = arith.constant 4 : i32
        %broadcast_in_dim3A_437 = vector.broadcast %broadcast_in_dim3A_436 : i32 to vector<16xi32>
        %gather3A_438 = tpu.vector_load_idx %arg5[%add3A_406, %broadcast_in_dim3A_437] : memref<10000x8xf32, #tpu.memory_space<vmem>>[vector<16xi32>, vector<16xi32>], vector<16xf32>,
        tpu.vector_store_idx %arg11[%add3A_422], %gather3A_438 masked %and3A_426 : memref<528xf32, #tpu.memory_space<vmem>>[vector<16xi32>], vector<16xf32>, vector<16xi1>
        %broadcast_in_dim3A_439 = arith.constant 5 : i32
        %broadcast_in_dim3A_440 = vector.broadcast %broadcast_in_dim3A_439 : i32 to vector<16xi32>
        %gather3A_441 = tpu.vector_load_idx %arg5[%add3A_406, %broadcast_in_dim3A_440] : memref<10000x8xf32, #tpu.memory_space<vmem>>[vector<16xi32>, vector<16xi32>], vector<16xf32>,
        tpu.vector_store_idx %arg12[%add3A_422], %gather3A_441 masked %and3A_426 : memref<528xf32, #tpu.memory_space<vmem>>[vector<16xi32>], vector<16xf32>, vector<16xi1>
        tpu.vector_store_idx %arg7[%add3A_422], %gather3A_409 masked %and3A_426 : memref<528xf32, #tpu.memory_space<vmem>>[vector<16xi32>], vector<16xf32>, vector<16xi1>
        %all_reduce_population_count3A_442 = tpu.all_reduce %gt3A_410 {dim = 0 : i64, kind = #tpu.reduction_kind<sum>} : vector<16xi1> -> vector<16xi32>
        %slice3A_443 = vector.extract_strided_slice %all_reduce_population_count3A_442 {offsets = [0], sizes = [1], strides = [1]} : vector<16xi32> to vector<1xi32>
        %squeeze3A_444 = vector.extract %slice3A_443[0] : i32 from vector<1xi32>
        %add3A_445 = arith.addi %add3A_400, %squeeze3A_444 : i32
        %scan3A_446 = arith.constant 7 : i32
        %scan3A_447 = arith.addi %scan3A_131, %scan3A_446 : i32
        %mul3A_448 = arith.constant 16 : i32
        %mul3A_449 = arith.muli %scan3A_447, %mul3A_448 : i32
        %add3A_450 = vector.broadcast %mul3A_449 : i32 to vector<16xi32>
        %add3A_451 = arith.addi %add3A_450, %iota3A : vector<16xi32>
        %broadcast_in_dim3A_452 = arith.constant 0 : i32
        %broadcast_in_dim3A_453 = vector.broadcast %broadcast_in_dim3A_452 : i32 to vector<16xi32>
        %gather3A_454 = tpu.vector_load_idx %arg5[%add3A_451, %broadcast_in_dim3A_453] : memref<10000x8xf32, #tpu.memory_space<vmem>>[vector<16xi32>, vector<16xi32>], vector<16xf32>,
        %gt3A_455 = arith.cmpf ogt, %gather3A_454, %get3A_5 : vector<16xf32>
        %jit3A_456 = arith.constant 1 : i32
        %jit3A_457 = arith.constant 0 : i32
        %broadcast_in_dim3A_458 = vector.broadcast %jit3A_456 : i32 to vector<16xi32>
        %broadcast_in_dim3A_459 = vector.broadcast %jit3A_457 : i32 to vector<16xi32>
        %select_n3A_460 = arith.select %gt3A_455, %broadcast_in_dim3A_458, %broadcast_in_dim3A_459 : vector<16xi1>, vector<16xi32>
        %broadcast_in_dim3A_461 = arith.constant true
        %broadcast_in_dim3A_462 = vector.broadcast %broadcast_in_dim3A_461 : i1 to vector<16xi1>
        %masked_cumsum3A_463 = tpu.scan <sum>, %select_n3A_460 masked %broadcast_in_dim3A_462 : vector<16xi32>, vector<16xi1> -> vector<16xi32>
        %sub3A_464 = arith.constant 1 : i32
        %sub3A_465 = arith.subi %add3A_445, %sub3A_464 : i32
        %add3A_466 = vector.broadcast %sub3A_465 : i32 to vector<16xi32>
        %add3A_467 = arith.addi %masked_cumsum3A_463, %add3A_466 : vector<16xi32>
        %lt3A_468 = arith.constant 512 : i32
        %lt3A_469 = vector.broadcast %lt3A_468 : i32 to vector<16xi32>
        %lt3A_470 = arith.cmpi slt, %add3A_467, %lt3A_469 : vector<16xi32>
        %and3A_471 = arith.andi %gt3A_455, %lt3A_470 : vector<16xi1>
        %broadcast_in_dim3A_472 = arith.constant 1 : i32
        %broadcast_in_dim3A_473 = vector.broadcast %broadcast_in_dim3A_472 : i32 to vector<16xi32>
        %gather3A_474 = tpu.vector_load_idx %arg5[%add3A_451, %broadcast_in_dim3A_473] : memref<10000x8xf32, #tpu.memory_space<vmem>>[vector<16xi32>, vector<16xi32>], vector<16xf32>,
        tpu.vector_store_idx %arg8[%add3A_467], %gather3A_474 masked %and3A_471 : memref<528xf32, #tpu.memory_space<vmem>>[vector<16xi32>], vector<16xf32>, vector<16xi1>
        %broadcast_in_dim3A_475 = arith.constant 2 : i32
        %broadcast_in_dim3A_476 = vector.broadcast %broadcast_in_dim3A_475 : i32 to vector<16xi32>
        %gather3A_477 = tpu.vector_load_idx %arg5[%add3A_451, %broadcast_in_dim3A_476] : memref<10000x8xf32, #tpu.memory_space<vmem>>[vector<16xi32>, vector<16xi32>], vector<16xf32>,
        tpu.vector_store_idx %arg9[%add3A_467], %gather3A_477 masked %and3A_471 : memref<528xf32, #tpu.memory_space<vmem>>[vector<16xi32>], vector<16xf32>, vector<16xi1>
        %broadcast_in_dim3A_478 = arith.constant 3 : i32
        %broadcast_in_dim3A_479 = vector.broadcast %broadcast_in_dim3A_478 : i32 to vector<16xi32>
        %gather3A_480 = tpu.vector_load_idx %arg5[%add3A_451, %broadcast_in_dim3A_479] : memref<10000x8xf32, #tpu.memory_space<vmem>>[vector<16xi32>, vector<16xi32>], vector<16xf32>,
        tpu.vector_store_idx %arg10[%add3A_467], %gather3A_480 masked %and3A_471 : memref<528xf32, #tpu.memory_space<vmem>>[vector<16xi32>], vector<16xf32>, vector<16xi1>
        %broadcast_in_dim3A_481 = arith.constant 4 : i32
        %broadcast_in_dim3A_482 = vector.broadcast %broadcast_in_dim3A_481 : i32 to vector<16xi32>
        %gather3A_483 = tpu.vector_load_idx %arg5[%add3A_451, %broadcast_in_dim3A_482] : memref<10000x8xf32, #tpu.memory_space<vmem>>[vector<16xi32>, vector<16xi32>], vector<16xf32>,
        tpu.vector_store_idx %arg11[%add3A_467], %gather3A_483 masked %and3A_471 : memref<528xf32, #tpu.memory_space<vmem>>[vector<16xi32>], vector<16xf32>, vector<16xi1>
        %broadcast_in_dim3A_484 = arith.constant 5 : i32
        %broadcast_in_dim3A_485 = vector.broadcast %broadcast_in_dim3A_484 : i32 to vector<16xi32>
        %gather3A_486 = tpu.vector_load_idx %arg5[%add3A_451, %broadcast_in_dim3A_485] : memref<10000x8xf32, #tpu.memory_space<vmem>>[vector<16xi32>, vector<16xi32>], vector<16xf32>,
        tpu.vector_store_idx %arg12[%add3A_467], %gather3A_486 masked %and3A_471 : memref<528xf32, #tpu.memory_space<vmem>>[vector<16xi32>], vector<16xf32>, vector<16xi1>
        tpu.vector_store_idx %arg7[%add3A_467], %gather3A_454 masked %and3A_471 : memref<528xf32, #tpu.memory_space<vmem>>[vector<16xi32>], vector<16xf32>, vector<16xi1>
        %all_reduce_population_count3A_487 = tpu.all_reduce %gt3A_455 {dim = 0 : i64, kind = #tpu.reduction_kind<sum>} : vector<16xi1> -> vector<16xi32>
        %slice3A_488 = vector.extract_strided_slice %all_reduce_population_count3A_487 {offsets = [0], sizes = [1], strides = [1]} : vector<16xi32> to vector<1xi32>
        %squeeze3A_489 = vector.extract %slice3A_488[0] : i32 from vector<1xi32>
        %add3A_490 = arith.addi %add3A_445, %squeeze3A_489 : i32
        scf.yield %add3A_490 : i32
      }
      %scan3A_69 = arith.constant 624 : i32
      %scan3A_70 = arith.addi %scan3A_64, %scan3A_69 : i32
      %mul3A_71 = arith.constant 16 : i32
      %mul3A_72 = arith.muli %scan3A_70, %mul3A_71 : i32
      %add3A_73 = vector.broadcast %mul3A_72 : i32 to vector<16xi32>
      %add3A_74 = arith.addi %add3A_73, %iota3A : vector<16xi32>
      %broadcast_in_dim3A_75 = arith.constant 0 : i32
      %broadcast_in_dim3A_76 = vector.broadcast %broadcast_in_dim3A_75 : i32 to vector<16xi32>
      %gather3A_77 = tpu.vector_load_idx %arg5[%add3A_74, %broadcast_in_dim3A_76] : memref<10000x8xf32, #tpu.memory_space<vmem>>[vector<16xi32>, vector<16xi32>], vector<16xf32>,
      %gt3A_78 = arith.cmpf ogt, %gather3A_77, %get3A_5 : vector<16xf32>
      %jit3A_79 = arith.constant 1 : i32
      %jit3A_80 = arith.constant 0 : i32
      %broadcast_in_dim3A_81 = vector.broadcast %jit3A_79 : i32 to vector<16xi32>
      %broadcast_in_dim3A_82 = vector.broadcast %jit3A_80 : i32 to vector<16xi32>
      %select_n3A_83 = arith.select %gt3A_78, %broadcast_in_dim3A_81, %broadcast_in_dim3A_82 : vector<16xi1>, vector<16xi32>
      %broadcast_in_dim3A_84 = arith.constant true
      %broadcast_in_dim3A_85 = vector.broadcast %broadcast_in_dim3A_84 : i1 to vector<16xi1>
      %masked_cumsum3A_86 = tpu.scan <sum>, %select_n3A_83 masked %broadcast_in_dim3A_85 : vector<16xi32>, vector<16xi1> -> vector<16xi32>
      %sub3A_87 = arith.constant 1 : i32
      %sub3A_88 = arith.subi %scan3A_68, %sub3A_87 : i32
      %add3A_89 = vector.broadcast %sub3A_88 : i32 to vector<16xi32>
      %add3A_90 = arith.addi %masked_cumsum3A_86, %add3A_89 : vector<16xi32>
      %lt3A_91 = arith.constant 512 : i32
      %lt3A_92 = vector.broadcast %lt3A_91 : i32 to vector<16xi32>
      %lt3A_93 = arith.cmpi slt, %add3A_90, %lt3A_92 : vector<16xi32>
      %and3A_94 = arith.andi %gt3A_78, %lt3A_93 : vector<16xi1>
      %broadcast_in_dim3A_95 = arith.constant 1 : i32
      %broadcast_in_dim3A_96 = vector.broadcast %broadcast_in_dim3A_95 : i32 to vector<16xi32>
      %gather3A_97 = tpu.vector_load_idx %arg5[%add3A_74, %broadcast_in_dim3A_96] : memref<10000x8xf32, #tpu.memory_space<vmem>>[vector<16xi32>, vector<16xi32>], vector<16xf32>,
      tpu.vector_store_idx %arg8[%add3A_90], %gather3A_97 masked %and3A_94 : memref<528xf32, #tpu.memory_space<vmem>>[vector<16xi32>], vector<16xf32>, vector<16xi1>
      %broadcast_in_dim3A_98 = arith.constant 2 : i32
      %broadcast_in_dim3A_99 = vector.broadcast %broadcast_in_dim3A_98 : i32 to vector<16xi32>
      %gather3A_100 = tpu.vector_load_idx %arg5[%add3A_74, %broadcast_in_dim3A_99] : memref<10000x8xf32, #tpu.memory_space<vmem>>[vector<16xi32>, vector<16xi32>], vector<16xf32>,
      tpu.vector_store_idx %arg9[%add3A_90], %gather3A_100 masked %and3A_94 : memref<528xf32, #tpu.memory_space<vmem>>[vector<16xi32>], vector<16xf32>, vector<16xi1>
      %broadcast_in_dim3A_101 = arith.constant 3 : i32
      %broadcast_in_dim3A_102 = vector.broadcast %broadcast_in_dim3A_101 : i32 to vector<16xi32>
      %gather3A_103 = tpu.vector_load_idx %arg5[%add3A_74, %broadcast_in_dim3A_102] : memref<10000x8xf32, #tpu.memory_space<vmem>>[vector<16xi32>, vector<16xi32>], vector<16xf32>,
      tpu.vector_store_idx %arg10[%add3A_90], %gather3A_103 masked %and3A_94 : memref<528xf32, #tpu.memory_space<vmem>>[vector<16xi32>], vector<16xf32>, vector<16xi1>
      %broadcast_in_dim3A_104 = arith.constant 4 : i32
      %broadcast_in_dim3A_105 = vector.broadcast %broadcast_in_dim3A_104 : i32 to vector<16xi32>
      %gather3A_106 = tpu.vector_load_idx %arg5[%add3A_74, %broadcast_in_dim3A_105] : memref<10000x8xf32, #tpu.memory_space<vmem>>[vector<16xi32>, vector<16xi32>], vector<16xf32>,
      tpu.vector_store_idx %arg11[%add3A_90], %gather3A_106 masked %and3A_94 : memref<528xf32, #tpu.memory_space<vmem>>[vector<16xi32>], vector<16xf32>, vector<16xi1>
      %broadcast_in_dim3A_107 = arith.constant 5 : i32
      %broadcast_in_dim3A_108 = vector.broadcast %broadcast_in_dim3A_107 : i32 to vector<16xi32>
      %gather3A_109 = tpu.vector_load_idx %arg5[%add3A_74, %broadcast_in_dim3A_108] : memref<10000x8xf32, #tpu.memory_space<vmem>>[vector<16xi32>, vector<16xi32>], vector<16xf32>,
      tpu.vector_store_idx %arg12[%add3A_90], %gather3A_109 masked %and3A_94 : memref<528xf32, #tpu.memory_space<vmem>>[vector<16xi32>], vector<16xf32>, vector<16xi1>
      tpu.vector_store_idx %arg7[%add3A_90], %gather3A_77 masked %and3A_94 : memref<528xf32, #tpu.memory_space<vmem>>[vector<16xi32>], vector<16xf32>, vector<16xi1>
      %all_reduce_population_count3A_110 = tpu.all_reduce %gt3A_78 {dim = 0 : i64, kind = #tpu.reduction_kind<sum>} : vector<16xi1> -> vector<16xi32>
      %slice3A_111 = vector.extract_strided_slice %all_reduce_population_count3A_110 {offsets = [0], sizes = [1], strides = [1]} : vector<16xi32> to vector<1xi32>
      %squeeze3A_112 = vector.extract %slice3A_111[0] : i32 from vector<1xi32>
      %add3A_113 = arith.addi %scan3A_68, %squeeze3A_112 : i32
      %scan3A_114 = arith.constant 625 : i32
      %broadcast_in_dim3A_115 = arith.constant -3.000000e+38 : f32
      %broadcast_in_dim3A_116 = vector.broadcast %broadcast_in_dim3A_115 : f32 to vector<16xf32>
      %broadcast_in_dim3A_117 = arith.constant 0 : i32
      %broadcast_in_dim3A_118 = vector.broadcast %broadcast_in_dim3A_117 : i32 to vector<16xi32>
      %scan3A_119 = arith.constant 0 : i32
      %scan3A_120 = arith.constant 33 : i32
      %scan3A_121 = arith.addi %scan3A_119, %scan3A_120 : i32
      %scan3A_122 = arith.constant 1 : i32
      %scan3A_123:2 = scf.for %scan3A_131 = %scan3A_119 to %scan3A_121 step %scan3A_122 iter_args(%scan3A_132 = %broadcast_in_dim3A_116, %scan3A_133 = %broadcast_in_dim3A_118) -> (vector<16xf32>, vector<16xi32>)  : i32 {
        %mul3A_134 = arith.constant 16 : i32
        %mul3A_135 = arith.muli %scan3A_131, %mul3A_134 : i32
        %get3A_136 = arith.index_cast %mul3A_135 : i32 to index
        %get3A_137 = tpu.vector_load %arg12[%get3A_136] {strides = array<i32>} : memref<528xf32, #tpu.memory_space<vmem>>, vector<16xf32>,
        %mul3A_138 = arith.constant 4.096000e+03 : f32
        %mul3A_139 = vector.broadcast %mul3A_138 : f32 to vector<16xf32>
        %mul3A_140 = arith.mulf %get3A_137, %mul3A_139 : vector<16xf32>
        %get3A_141 = arith.index_cast %mul3A_135 : i32 to index
        %get3A_142 = tpu.vector_load %arg8[%get3A_141] {strides = array<i32>} : memref<528xf32, #tpu.memory_space<vmem>>, vector<16xf32>,
        %get3A_143 = arith.index_cast %mul3A_135 : i32 to index
        %get3A_144 = tpu.vector_load %arg9[%get3A_143] {strides = array<i32>} : memref<528xf32, #tpu.memory_space<vmem>>, vector<16xf32>,
        %get3A_145 = arith.index_cast %mul3A_135 : i32 to index
        %get3A_146 = tpu.vector_load %arg10[%get3A_145] {strides = array<i32>} : memref<528xf32, #tpu.memory_space<vmem>>, vector<16xf32>,
        %get3A_147 = arith.index_cast %mul3A_135 : i32 to index
        %get3A_148 = tpu.vector_load %arg11[%get3A_147] {strides = array<i32>} : memref<528xf32, #tpu.memory_space<vmem>>, vector<16xf32>,
        %add3A_149 = arith.addf %get3A_142, %mul3A_140 : vector<16xf32>
        %add3A_150 = arith.addf %get3A_144, %mul3A_140 : vector<16xf32>
        %add3A_151 = arith.addf %get3A_146, %mul3A_140 : vector<16xf32>
        %add3A_152 = arith.addf %get3A_148, %mul3A_140 : vector<16xf32>
        %swap3A = arith.index_cast %mul3A_135 : i32 to index
        %swap3A_153 = tpu.vector_load %arg13[%swap3A] {strides = array<i32>} : memref<528xf32, #tpu.memory_space<vmem>>, vector<16xf32>,
        tpu.vector_store %arg13[%swap3A], %add3A_149 {strides = array<i32>} : memref<528xf32, #tpu.memory_space<vmem>>, vector<16xf32>,
        %swap3A_154 = arith.index_cast %mul3A_135 : i32 to index
        %swap3A_155 = tpu.vector_load %arg14[%swap3A_154] {strides = array<i32>} : memref<528xf32, #tpu.memory_space<vmem>>, vector<16xf32>,
        tpu.vector_store %arg14[%swap3A_154], %add3A_150 {strides = array<i32>} : memref<528xf32, #tpu.memory_space<vmem>>, vector<16xf32>,
        %swap3A_156 = arith.index_cast %mul3A_135 : i32 to index
        %swap3A_157 = tpu.vector_load %arg15[%swap3A_156] {strides = array<i32>} : memref<528xf32, #tpu.memory_space<vmem>>, vector<16xf32>,
        tpu.vector_store %arg15[%swap3A_156], %add3A_151 {strides = array<i32>} : memref<528xf32, #tpu.memory_space<vmem>>, vector<16xf32>,
        %swap3A_158 = arith.index_cast %mul3A_135 : i32 to index
        %swap3A_159 = tpu.vector_load %arg16[%swap3A_158] {strides = array<i32>} : memref<528xf32, #tpu.memory_space<vmem>>, vector<16xf32>,
        tpu.vector_store %arg16[%swap3A_158], %add3A_152 {strides = array<i32>} : memref<528xf32, #tpu.memory_space<vmem>>, vector<16xf32>,
        %sub3A_160 = arith.subf %add3A_151, %add3A_149 : vector<16xf32>
        %sub3A_161 = arith.subf %add3A_152, %add3A_150 : vector<16xf32>
        %mul3A_162 = arith.mulf %sub3A_160, %sub3A_161 : vector<16xf32>
        %swap3A_163 = arith.index_cast %mul3A_135 : i32 to index
        %swap3A_164 = tpu.vector_load %arg17[%swap3A_163] {strides = array<i32>} : memref<528xf32, #tpu.memory_space<vmem>>, vector<16xf32>,
        tpu.vector_store %arg17[%swap3A_163], %mul3A_162 {strides = array<i32>} : memref<528xf32, #tpu.memory_space<vmem>>, vector<16xf32>,
        %get3A_165 = arith.index_cast %mul3A_135 : i32 to index
        %get3A_166 = tpu.vector_load %arg7[%get3A_165] {strides = array<i32>} : memref<528xf32, #tpu.memory_space<vmem>>, vector<16xf32>,
        %gt3A_167 = arith.cmpf ogt, %get3A_166, %scan3A_132 : vector<16xf32>
        %select_n3A_168 = arith.select %gt3A_167, %get3A_166, %scan3A_132 : vector<16xi1>, vector<16xf32>
        %broadcast_in_dim3A_169 = vector.broadcast %scan3A_131 : i32 to vector<16xi32>
        %select_n3A_170 = arith.select %gt3A_167, %broadcast_in_dim3A_169, %scan3A_133 : vector<16xi1>, vector<16xi32>
        scf.yield %select_n3A_168, %select_n3A_170 : vector<16xf32>, vector<16xi32>
      }
      %scan3A_124 = arith.constant 33 : i32
      %scan3A_125 = arith.constant 0 : i32
      %scan3A_126 = arith.constant 300 : i32
      %scan3A_127 = arith.addi %scan3A_125, %scan3A_126 : i32
      %scan3A_128 = arith.constant 1 : i32
      %scan3A_129:2 = scf.for %scan3A_131 = %scan3A_125 to %scan3A_127 step %scan3A_128 iter_args(%scan3A_132 = %scan3A_123#0, %scan3A_133 = %scan3A_123#1) -> (vector<16xf32>, vector<16xi32>)  : i32 {
        %reduce_max3A = arith.constant true
        %reduce_max3A_134 = vector.broadcast %reduce_max3A : i1 to vector<16xi1>
        %reduce_max3A_135 = tpu.scan <max>, %scan3A_132 masked %reduce_max3A_134 : vector<16xf32>, vector<16xi1> -> vector<16xf32>
        %reduce_max3A_136 = vector.extract %reduce_max3A_135[15] : f32 from vector<16xf32>
        %eq3A = vector.broadcast %reduce_max3A_136 : f32 to vector<16xf32>
        %eq3A_137 = arith.cmpf oeq, %scan3A_132, %eq3A : vector<16xf32>
        %mul3A_138 = arith.constant 16 : i32
        %mul3A_139 = vector.broadcast %mul3A_138 : i32 to vector<16xi32>
        %mul3A_140 = arith.muli %scan3A_133, %mul3A_139 : vector<16xi32>
        %add3A_141 = arith.addi %mul3A_140, %iota3A : vector<16xi32>
        %jit3A_142 = arith.constant 1073741824 : i32
        %broadcast_in_dim3A_143 = vector.broadcast %jit3A_142 : i32 to vector<16xi32>
        %select_n3A_144 = arith.select %eq3A_137, %add3A_141, %broadcast_in_dim3A_143 : vector<16xi1>, vector<16xi32>
        %reduce_min3A = arith.constant true
        %reduce_min3A_145 = vector.broadcast %reduce_min3A : i1 to vector<16xi1>
        %reduce_min3A_146 = arith.constant -2147483648 : i32
        %reduce_min3A_147 = vector.broadcast %reduce_min3A_146 : i32 to vector<16xi32>
        %reduce_min3A_148 = arith.xori %select_n3A_144, %reduce_min3A_147 : vector<16xi32>
        %reduce_min3A_149 = tpu.scan <min>, %reduce_min3A_148 masked %reduce_min3A_145 : vector<16xi32>, vector<16xi1> -> vector<16xi32>
        %reduce_min3A_150 = arith.xori %reduce_min3A_149, %reduce_min3A_147 : vector<16xi32>
        %reduce_min3A_151 = vector.extract %reduce_min3A_150[15] : i32 from vector<16xi32>
        %min3A = arith.constant 511 : i32
        %min3A_152 = arith.minsi %reduce_min3A_151, %min3A : i32
        %gt3A_153 = arith.constant 0.000000e+00 : f32
        %gt3A_154 = arith.cmpf ogt, %reduce_max3A_136, %gt3A_153 : f32
        %get3A_155 = arith.index_cast %min3A_152 : i32 to index
        %get3A_156 = tpu.vector_load %arg13[%get3A_155] {strides = array<i32>} : memref<528xf32, #tpu.memory_space<vmem>>, vector<16xf32>,
        %slice3A_157 = vector.extract_strided_slice %get3A_156 {offsets = [0], sizes = [1], strides = [1]} : vector<16xf32> to vector<1xf32>
        %squeeze3A_158 = vector.extract %slice3A_157[0] : f32 from vector<1xf32>
        %get3A_159 = arith.index_cast %min3A_152 : i32 to index
        %get3A_160 = tpu.vector_load %arg14[%get3A_159] {strides = array<i32>} : memref<528xf32, #tpu.memory_space<vmem>>, vector<16xf32>,
        %slice3A_161 = vector.extract_strided_slice %get3A_160 {offsets = [0], sizes = [1], strides = [1]} : vector<16xf32> to vector<1xf32>
        %squeeze3A_162 = vector.extract %slice3A_161[0] : f32 from vector<1xf32>
        %get3A_163 = arith.index_cast %min3A_152 : i32 to index
        %get3A_164 = tpu.vector_load %arg15[%get3A_163] {strides = array<i32>} : memref<528xf32, #tpu.memory_space<vmem>>, vector<16xf32>,
        %slice3A_165 = vector.extract_strided_slice %get3A_164 {offsets = [0], sizes = [1], strides = [1]} : vector<16xf32> to vector<1xf32>
        %squeeze3A_166 = vector.extract %slice3A_165[0] : f32 from vector<1xf32>
        %get3A_167 = arith.index_cast %min3A_152 : i32 to index
        %get3A_168 = tpu.vector_load %arg16[%get3A_167] {strides = array<i32>} : memref<528xf32, #tpu.memory_space<vmem>>, vector<16xf32>,
        %slice3A_169 = vector.extract_strided_slice %get3A_168 {offsets = [0], sizes = [1], strides = [1]} : vector<16xf32> to vector<1xf32>
        %squeeze3A_170 = vector.extract %slice3A_169[0] : f32 from vector<1xf32>
        %sub3A_171 = arith.subf %squeeze3A_166, %squeeze3A_158 : f32
        %sub3A_172 = arith.subf %squeeze3A_170, %squeeze3A_162 : f32
        %mul3A_173 = arith.mulf %sub3A_171, %sub3A_172 : f32
        %convert_element_type3A_174 = arith.extui %gt3A_154 : i1 to i32
        %cond3A_175 = arith.constant 0 : i32
        %cond3A_176 = arith.cmpi ne, %convert_element_type3A_174, %cond3A_175 : i32
        scf.if %cond3A_176 {
          %get3A_2088 = arith.index_cast %min3A_152 : i32 to index
          %get3A_2089 = tpu.vector_load %arg8[%get3A_2088] {strides = array<i32>} : memref<528xf32, #tpu.memory_space<vmem>>, vector<16xf32>,
          %slice3A_2090 = vector.extract_strided_slice %get3A_2089 {offsets = [0], sizes = [1], strides = [1]} : vector<16xf32> to vector<1xf32>
          %squeeze3A_2091 = vector.extract %slice3A_2090[0] : f32 from vector<1xf32>
          %get3A_2092 = arith.index_cast %min3A_152 : i32 to index
          %get3A_2093 = tpu.vector_load %arg9[%get3A_2092] {strides = array<i32>} : memref<528xf32, #tpu.memory_space<vmem>>, vector<16xf32>,
          %slice3A_2094 = vector.extract_strided_slice %get3A_2093 {offsets = [0], sizes = [1], strides = [1]} : vector<16xf32> to vector<1xf32>
          %squeeze3A_2095 = vector.extract %slice3A_2094[0] : f32 from vector<1xf32>
          %get3A_2096 = arith.index_cast %min3A_152 : i32 to index
          %get3A_2097 = tpu.vector_load %arg10[%get3A_2096] {strides = array<i32>} : memref<528xf32, #tpu.memory_space<vmem>>, vector<16xf32>,
          %slice3A_2098 = vector.extract_strided_slice %get3A_2097 {offsets = [0], sizes = [1], strides = [1]} : vector<16xf32> to vector<1xf32>
          %squeeze3A_2099 = vector.extract %slice3A_2098[0] : f32 from vector<1xf32>
          %get3A_2100 = arith.index_cast %min3A_152 : i32 to index
          %get3A_2101 = tpu.vector_load %arg11[%get3A_2100] {strides = array<i32>} : memref<528xf32, #tpu.memory_space<vmem>>, vector<16xf32>,
          %slice3A_2102 = vector.extract_strided_slice %get3A_2101 {offsets = [0], sizes = [1], strides = [1]} : vector<16xf32> to vector<1xf32>
          %squeeze3A_2103 = vector.extract %slice3A_2102[0] : f32 from vector<1xf32>
          %get3A_2104 = arith.index_cast %min3A_152 : i32 to index
          %get3A_2105 = tpu.vector_load %arg12[%get3A_2104] {strides = array<i32>} : memref<528xf32, #tpu.memory_space<vmem>>, vector<16xf32>,
          %slice3A_2106 = vector.extract_strided_slice %get3A_2105 {offsets = [0], sizes = [1], strides = [1]} : vector<16xf32> to vector<1xf32>
          %squeeze3A_2107 = vector.extract %slice3A_2106[0] : f32 from vector<1xf32>
          %broadcast_in_dim3A_2108 = arith.constant 0.000000e+00 : f32
          %broadcast_in_dim3A_2109 = vector.broadcast %broadcast_in_dim3A_2108 : f32 to vector<16xf32>
          %eq3A_2110 = arith.constant 0 : i32
          %eq3A_2111 = vector.broadcast %eq3A_2110 : i32 to vector<16xi32>
          %eq3A_2112 = arith.cmpi eq, %iota3A, %eq3A_2111 : vector<16xi32>
          %broadcast_in_dim3A_2113 = vector.broadcast %squeeze3A_2091 : f32 to vector<16xf32>
          %select_n3A_2114 = arith.select %eq3A_2112, %broadcast_in_dim3A_2113, %broadcast_in_dim3A_2109 : vector<16xi1>, vector<16xf32>
          %eq3A_2115 = arith.constant 1 : i32
          %eq3A_2116 = vector.broadcast %eq3A_2115 : i32 to vector<16xi32>
          %eq3A_2117 = arith.cmpi eq, %iota3A, %eq3A_2116 : vector<16xi32>
          %broadcast_in_dim3A_2118 = vector.broadcast %squeeze3A_2095 : f32 to vector<16xf32>
          %select_n3A_2119 = arith.select %eq3A_2117, %broadcast_in_dim3A_2118, %select_n3A_2114 : vector<16xi1>, vector<16xf32>
          %eq3A_2120 = arith.constant 2 : i32
          %eq3A_2121 = vector.broadcast %eq3A_2120 : i32 to vector<16xi32>
          %eq3A_2122 = arith.cmpi eq, %iota3A, %eq3A_2121 : vector<16xi32>
          %broadcast_in_dim3A_2123 = vector.broadcast %squeeze3A_2099 : f32 to vector<16xf32>
          %select_n3A_2124 = arith.select %eq3A_2122, %broadcast_in_dim3A_2123, %select_n3A_2119 : vector<16xi1>, vector<16xf32>
          %eq3A_2125 = arith.constant 3 : i32
          %eq3A_2126 = vector.broadcast %eq3A_2125 : i32 to vector<16xi32>
          %eq3A_2127 = arith.cmpi eq, %iota3A, %eq3A_2126 : vector<16xi32>
          %broadcast_in_dim3A_2128 = vector.broadcast %squeeze3A_2103 : f32 to vector<16xf32>
          %select_n3A_2129 = arith.select %eq3A_2127, %broadcast_in_dim3A_2128, %select_n3A_2124 : vector<16xi1>, vector<16xf32>
          %eq3A_2130 = arith.constant 4 : i32
          %eq3A_2131 = vector.broadcast %eq3A_2130 : i32 to vector<16xi32>
          %eq3A_2132 = arith.cmpi eq, %iota3A, %eq3A_2131 : vector<16xi32>
          %broadcast_in_dim3A_2133 = vector.broadcast %reduce_max3A_136 : f32 to vector<16xf32>
          %select_n3A_2134 = arith.select %eq3A_2132, %broadcast_in_dim3A_2133, %select_n3A_2129 : vector<16xi1>, vector<16xf32>
          %eq3A_2135 = arith.constant 5 : i32
          %eq3A_2136 = vector.broadcast %eq3A_2135 : i32 to vector<16xi32>
          %eq3A_2137 = arith.cmpi eq, %iota3A, %eq3A_2136 : vector<16xi32>
          %broadcast_in_dim3A_2138 = vector.broadcast %squeeze3A_2107 : f32 to vector<16xf32>
          %select_n3A_2139 = arith.select %eq3A_2137, %broadcast_in_dim3A_2138, %select_n3A_2134 : vector<16xi1>, vector<16xf32>
          %mul3A_2140 = arith.constant 16 : i32
          %mul3A_2141 = arith.muli %scan3A_131, %mul3A_2140 : i32
          %swap3A_2142 = arith.index_cast %mul3A_2141 : i32 to index
          %swap3A_2143 = tpu.vector_load %arg18[%swap3A_2142] {strides = array<i32>} : memref<4816xf32, #tpu.memory_space<vmem>>, vector<16xf32>,
          tpu.vector_store %arg18[%swap3A_2142], %select_n3A_2139 {strides = array<i32>} : memref<4816xf32, #tpu.memory_space<vmem>>, vector<16xf32>,
        } else {
        }
        %scan3A_177 = arith.constant 0 : i32
        %mul3A_178 = arith.constant 16 : i32
        %mul3A_179 = arith.muli %scan3A_177, %mul3A_178 : i32
        %get3A_180 = arith.index_cast %mul3A_179 : i32 to index
        %get3A_181 = tpu.vector_load %arg7[%get3A_180] {strides = array<i32>} : memref<528xf32, #tpu.memory_space<vmem>>, vector<16xf32>,
        %get3A_182 = arith.index_cast %mul3A_179 : i32 to index
        %get3A_183 = tpu.vector_load %arg13[%get3A_182] {strides = array<i32>} : memref<528xf32, #tpu.memory_space<vmem>>, vector<16xf32>,
        %get3A_184 = arith.index_cast %mul3A_179 : i32 to index
        %get3A_185 = tpu.vector_load %arg14[%get3A_184] {strides = array<i32>} : memref<528xf32, #tpu.memory_space<vmem>>, vector<16xf32>,
        %get3A_186 = arith.index_cast %mul3A_179 : i32 to index
        %get3A_187 = tpu.vector_load %arg15[%get3A_186] {strides = array<i32>} : memref<528xf32, #tpu.memory_space<vmem>>, vector<16xf32>,
        %get3A_188 = arith.index_cast %mul3A_179 : i32 to index
        %get3A_189 = tpu.vector_load %arg16[%get3A_188] {strides = array<i32>} : memref<528xf32, #tpu.memory_space<vmem>>, vector<16xf32>,
        %get3A_190 = arith.index_cast %mul3A_179 : i32 to index
        %get3A_191 = tpu.vector_load %arg17[%get3A_190] {strides = array<i32>} : memref<528xf32, #tpu.memory_space<vmem>>, vector<16xf32>,
        %max3A = vector.broadcast %squeeze3A_158 : f32 to vector<16xf32>
        %max3A_192 = arith.maximumf %max3A, %get3A_183 : vector<16xf32>
        %max3A_193 = vector.broadcast %squeeze3A_162 : f32 to vector<16xf32>
        %max3A_194 = arith.maximumf %max3A_193, %get3A_185 : vector<16xf32>
        %min3A_195 = vector.broadcast %squeeze3A_166 : f32 to vector<16xf32>
        %min3A_196 = arith.minimumf %min3A_195, %get3A_187 : vector<16xf32>
        %min3A_197 = vector.broadcast %squeeze3A_170 : f32 to vector<16xf32>
        %min3A_198 = arith.minimumf %min3A_197, %get3A_189 : vector<16xf32>
        %sub3A_199 = arith.subf %min3A_196, %max3A_192 : vector<16xf32>
        %max3A_200 = arith.constant 0.000000e+00 : f32
        %max3A_201 = vector.broadcast %max3A_200 : f32 to vector<16xf32>
        %max3A_202 = arith.maximumf %sub3A_199, %max3A_201 : vector<16xf32>
        %sub3A_203 = arith.subf %min3A_198, %max3A_194 : vector<16xf32>
        %max3A_204 = arith.constant 0.000000e+00 : f32
        %max3A_205 = vector.broadcast %max3A_204 : f32 to vector<16xf32>
        %max3A_206 = arith.maximumf %sub3A_203, %max3A_205 : vector<16xf32>
        %mul3A_207 = arith.mulf %max3A_202, %max3A_206 : vector<16xf32>
        %add3A_208 = vector.broadcast %mul3A_173 : f32 to vector<16xf32>
        %add3A_209 = arith.addf %add3A_208, %get3A_191 : vector<16xf32>
        %sub3A_210 = arith.subf %add3A_209, %mul3A_207 : vector<16xf32>
        %add3A_211 = arith.constant 9.99999971E-10 : f32
        %add3A_212 = vector.broadcast %add3A_211 : f32 to vector<16xf32>
        %add3A_213 = arith.addf %sub3A_210, %add3A_212 : vector<16xf32>
        %div3A = arith.divf %mul3A_207, %add3A_213 : vector<16xf32>
        %mul3A_214 = arith.constant 16 : i32
        %mul3A_215 = arith.muli %scan3A_177, %mul3A_214 : i32
        %add3A_216 = vector.broadcast %mul3A_215 : i32 to vector<16xi32>
        %add3A_217 = arith.addi %add3A_216, %iota3A : vector<16xi32>
        %eq3A_218 = vector.broadcast %min3A_152 : i32 to vector<16xi32>
        %eq3A_219 = arith.cmpi eq, %add3A_217, %eq3A_218 : vector<16xi32>
        %gt3A_220 = arith.constant 6.000000e-01 : f32
        %gt3A_221 = vector.broadcast %gt3A_220 : f32 to vector<16xf32>
        %gt3A_222 = arith.cmpf ogt, %div3A, %gt3A_221 : vector<16xf32>
        %or3A = arith.ori %gt3A_222, %eq3A_219 : vector<16xi1>
        %jit3A_223 = arith.constant -1.000000e+00 : f32
        %broadcast_in_dim3A_224 = vector.broadcast %jit3A_223 : f32 to vector<16xf32>
        %select_n3A_225 = arith.select %or3A, %broadcast_in_dim3A_224, %get3A_181 : vector<16xi1>, vector<16xf32>
        %swap3A = arith.index_cast %mul3A_179 : i32 to index
        %swap3A_226 = tpu.vector_load %arg7[%swap3A] {strides = array<i32>} : memref<528xf32, #tpu.memory_space<vmem>>, vector<16xf32>,
        tpu.vector_store %arg7[%swap3A], %select_n3A_225 {strides = array<i32>} : memref<528xf32, #tpu.memory_space<vmem>>, vector<16xf32>,
        %gt3A_227 = arith.cmpf ogt, %select_n3A_225, %broadcast_in_dim3A_116 : vector<16xf32>
        %select_n3A_228 = arith.select %gt3A_227, %select_n3A_225, %broadcast_in_dim3A_116 : vector<16xi1>, vector<16xf32>
        %broadcast_in_dim3A_229 = vector.broadcast %scan3A_177 : i32 to vector<16xi32>
        %select_n3A_230 = arith.select %gt3A_227, %broadcast_in_dim3A_229, %broadcast_in_dim3A_118 : vector<16xi1>, vector<16xi32>
        %scan3A_231 = arith.constant 1 : i32
        %mul3A_232 = arith.constant 16 : i32
        %mul3A_233 = arith.muli %scan3A_231, %mul3A_232 : i32
        %get3A_234 = arith.index_cast %mul3A_233 : i32 to index
        %get3A_235 = tpu.vector_load %arg7[%get3A_234] {strides = array<i32>} : memref<528xf32, #tpu.memory_space<vmem>>, vector<16xf32>,
        %get3A_236 = arith.index_cast %mul3A_233 : i32 to index
        %get3A_237 = tpu.vector_load %arg13[%get3A_236] {strides = array<i32>} : memref<528xf32, #tpu.memory_space<vmem>>, vector<16xf32>,
        %get3A_238 = arith.index_cast %mul3A_233 : i32 to index
        %get3A_239 = tpu.vector_load %arg14[%get3A_238] {strides = array<i32>} : memref<528xf32, #tpu.memory_space<vmem>>, vector<16xf32>,
        %get3A_240 = arith.index_cast %mul3A_233 : i32 to index
        %get3A_241 = tpu.vector_load %arg15[%get3A_240] {strides = array<i32>} : memref<528xf32, #tpu.memory_space<vmem>>, vector<16xf32>,
        %get3A_242 = arith.index_cast %mul3A_233 : i32 to index
        %get3A_243 = tpu.vector_load %arg16[%get3A_242] {strides = array<i32>} : memref<528xf32, #tpu.memory_space<vmem>>, vector<16xf32>,
        %get3A_244 = arith.index_cast %mul3A_233 : i32 to index
        %get3A_245 = tpu.vector_load %arg17[%get3A_244] {strides = array<i32>} : memref<528xf32, #tpu.memory_space<vmem>>, vector<16xf32>,
        %max3A_246 = vector.broadcast %squeeze3A_158 : f32 to vector<16xf32>
        %max3A_247 = arith.maximumf %max3A_246, %get3A_237 : vector<16xf32>
        %max3A_248 = vector.broadcast %squeeze3A_162 : f32 to vector<16xf32>
        %max3A_249 = arith.maximumf %max3A_248, %get3A_239 : vector<16xf32>
        %min3A_250 = vector.broadcast %squeeze3A_166 : f32 to vector<16xf32>
        %min3A_251 = arith.minimumf %min3A_250, %get3A_241 : vector<16xf32>
        %min3A_252 = vector.broadcast %squeeze3A_170 : f32 to vector<16xf32>
        %min3A_253 = arith.minimumf %min3A_252, %get3A_243 : vector<16xf32>
        %sub3A_254 = arith.subf %min3A_251, %max3A_247 : vector<16xf32>
        %max3A_255 = arith.constant 0.000000e+00 : f32
        %max3A_256 = vector.broadcast %max3A_255 : f32 to vector<16xf32>
        %max3A_257 = arith.maximumf %sub3A_254, %max3A_256 : vector<16xf32>
        %sub3A_258 = arith.subf %min3A_253, %max3A_249 : vector<16xf32>
        %max3A_259 = arith.constant 0.000000e+00 : f32
        %max3A_260 = vector.broadcast %max3A_259 : f32 to vector<16xf32>
        %max3A_261 = arith.maximumf %sub3A_258, %max3A_260 : vector<16xf32>
        %mul3A_262 = arith.mulf %max3A_257, %max3A_261 : vector<16xf32>
        %add3A_263 = vector.broadcast %mul3A_173 : f32 to vector<16xf32>
        %add3A_264 = arith.addf %add3A_263, %get3A_245 : vector<16xf32>
        %sub3A_265 = arith.subf %add3A_264, %mul3A_262 : vector<16xf32>
        %add3A_266 = arith.constant 9.99999971E-10 : f32
        %add3A_267 = vector.broadcast %add3A_266 : f32 to vector<16xf32>
        %add3A_268 = arith.addf %sub3A_265, %add3A_267 : vector<16xf32>
        %div3A_269 = arith.divf %mul3A_262, %add3A_268 : vector<16xf32>
        %mul3A_270 = arith.constant 16 : i32
        %mul3A_271 = arith.muli %scan3A_231, %mul3A_270 : i32
        %add3A_272 = vector.broadcast %mul3A_271 : i32 to vector<16xi32>
        %add3A_273 = arith.addi %add3A_272, %iota3A : vector<16xi32>
        %eq3A_274 = vector.broadcast %min3A_152 : i32 to vector<16xi32>
        %eq3A_275 = arith.cmpi eq, %add3A_273, %eq3A_274 : vector<16xi32>
        %gt3A_276 = arith.constant 6.000000e-01 : f32
        %gt3A_277 = vector.broadcast %gt3A_276 : f32 to vector<16xf32>
        %gt3A_278 = arith.cmpf ogt, %div3A_269, %gt3A_277 : vector<16xf32>
        %or3A_279 = arith.ori %gt3A_278, %eq3A_275 : vector<16xi1>
        %jit3A_280 = arith.constant -1.000000e+00 : f32
        %broadcast_in_dim3A_281 = vector.broadcast %jit3A_280 : f32 to vector<16xf32>
        %select_n3A_282 = arith.select %or3A_279, %broadcast_in_dim3A_281, %get3A_235 : vector<16xi1>, vector<16xf32>
        %swap3A_283 = arith.index_cast %mul3A_233 : i32 to index
        %swap3A_284 = tpu.vector_load %arg7[%swap3A_283] {strides = array<i32>} : memref<528xf32, #tpu.memory_space<vmem>>, vector<16xf32>,
        tpu.vector_store %arg7[%swap3A_283], %select_n3A_282 {strides = array<i32>} : memref<528xf32, #tpu.memory_space<vmem>>, vector<16xf32>,
        %gt3A_285 = arith.cmpf ogt, %select_n3A_282, %select_n3A_228 : vector<16xf32>
        %select_n3A_286 = arith.select %gt3A_285, %select_n3A_282, %select_n3A_228 : vector<16xi1>, vector<16xf32>
        %broadcast_in_dim3A_287 = vector.broadcast %scan3A_231 : i32 to vector<16xi32>
        %select_n3A_288 = arith.select %gt3A_285, %broadcast_in_dim3A_287, %select_n3A_230 : vector<16xi1>, vector<16xi32>
        %scan3A_289 = arith.constant 2 : i32
        %mul3A_290 = arith.constant 16 : i32
        %mul3A_291 = arith.muli %scan3A_289, %mul3A_290 : i32
        %get3A_292 = arith.index_cast %mul3A_291 : i32 to index
        %get3A_293 = tpu.vector_load %arg7[%get3A_292] {strides = array<i32>} : memref<528xf32, #tpu.memory_space<vmem>>, vector<16xf32>,
        %get3A_294 = arith.index_cast %mul3A_291 : i32 to index
        %get3A_295 = tpu.vector_load %arg13[%get3A_294] {strides = array<i32>} : memref<528xf32, #tpu.memory_space<vmem>>, vector<16xf32>,
        %get3A_296 = arith.index_cast %mul3A_291 : i32 to index
        %get3A_297 = tpu.vector_load %arg14[%get3A_296] {strides = array<i32>} : memref<528xf32, #tpu.memory_space<vmem>>, vector<16xf32>,
        %get3A_298 = arith.index_cast %mul3A_291 : i32 to index
        %get3A_299 = tpu.vector_load %arg15[%get3A_298] {strides = array<i32>} : memref<528xf32, #tpu.memory_space<vmem>>, vector<16xf32>,
        %get3A_300 = arith.index_cast %mul3A_291 : i32 to index
        %get3A_301 = tpu.vector_load %arg16[%get3A_300] {strides = array<i32>} : memref<528xf32, #tpu.memory_space<vmem>>, vector<16xf32>,
        %get3A_302 = arith.index_cast %mul3A_291 : i32 to index
        %get3A_303 = tpu.vector_load %arg17[%get3A_302] {strides = array<i32>} : memref<528xf32, #tpu.memory_space<vmem>>, vector<16xf32>,
        %max3A_304 = vector.broadcast %squeeze3A_158 : f32 to vector<16xf32>
        %max3A_305 = arith.maximumf %max3A_304, %get3A_295 : vector<16xf32>
        %max3A_306 = vector.broadcast %squeeze3A_162 : f32 to vector<16xf32>
        %max3A_307 = arith.maximumf %max3A_306, %get3A_297 : vector<16xf32>
        %min3A_308 = vector.broadcast %squeeze3A_166 : f32 to vector<16xf32>
        %min3A_309 = arith.minimumf %min3A_308, %get3A_299 : vector<16xf32>
        %min3A_310 = vector.broadcast %squeeze3A_170 : f32 to vector<16xf32>
        %min3A_311 = arith.minimumf %min3A_310, %get3A_301 : vector<16xf32>
        %sub3A_312 = arith.subf %min3A_309, %max3A_305 : vector<16xf32>
        %max3A_313 = arith.constant 0.000000e+00 : f32
        %max3A_314 = vector.broadcast %max3A_313 : f32 to vector<16xf32>
        %max3A_315 = arith.maximumf %sub3A_312, %max3A_314 : vector<16xf32>
        %sub3A_316 = arith.subf %min3A_311, %max3A_307 : vector<16xf32>
        %max3A_317 = arith.constant 0.000000e+00 : f32
        %max3A_318 = vector.broadcast %max3A_317 : f32 to vector<16xf32>
        %max3A_319 = arith.maximumf %sub3A_316, %max3A_318 : vector<16xf32>
        %mul3A_320 = arith.mulf %max3A_315, %max3A_319 : vector<16xf32>
        %add3A_321 = vector.broadcast %mul3A_173 : f32 to vector<16xf32>
        %add3A_322 = arith.addf %add3A_321, %get3A_303 : vector<16xf32>
        %sub3A_323 = arith.subf %add3A_322, %mul3A_320 : vector<16xf32>
        %add3A_324 = arith.constant 9.99999971E-10 : f32
        %add3A_325 = vector.broadcast %add3A_324 : f32 to vector<16xf32>
        %add3A_326 = arith.addf %sub3A_323, %add3A_325 : vector<16xf32>
        %div3A_327 = arith.divf %mul3A_320, %add3A_326 : vector<16xf32>
        %mul3A_328 = arith.constant 16 : i32
        %mul3A_329 = arith.muli %scan3A_289, %mul3A_328 : i32
        %add3A_330 = vector.broadcast %mul3A_329 : i32 to vector<16xi32>
        %add3A_331 = arith.addi %add3A_330, %iota3A : vector<16xi32>
        %eq3A_332 = vector.broadcast %min3A_152 : i32 to vector<16xi32>
        %eq3A_333 = arith.cmpi eq, %add3A_331, %eq3A_332 : vector<16xi32>
        %gt3A_334 = arith.constant 6.000000e-01 : f32
        %gt3A_335 = vector.broadcast %gt3A_334 : f32 to vector<16xf32>
        %gt3A_336 = arith.cmpf ogt, %div3A_327, %gt3A_335 : vector<16xf32>
        %or3A_337 = arith.ori %gt3A_336, %eq3A_333 : vector<16xi1>
        %jit3A_338 = arith.constant -1.000000e+00 : f32
        %broadcast_in_dim3A_339 = vector.broadcast %jit3A_338 : f32 to vector<16xf32>
        %select_n3A_340 = arith.select %or3A_337, %broadcast_in_dim3A_339, %get3A_293 : vector<16xi1>, vector<16xf32>
        %swap3A_341 = arith.index_cast %mul3A_291 : i32 to index
        %swap3A_342 = tpu.vector_load %arg7[%swap3A_341] {strides = array<i32>} : memref<528xf32, #tpu.memory_space<vmem>>, vector<16xf32>,
        tpu.vector_store %arg7[%swap3A_341], %select_n3A_340 {strides = array<i32>} : memref<528xf32, #tpu.memory_space<vmem>>, vector<16xf32>,
        %gt3A_343 = arith.cmpf ogt, %select_n3A_340, %select_n3A_286 : vector<16xf32>
        %select_n3A_344 = arith.select %gt3A_343, %select_n3A_340, %select_n3A_286 : vector<16xi1>, vector<16xf32>
        %broadcast_in_dim3A_345 = vector.broadcast %scan3A_289 : i32 to vector<16xi32>
        %select_n3A_346 = arith.select %gt3A_343, %broadcast_in_dim3A_345, %select_n3A_288 : vector<16xi1>, vector<16xi32>
        %scan3A_347 = arith.constant 3 : i32
        %mul3A_348 = arith.constant 16 : i32
        %mul3A_349 = arith.muli %scan3A_347, %mul3A_348 : i32
        %get3A_350 = arith.index_cast %mul3A_349 : i32 to index
        %get3A_351 = tpu.vector_load %arg7[%get3A_350] {strides = array<i32>} : memref<528xf32, #tpu.memory_space<vmem>>, vector<16xf32>,
        %get3A_352 = arith.index_cast %mul3A_349 : i32 to index
        %get3A_353 = tpu.vector_load %arg13[%get3A_352] {strides = array<i32>} : memref<528xf32, #tpu.memory_space<vmem>>, vector<16xf32>,
        %get3A_354 = arith.index_cast %mul3A_349 : i32 to index
        %get3A_355 = tpu.vector_load %arg14[%get3A_354] {strides = array<i32>} : memref<528xf32, #tpu.memory_space<vmem>>, vector<16xf32>,
        %get3A_356 = arith.index_cast %mul3A_349 : i32 to index
        %get3A_357 = tpu.vector_load %arg15[%get3A_356] {strides = array<i32>} : memref<528xf32, #tpu.memory_space<vmem>>, vector<16xf32>,
        %get3A_358 = arith.index_cast %mul3A_349 : i32 to index
        %get3A_359 = tpu.vector_load %arg16[%get3A_358] {strides = array<i32>} : memref<528xf32, #tpu.memory_space<vmem>>, vector<16xf32>,
        %get3A_360 = arith.index_cast %mul3A_349 : i32 to index
        %get3A_361 = tpu.vector_load %arg17[%get3A_360] {strides = array<i32>} : memref<528xf32, #tpu.memory_space<vmem>>, vector<16xf32>,
        %max3A_362 = vector.broadcast %squeeze3A_158 : f32 to vector<16xf32>
        %max3A_363 = arith.maximumf %max3A_362, %get3A_353 : vector<16xf32>
        %max3A_364 = vector.broadcast %squeeze3A_162 : f32 to vector<16xf32>
        %max3A_365 = arith.maximumf %max3A_364, %get3A_355 : vector<16xf32>
        %min3A_366 = vector.broadcast %squeeze3A_166 : f32 to vector<16xf32>
        %min3A_367 = arith.minimumf %min3A_366, %get3A_357 : vector<16xf32>
        %min3A_368 = vector.broadcast %squeeze3A_170 : f32 to vector<16xf32>
        %min3A_369 = arith.minimumf %min3A_368, %get3A_359 : vector<16xf32>
        %sub3A_370 = arith.subf %min3A_367, %max3A_363 : vector<16xf32>
        %max3A_371 = arith.constant 0.000000e+00 : f32
        %max3A_372 = vector.broadcast %max3A_371 : f32 to vector<16xf32>
        %max3A_373 = arith.maximumf %sub3A_370, %max3A_372 : vector<16xf32>
        %sub3A_374 = arith.subf %min3A_369, %max3A_365 : vector<16xf32>
        %max3A_375 = arith.constant 0.000000e+00 : f32
        %max3A_376 = vector.broadcast %max3A_375 : f32 to vector<16xf32>
        %max3A_377 = arith.maximumf %sub3A_374, %max3A_376 : vector<16xf32>
        %mul3A_378 = arith.mulf %max3A_373, %max3A_377 : vector<16xf32>
        %add3A_379 = vector.broadcast %mul3A_173 : f32 to vector<16xf32>
        %add3A_380 = arith.addf %add3A_379, %get3A_361 : vector<16xf32>
        %sub3A_381 = arith.subf %add3A_380, %mul3A_378 : vector<16xf32>
        %add3A_382 = arith.constant 9.99999971E-10 : f32
        %add3A_383 = vector.broadcast %add3A_382 : f32 to vector<16xf32>
        %add3A_384 = arith.addf %sub3A_381, %add3A_383 : vector<16xf32>
        %div3A_385 = arith.divf %mul3A_378, %add3A_384 : vector<16xf32>
        %mul3A_386 = arith.constant 16 : i32
        %mul3A_387 = arith.muli %scan3A_347, %mul3A_386 : i32
        %add3A_388 = vector.broadcast %mul3A_387 : i32 to vector<16xi32>
        %add3A_389 = arith.addi %add3A_388, %iota3A : vector<16xi32>
        %eq3A_390 = vector.broadcast %min3A_152 : i32 to vector<16xi32>
        %eq3A_391 = arith.cmpi eq, %add3A_389, %eq3A_390 : vector<16xi32>
        %gt3A_392 = arith.constant 6.000000e-01 : f32
        %gt3A_393 = vector.broadcast %gt3A_392 : f32 to vector<16xf32>
        %gt3A_394 = arith.cmpf ogt, %div3A_385, %gt3A_393 : vector<16xf32>
        %or3A_395 = arith.ori %gt3A_394, %eq3A_391 : vector<16xi1>
        %jit3A_396 = arith.constant -1.000000e+00 : f32
        %broadcast_in_dim3A_397 = vector.broadcast %jit3A_396 : f32 to vector<16xf32>
        %select_n3A_398 = arith.select %or3A_395, %broadcast_in_dim3A_397, %get3A_351 : vector<16xi1>, vector<16xf32>
        %swap3A_399 = arith.index_cast %mul3A_349 : i32 to index
        %swap3A_400 = tpu.vector_load %arg7[%swap3A_399] {strides = array<i32>} : memref<528xf32, #tpu.memory_space<vmem>>, vector<16xf32>,
        tpu.vector_store %arg7[%swap3A_399], %select_n3A_398 {strides = array<i32>} : memref<528xf32, #tpu.memory_space<vmem>>, vector<16xf32>,
        %gt3A_401 = arith.cmpf ogt, %select_n3A_398, %select_n3A_344 : vector<16xf32>
        %select_n3A_402 = arith.select %gt3A_401, %select_n3A_398, %select_n3A_344 : vector<16xi1>, vector<16xf32>
        %broadcast_in_dim3A_403 = vector.broadcast %scan3A_347 : i32 to vector<16xi32>
        %select_n3A_404 = arith.select %gt3A_401, %broadcast_in_dim3A_403, %select_n3A_346 : vector<16xi1>, vector<16xi32>
        %scan3A_405 = arith.constant 4 : i32
        %mul3A_406 = arith.constant 16 : i32
        %mul3A_407 = arith.muli %scan3A_405, %mul3A_406 : i32
        %get3A_408 = arith.index_cast %mul3A_407 : i32 to index
        %get3A_409 = tpu.vector_load %arg7[%get3A_408] {strides = array<i32>} : memref<528xf32, #tpu.memory_space<vmem>>, vector<16xf32>,
        %get3A_410 = arith.index_cast %mul3A_407 : i32 to index
        %get3A_411 = tpu.vector_load %arg13[%get3A_410] {strides = array<i32>} : memref<528xf32, #tpu.memory_space<vmem>>, vector<16xf32>,
        %get3A_412 = arith.index_cast %mul3A_407 : i32 to index
        %get3A_413 = tpu.vector_load %arg14[%get3A_412] {strides = array<i32>} : memref<528xf32, #tpu.memory_space<vmem>>, vector<16xf32>,
        %get3A_414 = arith.index_cast %mul3A_407 : i32 to index
        %get3A_415 = tpu.vector_load %arg15[%get3A_414] {strides = array<i32>} : memref<528xf32, #tpu.memory_space<vmem>>, vector<16xf32>,
        %get3A_416 = arith.index_cast %mul3A_407 : i32 to index
        %get3A_417 = tpu.vector_load %arg16[%get3A_416] {strides = array<i32>} : memref<528xf32, #tpu.memory_space<vmem>>, vector<16xf32>,
        %get3A_418 = arith.index_cast %mul3A_407 : i32 to index
        %get3A_419 = tpu.vector_load %arg17[%get3A_418] {strides = array<i32>} : memref<528xf32, #tpu.memory_space<vmem>>, vector<16xf32>,
        %max3A_420 = vector.broadcast %squeeze3A_158 : f32 to vector<16xf32>
        %max3A_421 = arith.maximumf %max3A_420, %get3A_411 : vector<16xf32>
        %max3A_422 = vector.broadcast %squeeze3A_162 : f32 to vector<16xf32>
        %max3A_423 = arith.maximumf %max3A_422, %get3A_413 : vector<16xf32>
        %min3A_424 = vector.broadcast %squeeze3A_166 : f32 to vector<16xf32>
        %min3A_425 = arith.minimumf %min3A_424, %get3A_415 : vector<16xf32>
        %min3A_426 = vector.broadcast %squeeze3A_170 : f32 to vector<16xf32>
        %min3A_427 = arith.minimumf %min3A_426, %get3A_417 : vector<16xf32>
        %sub3A_428 = arith.subf %min3A_425, %max3A_421 : vector<16xf32>
        %max3A_429 = arith.constant 0.000000e+00 : f32
        %max3A_430 = vector.broadcast %max3A_429 : f32 to vector<16xf32>
        %max3A_431 = arith.maximumf %sub3A_428, %max3A_430 : vector<16xf32>
        %sub3A_432 = arith.subf %min3A_427, %max3A_423 : vector<16xf32>
        %max3A_433 = arith.constant 0.000000e+00 : f32
        %max3A_434 = vector.broadcast %max3A_433 : f32 to vector<16xf32>
        %max3A_435 = arith.maximumf %sub3A_432, %max3A_434 : vector<16xf32>
        %mul3A_436 = arith.mulf %max3A_431, %max3A_435 : vector<16xf32>
        %add3A_437 = vector.broadcast %mul3A_173 : f32 to vector<16xf32>
        %add3A_438 = arith.addf %add3A_437, %get3A_419 : vector<16xf32>
        %sub3A_439 = arith.subf %add3A_438, %mul3A_436 : vector<16xf32>
        %add3A_440 = arith.constant 9.99999971E-10 : f32
        %add3A_441 = vector.broadcast %add3A_440 : f32 to vector<16xf32>
        %add3A_442 = arith.addf %sub3A_439, %add3A_441 : vector<16xf32>
        %div3A_443 = arith.divf %mul3A_436, %add3A_442 : vector<16xf32>
        %mul3A_444 = arith.constant 16 : i32
        %mul3A_445 = arith.muli %scan3A_405, %mul3A_444 : i32
        %add3A_446 = vector.broadcast %mul3A_445 : i32 to vector<16xi32>
        %add3A_447 = arith.addi %add3A_446, %iota3A : vector<16xi32>
        %eq3A_448 = vector.broadcast %min3A_152 : i32 to vector<16xi32>
        %eq3A_449 = arith.cmpi eq, %add3A_447, %eq3A_448 : vector<16xi32>
        %gt3A_450 = arith.constant 6.000000e-01 : f32
        %gt3A_451 = vector.broadcast %gt3A_450 : f32 to vector<16xf32>
        %gt3A_452 = arith.cmpf ogt, %div3A_443, %gt3A_451 : vector<16xf32>
        %or3A_453 = arith.ori %gt3A_452, %eq3A_449 : vector<16xi1>
        %jit3A_454 = arith.constant -1.000000e+00 : f32
        %broadcast_in_dim3A_455 = vector.broadcast %jit3A_454 : f32 to vector<16xf32>
        %select_n3A_456 = arith.select %or3A_453, %broadcast_in_dim3A_455, %get3A_409 : vector<16xi1>, vector<16xf32>
        %swap3A_457 = arith.index_cast %mul3A_407 : i32 to index
        %swap3A_458 = tpu.vector_load %arg7[%swap3A_457] {strides = array<i32>} : memref<528xf32, #tpu.memory_space<vmem>>, vector<16xf32>,
        tpu.vector_store %arg7[%swap3A_457], %select_n3A_456 {strides = array<i32>} : memref<528xf32, #tpu.memory_space<vmem>>, vector<16xf32>,
        %gt3A_459 = arith.cmpf ogt, %select_n3A_456, %select_n3A_402 : vector<16xf32>
        %select_n3A_460 = arith.select %gt3A_459, %select_n3A_456, %select_n3A_402 : vector<16xi1>, vector<16xf32>
        %broadcast_in_dim3A_461 = vector.broadcast %scan3A_405 : i32 to vector<16xi32>
        %select_n3A_462 = arith.select %gt3A_459, %broadcast_in_dim3A_461, %select_n3A_404 : vector<16xi1>, vector<16xi32>
        %scan3A_463 = arith.constant 5 : i32
        %mul3A_464 = arith.constant 16 : i32
        %mul3A_465 = arith.muli %scan3A_463, %mul3A_464 : i32
        %get3A_466 = arith.index_cast %mul3A_465 : i32 to index
        %get3A_467 = tpu.vector_load %arg7[%get3A_466] {strides = array<i32>} : memref<528xf32, #tpu.memory_space<vmem>>, vector<16xf32>,
        %get3A_468 = arith.index_cast %mul3A_465 : i32 to index
        %get3A_469 = tpu.vector_load %arg13[%get3A_468] {strides = array<i32>} : memref<528xf32, #tpu.memory_space<vmem>>, vector<16xf32>,
        %get3A_470 = arith.index_cast %mul3A_465 : i32 to index
        %get3A_471 = tpu.vector_load %arg14[%get3A_470] {strides = array<i32>} : memref<528xf32, #tpu.memory_space<vmem>>, vector<16xf32>,
        %get3A_472 = arith.index_cast %mul3A_465 : i32 to index
        %get3A_473 = tpu.vector_load %arg15[%get3A_472] {strides = array<i32>} : memref<528xf32, #tpu.memory_space<vmem>>, vector<16xf32>,
        %get3A_474 = arith.index_cast %mul3A_465 : i32 to index
        %get3A_475 = tpu.vector_load %arg16[%get3A_474] {strides = array<i32>} : memref<528xf32, #tpu.memory_space<vmem>>, vector<16xf32>,
        %get3A_476 = arith.index_cast %mul3A_465 : i32 to index
        %get3A_477 = tpu.vector_load %arg17[%get3A_476] {strides = array<i32>} : memref<528xf32, #tpu.memory_space<vmem>>, vector<16xf32>,
        %max3A_478 = vector.broadcast %squeeze3A_158 : f32 to vector<16xf32>
        %max3A_479 = arith.maximumf %max3A_478, %get3A_469 : vector<16xf32>
        %max3A_480 = vector.broadcast %squeeze3A_162 : f32 to vector<16xf32>
        %max3A_481 = arith.maximumf %max3A_480, %get3A_471 : vector<16xf32>
        %min3A_482 = vector.broadcast %squeeze3A_166 : f32 to vector<16xf32>
        %min3A_483 = arith.minimumf %min3A_482, %get3A_473 : vector<16xf32>
        %min3A_484 = vector.broadcast %squeeze3A_170 : f32 to vector<16xf32>
        %min3A_485 = arith.minimumf %min3A_484, %get3A_475 : vector<16xf32>
        %sub3A_486 = arith.subf %min3A_483, %max3A_479 : vector<16xf32>
        %max3A_487 = arith.constant 0.000000e+00 : f32
        %max3A_488 = vector.broadcast %max3A_487 : f32 to vector<16xf32>
        %max3A_489 = arith.maximumf %sub3A_486, %max3A_488 : vector<16xf32>
        %sub3A_490 = arith.subf %min3A_485, %max3A_481 : vector<16xf32>
        %max3A_491 = arith.constant 0.000000e+00 : f32
        %max3A_492 = vector.broadcast %max3A_491 : f32 to vector<16xf32>
        %max3A_493 = arith.maximumf %sub3A_490, %max3A_492 : vector<16xf32>
        %mul3A_494 = arith.mulf %max3A_489, %max3A_493 : vector<16xf32>
        %add3A_495 = vector.broadcast %mul3A_173 : f32 to vector<16xf32>
        %add3A_496 = arith.addf %add3A_495, %get3A_477 : vector<16xf32>
        %sub3A_497 = arith.subf %add3A_496, %mul3A_494 : vector<16xf32>
        %add3A_498 = arith.constant 9.99999971E-10 : f32
        %add3A_499 = vector.broadcast %add3A_498 : f32 to vector<16xf32>
        %add3A_500 = arith.addf %sub3A_497, %add3A_499 : vector<16xf32>
        %div3A_501 = arith.divf %mul3A_494, %add3A_500 : vector<16xf32>
        %mul3A_502 = arith.constant 16 : i32
        %mul3A_503 = arith.muli %scan3A_463, %mul3A_502 : i32
        %add3A_504 = vector.broadcast %mul3A_503 : i32 to vector<16xi32>
        %add3A_505 = arith.addi %add3A_504, %iota3A : vector<16xi32>
        %eq3A_506 = vector.broadcast %min3A_152 : i32 to vector<16xi32>
        %eq3A_507 = arith.cmpi eq, %add3A_505, %eq3A_506 : vector<16xi32>
        %gt3A_508 = arith.constant 6.000000e-01 : f32
        %gt3A_509 = vector.broadcast %gt3A_508 : f32 to vector<16xf32>
        %gt3A_510 = arith.cmpf ogt, %div3A_501, %gt3A_509 : vector<16xf32>
        %or3A_511 = arith.ori %gt3A_510, %eq3A_507 : vector<16xi1>
        %jit3A_512 = arith.constant -1.000000e+00 : f32
        %broadcast_in_dim3A_513 = vector.broadcast %jit3A_512 : f32 to vector<16xf32>
        %select_n3A_514 = arith.select %or3A_511, %broadcast_in_dim3A_513, %get3A_467 : vector<16xi1>, vector<16xf32>
        %swap3A_515 = arith.index_cast %mul3A_465 : i32 to index
        %swap3A_516 = tpu.vector_load %arg7[%swap3A_515] {strides = array<i32>} : memref<528xf32, #tpu.memory_space<vmem>>, vector<16xf32>,
        tpu.vector_store %arg7[%swap3A_515], %select_n3A_514 {strides = array<i32>} : memref<528xf32, #tpu.memory_space<vmem>>, vector<16xf32>,
        %gt3A_517 = arith.cmpf ogt, %select_n3A_514, %select_n3A_460 : vector<16xf32>
        %select_n3A_518 = arith.select %gt3A_517, %select_n3A_514, %select_n3A_460 : vector<16xi1>, vector<16xf32>
        %broadcast_in_dim3A_519 = vector.broadcast %scan3A_463 : i32 to vector<16xi32>
        %select_n3A_520 = arith.select %gt3A_517, %broadcast_in_dim3A_519, %select_n3A_462 : vector<16xi1>, vector<16xi32>
        %scan3A_521 = arith.constant 6 : i32
        %mul3A_522 = arith.constant 16 : i32
        %mul3A_523 = arith.muli %scan3A_521, %mul3A_522 : i32
        %get3A_524 = arith.index_cast %mul3A_523 : i32 to index
        %get3A_525 = tpu.vector_load %arg7[%get3A_524] {strides = array<i32>} : memref<528xf32, #tpu.memory_space<vmem>>, vector<16xf32>,
        %get3A_526 = arith.index_cast %mul3A_523 : i32 to index
        %get3A_527 = tpu.vector_load %arg13[%get3A_526] {strides = array<i32>} : memref<528xf32, #tpu.memory_space<vmem>>, vector<16xf32>,
        %get3A_528 = arith.index_cast %mul3A_523 : i32 to index
        %get3A_529 = tpu.vector_load %arg14[%get3A_528] {strides = array<i32>} : memref<528xf32, #tpu.memory_space<vmem>>, vector<16xf32>,
        %get3A_530 = arith.index_cast %mul3A_523 : i32 to index
        %get3A_531 = tpu.vector_load %arg15[%get3A_530] {strides = array<i32>} : memref<528xf32, #tpu.memory_space<vmem>>, vector<16xf32>,
        %get3A_532 = arith.index_cast %mul3A_523 : i32 to index
        %get3A_533 = tpu.vector_load %arg16[%get3A_532] {strides = array<i32>} : memref<528xf32, #tpu.memory_space<vmem>>, vector<16xf32>,
        %get3A_534 = arith.index_cast %mul3A_523 : i32 to index
        %get3A_535 = tpu.vector_load %arg17[%get3A_534] {strides = array<i32>} : memref<528xf32, #tpu.memory_space<vmem>>, vector<16xf32>,
        %max3A_536 = vector.broadcast %squeeze3A_158 : f32 to vector<16xf32>
        %max3A_537 = arith.maximumf %max3A_536, %get3A_527 : vector<16xf32>
        %max3A_538 = vector.broadcast %squeeze3A_162 : f32 to vector<16xf32>
        %max3A_539 = arith.maximumf %max3A_538, %get3A_529 : vector<16xf32>
        %min3A_540 = vector.broadcast %squeeze3A_166 : f32 to vector<16xf32>
        %min3A_541 = arith.minimumf %min3A_540, %get3A_531 : vector<16xf32>
        %min3A_542 = vector.broadcast %squeeze3A_170 : f32 to vector<16xf32>
        %min3A_543 = arith.minimumf %min3A_542, %get3A_533 : vector<16xf32>
        %sub3A_544 = arith.subf %min3A_541, %max3A_537 : vector<16xf32>
        %max3A_545 = arith.constant 0.000000e+00 : f32
        %max3A_546 = vector.broadcast %max3A_545 : f32 to vector<16xf32>
        %max3A_547 = arith.maximumf %sub3A_544, %max3A_546 : vector<16xf32>
        %sub3A_548 = arith.subf %min3A_543, %max3A_539 : vector<16xf32>
        %max3A_549 = arith.constant 0.000000e+00 : f32
        %max3A_550 = vector.broadcast %max3A_549 : f32 to vector<16xf32>
        %max3A_551 = arith.maximumf %sub3A_548, %max3A_550 : vector<16xf32>
        %mul3A_552 = arith.mulf %max3A_547, %max3A_551 : vector<16xf32>
        %add3A_553 = vector.broadcast %mul3A_173 : f32 to vector<16xf32>
        %add3A_554 = arith.addf %add3A_553, %get3A_535 : vector<16xf32>
        %sub3A_555 = arith.subf %add3A_554, %mul3A_552 : vector<16xf32>
        %add3A_556 = arith.constant 9.99999971E-10 : f32
        %add3A_557 = vector.broadcast %add3A_556 : f32 to vector<16xf32>
        %add3A_558 = arith.addf %sub3A_555, %add3A_557 : vector<16xf32>
        %div3A_559 = arith.divf %mul3A_552, %add3A_558 : vector<16xf32>
        %mul3A_560 = arith.constant 16 : i32
        %mul3A_561 = arith.muli %scan3A_521, %mul3A_560 : i32
        %add3A_562 = vector.broadcast %mul3A_561 : i32 to vector<16xi32>
        %add3A_563 = arith.addi %add3A_562, %iota3A : vector<16xi32>
        %eq3A_564 = vector.broadcast %min3A_152 : i32 to vector<16xi32>
        %eq3A_565 = arith.cmpi eq, %add3A_563, %eq3A_564 : vector<16xi32>
        %gt3A_566 = arith.constant 6.000000e-01 : f32
        %gt3A_567 = vector.broadcast %gt3A_566 : f32 to vector<16xf32>
        %gt3A_568 = arith.cmpf ogt, %div3A_559, %gt3A_567 : vector<16xf32>
        %or3A_569 = arith.ori %gt3A_568, %eq3A_565 : vector<16xi1>
        %jit3A_570 = arith.constant -1.000000e+00 : f32
        %broadcast_in_dim3A_571 = vector.broadcast %jit3A_570 : f32 to vector<16xf32>
        %select_n3A_572 = arith.select %or3A_569, %broadcast_in_dim3A_571, %get3A_525 : vector<16xi1>, vector<16xf32>
        %swap3A_573 = arith.index_cast %mul3A_523 : i32 to index
        %swap3A_574 = tpu.vector_load %arg7[%swap3A_573] {strides = array<i32>} : memref<528xf32, #tpu.memory_space<vmem>>, vector<16xf32>,
        tpu.vector_store %arg7[%swap3A_573], %select_n3A_572 {strides = array<i32>} : memref<528xf32, #tpu.memory_space<vmem>>, vector<16xf32>,
        %gt3A_575 = arith.cmpf ogt, %select_n3A_572, %select_n3A_518 : vector<16xf32>
        %select_n3A_576 = arith.select %gt3A_575, %select_n3A_572, %select_n3A_518 : vector<16xi1>, vector<16xf32>
        %broadcast_in_dim3A_577 = vector.broadcast %scan3A_521 : i32 to vector<16xi32>
        %select_n3A_578 = arith.select %gt3A_575, %broadcast_in_dim3A_577, %select_n3A_520 : vector<16xi1>, vector<16xi32>
        %scan3A_579 = arith.constant 7 : i32
        %mul3A_580 = arith.constant 16 : i32
        %mul3A_581 = arith.muli %scan3A_579, %mul3A_580 : i32
        %get3A_582 = arith.index_cast %mul3A_581 : i32 to index
        %get3A_583 = tpu.vector_load %arg7[%get3A_582] {strides = array<i32>} : memref<528xf32, #tpu.memory_space<vmem>>, vector<16xf32>,
        %get3A_584 = arith.index_cast %mul3A_581 : i32 to index
        %get3A_585 = tpu.vector_load %arg13[%get3A_584] {strides = array<i32>} : memref<528xf32, #tpu.memory_space<vmem>>, vector<16xf32>,
        %get3A_586 = arith.index_cast %mul3A_581 : i32 to index
        %get3A_587 = tpu.vector_load %arg14[%get3A_586] {strides = array<i32>} : memref<528xf32, #tpu.memory_space<vmem>>, vector<16xf32>,
        %get3A_588 = arith.index_cast %mul3A_581 : i32 to index
        %get3A_589 = tpu.vector_load %arg15[%get3A_588] {strides = array<i32>} : memref<528xf32, #tpu.memory_space<vmem>>, vector<16xf32>,
        %get3A_590 = arith.index_cast %mul3A_581 : i32 to index
        %get3A_591 = tpu.vector_load %arg16[%get3A_590] {strides = array<i32>} : memref<528xf32, #tpu.memory_space<vmem>>, vector<16xf32>,
        %get3A_592 = arith.index_cast %mul3A_581 : i32 to index
        %get3A_593 = tpu.vector_load %arg17[%get3A_592] {strides = array<i32>} : memref<528xf32, #tpu.memory_space<vmem>>, vector<16xf32>,
        %max3A_594 = vector.broadcast %squeeze3A_158 : f32 to vector<16xf32>
        %max3A_595 = arith.maximumf %max3A_594, %get3A_585 : vector<16xf32>
        %max3A_596 = vector.broadcast %squeeze3A_162 : f32 to vector<16xf32>
        %max3A_597 = arith.maximumf %max3A_596, %get3A_587 : vector<16xf32>
        %min3A_598 = vector.broadcast %squeeze3A_166 : f32 to vector<16xf32>
        %min3A_599 = arith.minimumf %min3A_598, %get3A_589 : vector<16xf32>
        %min3A_600 = vector.broadcast %squeeze3A_170 : f32 to vector<16xf32>
        %min3A_601 = arith.minimumf %min3A_600, %get3A_591 : vector<16xf32>
        %sub3A_602 = arith.subf %min3A_599, %max3A_595 : vector<16xf32>
        %max3A_603 = arith.constant 0.000000e+00 : f32
        %max3A_604 = vector.broadcast %max3A_603 : f32 to vector<16xf32>
        %max3A_605 = arith.maximumf %sub3A_602, %max3A_604 : vector<16xf32>
        %sub3A_606 = arith.subf %min3A_601, %max3A_597 : vector<16xf32>
        %max3A_607 = arith.constant 0.000000e+00 : f32
        %max3A_608 = vector.broadcast %max3A_607 : f32 to vector<16xf32>
        %max3A_609 = arith.maximumf %sub3A_606, %max3A_608 : vector<16xf32>
        %mul3A_610 = arith.mulf %max3A_605, %max3A_609 : vector<16xf32>
        %add3A_611 = vector.broadcast %mul3A_173 : f32 to vector<16xf32>
        %add3A_612 = arith.addf %add3A_611, %get3A_593 : vector<16xf32>
        %sub3A_613 = arith.subf %add3A_612, %mul3A_610 : vector<16xf32>
        %add3A_614 = arith.constant 9.99999971E-10 : f32
        %add3A_615 = vector.broadcast %add3A_614 : f32 to vector<16xf32>
        %add3A_616 = arith.addf %sub3A_613, %add3A_615 : vector<16xf32>
        %div3A_617 = arith.divf %mul3A_610, %add3A_616 : vector<16xf32>
        %mul3A_618 = arith.constant 16 : i32
        %mul3A_619 = arith.muli %scan3A_579, %mul3A_618 : i32
        %add3A_620 = vector.broadcast %mul3A_619 : i32 to vector<16xi32>
        %add3A_621 = arith.addi %add3A_620, %iota3A : vector<16xi32>
        %eq3A_622 = vector.broadcast %min3A_152 : i32 to vector<16xi32>
        %eq3A_623 = arith.cmpi eq, %add3A_621, %eq3A_622 : vector<16xi32>
        %gt3A_624 = arith.constant 6.000000e-01 : f32
        %gt3A_625 = vector.broadcast %gt3A_624 : f32 to vector<16xf32>
        %gt3A_626 = arith.cmpf ogt, %div3A_617, %gt3A_625 : vector<16xf32>
        %or3A_627 = arith.ori %gt3A_626, %eq3A_623 : vector<16xi1>
        %jit3A_628 = arith.constant -1.000000e+00 : f32
        %broadcast_in_dim3A_629 = vector.broadcast %jit3A_628 : f32 to vector<16xf32>
        %select_n3A_630 = arith.select %or3A_627, %broadcast_in_dim3A_629, %get3A_583 : vector<16xi1>, vector<16xf32>
        %swap3A_631 = arith.index_cast %mul3A_581 : i32 to index
        %swap3A_632 = tpu.vector_load %arg7[%swap3A_631] {strides = array<i32>} : memref<528xf32, #tpu.memory_space<vmem>>, vector<16xf32>,
        tpu.vector_store %arg7[%swap3A_631], %select_n3A_630 {strides = array<i32>} : memref<528xf32, #tpu.memory_space<vmem>>, vector<16xf32>,
        %gt3A_633 = arith.cmpf ogt, %select_n3A_630, %select_n3A_576 : vector<16xf32>
        %select_n3A_634 = arith.select %gt3A_633, %select_n3A_630, %select_n3A_576 : vector<16xi1>, vector<16xf32>
        %broadcast_in_dim3A_635 = vector.broadcast %scan3A_579 : i32 to vector<16xi32>
        %select_n3A_636 = arith.select %gt3A_633, %broadcast_in_dim3A_635, %select_n3A_578 : vector<16xi1>, vector<16xi32>
        %scan3A_637 = arith.constant 8 : i32
        %mul3A_638 = arith.constant 16 : i32
        %mul3A_639 = arith.muli %scan3A_637, %mul3A_638 : i32
        %get3A_640 = arith.index_cast %mul3A_639 : i32 to index
        %get3A_641 = tpu.vector_load %arg7[%get3A_640] {strides = array<i32>} : memref<528xf32, #tpu.memory_space<vmem>>, vector<16xf32>,
        %get3A_642 = arith.index_cast %mul3A_639 : i32 to index
        %get3A_643 = tpu.vector_load %arg13[%get3A_642] {strides = array<i32>} : memref<528xf32, #tpu.memory_space<vmem>>, vector<16xf32>,
        %get3A_644 = arith.index_cast %mul3A_639 : i32 to index
        %get3A_645 = tpu.vector_load %arg14[%get3A_644] {strides = array<i32>} : memref<528xf32, #tpu.memory_space<vmem>>, vector<16xf32>,
        %get3A_646 = arith.index_cast %mul3A_639 : i32 to index
        %get3A_647 = tpu.vector_load %arg15[%get3A_646] {strides = array<i32>} : memref<528xf32, #tpu.memory_space<vmem>>, vector<16xf32>,
        %get3A_648 = arith.index_cast %mul3A_639 : i32 to index
        %get3A_649 = tpu.vector_load %arg16[%get3A_648] {strides = array<i32>} : memref<528xf32, #tpu.memory_space<vmem>>, vector<16xf32>,
        %get3A_650 = arith.index_cast %mul3A_639 : i32 to index
        %get3A_651 = tpu.vector_load %arg17[%get3A_650] {strides = array<i32>} : memref<528xf32, #tpu.memory_space<vmem>>, vector<16xf32>,
        %max3A_652 = vector.broadcast %squeeze3A_158 : f32 to vector<16xf32>
        %max3A_653 = arith.maximumf %max3A_652, %get3A_643 : vector<16xf32>
        %max3A_654 = vector.broadcast %squeeze3A_162 : f32 to vector<16xf32>
        %max3A_655 = arith.maximumf %max3A_654, %get3A_645 : vector<16xf32>
        %min3A_656 = vector.broadcast %squeeze3A_166 : f32 to vector<16xf32>
        %min3A_657 = arith.minimumf %min3A_656, %get3A_647 : vector<16xf32>
        %min3A_658 = vector.broadcast %squeeze3A_170 : f32 to vector<16xf32>
        %min3A_659 = arith.minimumf %min3A_658, %get3A_649 : vector<16xf32>
        %sub3A_660 = arith.subf %min3A_657, %max3A_653 : vector<16xf32>
        %max3A_661 = arith.constant 0.000000e+00 : f32
        %max3A_662 = vector.broadcast %max3A_661 : f32 to vector<16xf32>
        %max3A_663 = arith.maximumf %sub3A_660, %max3A_662 : vector<16xf32>
        %sub3A_664 = arith.subf %min3A_659, %max3A_655 : vector<16xf32>
        %max3A_665 = arith.constant 0.000000e+00 : f32
        %max3A_666 = vector.broadcast %max3A_665 : f32 to vector<16xf32>
        %max3A_667 = arith.maximumf %sub3A_664, %max3A_666 : vector<16xf32>
        %mul3A_668 = arith.mulf %max3A_663, %max3A_667 : vector<16xf32>
        %add3A_669 = vector.broadcast %mul3A_173 : f32 to vector<16xf32>
        %add3A_670 = arith.addf %add3A_669, %get3A_651 : vector<16xf32>
        %sub3A_671 = arith.subf %add3A_670, %mul3A_668 : vector<16xf32>
        %add3A_672 = arith.constant 9.99999971E-10 : f32
        %add3A_673 = vector.broadcast %add3A_672 : f32 to vector<16xf32>
        %add3A_674 = arith.addf %sub3A_671, %add3A_673 : vector<16xf32>
        %div3A_675 = arith.divf %mul3A_668, %add3A_674 : vector<16xf32>
        %mul3A_676 = arith.constant 16 : i32
        %mul3A_677 = arith.muli %scan3A_637, %mul3A_676 : i32
        %add3A_678 = vector.broadcast %mul3A_677 : i32 to vector<16xi32>
        %add3A_679 = arith.addi %add3A_678, %iota3A : vector<16xi32>
        %eq3A_680 = vector.broadcast %min3A_152 : i32 to vector<16xi32>
        %eq3A_681 = arith.cmpi eq, %add3A_679, %eq3A_680 : vector<16xi32>
        %gt3A_682 = arith.constant 6.000000e-01 : f32
        %gt3A_683 = vector.broadcast %gt3A_682 : f32 to vector<16xf32>
        %gt3A_684 = arith.cmpf ogt, %div3A_675, %gt3A_683 : vector<16xf32>
        %or3A_685 = arith.ori %gt3A_684, %eq3A_681 : vector<16xi1>
        %jit3A_686 = arith.constant -1.000000e+00 : f32
        %broadcast_in_dim3A_687 = vector.broadcast %jit3A_686 : f32 to vector<16xf32>
        %select_n3A_688 = arith.select %or3A_685, %broadcast_in_dim3A_687, %get3A_641 : vector<16xi1>, vector<16xf32>
        %swap3A_689 = arith.index_cast %mul3A_639 : i32 to index
        %swap3A_690 = tpu.vector_load %arg7[%swap3A_689] {strides = array<i32>} : memref<528xf32, #tpu.memory_space<vmem>>, vector<16xf32>,
        tpu.vector_store %arg7[%swap3A_689], %select_n3A_688 {strides = array<i32>} : memref<528xf32, #tpu.memory_space<vmem>>, vector<16xf32>,
        %gt3A_691 = arith.cmpf ogt, %select_n3A_688, %select_n3A_634 : vector<16xf32>
        %select_n3A_692 = arith.select %gt3A_691, %select_n3A_688, %select_n3A_634 : vector<16xi1>, vector<16xf32>
        %broadcast_in_dim3A_693 = vector.broadcast %scan3A_637 : i32 to vector<16xi32>
        %select_n3A_694 = arith.select %gt3A_691, %broadcast_in_dim3A_693, %select_n3A_636 : vector<16xi1>, vector<16xi32>
        %scan3A_695 = arith.constant 9 : i32
        %mul3A_696 = arith.constant 16 : i32
        %mul3A_697 = arith.muli %scan3A_695, %mul3A_696 : i32
        %get3A_698 = arith.index_cast %mul3A_697 : i32 to index
        %get3A_699 = tpu.vector_load %arg7[%get3A_698] {strides = array<i32>} : memref<528xf32, #tpu.memory_space<vmem>>, vector<16xf32>,
        %get3A_700 = arith.index_cast %mul3A_697 : i32 to index
        %get3A_701 = tpu.vector_load %arg13[%get3A_700] {strides = array<i32>} : memref<528xf32, #tpu.memory_space<vmem>>, vector<16xf32>,
        %get3A_702 = arith.index_cast %mul3A_697 : i32 to index
        %get3A_703 = tpu.vector_load %arg14[%get3A_702] {strides = array<i32>} : memref<528xf32, #tpu.memory_space<vmem>>, vector<16xf32>,
        %get3A_704 = arith.index_cast %mul3A_697 : i32 to index
        %get3A_705 = tpu.vector_load %arg15[%get3A_704] {strides = array<i32>} : memref<528xf32, #tpu.memory_space<vmem>>, vector<16xf32>,
        %get3A_706 = arith.index_cast %mul3A_697 : i32 to index
        %get3A_707 = tpu.vector_load %arg16[%get3A_706] {strides = array<i32>} : memref<528xf32, #tpu.memory_space<vmem>>, vector<16xf32>,
        %get3A_708 = arith.index_cast %mul3A_697 : i32 to index
        %get3A_709 = tpu.vector_load %arg17[%get3A_708] {strides = array<i32>} : memref<528xf32, #tpu.memory_space<vmem>>, vector<16xf32>,
        %max3A_710 = vector.broadcast %squeeze3A_158 : f32 to vector<16xf32>
        %max3A_711 = arith.maximumf %max3A_710, %get3A_701 : vector<16xf32>
        %max3A_712 = vector.broadcast %squeeze3A_162 : f32 to vector<16xf32>
        %max3A_713 = arith.maximumf %max3A_712, %get3A_703 : vector<16xf32>
        %min3A_714 = vector.broadcast %squeeze3A_166 : f32 to vector<16xf32>
        %min3A_715 = arith.minimumf %min3A_714, %get3A_705 : vector<16xf32>
        %min3A_716 = vector.broadcast %squeeze3A_170 : f32 to vector<16xf32>
        %min3A_717 = arith.minimumf %min3A_716, %get3A_707 : vector<16xf32>
        %sub3A_718 = arith.subf %min3A_715, %max3A_711 : vector<16xf32>
        %max3A_719 = arith.constant 0.000000e+00 : f32
        %max3A_720 = vector.broadcast %max3A_719 : f32 to vector<16xf32>
        %max3A_721 = arith.maximumf %sub3A_718, %max3A_720 : vector<16xf32>
        %sub3A_722 = arith.subf %min3A_717, %max3A_713 : vector<16xf32>
        %max3A_723 = arith.constant 0.000000e+00 : f32
        %max3A_724 = vector.broadcast %max3A_723 : f32 to vector<16xf32>
        %max3A_725 = arith.maximumf %sub3A_722, %max3A_724 : vector<16xf32>
        %mul3A_726 = arith.mulf %max3A_721, %max3A_725 : vector<16xf32>
        %add3A_727 = vector.broadcast %mul3A_173 : f32 to vector<16xf32>
        %add3A_728 = arith.addf %add3A_727, %get3A_709 : vector<16xf32>
        %sub3A_729 = arith.subf %add3A_728, %mul3A_726 : vector<16xf32>
        %add3A_730 = arith.constant 9.99999971E-10 : f32
        %add3A_731 = vector.broadcast %add3A_730 : f32 to vector<16xf32>
        %add3A_732 = arith.addf %sub3A_729, %add3A_731 : vector<16xf32>
        %div3A_733 = arith.divf %mul3A_726, %add3A_732 : vector<16xf32>
        %mul3A_734 = arith.constant 16 : i32
        %mul3A_735 = arith.muli %scan3A_695, %mul3A_734 : i32
        %add3A_736 = vector.broadcast %mul3A_735 : i32 to vector<16xi32>
        %add3A_737 = arith.addi %add3A_736, %iota3A : vector<16xi32>
        %eq3A_738 = vector.broadcast %min3A_152 : i32 to vector<16xi32>
        %eq3A_739 = arith.cmpi eq, %add3A_737, %eq3A_738 : vector<16xi32>
        %gt3A_740 = arith.constant 6.000000e-01 : f32
        %gt3A_741 = vector.broadcast %gt3A_740 : f32 to vector<16xf32>
        %gt3A_742 = arith.cmpf ogt, %div3A_733, %gt3A_741 : vector<16xf32>
        %or3A_743 = arith.ori %gt3A_742, %eq3A_739 : vector<16xi1>
        %jit3A_744 = arith.constant -1.000000e+00 : f32
        %broadcast_in_dim3A_745 = vector.broadcast %jit3A_744 : f32 to vector<16xf32>
        %select_n3A_746 = arith.select %or3A_743, %broadcast_in_dim3A_745, %get3A_699 : vector<16xi1>, vector<16xf32>
        %swap3A_747 = arith.index_cast %mul3A_697 : i32 to index
        %swap3A_748 = tpu.vector_load %arg7[%swap3A_747] {strides = array<i32>} : memref<528xf32, #tpu.memory_space<vmem>>, vector<16xf32>,
        tpu.vector_store %arg7[%swap3A_747], %select_n3A_746 {strides = array<i32>} : memref<528xf32, #tpu.memory_space<vmem>>, vector<16xf32>,
        %gt3A_749 = arith.cmpf ogt, %select_n3A_746, %select_n3A_692 : vector<16xf32>
        %select_n3A_750 = arith.select %gt3A_749, %select_n3A_746, %select_n3A_692 : vector<16xi1>, vector<16xf32>
        %broadcast_in_dim3A_751 = vector.broadcast %scan3A_695 : i32 to vector<16xi32>
        %select_n3A_752 = arith.select %gt3A_749, %broadcast_in_dim3A_751, %select_n3A_694 : vector<16xi1>, vector<16xi32>
        %scan3A_753 = arith.constant 10 : i32
        %mul3A_754 = arith.constant 16 : i32
        %mul3A_755 = arith.muli %scan3A_753, %mul3A_754 : i32
        %get3A_756 = arith.index_cast %mul3A_755 : i32 to index
        %get3A_757 = tpu.vector_load %arg7[%get3A_756] {strides = array<i32>} : memref<528xf32, #tpu.memory_space<vmem>>, vector<16xf32>,
        %get3A_758 = arith.index_cast %mul3A_755 : i32 to index
        %get3A_759 = tpu.vector_load %arg13[%get3A_758] {strides = array<i32>} : memref<528xf32, #tpu.memory_space<vmem>>, vector<16xf32>,
        %get3A_760 = arith.index_cast %mul3A_755 : i32 to index
        %get3A_761 = tpu.vector_load %arg14[%get3A_760] {strides = array<i32>} : memref<528xf32, #tpu.memory_space<vmem>>, vector<16xf32>,
        %get3A_762 = arith.index_cast %mul3A_755 : i32 to index
        %get3A_763 = tpu.vector_load %arg15[%get3A_762] {strides = array<i32>} : memref<528xf32, #tpu.memory_space<vmem>>, vector<16xf32>,
        %get3A_764 = arith.index_cast %mul3A_755 : i32 to index
        %get3A_765 = tpu.vector_load %arg16[%get3A_764] {strides = array<i32>} : memref<528xf32, #tpu.memory_space<vmem>>, vector<16xf32>,
        %get3A_766 = arith.index_cast %mul3A_755 : i32 to index
        %get3A_767 = tpu.vector_load %arg17[%get3A_766] {strides = array<i32>} : memref<528xf32, #tpu.memory_space<vmem>>, vector<16xf32>,
        %max3A_768 = vector.broadcast %squeeze3A_158 : f32 to vector<16xf32>
        %max3A_769 = arith.maximumf %max3A_768, %get3A_759 : vector<16xf32>
        %max3A_770 = vector.broadcast %squeeze3A_162 : f32 to vector<16xf32>
        %max3A_771 = arith.maximumf %max3A_770, %get3A_761 : vector<16xf32>
        %min3A_772 = vector.broadcast %squeeze3A_166 : f32 to vector<16xf32>
        %min3A_773 = arith.minimumf %min3A_772, %get3A_763 : vector<16xf32>
        %min3A_774 = vector.broadcast %squeeze3A_170 : f32 to vector<16xf32>
        %min3A_775 = arith.minimumf %min3A_774, %get3A_765 : vector<16xf32>
        %sub3A_776 = arith.subf %min3A_773, %max3A_769 : vector<16xf32>
        %max3A_777 = arith.constant 0.000000e+00 : f32
        %max3A_778 = vector.broadcast %max3A_777 : f32 to vector<16xf32>
        %max3A_779 = arith.maximumf %sub3A_776, %max3A_778 : vector<16xf32>
        %sub3A_780 = arith.subf %min3A_775, %max3A_771 : vector<16xf32>
        %max3A_781 = arith.constant 0.000000e+00 : f32
        %max3A_782 = vector.broadcast %max3A_781 : f32 to vector<16xf32>
        %max3A_783 = arith.maximumf %sub3A_780, %max3A_782 : vector<16xf32>
        %mul3A_784 = arith.mulf %max3A_779, %max3A_783 : vector<16xf32>
        %add3A_785 = vector.broadcast %mul3A_173 : f32 to vector<16xf32>
        %add3A_786 = arith.addf %add3A_785, %get3A_767 : vector<16xf32>
        %sub3A_787 = arith.subf %add3A_786, %mul3A_784 : vector<16xf32>
        %add3A_788 = arith.constant 9.99999971E-10 : f32
        %add3A_789 = vector.broadcast %add3A_788 : f32 to vector<16xf32>
        %add3A_790 = arith.addf %sub3A_787, %add3A_789 : vector<16xf32>
        %div3A_791 = arith.divf %mul3A_784, %add3A_790 : vector<16xf32>
        %mul3A_792 = arith.constant 16 : i32
        %mul3A_793 = arith.muli %scan3A_753, %mul3A_792 : i32
        %add3A_794 = vector.broadcast %mul3A_793 : i32 to vector<16xi32>
        %add3A_795 = arith.addi %add3A_794, %iota3A : vector<16xi32>
        %eq3A_796 = vector.broadcast %min3A_152 : i32 to vector<16xi32>
        %eq3A_797 = arith.cmpi eq, %add3A_795, %eq3A_796 : vector<16xi32>
        %gt3A_798 = arith.constant 6.000000e-01 : f32
        %gt3A_799 = vector.broadcast %gt3A_798 : f32 to vector<16xf32>
        %gt3A_800 = arith.cmpf ogt, %div3A_791, %gt3A_799 : vector<16xf32>
        %or3A_801 = arith.ori %gt3A_800, %eq3A_797 : vector<16xi1>
        %jit3A_802 = arith.constant -1.000000e+00 : f32
        %broadcast_in_dim3A_803 = vector.broadcast %jit3A_802 : f32 to vector<16xf32>
        %select_n3A_804 = arith.select %or3A_801, %broadcast_in_dim3A_803, %get3A_757 : vector<16xi1>, vector<16xf32>
        %swap3A_805 = arith.index_cast %mul3A_755 : i32 to index
        %swap3A_806 = tpu.vector_load %arg7[%swap3A_805] {strides = array<i32>} : memref<528xf32, #tpu.memory_space<vmem>>, vector<16xf32>,
        tpu.vector_store %arg7[%swap3A_805], %select_n3A_804 {strides = array<i32>} : memref<528xf32, #tpu.memory_space<vmem>>, vector<16xf32>,
        %gt3A_807 = arith.cmpf ogt, %select_n3A_804, %select_n3A_750 : vector<16xf32>
        %select_n3A_808 = arith.select %gt3A_807, %select_n3A_804, %select_n3A_750 : vector<16xi1>, vector<16xf32>
        %broadcast_in_dim3A_809 = vector.broadcast %scan3A_753 : i32 to vector<16xi32>
        %select_n3A_810 = arith.select %gt3A_807, %broadcast_in_dim3A_809, %select_n3A_752 : vector<16xi1>, vector<16xi32>
        %scan3A_811 = arith.constant 11 : i32
        %mul3A_812 = arith.constant 16 : i32
        %mul3A_813 = arith.muli %scan3A_811, %mul3A_812 : i32
        %get3A_814 = arith.index_cast %mul3A_813 : i32 to index
        %get3A_815 = tpu.vector_load %arg7[%get3A_814] {strides = array<i32>} : memref<528xf32, #tpu.memory_space<vmem>>, vector<16xf32>,
        %get3A_816 = arith.index_cast %mul3A_813 : i32 to index
        %get3A_817 = tpu.vector_load %arg13[%get3A_816] {strides = array<i32>} : memref<528xf32, #tpu.memory_space<vmem>>, vector<16xf32>,
        %get3A_818 = arith.index_cast %mul3A_813 : i32 to index
        %get3A_819 = tpu.vector_load %arg14[%get3A_818] {strides = array<i32>} : memref<528xf32, #tpu.memory_space<vmem>>, vector<16xf32>,
        %get3A_820 = arith.index_cast %mul3A_813 : i32 to index
        %get3A_821 = tpu.vector_load %arg15[%get3A_820] {strides = array<i32>} : memref<528xf32, #tpu.memory_space<vmem>>, vector<16xf32>,
        %get3A_822 = arith.index_cast %mul3A_813 : i32 to index
        %get3A_823 = tpu.vector_load %arg16[%get3A_822] {strides = array<i32>} : memref<528xf32, #tpu.memory_space<vmem>>, vector<16xf32>,
        %get3A_824 = arith.index_cast %mul3A_813 : i32 to index
        %get3A_825 = tpu.vector_load %arg17[%get3A_824] {strides = array<i32>} : memref<528xf32, #tpu.memory_space<vmem>>, vector<16xf32>,
        %max3A_826 = vector.broadcast %squeeze3A_158 : f32 to vector<16xf32>
        %max3A_827 = arith.maximumf %max3A_826, %get3A_817 : vector<16xf32>
        %max3A_828 = vector.broadcast %squeeze3A_162 : f32 to vector<16xf32>
        %max3A_829 = arith.maximumf %max3A_828, %get3A_819 : vector<16xf32>
        %min3A_830 = vector.broadcast %squeeze3A_166 : f32 to vector<16xf32>
        %min3A_831 = arith.minimumf %min3A_830, %get3A_821 : vector<16xf32>
        %min3A_832 = vector.broadcast %squeeze3A_170 : f32 to vector<16xf32>
        %min3A_833 = arith.minimumf %min3A_832, %get3A_823 : vector<16xf32>
        %sub3A_834 = arith.subf %min3A_831, %max3A_827 : vector<16xf32>
        %max3A_835 = arith.constant 0.000000e+00 : f32
        %max3A_836 = vector.broadcast %max3A_835 : f32 to vector<16xf32>
        %max3A_837 = arith.maximumf %sub3A_834, %max3A_836 : vector<16xf32>
        %sub3A_838 = arith.subf %min3A_833, %max3A_829 : vector<16xf32>
        %max3A_839 = arith.constant 0.000000e+00 : f32
        %max3A_840 = vector.broadcast %max3A_839 : f32 to vector<16xf32>
        %max3A_841 = arith.maximumf %sub3A_838, %max3A_840 : vector<16xf32>
        %mul3A_842 = arith.mulf %max3A_837, %max3A_841 : vector<16xf32>
        %add3A_843 = vector.broadcast %mul3A_173 : f32 to vector<16xf32>
        %add3A_844 = arith.addf %add3A_843, %get3A_825 : vector<16xf32>
        %sub3A_845 = arith.subf %add3A_844, %mul3A_842 : vector<16xf32>
        %add3A_846 = arith.constant 9.99999971E-10 : f32
        %add3A_847 = vector.broadcast %add3A_846 : f32 to vector<16xf32>
        %add3A_848 = arith.addf %sub3A_845, %add3A_847 : vector<16xf32>
        %div3A_849 = arith.divf %mul3A_842, %add3A_848 : vector<16xf32>
        %mul3A_850 = arith.constant 16 : i32
        %mul3A_851 = arith.muli %scan3A_811, %mul3A_850 : i32
        %add3A_852 = vector.broadcast %mul3A_851 : i32 to vector<16xi32>
        %add3A_853 = arith.addi %add3A_852, %iota3A : vector<16xi32>
        %eq3A_854 = vector.broadcast %min3A_152 : i32 to vector<16xi32>
        %eq3A_855 = arith.cmpi eq, %add3A_853, %eq3A_854 : vector<16xi32>
        %gt3A_856 = arith.constant 6.000000e-01 : f32
        %gt3A_857 = vector.broadcast %gt3A_856 : f32 to vector<16xf32>
        %gt3A_858 = arith.cmpf ogt, %div3A_849, %gt3A_857 : vector<16xf32>
        %or3A_859 = arith.ori %gt3A_858, %eq3A_855 : vector<16xi1>
        %jit3A_860 = arith.constant -1.000000e+00 : f32
        %broadcast_in_dim3A_861 = vector.broadcast %jit3A_860 : f32 to vector<16xf32>
        %select_n3A_862 = arith.select %or3A_859, %broadcast_in_dim3A_861, %get3A_815 : vector<16xi1>, vector<16xf32>
        %swap3A_863 = arith.index_cast %mul3A_813 : i32 to index
        %swap3A_864 = tpu.vector_load %arg7[%swap3A_863] {strides = array<i32>} : memref<528xf32, #tpu.memory_space<vmem>>, vector<16xf32>,
        tpu.vector_store %arg7[%swap3A_863], %select_n3A_862 {strides = array<i32>} : memref<528xf32, #tpu.memory_space<vmem>>, vector<16xf32>,
        %gt3A_865 = arith.cmpf ogt, %select_n3A_862, %select_n3A_808 : vector<16xf32>
        %select_n3A_866 = arith.select %gt3A_865, %select_n3A_862, %select_n3A_808 : vector<16xi1>, vector<16xf32>
        %broadcast_in_dim3A_867 = vector.broadcast %scan3A_811 : i32 to vector<16xi32>
        %select_n3A_868 = arith.select %gt3A_865, %broadcast_in_dim3A_867, %select_n3A_810 : vector<16xi1>, vector<16xi32>
        %scan3A_869 = arith.constant 12 : i32
        %mul3A_870 = arith.constant 16 : i32
        %mul3A_871 = arith.muli %scan3A_869, %mul3A_870 : i32
        %get3A_872 = arith.index_cast %mul3A_871 : i32 to index
        %get3A_873 = tpu.vector_load %arg7[%get3A_872] {strides = array<i32>} : memref<528xf32, #tpu.memory_space<vmem>>, vector<16xf32>,
        %get3A_874 = arith.index_cast %mul3A_871 : i32 to index
        %get3A_875 = tpu.vector_load %arg13[%get3A_874] {strides = array<i32>} : memref<528xf32, #tpu.memory_space<vmem>>, vector<16xf32>,
        %get3A_876 = arith.index_cast %mul3A_871 : i32 to index
        %get3A_877 = tpu.vector_load %arg14[%get3A_876] {strides = array<i32>} : memref<528xf32, #tpu.memory_space<vmem>>, vector<16xf32>,
        %get3A_878 = arith.index_cast %mul3A_871 : i32 to index
        %get3A_879 = tpu.vector_load %arg15[%get3A_878] {strides = array<i32>} : memref<528xf32, #tpu.memory_space<vmem>>, vector<16xf32>,
        %get3A_880 = arith.index_cast %mul3A_871 : i32 to index
        %get3A_881 = tpu.vector_load %arg16[%get3A_880] {strides = array<i32>} : memref<528xf32, #tpu.memory_space<vmem>>, vector<16xf32>,
        %get3A_882 = arith.index_cast %mul3A_871 : i32 to index
        %get3A_883 = tpu.vector_load %arg17[%get3A_882] {strides = array<i32>} : memref<528xf32, #tpu.memory_space<vmem>>, vector<16xf32>,
        %max3A_884 = vector.broadcast %squeeze3A_158 : f32 to vector<16xf32>
        %max3A_885 = arith.maximumf %max3A_884, %get3A_875 : vector<16xf32>
        %max3A_886 = vector.broadcast %squeeze3A_162 : f32 to vector<16xf32>
        %max3A_887 = arith.maximumf %max3A_886, %get3A_877 : vector<16xf32>
        %min3A_888 = vector.broadcast %squeeze3A_166 : f32 to vector<16xf32>
        %min3A_889 = arith.minimumf %min3A_888, %get3A_879 : vector<16xf32>
        %min3A_890 = vector.broadcast %squeeze3A_170 : f32 to vector<16xf32>
        %min3A_891 = arith.minimumf %min3A_890, %get3A_881 : vector<16xf32>
        %sub3A_892 = arith.subf %min3A_889, %max3A_885 : vector<16xf32>
        %max3A_893 = arith.constant 0.000000e+00 : f32
        %max3A_894 = vector.broadcast %max3A_893 : f32 to vector<16xf32>
        %max3A_895 = arith.maximumf %sub3A_892, %max3A_894 : vector<16xf32>
        %sub3A_896 = arith.subf %min3A_891, %max3A_887 : vector<16xf32>
        %max3A_897 = arith.constant 0.000000e+00 : f32
        %max3A_898 = vector.broadcast %max3A_897 : f32 to vector<16xf32>
        %max3A_899 = arith.maximumf %sub3A_896, %max3A_898 : vector<16xf32>
        %mul3A_900 = arith.mulf %max3A_895, %max3A_899 : vector<16xf32>
        %add3A_901 = vector.broadcast %mul3A_173 : f32 to vector<16xf32>
        %add3A_902 = arith.addf %add3A_901, %get3A_883 : vector<16xf32>
        %sub3A_903 = arith.subf %add3A_902, %mul3A_900 : vector<16xf32>
        %add3A_904 = arith.constant 9.99999971E-10 : f32
        %add3A_905 = vector.broadcast %add3A_904 : f32 to vector<16xf32>
        %add3A_906 = arith.addf %sub3A_903, %add3A_905 : vector<16xf32>
        %div3A_907 = arith.divf %mul3A_900, %add3A_906 : vector<16xf32>
        %mul3A_908 = arith.constant 16 : i32
        %mul3A_909 = arith.muli %scan3A_869, %mul3A_908 : i32
        %add3A_910 = vector.broadcast %mul3A_909 : i32 to vector<16xi32>
        %add3A_911 = arith.addi %add3A_910, %iota3A : vector<16xi32>
        %eq3A_912 = vector.broadcast %min3A_152 : i32 to vector<16xi32>
        %eq3A_913 = arith.cmpi eq, %add3A_911, %eq3A_912 : vector<16xi32>
        %gt3A_914 = arith.constant 6.000000e-01 : f32
        %gt3A_915 = vector.broadcast %gt3A_914 : f32 to vector<16xf32>
        %gt3A_916 = arith.cmpf ogt, %div3A_907, %gt3A_915 : vector<16xf32>
        %or3A_917 = arith.ori %gt3A_916, %eq3A_913 : vector<16xi1>
        %jit3A_918 = arith.constant -1.000000e+00 : f32
        %broadcast_in_dim3A_919 = vector.broadcast %jit3A_918 : f32 to vector<16xf32>
        %select_n3A_920 = arith.select %or3A_917, %broadcast_in_dim3A_919, %get3A_873 : vector<16xi1>, vector<16xf32>
        %swap3A_921 = arith.index_cast %mul3A_871 : i32 to index
        %swap3A_922 = tpu.vector_load %arg7[%swap3A_921] {strides = array<i32>} : memref<528xf32, #tpu.memory_space<vmem>>, vector<16xf32>,
        tpu.vector_store %arg7[%swap3A_921], %select_n3A_920 {strides = array<i32>} : memref<528xf32, #tpu.memory_space<vmem>>, vector<16xf32>,
        %gt3A_923 = arith.cmpf ogt, %select_n3A_920, %select_n3A_866 : vector<16xf32>
        %select_n3A_924 = arith.select %gt3A_923, %select_n3A_920, %select_n3A_866 : vector<16xi1>, vector<16xf32>
        %broadcast_in_dim3A_925 = vector.broadcast %scan3A_869 : i32 to vector<16xi32>
        %select_n3A_926 = arith.select %gt3A_923, %broadcast_in_dim3A_925, %select_n3A_868 : vector<16xi1>, vector<16xi32>
        %scan3A_927 = arith.constant 13 : i32
        %mul3A_928 = arith.constant 16 : i32
        %mul3A_929 = arith.muli %scan3A_927, %mul3A_928 : i32
        %get3A_930 = arith.index_cast %mul3A_929 : i32 to index
        %get3A_931 = tpu.vector_load %arg7[%get3A_930] {strides = array<i32>} : memref<528xf32, #tpu.memory_space<vmem>>, vector<16xf32>,
        %get3A_932 = arith.index_cast %mul3A_929 : i32 to index
        %get3A_933 = tpu.vector_load %arg13[%get3A_932] {strides = array<i32>} : memref<528xf32, #tpu.memory_space<vmem>>, vector<16xf32>,
        %get3A_934 = arith.index_cast %mul3A_929 : i32 to index
        %get3A_935 = tpu.vector_load %arg14[%get3A_934] {strides = array<i32>} : memref<528xf32, #tpu.memory_space<vmem>>, vector<16xf32>,
        %get3A_936 = arith.index_cast %mul3A_929 : i32 to index
        %get3A_937 = tpu.vector_load %arg15[%get3A_936] {strides = array<i32>} : memref<528xf32, #tpu.memory_space<vmem>>, vector<16xf32>,
        %get3A_938 = arith.index_cast %mul3A_929 : i32 to index
        %get3A_939 = tpu.vector_load %arg16[%get3A_938] {strides = array<i32>} : memref<528xf32, #tpu.memory_space<vmem>>, vector<16xf32>,
        %get3A_940 = arith.index_cast %mul3A_929 : i32 to index
        %get3A_941 = tpu.vector_load %arg17[%get3A_940] {strides = array<i32>} : memref<528xf32, #tpu.memory_space<vmem>>, vector<16xf32>,
        %max3A_942 = vector.broadcast %squeeze3A_158 : f32 to vector<16xf32>
        %max3A_943 = arith.maximumf %max3A_942, %get3A_933 : vector<16xf32>
        %max3A_944 = vector.broadcast %squeeze3A_162 : f32 to vector<16xf32>
        %max3A_945 = arith.maximumf %max3A_944, %get3A_935 : vector<16xf32>
        %min3A_946 = vector.broadcast %squeeze3A_166 : f32 to vector<16xf32>
        %min3A_947 = arith.minimumf %min3A_946, %get3A_937 : vector<16xf32>
        %min3A_948 = vector.broadcast %squeeze3A_170 : f32 to vector<16xf32>
        %min3A_949 = arith.minimumf %min3A_948, %get3A_939 : vector<16xf32>
        %sub3A_950 = arith.subf %min3A_947, %max3A_943 : vector<16xf32>
        %max3A_951 = arith.constant 0.000000e+00 : f32
        %max3A_952 = vector.broadcast %max3A_951 : f32 to vector<16xf32>
        %max3A_953 = arith.maximumf %sub3A_950, %max3A_952 : vector<16xf32>
        %sub3A_954 = arith.subf %min3A_949, %max3A_945 : vector<16xf32>
        %max3A_955 = arith.constant 0.000000e+00 : f32
        %max3A_956 = vector.broadcast %max3A_955 : f32 to vector<16xf32>
        %max3A_957 = arith.maximumf %sub3A_954, %max3A_956 : vector<16xf32>
        %mul3A_958 = arith.mulf %max3A_953, %max3A_957 : vector<16xf32>
        %add3A_959 = vector.broadcast %mul3A_173 : f32 to vector<16xf32>
        %add3A_960 = arith.addf %add3A_959, %get3A_941 : vector<16xf32>
        %sub3A_961 = arith.subf %add3A_960, %mul3A_958 : vector<16xf32>
        %add3A_962 = arith.constant 9.99999971E-10 : f32
        %add3A_963 = vector.broadcast %add3A_962 : f32 to vector<16xf32>
        %add3A_964 = arith.addf %sub3A_961, %add3A_963 : vector<16xf32>
        %div3A_965 = arith.divf %mul3A_958, %add3A_964 : vector<16xf32>
        %mul3A_966 = arith.constant 16 : i32
        %mul3A_967 = arith.muli %scan3A_927, %mul3A_966 : i32
        %add3A_968 = vector.broadcast %mul3A_967 : i32 to vector<16xi32>
        %add3A_969 = arith.addi %add3A_968, %iota3A : vector<16xi32>
        %eq3A_970 = vector.broadcast %min3A_152 : i32 to vector<16xi32>
        %eq3A_971 = arith.cmpi eq, %add3A_969, %eq3A_970 : vector<16xi32>
        %gt3A_972 = arith.constant 6.000000e-01 : f32
        %gt3A_973 = vector.broadcast %gt3A_972 : f32 to vector<16xf32>
        %gt3A_974 = arith.cmpf ogt, %div3A_965, %gt3A_973 : vector<16xf32>
        %or3A_975 = arith.ori %gt3A_974, %eq3A_971 : vector<16xi1>
        %jit3A_976 = arith.constant -1.000000e+00 : f32
        %broadcast_in_dim3A_977 = vector.broadcast %jit3A_976 : f32 to vector<16xf32>
        %select_n3A_978 = arith.select %or3A_975, %broadcast_in_dim3A_977, %get3A_931 : vector<16xi1>, vector<16xf32>
        %swap3A_979 = arith.index_cast %mul3A_929 : i32 to index
        %swap3A_980 = tpu.vector_load %arg7[%swap3A_979] {strides = array<i32>} : memref<528xf32, #tpu.memory_space<vmem>>, vector<16xf32>,
        tpu.vector_store %arg7[%swap3A_979], %select_n3A_978 {strides = array<i32>} : memref<528xf32, #tpu.memory_space<vmem>>, vector<16xf32>,
        %gt3A_981 = arith.cmpf ogt, %select_n3A_978, %select_n3A_924 : vector<16xf32>
        %select_n3A_982 = arith.select %gt3A_981, %select_n3A_978, %select_n3A_924 : vector<16xi1>, vector<16xf32>
        %broadcast_in_dim3A_983 = vector.broadcast %scan3A_927 : i32 to vector<16xi32>
        %select_n3A_984 = arith.select %gt3A_981, %broadcast_in_dim3A_983, %select_n3A_926 : vector<16xi1>, vector<16xi32>
        %scan3A_985 = arith.constant 14 : i32
        %mul3A_986 = arith.constant 16 : i32
        %mul3A_987 = arith.muli %scan3A_985, %mul3A_986 : i32
        %get3A_988 = arith.index_cast %mul3A_987 : i32 to index
        %get3A_989 = tpu.vector_load %arg7[%get3A_988] {strides = array<i32>} : memref<528xf32, #tpu.memory_space<vmem>>, vector<16xf32>,
        %get3A_990 = arith.index_cast %mul3A_987 : i32 to index
        %get3A_991 = tpu.vector_load %arg13[%get3A_990] {strides = array<i32>} : memref<528xf32, #tpu.memory_space<vmem>>, vector<16xf32>,
        %get3A_992 = arith.index_cast %mul3A_987 : i32 to index
        %get3A_993 = tpu.vector_load %arg14[%get3A_992] {strides = array<i32>} : memref<528xf32, #tpu.memory_space<vmem>>, vector<16xf32>,
        %get3A_994 = arith.index_cast %mul3A_987 : i32 to index
        %get3A_995 = tpu.vector_load %arg15[%get3A_994] {strides = array<i32>} : memref<528xf32, #tpu.memory_space<vmem>>, vector<16xf32>,
        %get3A_996 = arith.index_cast %mul3A_987 : i32 to index
        %get3A_997 = tpu.vector_load %arg16[%get3A_996] {strides = array<i32>} : memref<528xf32, #tpu.memory_space<vmem>>, vector<16xf32>,
        %get3A_998 = arith.index_cast %mul3A_987 : i32 to index
        %get3A_999 = tpu.vector_load %arg17[%get3A_998] {strides = array<i32>} : memref<528xf32, #tpu.memory_space<vmem>>, vector<16xf32>,
        %max3A_1000 = vector.broadcast %squeeze3A_158 : f32 to vector<16xf32>
        %max3A_1001 = arith.maximumf %max3A_1000, %get3A_991 : vector<16xf32>
        %max3A_1002 = vector.broadcast %squeeze3A_162 : f32 to vector<16xf32>
        %max3A_1003 = arith.maximumf %max3A_1002, %get3A_993 : vector<16xf32>
        %min3A_1004 = vector.broadcast %squeeze3A_166 : f32 to vector<16xf32>
        %min3A_1005 = arith.minimumf %min3A_1004, %get3A_995 : vector<16xf32>
        %min3A_1006 = vector.broadcast %squeeze3A_170 : f32 to vector<16xf32>
        %min3A_1007 = arith.minimumf %min3A_1006, %get3A_997 : vector<16xf32>
        %sub3A_1008 = arith.subf %min3A_1005, %max3A_1001 : vector<16xf32>
        %max3A_1009 = arith.constant 0.000000e+00 : f32
        %max3A_1010 = vector.broadcast %max3A_1009 : f32 to vector<16xf32>
        %max3A_1011 = arith.maximumf %sub3A_1008, %max3A_1010 : vector<16xf32>
        %sub3A_1012 = arith.subf %min3A_1007, %max3A_1003 : vector<16xf32>
        %max3A_1013 = arith.constant 0.000000e+00 : f32
        %max3A_1014 = vector.broadcast %max3A_1013 : f32 to vector<16xf32>
        %max3A_1015 = arith.maximumf %sub3A_1012, %max3A_1014 : vector<16xf32>
        %mul3A_1016 = arith.mulf %max3A_1011, %max3A_1015 : vector<16xf32>
        %add3A_1017 = vector.broadcast %mul3A_173 : f32 to vector<16xf32>
        %add3A_1018 = arith.addf %add3A_1017, %get3A_999 : vector<16xf32>
        %sub3A_1019 = arith.subf %add3A_1018, %mul3A_1016 : vector<16xf32>
        %add3A_1020 = arith.constant 9.99999971E-10 : f32
        %add3A_1021 = vector.broadcast %add3A_1020 : f32 to vector<16xf32>
        %add3A_1022 = arith.addf %sub3A_1019, %add3A_1021 : vector<16xf32>
        %div3A_1023 = arith.divf %mul3A_1016, %add3A_1022 : vector<16xf32>
        %mul3A_1024 = arith.constant 16 : i32
        %mul3A_1025 = arith.muli %scan3A_985, %mul3A_1024 : i32
        %add3A_1026 = vector.broadcast %mul3A_1025 : i32 to vector<16xi32>
        %add3A_1027 = arith.addi %add3A_1026, %iota3A : vector<16xi32>
        %eq3A_1028 = vector.broadcast %min3A_152 : i32 to vector<16xi32>
        %eq3A_1029 = arith.cmpi eq, %add3A_1027, %eq3A_1028 : vector<16xi32>
        %gt3A_1030 = arith.constant 6.000000e-01 : f32
        %gt3A_1031 = vector.broadcast %gt3A_1030 : f32 to vector<16xf32>
        %gt3A_1032 = arith.cmpf ogt, %div3A_1023, %gt3A_1031 : vector<16xf32>
        %or3A_1033 = arith.ori %gt3A_1032, %eq3A_1029 : vector<16xi1>
        %jit3A_1034 = arith.constant -1.000000e+00 : f32
        %broadcast_in_dim3A_1035 = vector.broadcast %jit3A_1034 : f32 to vector<16xf32>
        %select_n3A_1036 = arith.select %or3A_1033, %broadcast_in_dim3A_1035, %get3A_989 : vector<16xi1>, vector<16xf32>
        %swap3A_1037 = arith.index_cast %mul3A_987 : i32 to index
        %swap3A_1038 = tpu.vector_load %arg7[%swap3A_1037] {strides = array<i32>} : memref<528xf32, #tpu.memory_space<vmem>>, vector<16xf32>,
        tpu.vector_store %arg7[%swap3A_1037], %select_n3A_1036 {strides = array<i32>} : memref<528xf32, #tpu.memory_space<vmem>>, vector<16xf32>,
        %gt3A_1039 = arith.cmpf ogt, %select_n3A_1036, %select_n3A_982 : vector<16xf32>
        %select_n3A_1040 = arith.select %gt3A_1039, %select_n3A_1036, %select_n3A_982 : vector<16xi1>, vector<16xf32>
        %broadcast_in_dim3A_1041 = vector.broadcast %scan3A_985 : i32 to vector<16xi32>
        %select_n3A_1042 = arith.select %gt3A_1039, %broadcast_in_dim3A_1041, %select_n3A_984 : vector<16xi1>, vector<16xi32>
        %scan3A_1043 = arith.constant 15 : i32
        %mul3A_1044 = arith.constant 16 : i32
        %mul3A_1045 = arith.muli %scan3A_1043, %mul3A_1044 : i32
        %get3A_1046 = arith.index_cast %mul3A_1045 : i32 to index
        %get3A_1047 = tpu.vector_load %arg7[%get3A_1046] {strides = array<i32>} : memref<528xf32, #tpu.memory_space<vmem>>, vector<16xf32>,
        %get3A_1048 = arith.index_cast %mul3A_1045 : i32 to index
        %get3A_1049 = tpu.vector_load %arg13[%get3A_1048] {strides = array<i32>} : memref<528xf32, #tpu.memory_space<vmem>>, vector<16xf32>,
        %get3A_1050 = arith.index_cast %mul3A_1045 : i32 to index
        %get3A_1051 = tpu.vector_load %arg14[%get3A_1050] {strides = array<i32>} : memref<528xf32, #tpu.memory_space<vmem>>, vector<16xf32>,
        %get3A_1052 = arith.index_cast %mul3A_1045 : i32 to index
        %get3A_1053 = tpu.vector_load %arg15[%get3A_1052] {strides = array<i32>} : memref<528xf32, #tpu.memory_space<vmem>>, vector<16xf32>,
        %get3A_1054 = arith.index_cast %mul3A_1045 : i32 to index
        %get3A_1055 = tpu.vector_load %arg16[%get3A_1054] {strides = array<i32>} : memref<528xf32, #tpu.memory_space<vmem>>, vector<16xf32>,
        %get3A_1056 = arith.index_cast %mul3A_1045 : i32 to index
        %get3A_1057 = tpu.vector_load %arg17[%get3A_1056] {strides = array<i32>} : memref<528xf32, #tpu.memory_space<vmem>>, vector<16xf32>,
        %max3A_1058 = vector.broadcast %squeeze3A_158 : f32 to vector<16xf32>
        %max3A_1059 = arith.maximumf %max3A_1058, %get3A_1049 : vector<16xf32>
        %max3A_1060 = vector.broadcast %squeeze3A_162 : f32 to vector<16xf32>
        %max3A_1061 = arith.maximumf %max3A_1060, %get3A_1051 : vector<16xf32>
        %min3A_1062 = vector.broadcast %squeeze3A_166 : f32 to vector<16xf32>
        %min3A_1063 = arith.minimumf %min3A_1062, %get3A_1053 : vector<16xf32>
        %min3A_1064 = vector.broadcast %squeeze3A_170 : f32 to vector<16xf32>
        %min3A_1065 = arith.minimumf %min3A_1064, %get3A_1055 : vector<16xf32>
        %sub3A_1066 = arith.subf %min3A_1063, %max3A_1059 : vector<16xf32>
        %max3A_1067 = arith.constant 0.000000e+00 : f32
        %max3A_1068 = vector.broadcast %max3A_1067 : f32 to vector<16xf32>
        %max3A_1069 = arith.maximumf %sub3A_1066, %max3A_1068 : vector<16xf32>
        %sub3A_1070 = arith.subf %min3A_1065, %max3A_1061 : vector<16xf32>
        %max3A_1071 = arith.constant 0.000000e+00 : f32
        %max3A_1072 = vector.broadcast %max3A_1071 : f32 to vector<16xf32>
        %max3A_1073 = arith.maximumf %sub3A_1070, %max3A_1072 : vector<16xf32>
        %mul3A_1074 = arith.mulf %max3A_1069, %max3A_1073 : vector<16xf32>
        %add3A_1075 = vector.broadcast %mul3A_173 : f32 to vector<16xf32>
        %add3A_1076 = arith.addf %add3A_1075, %get3A_1057 : vector<16xf32>
        %sub3A_1077 = arith.subf %add3A_1076, %mul3A_1074 : vector<16xf32>
        %add3A_1078 = arith.constant 9.99999971E-10 : f32
        %add3A_1079 = vector.broadcast %add3A_1078 : f32 to vector<16xf32>
        %add3A_1080 = arith.addf %sub3A_1077, %add3A_1079 : vector<16xf32>
        %div3A_1081 = arith.divf %mul3A_1074, %add3A_1080 : vector<16xf32>
        %mul3A_1082 = arith.constant 16 : i32
        %mul3A_1083 = arith.muli %scan3A_1043, %mul3A_1082 : i32
        %add3A_1084 = vector.broadcast %mul3A_1083 : i32 to vector<16xi32>
        %add3A_1085 = arith.addi %add3A_1084, %iota3A : vector<16xi32>
        %eq3A_1086 = vector.broadcast %min3A_152 : i32 to vector<16xi32>
        %eq3A_1087 = arith.cmpi eq, %add3A_1085, %eq3A_1086 : vector<16xi32>
        %gt3A_1088 = arith.constant 6.000000e-01 : f32
        %gt3A_1089 = vector.broadcast %gt3A_1088 : f32 to vector<16xf32>
        %gt3A_1090 = arith.cmpf ogt, %div3A_1081, %gt3A_1089 : vector<16xf32>
        %or3A_1091 = arith.ori %gt3A_1090, %eq3A_1087 : vector<16xi1>
        %jit3A_1092 = arith.constant -1.000000e+00 : f32
        %broadcast_in_dim3A_1093 = vector.broadcast %jit3A_1092 : f32 to vector<16xf32>
        %select_n3A_1094 = arith.select %or3A_1091, %broadcast_in_dim3A_1093, %get3A_1047 : vector<16xi1>, vector<16xf32>
        %swap3A_1095 = arith.index_cast %mul3A_1045 : i32 to index
        %swap3A_1096 = tpu.vector_load %arg7[%swap3A_1095] {strides = array<i32>} : memref<528xf32, #tpu.memory_space<vmem>>, vector<16xf32>,
        tpu.vector_store %arg7[%swap3A_1095], %select_n3A_1094 {strides = array<i32>} : memref<528xf32, #tpu.memory_space<vmem>>, vector<16xf32>,
        %gt3A_1097 = arith.cmpf ogt, %select_n3A_1094, %select_n3A_1040 : vector<16xf32>
        %select_n3A_1098 = arith.select %gt3A_1097, %select_n3A_1094, %select_n3A_1040 : vector<16xi1>, vector<16xf32>
        %broadcast_in_dim3A_1099 = vector.broadcast %scan3A_1043 : i32 to vector<16xi32>
        %select_n3A_1100 = arith.select %gt3A_1097, %broadcast_in_dim3A_1099, %select_n3A_1042 : vector<16xi1>, vector<16xi32>
        %scan3A_1101 = arith.constant 16 : i32
        %mul3A_1102 = arith.constant 16 : i32
        %mul3A_1103 = arith.muli %scan3A_1101, %mul3A_1102 : i32
        %get3A_1104 = arith.index_cast %mul3A_1103 : i32 to index
        %get3A_1105 = tpu.vector_load %arg7[%get3A_1104] {strides = array<i32>} : memref<528xf32, #tpu.memory_space<vmem>>, vector<16xf32>,
        %get3A_1106 = arith.index_cast %mul3A_1103 : i32 to index
        %get3A_1107 = tpu.vector_load %arg13[%get3A_1106] {strides = array<i32>} : memref<528xf32, #tpu.memory_space<vmem>>, vector<16xf32>,
        %get3A_1108 = arith.index_cast %mul3A_1103 : i32 to index
        %get3A_1109 = tpu.vector_load %arg14[%get3A_1108] {strides = array<i32>} : memref<528xf32, #tpu.memory_space<vmem>>, vector<16xf32>,
        %get3A_1110 = arith.index_cast %mul3A_1103 : i32 to index
        %get3A_1111 = tpu.vector_load %arg15[%get3A_1110] {strides = array<i32>} : memref<528xf32, #tpu.memory_space<vmem>>, vector<16xf32>,
        %get3A_1112 = arith.index_cast %mul3A_1103 : i32 to index
        %get3A_1113 = tpu.vector_load %arg16[%get3A_1112] {strides = array<i32>} : memref<528xf32, #tpu.memory_space<vmem>>, vector<16xf32>,
        %get3A_1114 = arith.index_cast %mul3A_1103 : i32 to index
        %get3A_1115 = tpu.vector_load %arg17[%get3A_1114] {strides = array<i32>} : memref<528xf32, #tpu.memory_space<vmem>>, vector<16xf32>,
        %max3A_1116 = vector.broadcast %squeeze3A_158 : f32 to vector<16xf32>
        %max3A_1117 = arith.maximumf %max3A_1116, %get3A_1107 : vector<16xf32>
        %max3A_1118 = vector.broadcast %squeeze3A_162 : f32 to vector<16xf32>
        %max3A_1119 = arith.maximumf %max3A_1118, %get3A_1109 : vector<16xf32>
        %min3A_1120 = vector.broadcast %squeeze3A_166 : f32 to vector<16xf32>
        %min3A_1121 = arith.minimumf %min3A_1120, %get3A_1111 : vector<16xf32>
        %min3A_1122 = vector.broadcast %squeeze3A_170 : f32 to vector<16xf32>
        %min3A_1123 = arith.minimumf %min3A_1122, %get3A_1113 : vector<16xf32>
        %sub3A_1124 = arith.subf %min3A_1121, %max3A_1117 : vector<16xf32>
        %max3A_1125 = arith.constant 0.000000e+00 : f32
        %max3A_1126 = vector.broadcast %max3A_1125 : f32 to vector<16xf32>
        %max3A_1127 = arith.maximumf %sub3A_1124, %max3A_1126 : vector<16xf32>
        %sub3A_1128 = arith.subf %min3A_1123, %max3A_1119 : vector<16xf32>
        %max3A_1129 = arith.constant 0.000000e+00 : f32
        %max3A_1130 = vector.broadcast %max3A_1129 : f32 to vector<16xf32>
        %max3A_1131 = arith.maximumf %sub3A_1128, %max3A_1130 : vector<16xf32>
        %mul3A_1132 = arith.mulf %max3A_1127, %max3A_1131 : vector<16xf32>
        %add3A_1133 = vector.broadcast %mul3A_173 : f32 to vector<16xf32>
        %add3A_1134 = arith.addf %add3A_1133, %get3A_1115 : vector<16xf32>
        %sub3A_1135 = arith.subf %add3A_1134, %mul3A_1132 : vector<16xf32>
        %add3A_1136 = arith.constant 9.99999971E-10 : f32
        %add3A_1137 = vector.broadcast %add3A_1136 : f32 to vector<16xf32>
        %add3A_1138 = arith.addf %sub3A_1135, %add3A_1137 : vector<16xf32>
        %div3A_1139 = arith.divf %mul3A_1132, %add3A_1138 : vector<16xf32>
        %mul3A_1140 = arith.constant 16 : i32
        %mul3A_1141 = arith.muli %scan3A_1101, %mul3A_1140 : i32
        %add3A_1142 = vector.broadcast %mul3A_1141 : i32 to vector<16xi32>
        %add3A_1143 = arith.addi %add3A_1142, %iota3A : vector<16xi32>
        %eq3A_1144 = vector.broadcast %min3A_152 : i32 to vector<16xi32>
        %eq3A_1145 = arith.cmpi eq, %add3A_1143, %eq3A_1144 : vector<16xi32>
        %gt3A_1146 = arith.constant 6.000000e-01 : f32
        %gt3A_1147 = vector.broadcast %gt3A_1146 : f32 to vector<16xf32>
        %gt3A_1148 = arith.cmpf ogt, %div3A_1139, %gt3A_1147 : vector<16xf32>
        %or3A_1149 = arith.ori %gt3A_1148, %eq3A_1145 : vector<16xi1>
        %jit3A_1150 = arith.constant -1.000000e+00 : f32
        %broadcast_in_dim3A_1151 = vector.broadcast %jit3A_1150 : f32 to vector<16xf32>
        %select_n3A_1152 = arith.select %or3A_1149, %broadcast_in_dim3A_1151, %get3A_1105 : vector<16xi1>, vector<16xf32>
        %swap3A_1153 = arith.index_cast %mul3A_1103 : i32 to index
        %swap3A_1154 = tpu.vector_load %arg7[%swap3A_1153] {strides = array<i32>} : memref<528xf32, #tpu.memory_space<vmem>>, vector<16xf32>,
        tpu.vector_store %arg7[%swap3A_1153], %select_n3A_1152 {strides = array<i32>} : memref<528xf32, #tpu.memory_space<vmem>>, vector<16xf32>,
        %gt3A_1155 = arith.cmpf ogt, %select_n3A_1152, %select_n3A_1098 : vector<16xf32>
        %select_n3A_1156 = arith.select %gt3A_1155, %select_n3A_1152, %select_n3A_1098 : vector<16xi1>, vector<16xf32>
        %broadcast_in_dim3A_1157 = vector.broadcast %scan3A_1101 : i32 to vector<16xi32>
        %select_n3A_1158 = arith.select %gt3A_1155, %broadcast_in_dim3A_1157, %select_n3A_1100 : vector<16xi1>, vector<16xi32>
        %scan3A_1159 = arith.constant 17 : i32
        %mul3A_1160 = arith.constant 16 : i32
        %mul3A_1161 = arith.muli %scan3A_1159, %mul3A_1160 : i32
        %get3A_1162 = arith.index_cast %mul3A_1161 : i32 to index
        %get3A_1163 = tpu.vector_load %arg7[%get3A_1162] {strides = array<i32>} : memref<528xf32, #tpu.memory_space<vmem>>, vector<16xf32>,
        %get3A_1164 = arith.index_cast %mul3A_1161 : i32 to index
        %get3A_1165 = tpu.vector_load %arg13[%get3A_1164] {strides = array<i32>} : memref<528xf32, #tpu.memory_space<vmem>>, vector<16xf32>,
        %get3A_1166 = arith.index_cast %mul3A_1161 : i32 to index
        %get3A_1167 = tpu.vector_load %arg14[%get3A_1166] {strides = array<i32>} : memref<528xf32, #tpu.memory_space<vmem>>, vector<16xf32>,
        %get3A_1168 = arith.index_cast %mul3A_1161 : i32 to index
        %get3A_1169 = tpu.vector_load %arg15[%get3A_1168] {strides = array<i32>} : memref<528xf32, #tpu.memory_space<vmem>>, vector<16xf32>,
        %get3A_1170 = arith.index_cast %mul3A_1161 : i32 to index
        %get3A_1171 = tpu.vector_load %arg16[%get3A_1170] {strides = array<i32>} : memref<528xf32, #tpu.memory_space<vmem>>, vector<16xf32>,
        %get3A_1172 = arith.index_cast %mul3A_1161 : i32 to index
        %get3A_1173 = tpu.vector_load %arg17[%get3A_1172] {strides = array<i32>} : memref<528xf32, #tpu.memory_space<vmem>>, vector<16xf32>,
        %max3A_1174 = vector.broadcast %squeeze3A_158 : f32 to vector<16xf32>
        %max3A_1175 = arith.maximumf %max3A_1174, %get3A_1165 : vector<16xf32>
        %max3A_1176 = vector.broadcast %squeeze3A_162 : f32 to vector<16xf32>
        %max3A_1177 = arith.maximumf %max3A_1176, %get3A_1167 : vector<16xf32>
        %min3A_1178 = vector.broadcast %squeeze3A_166 : f32 to vector<16xf32>
        %min3A_1179 = arith.minimumf %min3A_1178, %get3A_1169 : vector<16xf32>
        %min3A_1180 = vector.broadcast %squeeze3A_170 : f32 to vector<16xf32>
        %min3A_1181 = arith.minimumf %min3A_1180, %get3A_1171 : vector<16xf32>
        %sub3A_1182 = arith.subf %min3A_1179, %max3A_1175 : vector<16xf32>
        %max3A_1183 = arith.constant 0.000000e+00 : f32
        %max3A_1184 = vector.broadcast %max3A_1183 : f32 to vector<16xf32>
        %max3A_1185 = arith.maximumf %sub3A_1182, %max3A_1184 : vector<16xf32>
        %sub3A_1186 = arith.subf %min3A_1181, %max3A_1177 : vector<16xf32>
        %max3A_1187 = arith.constant 0.000000e+00 : f32
        %max3A_1188 = vector.broadcast %max3A_1187 : f32 to vector<16xf32>
        %max3A_1189 = arith.maximumf %sub3A_1186, %max3A_1188 : vector<16xf32>
        %mul3A_1190 = arith.mulf %max3A_1185, %max3A_1189 : vector<16xf32>
        %add3A_1191 = vector.broadcast %mul3A_173 : f32 to vector<16xf32>
        %add3A_1192 = arith.addf %add3A_1191, %get3A_1173 : vector<16xf32>
        %sub3A_1193 = arith.subf %add3A_1192, %mul3A_1190 : vector<16xf32>
        %add3A_1194 = arith.constant 9.99999971E-10 : f32
        %add3A_1195 = vector.broadcast %add3A_1194 : f32 to vector<16xf32>
        %add3A_1196 = arith.addf %sub3A_1193, %add3A_1195 : vector<16xf32>
        %div3A_1197 = arith.divf %mul3A_1190, %add3A_1196 : vector<16xf32>
        %mul3A_1198 = arith.constant 16 : i32
        %mul3A_1199 = arith.muli %scan3A_1159, %mul3A_1198 : i32
        %add3A_1200 = vector.broadcast %mul3A_1199 : i32 to vector<16xi32>
        %add3A_1201 = arith.addi %add3A_1200, %iota3A : vector<16xi32>
        %eq3A_1202 = vector.broadcast %min3A_152 : i32 to vector<16xi32>
        %eq3A_1203 = arith.cmpi eq, %add3A_1201, %eq3A_1202 : vector<16xi32>
        %gt3A_1204 = arith.constant 6.000000e-01 : f32
        %gt3A_1205 = vector.broadcast %gt3A_1204 : f32 to vector<16xf32>
        %gt3A_1206 = arith.cmpf ogt, %div3A_1197, %gt3A_1205 : vector<16xf32>
        %or3A_1207 = arith.ori %gt3A_1206, %eq3A_1203 : vector<16xi1>
        %jit3A_1208 = arith.constant -1.000000e+00 : f32
        %broadcast_in_dim3A_1209 = vector.broadcast %jit3A_1208 : f32 to vector<16xf32>
        %select_n3A_1210 = arith.select %or3A_1207, %broadcast_in_dim3A_1209, %get3A_1163 : vector<16xi1>, vector<16xf32>
        %swap3A_1211 = arith.index_cast %mul3A_1161 : i32 to index
        %swap3A_1212 = tpu.vector_load %arg7[%swap3A_1211] {strides = array<i32>} : memref<528xf32, #tpu.memory_space<vmem>>, vector<16xf32>,
        tpu.vector_store %arg7[%swap3A_1211], %select_n3A_1210 {strides = array<i32>} : memref<528xf32, #tpu.memory_space<vmem>>, vector<16xf32>,
        %gt3A_1213 = arith.cmpf ogt, %select_n3A_1210, %select_n3A_1156 : vector<16xf32>
        %select_n3A_1214 = arith.select %gt3A_1213, %select_n3A_1210, %select_n3A_1156 : vector<16xi1>, vector<16xf32>
        %broadcast_in_dim3A_1215 = vector.broadcast %scan3A_1159 : i32 to vector<16xi32>
        %select_n3A_1216 = arith.select %gt3A_1213, %broadcast_in_dim3A_1215, %select_n3A_1158 : vector<16xi1>, vector<16xi32>
        %scan3A_1217 = arith.constant 18 : i32
        %mul3A_1218 = arith.constant 16 : i32
        %mul3A_1219 = arith.muli %scan3A_1217, %mul3A_1218 : i32
        %get3A_1220 = arith.index_cast %mul3A_1219 : i32 to index
        %get3A_1221 = tpu.vector_load %arg7[%get3A_1220] {strides = array<i32>} : memref<528xf32, #tpu.memory_space<vmem>>, vector<16xf32>,
        %get3A_1222 = arith.index_cast %mul3A_1219 : i32 to index
        %get3A_1223 = tpu.vector_load %arg13[%get3A_1222] {strides = array<i32>} : memref<528xf32, #tpu.memory_space<vmem>>, vector<16xf32>,
        %get3A_1224 = arith.index_cast %mul3A_1219 : i32 to index
        %get3A_1225 = tpu.vector_load %arg14[%get3A_1224] {strides = array<i32>} : memref<528xf32, #tpu.memory_space<vmem>>, vector<16xf32>,
        %get3A_1226 = arith.index_cast %mul3A_1219 : i32 to index
        %get3A_1227 = tpu.vector_load %arg15[%get3A_1226] {strides = array<i32>} : memref<528xf32, #tpu.memory_space<vmem>>, vector<16xf32>,
        %get3A_1228 = arith.index_cast %mul3A_1219 : i32 to index
        %get3A_1229 = tpu.vector_load %arg16[%get3A_1228] {strides = array<i32>} : memref<528xf32, #tpu.memory_space<vmem>>, vector<16xf32>,
        %get3A_1230 = arith.index_cast %mul3A_1219 : i32 to index
        %get3A_1231 = tpu.vector_load %arg17[%get3A_1230] {strides = array<i32>} : memref<528xf32, #tpu.memory_space<vmem>>, vector<16xf32>,
        %max3A_1232 = vector.broadcast %squeeze3A_158 : f32 to vector<16xf32>
        %max3A_1233 = arith.maximumf %max3A_1232, %get3A_1223 : vector<16xf32>
        %max3A_1234 = vector.broadcast %squeeze3A_162 : f32 to vector<16xf32>
        %max3A_1235 = arith.maximumf %max3A_1234, %get3A_1225 : vector<16xf32>
        %min3A_1236 = vector.broadcast %squeeze3A_166 : f32 to vector<16xf32>
        %min3A_1237 = arith.minimumf %min3A_1236, %get3A_1227 : vector<16xf32>
        %min3A_1238 = vector.broadcast %squeeze3A_170 : f32 to vector<16xf32>
        %min3A_1239 = arith.minimumf %min3A_1238, %get3A_1229 : vector<16xf32>
        %sub3A_1240 = arith.subf %min3A_1237, %max3A_1233 : vector<16xf32>
        %max3A_1241 = arith.constant 0.000000e+00 : f32
        %max3A_1242 = vector.broadcast %max3A_1241 : f32 to vector<16xf32>
        %max3A_1243 = arith.maximumf %sub3A_1240, %max3A_1242 : vector<16xf32>
        %sub3A_1244 = arith.subf %min3A_1239, %max3A_1235 : vector<16xf32>
        %max3A_1245 = arith.constant 0.000000e+00 : f32
        %max3A_1246 = vector.broadcast %max3A_1245 : f32 to vector<16xf32>
        %max3A_1247 = arith.maximumf %sub3A_1244, %max3A_1246 : vector<16xf32>
        %mul3A_1248 = arith.mulf %max3A_1243, %max3A_1247 : vector<16xf32>
        %add3A_1249 = vector.broadcast %mul3A_173 : f32 to vector<16xf32>
        %add3A_1250 = arith.addf %add3A_1249, %get3A_1231 : vector<16xf32>
        %sub3A_1251 = arith.subf %add3A_1250, %mul3A_1248 : vector<16xf32>
        %add3A_1252 = arith.constant 9.99999971E-10 : f32
        %add3A_1253 = vector.broadcast %add3A_1252 : f32 to vector<16xf32>
        %add3A_1254 = arith.addf %sub3A_1251, %add3A_1253 : vector<16xf32>
        %div3A_1255 = arith.divf %mul3A_1248, %add3A_1254 : vector<16xf32>
        %mul3A_1256 = arith.constant 16 : i32
        %mul3A_1257 = arith.muli %scan3A_1217, %mul3A_1256 : i32
        %add3A_1258 = vector.broadcast %mul3A_1257 : i32 to vector<16xi32>
        %add3A_1259 = arith.addi %add3A_1258, %iota3A : vector<16xi32>
        %eq3A_1260 = vector.broadcast %min3A_152 : i32 to vector<16xi32>
        %eq3A_1261 = arith.cmpi eq, %add3A_1259, %eq3A_1260 : vector<16xi32>
        %gt3A_1262 = arith.constant 6.000000e-01 : f32
        %gt3A_1263 = vector.broadcast %gt3A_1262 : f32 to vector<16xf32>
        %gt3A_1264 = arith.cmpf ogt, %div3A_1255, %gt3A_1263 : vector<16xf32>
        %or3A_1265 = arith.ori %gt3A_1264, %eq3A_1261 : vector<16xi1>
        %jit3A_1266 = arith.constant -1.000000e+00 : f32
        %broadcast_in_dim3A_1267 = vector.broadcast %jit3A_1266 : f32 to vector<16xf32>
        %select_n3A_1268 = arith.select %or3A_1265, %broadcast_in_dim3A_1267, %get3A_1221 : vector<16xi1>, vector<16xf32>
        %swap3A_1269 = arith.index_cast %mul3A_1219 : i32 to index
        %swap3A_1270 = tpu.vector_load %arg7[%swap3A_1269] {strides = array<i32>} : memref<528xf32, #tpu.memory_space<vmem>>, vector<16xf32>,
        tpu.vector_store %arg7[%swap3A_1269], %select_n3A_1268 {strides = array<i32>} : memref<528xf32, #tpu.memory_space<vmem>>, vector<16xf32>,
        %gt3A_1271 = arith.cmpf ogt, %select_n3A_1268, %select_n3A_1214 : vector<16xf32>
        %select_n3A_1272 = arith.select %gt3A_1271, %select_n3A_1268, %select_n3A_1214 : vector<16xi1>, vector<16xf32>
        %broadcast_in_dim3A_1273 = vector.broadcast %scan3A_1217 : i32 to vector<16xi32>
        %select_n3A_1274 = arith.select %gt3A_1271, %broadcast_in_dim3A_1273, %select_n3A_1216 : vector<16xi1>, vector<16xi32>
        %scan3A_1275 = arith.constant 19 : i32
        %mul3A_1276 = arith.constant 16 : i32
        %mul3A_1277 = arith.muli %scan3A_1275, %mul3A_1276 : i32
        %get3A_1278 = arith.index_cast %mul3A_1277 : i32 to index
        %get3A_1279 = tpu.vector_load %arg7[%get3A_1278] {strides = array<i32>} : memref<528xf32, #tpu.memory_space<vmem>>, vector<16xf32>,
        %get3A_1280 = arith.index_cast %mul3A_1277 : i32 to index
        %get3A_1281 = tpu.vector_load %arg13[%get3A_1280] {strides = array<i32>} : memref<528xf32, #tpu.memory_space<vmem>>, vector<16xf32>,
        %get3A_1282 = arith.index_cast %mul3A_1277 : i32 to index
        %get3A_1283 = tpu.vector_load %arg14[%get3A_1282] {strides = array<i32>} : memref<528xf32, #tpu.memory_space<vmem>>, vector<16xf32>,
        %get3A_1284 = arith.index_cast %mul3A_1277 : i32 to index
        %get3A_1285 = tpu.vector_load %arg15[%get3A_1284] {strides = array<i32>} : memref<528xf32, #tpu.memory_space<vmem>>, vector<16xf32>,
        %get3A_1286 = arith.index_cast %mul3A_1277 : i32 to index
        %get3A_1287 = tpu.vector_load %arg16[%get3A_1286] {strides = array<i32>} : memref<528xf32, #tpu.memory_space<vmem>>, vector<16xf32>,
        %get3A_1288 = arith.index_cast %mul3A_1277 : i32 to index
        %get3A_1289 = tpu.vector_load %arg17[%get3A_1288] {strides = array<i32>} : memref<528xf32, #tpu.memory_space<vmem>>, vector<16xf32>,
        %max3A_1290 = vector.broadcast %squeeze3A_158 : f32 to vector<16xf32>
        %max3A_1291 = arith.maximumf %max3A_1290, %get3A_1281 : vector<16xf32>
        %max3A_1292 = vector.broadcast %squeeze3A_162 : f32 to vector<16xf32>
        %max3A_1293 = arith.maximumf %max3A_1292, %get3A_1283 : vector<16xf32>
        %min3A_1294 = vector.broadcast %squeeze3A_166 : f32 to vector<16xf32>
        %min3A_1295 = arith.minimumf %min3A_1294, %get3A_1285 : vector<16xf32>
        %min3A_1296 = vector.broadcast %squeeze3A_170 : f32 to vector<16xf32>
        %min3A_1297 = arith.minimumf %min3A_1296, %get3A_1287 : vector<16xf32>
        %sub3A_1298 = arith.subf %min3A_1295, %max3A_1291 : vector<16xf32>
        %max3A_1299 = arith.constant 0.000000e+00 : f32
        %max3A_1300 = vector.broadcast %max3A_1299 : f32 to vector<16xf32>
        %max3A_1301 = arith.maximumf %sub3A_1298, %max3A_1300 : vector<16xf32>
        %sub3A_1302 = arith.subf %min3A_1297, %max3A_1293 : vector<16xf32>
        %max3A_1303 = arith.constant 0.000000e+00 : f32
        %max3A_1304 = vector.broadcast %max3A_1303 : f32 to vector<16xf32>
        %max3A_1305 = arith.maximumf %sub3A_1302, %max3A_1304 : vector<16xf32>
        %mul3A_1306 = arith.mulf %max3A_1301, %max3A_1305 : vector<16xf32>
        %add3A_1307 = vector.broadcast %mul3A_173 : f32 to vector<16xf32>
        %add3A_1308 = arith.addf %add3A_1307, %get3A_1289 : vector<16xf32>
        %sub3A_1309 = arith.subf %add3A_1308, %mul3A_1306 : vector<16xf32>
        %add3A_1310 = arith.constant 9.99999971E-10 : f32
        %add3A_1311 = vector.broadcast %add3A_1310 : f32 to vector<16xf32>
        %add3A_1312 = arith.addf %sub3A_1309, %add3A_1311 : vector<16xf32>
        %div3A_1313 = arith.divf %mul3A_1306, %add3A_1312 : vector<16xf32>
        %mul3A_1314 = arith.constant 16 : i32
        %mul3A_1315 = arith.muli %scan3A_1275, %mul3A_1314 : i32
        %add3A_1316 = vector.broadcast %mul3A_1315 : i32 to vector<16xi32>
        %add3A_1317 = arith.addi %add3A_1316, %iota3A : vector<16xi32>
        %eq3A_1318 = vector.broadcast %min3A_152 : i32 to vector<16xi32>
        %eq3A_1319 = arith.cmpi eq, %add3A_1317, %eq3A_1318 : vector<16xi32>
        %gt3A_1320 = arith.constant 6.000000e-01 : f32
        %gt3A_1321 = vector.broadcast %gt3A_1320 : f32 to vector<16xf32>
        %gt3A_1322 = arith.cmpf ogt, %div3A_1313, %gt3A_1321 : vector<16xf32>
        %or3A_1323 = arith.ori %gt3A_1322, %eq3A_1319 : vector<16xi1>
        %jit3A_1324 = arith.constant -1.000000e+00 : f32
        %broadcast_in_dim3A_1325 = vector.broadcast %jit3A_1324 : f32 to vector<16xf32>
        %select_n3A_1326 = arith.select %or3A_1323, %broadcast_in_dim3A_1325, %get3A_1279 : vector<16xi1>, vector<16xf32>
        %swap3A_1327 = arith.index_cast %mul3A_1277 : i32 to index
        %swap3A_1328 = tpu.vector_load %arg7[%swap3A_1327] {strides = array<i32>} : memref<528xf32, #tpu.memory_space<vmem>>, vector<16xf32>,
        tpu.vector_store %arg7[%swap3A_1327], %select_n3A_1326 {strides = array<i32>} : memref<528xf32, #tpu.memory_space<vmem>>, vector<16xf32>,
        %gt3A_1329 = arith.cmpf ogt, %select_n3A_1326, %select_n3A_1272 : vector<16xf32>
        %select_n3A_1330 = arith.select %gt3A_1329, %select_n3A_1326, %select_n3A_1272 : vector<16xi1>, vector<16xf32>
        %broadcast_in_dim3A_1331 = vector.broadcast %scan3A_1275 : i32 to vector<16xi32>
        %select_n3A_1332 = arith.select %gt3A_1329, %broadcast_in_dim3A_1331, %select_n3A_1274 : vector<16xi1>, vector<16xi32>
        %scan3A_1333 = arith.constant 20 : i32
        %mul3A_1334 = arith.constant 16 : i32
        %mul3A_1335 = arith.muli %scan3A_1333, %mul3A_1334 : i32
        %get3A_1336 = arith.index_cast %mul3A_1335 : i32 to index
        %get3A_1337 = tpu.vector_load %arg7[%get3A_1336] {strides = array<i32>} : memref<528xf32, #tpu.memory_space<vmem>>, vector<16xf32>,
        %get3A_1338 = arith.index_cast %mul3A_1335 : i32 to index
        %get3A_1339 = tpu.vector_load %arg13[%get3A_1338] {strides = array<i32>} : memref<528xf32, #tpu.memory_space<vmem>>, vector<16xf32>,
        %get3A_1340 = arith.index_cast %mul3A_1335 : i32 to index
        %get3A_1341 = tpu.vector_load %arg14[%get3A_1340] {strides = array<i32>} : memref<528xf32, #tpu.memory_space<vmem>>, vector<16xf32>,
        %get3A_1342 = arith.index_cast %mul3A_1335 : i32 to index
        %get3A_1343 = tpu.vector_load %arg15[%get3A_1342] {strides = array<i32>} : memref<528xf32, #tpu.memory_space<vmem>>, vector<16xf32>,
        %get3A_1344 = arith.index_cast %mul3A_1335 : i32 to index
        %get3A_1345 = tpu.vector_load %arg16[%get3A_1344] {strides = array<i32>} : memref<528xf32, #tpu.memory_space<vmem>>, vector<16xf32>,
        %get3A_1346 = arith.index_cast %mul3A_1335 : i32 to index
        %get3A_1347 = tpu.vector_load %arg17[%get3A_1346] {strides = array<i32>} : memref<528xf32, #tpu.memory_space<vmem>>, vector<16xf32>,
        %max3A_1348 = vector.broadcast %squeeze3A_158 : f32 to vector<16xf32>
        %max3A_1349 = arith.maximumf %max3A_1348, %get3A_1339 : vector<16xf32>
        %max3A_1350 = vector.broadcast %squeeze3A_162 : f32 to vector<16xf32>
        %max3A_1351 = arith.maximumf %max3A_1350, %get3A_1341 : vector<16xf32>
        %min3A_1352 = vector.broadcast %squeeze3A_166 : f32 to vector<16xf32>
        %min3A_1353 = arith.minimumf %min3A_1352, %get3A_1343 : vector<16xf32>
        %min3A_1354 = vector.broadcast %squeeze3A_170 : f32 to vector<16xf32>
        %min3A_1355 = arith.minimumf %min3A_1354, %get3A_1345 : vector<16xf32>
        %sub3A_1356 = arith.subf %min3A_1353, %max3A_1349 : vector<16xf32>
        %max3A_1357 = arith.constant 0.000000e+00 : f32
        %max3A_1358 = vector.broadcast %max3A_1357 : f32 to vector<16xf32>
        %max3A_1359 = arith.maximumf %sub3A_1356, %max3A_1358 : vector<16xf32>
        %sub3A_1360 = arith.subf %min3A_1355, %max3A_1351 : vector<16xf32>
        %max3A_1361 = arith.constant 0.000000e+00 : f32
        %max3A_1362 = vector.broadcast %max3A_1361 : f32 to vector<16xf32>
        %max3A_1363 = arith.maximumf %sub3A_1360, %max3A_1362 : vector<16xf32>
        %mul3A_1364 = arith.mulf %max3A_1359, %max3A_1363 : vector<16xf32>
        %add3A_1365 = vector.broadcast %mul3A_173 : f32 to vector<16xf32>
        %add3A_1366 = arith.addf %add3A_1365, %get3A_1347 : vector<16xf32>
        %sub3A_1367 = arith.subf %add3A_1366, %mul3A_1364 : vector<16xf32>
        %add3A_1368 = arith.constant 9.99999971E-10 : f32
        %add3A_1369 = vector.broadcast %add3A_1368 : f32 to vector<16xf32>
        %add3A_1370 = arith.addf %sub3A_1367, %add3A_1369 : vector<16xf32>
        %div3A_1371 = arith.divf %mul3A_1364, %add3A_1370 : vector<16xf32>
        %mul3A_1372 = arith.constant 16 : i32
        %mul3A_1373 = arith.muli %scan3A_1333, %mul3A_1372 : i32
        %add3A_1374 = vector.broadcast %mul3A_1373 : i32 to vector<16xi32>
        %add3A_1375 = arith.addi %add3A_1374, %iota3A : vector<16xi32>
        %eq3A_1376 = vector.broadcast %min3A_152 : i32 to vector<16xi32>
        %eq3A_1377 = arith.cmpi eq, %add3A_1375, %eq3A_1376 : vector<16xi32>
        %gt3A_1378 = arith.constant 6.000000e-01 : f32
        %gt3A_1379 = vector.broadcast %gt3A_1378 : f32 to vector<16xf32>
        %gt3A_1380 = arith.cmpf ogt, %div3A_1371, %gt3A_1379 : vector<16xf32>
        %or3A_1381 = arith.ori %gt3A_1380, %eq3A_1377 : vector<16xi1>
        %jit3A_1382 = arith.constant -1.000000e+00 : f32
        %broadcast_in_dim3A_1383 = vector.broadcast %jit3A_1382 : f32 to vector<16xf32>
        %select_n3A_1384 = arith.select %or3A_1381, %broadcast_in_dim3A_1383, %get3A_1337 : vector<16xi1>, vector<16xf32>
        %swap3A_1385 = arith.index_cast %mul3A_1335 : i32 to index
        %swap3A_1386 = tpu.vector_load %arg7[%swap3A_1385] {strides = array<i32>} : memref<528xf32, #tpu.memory_space<vmem>>, vector<16xf32>,
        tpu.vector_store %arg7[%swap3A_1385], %select_n3A_1384 {strides = array<i32>} : memref<528xf32, #tpu.memory_space<vmem>>, vector<16xf32>,
        %gt3A_1387 = arith.cmpf ogt, %select_n3A_1384, %select_n3A_1330 : vector<16xf32>
        %select_n3A_1388 = arith.select %gt3A_1387, %select_n3A_1384, %select_n3A_1330 : vector<16xi1>, vector<16xf32>
        %broadcast_in_dim3A_1389 = vector.broadcast %scan3A_1333 : i32 to vector<16xi32>
        %select_n3A_1390 = arith.select %gt3A_1387, %broadcast_in_dim3A_1389, %select_n3A_1332 : vector<16xi1>, vector<16xi32>
        %scan3A_1391 = arith.constant 21 : i32
        %mul3A_1392 = arith.constant 16 : i32
        %mul3A_1393 = arith.muli %scan3A_1391, %mul3A_1392 : i32
        %get3A_1394 = arith.index_cast %mul3A_1393 : i32 to index
        %get3A_1395 = tpu.vector_load %arg7[%get3A_1394] {strides = array<i32>} : memref<528xf32, #tpu.memory_space<vmem>>, vector<16xf32>,
        %get3A_1396 = arith.index_cast %mul3A_1393 : i32 to index
        %get3A_1397 = tpu.vector_load %arg13[%get3A_1396] {strides = array<i32>} : memref<528xf32, #tpu.memory_space<vmem>>, vector<16xf32>,
        %get3A_1398 = arith.index_cast %mul3A_1393 : i32 to index
        %get3A_1399 = tpu.vector_load %arg14[%get3A_1398] {strides = array<i32>} : memref<528xf32, #tpu.memory_space<vmem>>, vector<16xf32>,
        %get3A_1400 = arith.index_cast %mul3A_1393 : i32 to index
        %get3A_1401 = tpu.vector_load %arg15[%get3A_1400] {strides = array<i32>} : memref<528xf32, #tpu.memory_space<vmem>>, vector<16xf32>,
        %get3A_1402 = arith.index_cast %mul3A_1393 : i32 to index
        %get3A_1403 = tpu.vector_load %arg16[%get3A_1402] {strides = array<i32>} : memref<528xf32, #tpu.memory_space<vmem>>, vector<16xf32>,
        %get3A_1404 = arith.index_cast %mul3A_1393 : i32 to index
        %get3A_1405 = tpu.vector_load %arg17[%get3A_1404] {strides = array<i32>} : memref<528xf32, #tpu.memory_space<vmem>>, vector<16xf32>,
        %max3A_1406 = vector.broadcast %squeeze3A_158 : f32 to vector<16xf32>
        %max3A_1407 = arith.maximumf %max3A_1406, %get3A_1397 : vector<16xf32>
        %max3A_1408 = vector.broadcast %squeeze3A_162 : f32 to vector<16xf32>
        %max3A_1409 = arith.maximumf %max3A_1408, %get3A_1399 : vector<16xf32>
        %min3A_1410 = vector.broadcast %squeeze3A_166 : f32 to vector<16xf32>
        %min3A_1411 = arith.minimumf %min3A_1410, %get3A_1401 : vector<16xf32>
        %min3A_1412 = vector.broadcast %squeeze3A_170 : f32 to vector<16xf32>
        %min3A_1413 = arith.minimumf %min3A_1412, %get3A_1403 : vector<16xf32>
        %sub3A_1414 = arith.subf %min3A_1411, %max3A_1407 : vector<16xf32>
        %max3A_1415 = arith.constant 0.000000e+00 : f32
        %max3A_1416 = vector.broadcast %max3A_1415 : f32 to vector<16xf32>
        %max3A_1417 = arith.maximumf %sub3A_1414, %max3A_1416 : vector<16xf32>
        %sub3A_1418 = arith.subf %min3A_1413, %max3A_1409 : vector<16xf32>
        %max3A_1419 = arith.constant 0.000000e+00 : f32
        %max3A_1420 = vector.broadcast %max3A_1419 : f32 to vector<16xf32>
        %max3A_1421 = arith.maximumf %sub3A_1418, %max3A_1420 : vector<16xf32>
        %mul3A_1422 = arith.mulf %max3A_1417, %max3A_1421 : vector<16xf32>
        %add3A_1423 = vector.broadcast %mul3A_173 : f32 to vector<16xf32>
        %add3A_1424 = arith.addf %add3A_1423, %get3A_1405 : vector<16xf32>
        %sub3A_1425 = arith.subf %add3A_1424, %mul3A_1422 : vector<16xf32>
        %add3A_1426 = arith.constant 9.99999971E-10 : f32
        %add3A_1427 = vector.broadcast %add3A_1426 : f32 to vector<16xf32>
        %add3A_1428 = arith.addf %sub3A_1425, %add3A_1427 : vector<16xf32>
        %div3A_1429 = arith.divf %mul3A_1422, %add3A_1428 : vector<16xf32>
        %mul3A_1430 = arith.constant 16 : i32
        %mul3A_1431 = arith.muli %scan3A_1391, %mul3A_1430 : i32
        %add3A_1432 = vector.broadcast %mul3A_1431 : i32 to vector<16xi32>
        %add3A_1433 = arith.addi %add3A_1432, %iota3A : vector<16xi32>
        %eq3A_1434 = vector.broadcast %min3A_152 : i32 to vector<16xi32>
        %eq3A_1435 = arith.cmpi eq, %add3A_1433, %eq3A_1434 : vector<16xi32>
        %gt3A_1436 = arith.constant 6.000000e-01 : f32
        %gt3A_1437 = vector.broadcast %gt3A_1436 : f32 to vector<16xf32>
        %gt3A_1438 = arith.cmpf ogt, %div3A_1429, %gt3A_1437 : vector<16xf32>
        %or3A_1439 = arith.ori %gt3A_1438, %eq3A_1435 : vector<16xi1>
        %jit3A_1440 = arith.constant -1.000000e+00 : f32
        %broadcast_in_dim3A_1441 = vector.broadcast %jit3A_1440 : f32 to vector<16xf32>
        %select_n3A_1442 = arith.select %or3A_1439, %broadcast_in_dim3A_1441, %get3A_1395 : vector<16xi1>, vector<16xf32>
        %swap3A_1443 = arith.index_cast %mul3A_1393 : i32 to index
        %swap3A_1444 = tpu.vector_load %arg7[%swap3A_1443] {strides = array<i32>} : memref<528xf32, #tpu.memory_space<vmem>>, vector<16xf32>,
        tpu.vector_store %arg7[%swap3A_1443], %select_n3A_1442 {strides = array<i32>} : memref<528xf32, #tpu.memory_space<vmem>>, vector<16xf32>,
        %gt3A_1445 = arith.cmpf ogt, %select_n3A_1442, %select_n3A_1388 : vector<16xf32>
        %select_n3A_1446 = arith.select %gt3A_1445, %select_n3A_1442, %select_n3A_1388 : vector<16xi1>, vector<16xf32>
        %broadcast_in_dim3A_1447 = vector.broadcast %scan3A_1391 : i32 to vector<16xi32>
        %select_n3A_1448 = arith.select %gt3A_1445, %broadcast_in_dim3A_1447, %select_n3A_1390 : vector<16xi1>, vector<16xi32>
        %scan3A_1449 = arith.constant 22 : i32
        %mul3A_1450 = arith.constant 16 : i32
        %mul3A_1451 = arith.muli %scan3A_1449, %mul3A_1450 : i32
        %get3A_1452 = arith.index_cast %mul3A_1451 : i32 to index
        %get3A_1453 = tpu.vector_load %arg7[%get3A_1452] {strides = array<i32>} : memref<528xf32, #tpu.memory_space<vmem>>, vector<16xf32>,
        %get3A_1454 = arith.index_cast %mul3A_1451 : i32 to index
        %get3A_1455 = tpu.vector_load %arg13[%get3A_1454] {strides = array<i32>} : memref<528xf32, #tpu.memory_space<vmem>>, vector<16xf32>,
        %get3A_1456 = arith.index_cast %mul3A_1451 : i32 to index
        %get3A_1457 = tpu.vector_load %arg14[%get3A_1456] {strides = array<i32>} : memref<528xf32, #tpu.memory_space<vmem>>, vector<16xf32>,
        %get3A_1458 = arith.index_cast %mul3A_1451 : i32 to index
        %get3A_1459 = tpu.vector_load %arg15[%get3A_1458] {strides = array<i32>} : memref<528xf32, #tpu.memory_space<vmem>>, vector<16xf32>,
        %get3A_1460 = arith.index_cast %mul3A_1451 : i32 to index
        %get3A_1461 = tpu.vector_load %arg16[%get3A_1460] {strides = array<i32>} : memref<528xf32, #tpu.memory_space<vmem>>, vector<16xf32>,
        %get3A_1462 = arith.index_cast %mul3A_1451 : i32 to index
        %get3A_1463 = tpu.vector_load %arg17[%get3A_1462] {strides = array<i32>} : memref<528xf32, #tpu.memory_space<vmem>>, vector<16xf32>,
        %max3A_1464 = vector.broadcast %squeeze3A_158 : f32 to vector<16xf32>
        %max3A_1465 = arith.maximumf %max3A_1464, %get3A_1455 : vector<16xf32>
        %max3A_1466 = vector.broadcast %squeeze3A_162 : f32 to vector<16xf32>
        %max3A_1467 = arith.maximumf %max3A_1466, %get3A_1457 : vector<16xf32>
        %min3A_1468 = vector.broadcast %squeeze3A_166 : f32 to vector<16xf32>
        %min3A_1469 = arith.minimumf %min3A_1468, %get3A_1459 : vector<16xf32>
        %min3A_1470 = vector.broadcast %squeeze3A_170 : f32 to vector<16xf32>
        %min3A_1471 = arith.minimumf %min3A_1470, %get3A_1461 : vector<16xf32>
        %sub3A_1472 = arith.subf %min3A_1469, %max3A_1465 : vector<16xf32>
        %max3A_1473 = arith.constant 0.000000e+00 : f32
        %max3A_1474 = vector.broadcast %max3A_1473 : f32 to vector<16xf32>
        %max3A_1475 = arith.maximumf %sub3A_1472, %max3A_1474 : vector<16xf32>
        %sub3A_1476 = arith.subf %min3A_1471, %max3A_1467 : vector<16xf32>
        %max3A_1477 = arith.constant 0.000000e+00 : f32
        %max3A_1478 = vector.broadcast %max3A_1477 : f32 to vector<16xf32>
        %max3A_1479 = arith.maximumf %sub3A_1476, %max3A_1478 : vector<16xf32>
        %mul3A_1480 = arith.mulf %max3A_1475, %max3A_1479 : vector<16xf32>
        %add3A_1481 = vector.broadcast %mul3A_173 : f32 to vector<16xf32>
        %add3A_1482 = arith.addf %add3A_1481, %get3A_1463 : vector<16xf32>
        %sub3A_1483 = arith.subf %add3A_1482, %mul3A_1480 : vector<16xf32>
        %add3A_1484 = arith.constant 9.99999971E-10 : f32
        %add3A_1485 = vector.broadcast %add3A_1484 : f32 to vector<16xf32>
        %add3A_1486 = arith.addf %sub3A_1483, %add3A_1485 : vector<16xf32>
        %div3A_1487 = arith.divf %mul3A_1480, %add3A_1486 : vector<16xf32>
        %mul3A_1488 = arith.constant 16 : i32
        %mul3A_1489 = arith.muli %scan3A_1449, %mul3A_1488 : i32
        %add3A_1490 = vector.broadcast %mul3A_1489 : i32 to vector<16xi32>
        %add3A_1491 = arith.addi %add3A_1490, %iota3A : vector<16xi32>
        %eq3A_1492 = vector.broadcast %min3A_152 : i32 to vector<16xi32>
        %eq3A_1493 = arith.cmpi eq, %add3A_1491, %eq3A_1492 : vector<16xi32>
        %gt3A_1494 = arith.constant 6.000000e-01 : f32
        %gt3A_1495 = vector.broadcast %gt3A_1494 : f32 to vector<16xf32>
        %gt3A_1496 = arith.cmpf ogt, %div3A_1487, %gt3A_1495 : vector<16xf32>
        %or3A_1497 = arith.ori %gt3A_1496, %eq3A_1493 : vector<16xi1>
        %jit3A_1498 = arith.constant -1.000000e+00 : f32
        %broadcast_in_dim3A_1499 = vector.broadcast %jit3A_1498 : f32 to vector<16xf32>
        %select_n3A_1500 = arith.select %or3A_1497, %broadcast_in_dim3A_1499, %get3A_1453 : vector<16xi1>, vector<16xf32>
        %swap3A_1501 = arith.index_cast %mul3A_1451 : i32 to index
        %swap3A_1502 = tpu.vector_load %arg7[%swap3A_1501] {strides = array<i32>} : memref<528xf32, #tpu.memory_space<vmem>>, vector<16xf32>,
        tpu.vector_store %arg7[%swap3A_1501], %select_n3A_1500 {strides = array<i32>} : memref<528xf32, #tpu.memory_space<vmem>>, vector<16xf32>,
        %gt3A_1503 = arith.cmpf ogt, %select_n3A_1500, %select_n3A_1446 : vector<16xf32>
        %select_n3A_1504 = arith.select %gt3A_1503, %select_n3A_1500, %select_n3A_1446 : vector<16xi1>, vector<16xf32>
        %broadcast_in_dim3A_1505 = vector.broadcast %scan3A_1449 : i32 to vector<16xi32>
        %select_n3A_1506 = arith.select %gt3A_1503, %broadcast_in_dim3A_1505, %select_n3A_1448 : vector<16xi1>, vector<16xi32>
        %scan3A_1507 = arith.constant 23 : i32
        %mul3A_1508 = arith.constant 16 : i32
        %mul3A_1509 = arith.muli %scan3A_1507, %mul3A_1508 : i32
        %get3A_1510 = arith.index_cast %mul3A_1509 : i32 to index
        %get3A_1511 = tpu.vector_load %arg7[%get3A_1510] {strides = array<i32>} : memref<528xf32, #tpu.memory_space<vmem>>, vector<16xf32>,
        %get3A_1512 = arith.index_cast %mul3A_1509 : i32 to index
        %get3A_1513 = tpu.vector_load %arg13[%get3A_1512] {strides = array<i32>} : memref<528xf32, #tpu.memory_space<vmem>>, vector<16xf32>,
        %get3A_1514 = arith.index_cast %mul3A_1509 : i32 to index
        %get3A_1515 = tpu.vector_load %arg14[%get3A_1514] {strides = array<i32>} : memref<528xf32, #tpu.memory_space<vmem>>, vector<16xf32>,
        %get3A_1516 = arith.index_cast %mul3A_1509 : i32 to index
        %get3A_1517 = tpu.vector_load %arg15[%get3A_1516] {strides = array<i32>} : memref<528xf32, #tpu.memory_space<vmem>>, vector<16xf32>,
        %get3A_1518 = arith.index_cast %mul3A_1509 : i32 to index
        %get3A_1519 = tpu.vector_load %arg16[%get3A_1518] {strides = array<i32>} : memref<528xf32, #tpu.memory_space<vmem>>, vector<16xf32>,
        %get3A_1520 = arith.index_cast %mul3A_1509 : i32 to index
        %get3A_1521 = tpu.vector_load %arg17[%get3A_1520] {strides = array<i32>} : memref<528xf32, #tpu.memory_space<vmem>>, vector<16xf32>,
        %max3A_1522 = vector.broadcast %squeeze3A_158 : f32 to vector<16xf32>
        %max3A_1523 = arith.maximumf %max3A_1522, %get3A_1513 : vector<16xf32>
        %max3A_1524 = vector.broadcast %squeeze3A_162 : f32 to vector<16xf32>
        %max3A_1525 = arith.maximumf %max3A_1524, %get3A_1515 : vector<16xf32>
        %min3A_1526 = vector.broadcast %squeeze3A_166 : f32 to vector<16xf32>
        %min3A_1527 = arith.minimumf %min3A_1526, %get3A_1517 : vector<16xf32>
        %min3A_1528 = vector.broadcast %squeeze3A_170 : f32 to vector<16xf32>
        %min3A_1529 = arith.minimumf %min3A_1528, %get3A_1519 : vector<16xf32>
        %sub3A_1530 = arith.subf %min3A_1527, %max3A_1523 : vector<16xf32>
        %max3A_1531 = arith.constant 0.000000e+00 : f32
        %max3A_1532 = vector.broadcast %max3A_1531 : f32 to vector<16xf32>
        %max3A_1533 = arith.maximumf %sub3A_1530, %max3A_1532 : vector<16xf32>
        %sub3A_1534 = arith.subf %min3A_1529, %max3A_1525 : vector<16xf32>
        %max3A_1535 = arith.constant 0.000000e+00 : f32
        %max3A_1536 = vector.broadcast %max3A_1535 : f32 to vector<16xf32>
        %max3A_1537 = arith.maximumf %sub3A_1534, %max3A_1536 : vector<16xf32>
        %mul3A_1538 = arith.mulf %max3A_1533, %max3A_1537 : vector<16xf32>
        %add3A_1539 = vector.broadcast %mul3A_173 : f32 to vector<16xf32>
        %add3A_1540 = arith.addf %add3A_1539, %get3A_1521 : vector<16xf32>
        %sub3A_1541 = arith.subf %add3A_1540, %mul3A_1538 : vector<16xf32>
        %add3A_1542 = arith.constant 9.99999971E-10 : f32
        %add3A_1543 = vector.broadcast %add3A_1542 : f32 to vector<16xf32>
        %add3A_1544 = arith.addf %sub3A_1541, %add3A_1543 : vector<16xf32>
        %div3A_1545 = arith.divf %mul3A_1538, %add3A_1544 : vector<16xf32>
        %mul3A_1546 = arith.constant 16 : i32
        %mul3A_1547 = arith.muli %scan3A_1507, %mul3A_1546 : i32
        %add3A_1548 = vector.broadcast %mul3A_1547 : i32 to vector<16xi32>
        %add3A_1549 = arith.addi %add3A_1548, %iota3A : vector<16xi32>
        %eq3A_1550 = vector.broadcast %min3A_152 : i32 to vector<16xi32>
        %eq3A_1551 = arith.cmpi eq, %add3A_1549, %eq3A_1550 : vector<16xi32>
        %gt3A_1552 = arith.constant 6.000000e-01 : f32
        %gt3A_1553 = vector.broadcast %gt3A_1552 : f32 to vector<16xf32>
        %gt3A_1554 = arith.cmpf ogt, %div3A_1545, %gt3A_1553 : vector<16xf32>
        %or3A_1555 = arith.ori %gt3A_1554, %eq3A_1551 : vector<16xi1>
        %jit3A_1556 = arith.constant -1.000000e+00 : f32
        %broadcast_in_dim3A_1557 = vector.broadcast %jit3A_1556 : f32 to vector<16xf32>
        %select_n3A_1558 = arith.select %or3A_1555, %broadcast_in_dim3A_1557, %get3A_1511 : vector<16xi1>, vector<16xf32>
        %swap3A_1559 = arith.index_cast %mul3A_1509 : i32 to index
        %swap3A_1560 = tpu.vector_load %arg7[%swap3A_1559] {strides = array<i32>} : memref<528xf32, #tpu.memory_space<vmem>>, vector<16xf32>,
        tpu.vector_store %arg7[%swap3A_1559], %select_n3A_1558 {strides = array<i32>} : memref<528xf32, #tpu.memory_space<vmem>>, vector<16xf32>,
        %gt3A_1561 = arith.cmpf ogt, %select_n3A_1558, %select_n3A_1504 : vector<16xf32>
        %select_n3A_1562 = arith.select %gt3A_1561, %select_n3A_1558, %select_n3A_1504 : vector<16xi1>, vector<16xf32>
        %broadcast_in_dim3A_1563 = vector.broadcast %scan3A_1507 : i32 to vector<16xi32>
        %select_n3A_1564 = arith.select %gt3A_1561, %broadcast_in_dim3A_1563, %select_n3A_1506 : vector<16xi1>, vector<16xi32>
        %scan3A_1565 = arith.constant 24 : i32
        %mul3A_1566 = arith.constant 16 : i32
        %mul3A_1567 = arith.muli %scan3A_1565, %mul3A_1566 : i32
        %get3A_1568 = arith.index_cast %mul3A_1567 : i32 to index
        %get3A_1569 = tpu.vector_load %arg7[%get3A_1568] {strides = array<i32>} : memref<528xf32, #tpu.memory_space<vmem>>, vector<16xf32>,
        %get3A_1570 = arith.index_cast %mul3A_1567 : i32 to index
        %get3A_1571 = tpu.vector_load %arg13[%get3A_1570] {strides = array<i32>} : memref<528xf32, #tpu.memory_space<vmem>>, vector<16xf32>,
        %get3A_1572 = arith.index_cast %mul3A_1567 : i32 to index
        %get3A_1573 = tpu.vector_load %arg14[%get3A_1572] {strides = array<i32>} : memref<528xf32, #tpu.memory_space<vmem>>, vector<16xf32>,
        %get3A_1574 = arith.index_cast %mul3A_1567 : i32 to index
        %get3A_1575 = tpu.vector_load %arg15[%get3A_1574] {strides = array<i32>} : memref<528xf32, #tpu.memory_space<vmem>>, vector<16xf32>,
        %get3A_1576 = arith.index_cast %mul3A_1567 : i32 to index
        %get3A_1577 = tpu.vector_load %arg16[%get3A_1576] {strides = array<i32>} : memref<528xf32, #tpu.memory_space<vmem>>, vector<16xf32>,
        %get3A_1578 = arith.index_cast %mul3A_1567 : i32 to index
        %get3A_1579 = tpu.vector_load %arg17[%get3A_1578] {strides = array<i32>} : memref<528xf32, #tpu.memory_space<vmem>>, vector<16xf32>,
        %max3A_1580 = vector.broadcast %squeeze3A_158 : f32 to vector<16xf32>
        %max3A_1581 = arith.maximumf %max3A_1580, %get3A_1571 : vector<16xf32>
        %max3A_1582 = vector.broadcast %squeeze3A_162 : f32 to vector<16xf32>
        %max3A_1583 = arith.maximumf %max3A_1582, %get3A_1573 : vector<16xf32>
        %min3A_1584 = vector.broadcast %squeeze3A_166 : f32 to vector<16xf32>
        %min3A_1585 = arith.minimumf %min3A_1584, %get3A_1575 : vector<16xf32>
        %min3A_1586 = vector.broadcast %squeeze3A_170 : f32 to vector<16xf32>
        %min3A_1587 = arith.minimumf %min3A_1586, %get3A_1577 : vector<16xf32>
        %sub3A_1588 = arith.subf %min3A_1585, %max3A_1581 : vector<16xf32>
        %max3A_1589 = arith.constant 0.000000e+00 : f32
        %max3A_1590 = vector.broadcast %max3A_1589 : f32 to vector<16xf32>
        %max3A_1591 = arith.maximumf %sub3A_1588, %max3A_1590 : vector<16xf32>
        %sub3A_1592 = arith.subf %min3A_1587, %max3A_1583 : vector<16xf32>
        %max3A_1593 = arith.constant 0.000000e+00 : f32
        %max3A_1594 = vector.broadcast %max3A_1593 : f32 to vector<16xf32>
        %max3A_1595 = arith.maximumf %sub3A_1592, %max3A_1594 : vector<16xf32>
        %mul3A_1596 = arith.mulf %max3A_1591, %max3A_1595 : vector<16xf32>
        %add3A_1597 = vector.broadcast %mul3A_173 : f32 to vector<16xf32>
        %add3A_1598 = arith.addf %add3A_1597, %get3A_1579 : vector<16xf32>
        %sub3A_1599 = arith.subf %add3A_1598, %mul3A_1596 : vector<16xf32>
        %add3A_1600 = arith.constant 9.99999971E-10 : f32
        %add3A_1601 = vector.broadcast %add3A_1600 : f32 to vector<16xf32>
        %add3A_1602 = arith.addf %sub3A_1599, %add3A_1601 : vector<16xf32>
        %div3A_1603 = arith.divf %mul3A_1596, %add3A_1602 : vector<16xf32>
        %mul3A_1604 = arith.constant 16 : i32
        %mul3A_1605 = arith.muli %scan3A_1565, %mul3A_1604 : i32
        %add3A_1606 = vector.broadcast %mul3A_1605 : i32 to vector<16xi32>
        %add3A_1607 = arith.addi %add3A_1606, %iota3A : vector<16xi32>
        %eq3A_1608 = vector.broadcast %min3A_152 : i32 to vector<16xi32>
        %eq3A_1609 = arith.cmpi eq, %add3A_1607, %eq3A_1608 : vector<16xi32>
        %gt3A_1610 = arith.constant 6.000000e-01 : f32
        %gt3A_1611 = vector.broadcast %gt3A_1610 : f32 to vector<16xf32>
        %gt3A_1612 = arith.cmpf ogt, %div3A_1603, %gt3A_1611 : vector<16xf32>
        %or3A_1613 = arith.ori %gt3A_1612, %eq3A_1609 : vector<16xi1>
        %jit3A_1614 = arith.constant -1.000000e+00 : f32
        %broadcast_in_dim3A_1615 = vector.broadcast %jit3A_1614 : f32 to vector<16xf32>
        %select_n3A_1616 = arith.select %or3A_1613, %broadcast_in_dim3A_1615, %get3A_1569 : vector<16xi1>, vector<16xf32>
        %swap3A_1617 = arith.index_cast %mul3A_1567 : i32 to index
        %swap3A_1618 = tpu.vector_load %arg7[%swap3A_1617] {strides = array<i32>} : memref<528xf32, #tpu.memory_space<vmem>>, vector<16xf32>,
        tpu.vector_store %arg7[%swap3A_1617], %select_n3A_1616 {strides = array<i32>} : memref<528xf32, #tpu.memory_space<vmem>>, vector<16xf32>,
        %gt3A_1619 = arith.cmpf ogt, %select_n3A_1616, %select_n3A_1562 : vector<16xf32>
        %select_n3A_1620 = arith.select %gt3A_1619, %select_n3A_1616, %select_n3A_1562 : vector<16xi1>, vector<16xf32>
        %broadcast_in_dim3A_1621 = vector.broadcast %scan3A_1565 : i32 to vector<16xi32>
        %select_n3A_1622 = arith.select %gt3A_1619, %broadcast_in_dim3A_1621, %select_n3A_1564 : vector<16xi1>, vector<16xi32>
        %scan3A_1623 = arith.constant 25 : i32
        %mul3A_1624 = arith.constant 16 : i32
        %mul3A_1625 = arith.muli %scan3A_1623, %mul3A_1624 : i32
        %get3A_1626 = arith.index_cast %mul3A_1625 : i32 to index
        %get3A_1627 = tpu.vector_load %arg7[%get3A_1626] {strides = array<i32>} : memref<528xf32, #tpu.memory_space<vmem>>, vector<16xf32>,
        %get3A_1628 = arith.index_cast %mul3A_1625 : i32 to index
        %get3A_1629 = tpu.vector_load %arg13[%get3A_1628] {strides = array<i32>} : memref<528xf32, #tpu.memory_space<vmem>>, vector<16xf32>,
        %get3A_1630 = arith.index_cast %mul3A_1625 : i32 to index
        %get3A_1631 = tpu.vector_load %arg14[%get3A_1630] {strides = array<i32>} : memref<528xf32, #tpu.memory_space<vmem>>, vector<16xf32>,
        %get3A_1632 = arith.index_cast %mul3A_1625 : i32 to index
        %get3A_1633 = tpu.vector_load %arg15[%get3A_1632] {strides = array<i32>} : memref<528xf32, #tpu.memory_space<vmem>>, vector<16xf32>,
        %get3A_1634 = arith.index_cast %mul3A_1625 : i32 to index
        %get3A_1635 = tpu.vector_load %arg16[%get3A_1634] {strides = array<i32>} : memref<528xf32, #tpu.memory_space<vmem>>, vector<16xf32>,
        %get3A_1636 = arith.index_cast %mul3A_1625 : i32 to index
        %get3A_1637 = tpu.vector_load %arg17[%get3A_1636] {strides = array<i32>} : memref<528xf32, #tpu.memory_space<vmem>>, vector<16xf32>,
        %max3A_1638 = vector.broadcast %squeeze3A_158 : f32 to vector<16xf32>
        %max3A_1639 = arith.maximumf %max3A_1638, %get3A_1629 : vector<16xf32>
        %max3A_1640 = vector.broadcast %squeeze3A_162 : f32 to vector<16xf32>
        %max3A_1641 = arith.maximumf %max3A_1640, %get3A_1631 : vector<16xf32>
        %min3A_1642 = vector.broadcast %squeeze3A_166 : f32 to vector<16xf32>
        %min3A_1643 = arith.minimumf %min3A_1642, %get3A_1633 : vector<16xf32>
        %min3A_1644 = vector.broadcast %squeeze3A_170 : f32 to vector<16xf32>
        %min3A_1645 = arith.minimumf %min3A_1644, %get3A_1635 : vector<16xf32>
        %sub3A_1646 = arith.subf %min3A_1643, %max3A_1639 : vector<16xf32>
        %max3A_1647 = arith.constant 0.000000e+00 : f32
        %max3A_1648 = vector.broadcast %max3A_1647 : f32 to vector<16xf32>
        %max3A_1649 = arith.maximumf %sub3A_1646, %max3A_1648 : vector<16xf32>
        %sub3A_1650 = arith.subf %min3A_1645, %max3A_1641 : vector<16xf32>
        %max3A_1651 = arith.constant 0.000000e+00 : f32
        %max3A_1652 = vector.broadcast %max3A_1651 : f32 to vector<16xf32>
        %max3A_1653 = arith.maximumf %sub3A_1650, %max3A_1652 : vector<16xf32>
        %mul3A_1654 = arith.mulf %max3A_1649, %max3A_1653 : vector<16xf32>
        %add3A_1655 = vector.broadcast %mul3A_173 : f32 to vector<16xf32>
        %add3A_1656 = arith.addf %add3A_1655, %get3A_1637 : vector<16xf32>
        %sub3A_1657 = arith.subf %add3A_1656, %mul3A_1654 : vector<16xf32>
        %add3A_1658 = arith.constant 9.99999971E-10 : f32
        %add3A_1659 = vector.broadcast %add3A_1658 : f32 to vector<16xf32>
        %add3A_1660 = arith.addf %sub3A_1657, %add3A_1659 : vector<16xf32>
        %div3A_1661 = arith.divf %mul3A_1654, %add3A_1660 : vector<16xf32>
        %mul3A_1662 = arith.constant 16 : i32
        %mul3A_1663 = arith.muli %scan3A_1623, %mul3A_1662 : i32
        %add3A_1664 = vector.broadcast %mul3A_1663 : i32 to vector<16xi32>
        %add3A_1665 = arith.addi %add3A_1664, %iota3A : vector<16xi32>
        %eq3A_1666 = vector.broadcast %min3A_152 : i32 to vector<16xi32>
        %eq3A_1667 = arith.cmpi eq, %add3A_1665, %eq3A_1666 : vector<16xi32>
        %gt3A_1668 = arith.constant 6.000000e-01 : f32
        %gt3A_1669 = vector.broadcast %gt3A_1668 : f32 to vector<16xf32>
        %gt3A_1670 = arith.cmpf ogt, %div3A_1661, %gt3A_1669 : vector<16xf32>
        %or3A_1671 = arith.ori %gt3A_1670, %eq3A_1667 : vector<16xi1>
        %jit3A_1672 = arith.constant -1.000000e+00 : f32
        %broadcast_in_dim3A_1673 = vector.broadcast %jit3A_1672 : f32 to vector<16xf32>
        %select_n3A_1674 = arith.select %or3A_1671, %broadcast_in_dim3A_1673, %get3A_1627 : vector<16xi1>, vector<16xf32>
        %swap3A_1675 = arith.index_cast %mul3A_1625 : i32 to index
        %swap3A_1676 = tpu.vector_load %arg7[%swap3A_1675] {strides = array<i32>} : memref<528xf32, #tpu.memory_space<vmem>>, vector<16xf32>,
        tpu.vector_store %arg7[%swap3A_1675], %select_n3A_1674 {strides = array<i32>} : memref<528xf32, #tpu.memory_space<vmem>>, vector<16xf32>,
        %gt3A_1677 = arith.cmpf ogt, %select_n3A_1674, %select_n3A_1620 : vector<16xf32>
        %select_n3A_1678 = arith.select %gt3A_1677, %select_n3A_1674, %select_n3A_1620 : vector<16xi1>, vector<16xf32>
        %broadcast_in_dim3A_1679 = vector.broadcast %scan3A_1623 : i32 to vector<16xi32>
        %select_n3A_1680 = arith.select %gt3A_1677, %broadcast_in_dim3A_1679, %select_n3A_1622 : vector<16xi1>, vector<16xi32>
        %scan3A_1681 = arith.constant 26 : i32
        %mul3A_1682 = arith.constant 16 : i32
        %mul3A_1683 = arith.muli %scan3A_1681, %mul3A_1682 : i32
        %get3A_1684 = arith.index_cast %mul3A_1683 : i32 to index
        %get3A_1685 = tpu.vector_load %arg7[%get3A_1684] {strides = array<i32>} : memref<528xf32, #tpu.memory_space<vmem>>, vector<16xf32>,
        %get3A_1686 = arith.index_cast %mul3A_1683 : i32 to index
        %get3A_1687 = tpu.vector_load %arg13[%get3A_1686] {strides = array<i32>} : memref<528xf32, #tpu.memory_space<vmem>>, vector<16xf32>,
        %get3A_1688 = arith.index_cast %mul3A_1683 : i32 to index
        %get3A_1689 = tpu.vector_load %arg14[%get3A_1688] {strides = array<i32>} : memref<528xf32, #tpu.memory_space<vmem>>, vector<16xf32>,
        %get3A_1690 = arith.index_cast %mul3A_1683 : i32 to index
        %get3A_1691 = tpu.vector_load %arg15[%get3A_1690] {strides = array<i32>} : memref<528xf32, #tpu.memory_space<vmem>>, vector<16xf32>,
        %get3A_1692 = arith.index_cast %mul3A_1683 : i32 to index
        %get3A_1693 = tpu.vector_load %arg16[%get3A_1692] {strides = array<i32>} : memref<528xf32, #tpu.memory_space<vmem>>, vector<16xf32>,
        %get3A_1694 = arith.index_cast %mul3A_1683 : i32 to index
        %get3A_1695 = tpu.vector_load %arg17[%get3A_1694] {strides = array<i32>} : memref<528xf32, #tpu.memory_space<vmem>>, vector<16xf32>,
        %max3A_1696 = vector.broadcast %squeeze3A_158 : f32 to vector<16xf32>
        %max3A_1697 = arith.maximumf %max3A_1696, %get3A_1687 : vector<16xf32>
        %max3A_1698 = vector.broadcast %squeeze3A_162 : f32 to vector<16xf32>
        %max3A_1699 = arith.maximumf %max3A_1698, %get3A_1689 : vector<16xf32>
        %min3A_1700 = vector.broadcast %squeeze3A_166 : f32 to vector<16xf32>
        %min3A_1701 = arith.minimumf %min3A_1700, %get3A_1691 : vector<16xf32>
        %min3A_1702 = vector.broadcast %squeeze3A_170 : f32 to vector<16xf32>
        %min3A_1703 = arith.minimumf %min3A_1702, %get3A_1693 : vector<16xf32>
        %sub3A_1704 = arith.subf %min3A_1701, %max3A_1697 : vector<16xf32>
        %max3A_1705 = arith.constant 0.000000e+00 : f32
        %max3A_1706 = vector.broadcast %max3A_1705 : f32 to vector<16xf32>
        %max3A_1707 = arith.maximumf %sub3A_1704, %max3A_1706 : vector<16xf32>
        %sub3A_1708 = arith.subf %min3A_1703, %max3A_1699 : vector<16xf32>
        %max3A_1709 = arith.constant 0.000000e+00 : f32
        %max3A_1710 = vector.broadcast %max3A_1709 : f32 to vector<16xf32>
        %max3A_1711 = arith.maximumf %sub3A_1708, %max3A_1710 : vector<16xf32>
        %mul3A_1712 = arith.mulf %max3A_1707, %max3A_1711 : vector<16xf32>
        %add3A_1713 = vector.broadcast %mul3A_173 : f32 to vector<16xf32>
        %add3A_1714 = arith.addf %add3A_1713, %get3A_1695 : vector<16xf32>
        %sub3A_1715 = arith.subf %add3A_1714, %mul3A_1712 : vector<16xf32>
        %add3A_1716 = arith.constant 9.99999971E-10 : f32
        %add3A_1717 = vector.broadcast %add3A_1716 : f32 to vector<16xf32>
        %add3A_1718 = arith.addf %sub3A_1715, %add3A_1717 : vector<16xf32>
        %div3A_1719 = arith.divf %mul3A_1712, %add3A_1718 : vector<16xf32>
        %mul3A_1720 = arith.constant 16 : i32
        %mul3A_1721 = arith.muli %scan3A_1681, %mul3A_1720 : i32
        %add3A_1722 = vector.broadcast %mul3A_1721 : i32 to vector<16xi32>
        %add3A_1723 = arith.addi %add3A_1722, %iota3A : vector<16xi32>
        %eq3A_1724 = vector.broadcast %min3A_152 : i32 to vector<16xi32>
        %eq3A_1725 = arith.cmpi eq, %add3A_1723, %eq3A_1724 : vector<16xi32>
        %gt3A_1726 = arith.constant 6.000000e-01 : f32
        %gt3A_1727 = vector.broadcast %gt3A_1726 : f32 to vector<16xf32>
        %gt3A_1728 = arith.cmpf ogt, %div3A_1719, %gt3A_1727 : vector<16xf32>
        %or3A_1729 = arith.ori %gt3A_1728, %eq3A_1725 : vector<16xi1>
        %jit3A_1730 = arith.constant -1.000000e+00 : f32
        %broadcast_in_dim3A_1731 = vector.broadcast %jit3A_1730 : f32 to vector<16xf32>
        %select_n3A_1732 = arith.select %or3A_1729, %broadcast_in_dim3A_1731, %get3A_1685 : vector<16xi1>, vector<16xf32>
        %swap3A_1733 = arith.index_cast %mul3A_1683 : i32 to index
        %swap3A_1734 = tpu.vector_load %arg7[%swap3A_1733] {strides = array<i32>} : memref<528xf32, #tpu.memory_space<vmem>>, vector<16xf32>,
        tpu.vector_store %arg7[%swap3A_1733], %select_n3A_1732 {strides = array<i32>} : memref<528xf32, #tpu.memory_space<vmem>>, vector<16xf32>,
        %gt3A_1735 = arith.cmpf ogt, %select_n3A_1732, %select_n3A_1678 : vector<16xf32>
        %select_n3A_1736 = arith.select %gt3A_1735, %select_n3A_1732, %select_n3A_1678 : vector<16xi1>, vector<16xf32>
        %broadcast_in_dim3A_1737 = vector.broadcast %scan3A_1681 : i32 to vector<16xi32>
        %select_n3A_1738 = arith.select %gt3A_1735, %broadcast_in_dim3A_1737, %select_n3A_1680 : vector<16xi1>, vector<16xi32>
        %scan3A_1739 = arith.constant 27 : i32
        %mul3A_1740 = arith.constant 16 : i32
        %mul3A_1741 = arith.muli %scan3A_1739, %mul3A_1740 : i32
        %get3A_1742 = arith.index_cast %mul3A_1741 : i32 to index
        %get3A_1743 = tpu.vector_load %arg7[%get3A_1742] {strides = array<i32>} : memref<528xf32, #tpu.memory_space<vmem>>, vector<16xf32>,
        %get3A_1744 = arith.index_cast %mul3A_1741 : i32 to index
        %get3A_1745 = tpu.vector_load %arg13[%get3A_1744] {strides = array<i32>} : memref<528xf32, #tpu.memory_space<vmem>>, vector<16xf32>,
        %get3A_1746 = arith.index_cast %mul3A_1741 : i32 to index
        %get3A_1747 = tpu.vector_load %arg14[%get3A_1746] {strides = array<i32>} : memref<528xf32, #tpu.memory_space<vmem>>, vector<16xf32>,
        %get3A_1748 = arith.index_cast %mul3A_1741 : i32 to index
        %get3A_1749 = tpu.vector_load %arg15[%get3A_1748] {strides = array<i32>} : memref<528xf32, #tpu.memory_space<vmem>>, vector<16xf32>,
        %get3A_1750 = arith.index_cast %mul3A_1741 : i32 to index
        %get3A_1751 = tpu.vector_load %arg16[%get3A_1750] {strides = array<i32>} : memref<528xf32, #tpu.memory_space<vmem>>, vector<16xf32>,
        %get3A_1752 = arith.index_cast %mul3A_1741 : i32 to index
        %get3A_1753 = tpu.vector_load %arg17[%get3A_1752] {strides = array<i32>} : memref<528xf32, #tpu.memory_space<vmem>>, vector<16xf32>,
        %max3A_1754 = vector.broadcast %squeeze3A_158 : f32 to vector<16xf32>
        %max3A_1755 = arith.maximumf %max3A_1754, %get3A_1745 : vector<16xf32>
        %max3A_1756 = vector.broadcast %squeeze3A_162 : f32 to vector<16xf32>
        %max3A_1757 = arith.maximumf %max3A_1756, %get3A_1747 : vector<16xf32>
        %min3A_1758 = vector.broadcast %squeeze3A_166 : f32 to vector<16xf32>
        %min3A_1759 = arith.minimumf %min3A_1758, %get3A_1749 : vector<16xf32>
        %min3A_1760 = vector.broadcast %squeeze3A_170 : f32 to vector<16xf32>
        %min3A_1761 = arith.minimumf %min3A_1760, %get3A_1751 : vector<16xf32>
        %sub3A_1762 = arith.subf %min3A_1759, %max3A_1755 : vector<16xf32>
        %max3A_1763 = arith.constant 0.000000e+00 : f32
        %max3A_1764 = vector.broadcast %max3A_1763 : f32 to vector<16xf32>
        %max3A_1765 = arith.maximumf %sub3A_1762, %max3A_1764 : vector<16xf32>
        %sub3A_1766 = arith.subf %min3A_1761, %max3A_1757 : vector<16xf32>
        %max3A_1767 = arith.constant 0.000000e+00 : f32
        %max3A_1768 = vector.broadcast %max3A_1767 : f32 to vector<16xf32>
        %max3A_1769 = arith.maximumf %sub3A_1766, %max3A_1768 : vector<16xf32>
        %mul3A_1770 = arith.mulf %max3A_1765, %max3A_1769 : vector<16xf32>
        %add3A_1771 = vector.broadcast %mul3A_173 : f32 to vector<16xf32>
        %add3A_1772 = arith.addf %add3A_1771, %get3A_1753 : vector<16xf32>
        %sub3A_1773 = arith.subf %add3A_1772, %mul3A_1770 : vector<16xf32>
        %add3A_1774 = arith.constant 9.99999971E-10 : f32
        %add3A_1775 = vector.broadcast %add3A_1774 : f32 to vector<16xf32>
        %add3A_1776 = arith.addf %sub3A_1773, %add3A_1775 : vector<16xf32>
        %div3A_1777 = arith.divf %mul3A_1770, %add3A_1776 : vector<16xf32>
        %mul3A_1778 = arith.constant 16 : i32
        %mul3A_1779 = arith.muli %scan3A_1739, %mul3A_1778 : i32
        %add3A_1780 = vector.broadcast %mul3A_1779 : i32 to vector<16xi32>
        %add3A_1781 = arith.addi %add3A_1780, %iota3A : vector<16xi32>
        %eq3A_1782 = vector.broadcast %min3A_152 : i32 to vector<16xi32>
        %eq3A_1783 = arith.cmpi eq, %add3A_1781, %eq3A_1782 : vector<16xi32>
        %gt3A_1784 = arith.constant 6.000000e-01 : f32
        %gt3A_1785 = vector.broadcast %gt3A_1784 : f32 to vector<16xf32>
        %gt3A_1786 = arith.cmpf ogt, %div3A_1777, %gt3A_1785 : vector<16xf32>
        %or3A_1787 = arith.ori %gt3A_1786, %eq3A_1783 : vector<16xi1>
        %jit3A_1788 = arith.constant -1.000000e+00 : f32
        %broadcast_in_dim3A_1789 = vector.broadcast %jit3A_1788 : f32 to vector<16xf32>
        %select_n3A_1790 = arith.select %or3A_1787, %broadcast_in_dim3A_1789, %get3A_1743 : vector<16xi1>, vector<16xf32>
        %swap3A_1791 = arith.index_cast %mul3A_1741 : i32 to index
        %swap3A_1792 = tpu.vector_load %arg7[%swap3A_1791] {strides = array<i32>} : memref<528xf32, #tpu.memory_space<vmem>>, vector<16xf32>,
        tpu.vector_store %arg7[%swap3A_1791], %select_n3A_1790 {strides = array<i32>} : memref<528xf32, #tpu.memory_space<vmem>>, vector<16xf32>,
        %gt3A_1793 = arith.cmpf ogt, %select_n3A_1790, %select_n3A_1736 : vector<16xf32>
        %select_n3A_1794 = arith.select %gt3A_1793, %select_n3A_1790, %select_n3A_1736 : vector<16xi1>, vector<16xf32>
        %broadcast_in_dim3A_1795 = vector.broadcast %scan3A_1739 : i32 to vector<16xi32>
        %select_n3A_1796 = arith.select %gt3A_1793, %broadcast_in_dim3A_1795, %select_n3A_1738 : vector<16xi1>, vector<16xi32>
        %scan3A_1797 = arith.constant 28 : i32
        %mul3A_1798 = arith.constant 16 : i32
        %mul3A_1799 = arith.muli %scan3A_1797, %mul3A_1798 : i32
        %get3A_1800 = arith.index_cast %mul3A_1799 : i32 to index
        %get3A_1801 = tpu.vector_load %arg7[%get3A_1800] {strides = array<i32>} : memref<528xf32, #tpu.memory_space<vmem>>, vector<16xf32>,
        %get3A_1802 = arith.index_cast %mul3A_1799 : i32 to index
        %get3A_1803 = tpu.vector_load %arg13[%get3A_1802] {strides = array<i32>} : memref<528xf32, #tpu.memory_space<vmem>>, vector<16xf32>,
        %get3A_1804 = arith.index_cast %mul3A_1799 : i32 to index
        %get3A_1805 = tpu.vector_load %arg14[%get3A_1804] {strides = array<i32>} : memref<528xf32, #tpu.memory_space<vmem>>, vector<16xf32>,
        %get3A_1806 = arith.index_cast %mul3A_1799 : i32 to index
        %get3A_1807 = tpu.vector_load %arg15[%get3A_1806] {strides = array<i32>} : memref<528xf32, #tpu.memory_space<vmem>>, vector<16xf32>,
        %get3A_1808 = arith.index_cast %mul3A_1799 : i32 to index
        %get3A_1809 = tpu.vector_load %arg16[%get3A_1808] {strides = array<i32>} : memref<528xf32, #tpu.memory_space<vmem>>, vector<16xf32>,
        %get3A_1810 = arith.index_cast %mul3A_1799 : i32 to index
        %get3A_1811 = tpu.vector_load %arg17[%get3A_1810] {strides = array<i32>} : memref<528xf32, #tpu.memory_space<vmem>>, vector<16xf32>,
        %max3A_1812 = vector.broadcast %squeeze3A_158 : f32 to vector<16xf32>
        %max3A_1813 = arith.maximumf %max3A_1812, %get3A_1803 : vector<16xf32>
        %max3A_1814 = vector.broadcast %squeeze3A_162 : f32 to vector<16xf32>
        %max3A_1815 = arith.maximumf %max3A_1814, %get3A_1805 : vector<16xf32>
        %min3A_1816 = vector.broadcast %squeeze3A_166 : f32 to vector<16xf32>
        %min3A_1817 = arith.minimumf %min3A_1816, %get3A_1807 : vector<16xf32>
        %min3A_1818 = vector.broadcast %squeeze3A_170 : f32 to vector<16xf32>
        %min3A_1819 = arith.minimumf %min3A_1818, %get3A_1809 : vector<16xf32>
        %sub3A_1820 = arith.subf %min3A_1817, %max3A_1813 : vector<16xf32>
        %max3A_1821 = arith.constant 0.000000e+00 : f32
        %max3A_1822 = vector.broadcast %max3A_1821 : f32 to vector<16xf32>
        %max3A_1823 = arith.maximumf %sub3A_1820, %max3A_1822 : vector<16xf32>
        %sub3A_1824 = arith.subf %min3A_1819, %max3A_1815 : vector<16xf32>
        %max3A_1825 = arith.constant 0.000000e+00 : f32
        %max3A_1826 = vector.broadcast %max3A_1825 : f32 to vector<16xf32>
        %max3A_1827 = arith.maximumf %sub3A_1824, %max3A_1826 : vector<16xf32>
        %mul3A_1828 = arith.mulf %max3A_1823, %max3A_1827 : vector<16xf32>
        %add3A_1829 = vector.broadcast %mul3A_173 : f32 to vector<16xf32>
        %add3A_1830 = arith.addf %add3A_1829, %get3A_1811 : vector<16xf32>
        %sub3A_1831 = arith.subf %add3A_1830, %mul3A_1828 : vector<16xf32>
        %add3A_1832 = arith.constant 9.99999971E-10 : f32
        %add3A_1833 = vector.broadcast %add3A_1832 : f32 to vector<16xf32>
        %add3A_1834 = arith.addf %sub3A_1831, %add3A_1833 : vector<16xf32>
        %div3A_1835 = arith.divf %mul3A_1828, %add3A_1834 : vector<16xf32>
        %mul3A_1836 = arith.constant 16 : i32
        %mul3A_1837 = arith.muli %scan3A_1797, %mul3A_1836 : i32
        %add3A_1838 = vector.broadcast %mul3A_1837 : i32 to vector<16xi32>
        %add3A_1839 = arith.addi %add3A_1838, %iota3A : vector<16xi32>
        %eq3A_1840 = vector.broadcast %min3A_152 : i32 to vector<16xi32>
        %eq3A_1841 = arith.cmpi eq, %add3A_1839, %eq3A_1840 : vector<16xi32>
        %gt3A_1842 = arith.constant 6.000000e-01 : f32
        %gt3A_1843 = vector.broadcast %gt3A_1842 : f32 to vector<16xf32>
        %gt3A_1844 = arith.cmpf ogt, %div3A_1835, %gt3A_1843 : vector<16xf32>
        %or3A_1845 = arith.ori %gt3A_1844, %eq3A_1841 : vector<16xi1>
        %jit3A_1846 = arith.constant -1.000000e+00 : f32
        %broadcast_in_dim3A_1847 = vector.broadcast %jit3A_1846 : f32 to vector<16xf32>
        %select_n3A_1848 = arith.select %or3A_1845, %broadcast_in_dim3A_1847, %get3A_1801 : vector<16xi1>, vector<16xf32>
        %swap3A_1849 = arith.index_cast %mul3A_1799 : i32 to index
        %swap3A_1850 = tpu.vector_load %arg7[%swap3A_1849] {strides = array<i32>} : memref<528xf32, #tpu.memory_space<vmem>>, vector<16xf32>,
        tpu.vector_store %arg7[%swap3A_1849], %select_n3A_1848 {strides = array<i32>} : memref<528xf32, #tpu.memory_space<vmem>>, vector<16xf32>,
        %gt3A_1851 = arith.cmpf ogt, %select_n3A_1848, %select_n3A_1794 : vector<16xf32>
        %select_n3A_1852 = arith.select %gt3A_1851, %select_n3A_1848, %select_n3A_1794 : vector<16xi1>, vector<16xf32>
        %broadcast_in_dim3A_1853 = vector.broadcast %scan3A_1797 : i32 to vector<16xi32>
        %select_n3A_1854 = arith.select %gt3A_1851, %broadcast_in_dim3A_1853, %select_n3A_1796 : vector<16xi1>, vector<16xi32>
        %scan3A_1855 = arith.constant 29 : i32
        %mul3A_1856 = arith.constant 16 : i32
        %mul3A_1857 = arith.muli %scan3A_1855, %mul3A_1856 : i32
        %get3A_1858 = arith.index_cast %mul3A_1857 : i32 to index
        %get3A_1859 = tpu.vector_load %arg7[%get3A_1858] {strides = array<i32>} : memref<528xf32, #tpu.memory_space<vmem>>, vector<16xf32>,
        %get3A_1860 = arith.index_cast %mul3A_1857 : i32 to index
        %get3A_1861 = tpu.vector_load %arg13[%get3A_1860] {strides = array<i32>} : memref<528xf32, #tpu.memory_space<vmem>>, vector<16xf32>,
        %get3A_1862 = arith.index_cast %mul3A_1857 : i32 to index
        %get3A_1863 = tpu.vector_load %arg14[%get3A_1862] {strides = array<i32>} : memref<528xf32, #tpu.memory_space<vmem>>, vector<16xf32>,
        %get3A_1864 = arith.index_cast %mul3A_1857 : i32 to index
        %get3A_1865 = tpu.vector_load %arg15[%get3A_1864] {strides = array<i32>} : memref<528xf32, #tpu.memory_space<vmem>>, vector<16xf32>,
        %get3A_1866 = arith.index_cast %mul3A_1857 : i32 to index
        %get3A_1867 = tpu.vector_load %arg16[%get3A_1866] {strides = array<i32>} : memref<528xf32, #tpu.memory_space<vmem>>, vector<16xf32>,
        %get3A_1868 = arith.index_cast %mul3A_1857 : i32 to index
        %get3A_1869 = tpu.vector_load %arg17[%get3A_1868] {strides = array<i32>} : memref<528xf32, #tpu.memory_space<vmem>>, vector<16xf32>,
        %max3A_1870 = vector.broadcast %squeeze3A_158 : f32 to vector<16xf32>
        %max3A_1871 = arith.maximumf %max3A_1870, %get3A_1861 : vector<16xf32>
        %max3A_1872 = vector.broadcast %squeeze3A_162 : f32 to vector<16xf32>
        %max3A_1873 = arith.maximumf %max3A_1872, %get3A_1863 : vector<16xf32>
        %min3A_1874 = vector.broadcast %squeeze3A_166 : f32 to vector<16xf32>
        %min3A_1875 = arith.minimumf %min3A_1874, %get3A_1865 : vector<16xf32>
        %min3A_1876 = vector.broadcast %squeeze3A_170 : f32 to vector<16xf32>
        %min3A_1877 = arith.minimumf %min3A_1876, %get3A_1867 : vector<16xf32>
        %sub3A_1878 = arith.subf %min3A_1875, %max3A_1871 : vector<16xf32>
        %max3A_1879 = arith.constant 0.000000e+00 : f32
        %max3A_1880 = vector.broadcast %max3A_1879 : f32 to vector<16xf32>
        %max3A_1881 = arith.maximumf %sub3A_1878, %max3A_1880 : vector<16xf32>
        %sub3A_1882 = arith.subf %min3A_1877, %max3A_1873 : vector<16xf32>
        %max3A_1883 = arith.constant 0.000000e+00 : f32
        %max3A_1884 = vector.broadcast %max3A_1883 : f32 to vector<16xf32>
        %max3A_1885 = arith.maximumf %sub3A_1882, %max3A_1884 : vector<16xf32>
        %mul3A_1886 = arith.mulf %max3A_1881, %max3A_1885 : vector<16xf32>
        %add3A_1887 = vector.broadcast %mul3A_173 : f32 to vector<16xf32>
        %add3A_1888 = arith.addf %add3A_1887, %get3A_1869 : vector<16xf32>
        %sub3A_1889 = arith.subf %add3A_1888, %mul3A_1886 : vector<16xf32>
        %add3A_1890 = arith.constant 9.99999971E-10 : f32
        %add3A_1891 = vector.broadcast %add3A_1890 : f32 to vector<16xf32>
        %add3A_1892 = arith.addf %sub3A_1889, %add3A_1891 : vector<16xf32>
        %div3A_1893 = arith.divf %mul3A_1886, %add3A_1892 : vector<16xf32>
        %mul3A_1894 = arith.constant 16 : i32
        %mul3A_1895 = arith.muli %scan3A_1855, %mul3A_1894 : i32
        %add3A_1896 = vector.broadcast %mul3A_1895 : i32 to vector<16xi32>
        %add3A_1897 = arith.addi %add3A_1896, %iota3A : vector<16xi32>
        %eq3A_1898 = vector.broadcast %min3A_152 : i32 to vector<16xi32>
        %eq3A_1899 = arith.cmpi eq, %add3A_1897, %eq3A_1898 : vector<16xi32>
        %gt3A_1900 = arith.constant 6.000000e-01 : f32
        %gt3A_1901 = vector.broadcast %gt3A_1900 : f32 to vector<16xf32>
        %gt3A_1902 = arith.cmpf ogt, %div3A_1893, %gt3A_1901 : vector<16xf32>
        %or3A_1903 = arith.ori %gt3A_1902, %eq3A_1899 : vector<16xi1>
        %jit3A_1904 = arith.constant -1.000000e+00 : f32
        %broadcast_in_dim3A_1905 = vector.broadcast %jit3A_1904 : f32 to vector<16xf32>
        %select_n3A_1906 = arith.select %or3A_1903, %broadcast_in_dim3A_1905, %get3A_1859 : vector<16xi1>, vector<16xf32>
        %swap3A_1907 = arith.index_cast %mul3A_1857 : i32 to index
        %swap3A_1908 = tpu.vector_load %arg7[%swap3A_1907] {strides = array<i32>} : memref<528xf32, #tpu.memory_space<vmem>>, vector<16xf32>,
        tpu.vector_store %arg7[%swap3A_1907], %select_n3A_1906 {strides = array<i32>} : memref<528xf32, #tpu.memory_space<vmem>>, vector<16xf32>,
        %gt3A_1909 = arith.cmpf ogt, %select_n3A_1906, %select_n3A_1852 : vector<16xf32>
        %select_n3A_1910 = arith.select %gt3A_1909, %select_n3A_1906, %select_n3A_1852 : vector<16xi1>, vector<16xf32>
        %broadcast_in_dim3A_1911 = vector.broadcast %scan3A_1855 : i32 to vector<16xi32>
        %select_n3A_1912 = arith.select %gt3A_1909, %broadcast_in_dim3A_1911, %select_n3A_1854 : vector<16xi1>, vector<16xi32>
        %scan3A_1913 = arith.constant 30 : i32
        %mul3A_1914 = arith.constant 16 : i32
        %mul3A_1915 = arith.muli %scan3A_1913, %mul3A_1914 : i32
        %get3A_1916 = arith.index_cast %mul3A_1915 : i32 to index
        %get3A_1917 = tpu.vector_load %arg7[%get3A_1916] {strides = array<i32>} : memref<528xf32, #tpu.memory_space<vmem>>, vector<16xf32>,
        %get3A_1918 = arith.index_cast %mul3A_1915 : i32 to index
        %get3A_1919 = tpu.vector_load %arg13[%get3A_1918] {strides = array<i32>} : memref<528xf32, #tpu.memory_space<vmem>>, vector<16xf32>,
        %get3A_1920 = arith.index_cast %mul3A_1915 : i32 to index
        %get3A_1921 = tpu.vector_load %arg14[%get3A_1920] {strides = array<i32>} : memref<528xf32, #tpu.memory_space<vmem>>, vector<16xf32>,
        %get3A_1922 = arith.index_cast %mul3A_1915 : i32 to index
        %get3A_1923 = tpu.vector_load %arg15[%get3A_1922] {strides = array<i32>} : memref<528xf32, #tpu.memory_space<vmem>>, vector<16xf32>,
        %get3A_1924 = arith.index_cast %mul3A_1915 : i32 to index
        %get3A_1925 = tpu.vector_load %arg16[%get3A_1924] {strides = array<i32>} : memref<528xf32, #tpu.memory_space<vmem>>, vector<16xf32>,
        %get3A_1926 = arith.index_cast %mul3A_1915 : i32 to index
        %get3A_1927 = tpu.vector_load %arg17[%get3A_1926] {strides = array<i32>} : memref<528xf32, #tpu.memory_space<vmem>>, vector<16xf32>,
        %max3A_1928 = vector.broadcast %squeeze3A_158 : f32 to vector<16xf32>
        %max3A_1929 = arith.maximumf %max3A_1928, %get3A_1919 : vector<16xf32>
        %max3A_1930 = vector.broadcast %squeeze3A_162 : f32 to vector<16xf32>
        %max3A_1931 = arith.maximumf %max3A_1930, %get3A_1921 : vector<16xf32>
        %min3A_1932 = vector.broadcast %squeeze3A_166 : f32 to vector<16xf32>
        %min3A_1933 = arith.minimumf %min3A_1932, %get3A_1923 : vector<16xf32>
        %min3A_1934 = vector.broadcast %squeeze3A_170 : f32 to vector<16xf32>
        %min3A_1935 = arith.minimumf %min3A_1934, %get3A_1925 : vector<16xf32>
        %sub3A_1936 = arith.subf %min3A_1933, %max3A_1929 : vector<16xf32>
        %max3A_1937 = arith.constant 0.000000e+00 : f32
        %max3A_1938 = vector.broadcast %max3A_1937 : f32 to vector<16xf32>
        %max3A_1939 = arith.maximumf %sub3A_1936, %max3A_1938 : vector<16xf32>
        %sub3A_1940 = arith.subf %min3A_1935, %max3A_1931 : vector<16xf32>
        %max3A_1941 = arith.constant 0.000000e+00 : f32
        %max3A_1942 = vector.broadcast %max3A_1941 : f32 to vector<16xf32>
        %max3A_1943 = arith.maximumf %sub3A_1940, %max3A_1942 : vector<16xf32>
        %mul3A_1944 = arith.mulf %max3A_1939, %max3A_1943 : vector<16xf32>
        %add3A_1945 = vector.broadcast %mul3A_173 : f32 to vector<16xf32>
        %add3A_1946 = arith.addf %add3A_1945, %get3A_1927 : vector<16xf32>
        %sub3A_1947 = arith.subf %add3A_1946, %mul3A_1944 : vector<16xf32>
        %add3A_1948 = arith.constant 9.99999971E-10 : f32
        %add3A_1949 = vector.broadcast %add3A_1948 : f32 to vector<16xf32>
        %add3A_1950 = arith.addf %sub3A_1947, %add3A_1949 : vector<16xf32>
        %div3A_1951 = arith.divf %mul3A_1944, %add3A_1950 : vector<16xf32>
        %mul3A_1952 = arith.constant 16 : i32
        %mul3A_1953 = arith.muli %scan3A_1913, %mul3A_1952 : i32
        %add3A_1954 = vector.broadcast %mul3A_1953 : i32 to vector<16xi32>
        %add3A_1955 = arith.addi %add3A_1954, %iota3A : vector<16xi32>
        %eq3A_1956 = vector.broadcast %min3A_152 : i32 to vector<16xi32>
        %eq3A_1957 = arith.cmpi eq, %add3A_1955, %eq3A_1956 : vector<16xi32>
        %gt3A_1958 = arith.constant 6.000000e-01 : f32
        %gt3A_1959 = vector.broadcast %gt3A_1958 : f32 to vector<16xf32>
        %gt3A_1960 = arith.cmpf ogt, %div3A_1951, %gt3A_1959 : vector<16xf32>
        %or3A_1961 = arith.ori %gt3A_1960, %eq3A_1957 : vector<16xi1>
        %jit3A_1962 = arith.constant -1.000000e+00 : f32
        %broadcast_in_dim3A_1963 = vector.broadcast %jit3A_1962 : f32 to vector<16xf32>
        %select_n3A_1964 = arith.select %or3A_1961, %broadcast_in_dim3A_1963, %get3A_1917 : vector<16xi1>, vector<16xf32>
        %swap3A_1965 = arith.index_cast %mul3A_1915 : i32 to index
        %swap3A_1966 = tpu.vector_load %arg7[%swap3A_1965] {strides = array<i32>} : memref<528xf32, #tpu.memory_space<vmem>>, vector<16xf32>,
        tpu.vector_store %arg7[%swap3A_1965], %select_n3A_1964 {strides = array<i32>} : memref<528xf32, #tpu.memory_space<vmem>>, vector<16xf32>,
        %gt3A_1967 = arith.cmpf ogt, %select_n3A_1964, %select_n3A_1910 : vector<16xf32>
        %select_n3A_1968 = arith.select %gt3A_1967, %select_n3A_1964, %select_n3A_1910 : vector<16xi1>, vector<16xf32>
        %broadcast_in_dim3A_1969 = vector.broadcast %scan3A_1913 : i32 to vector<16xi32>
        %select_n3A_1970 = arith.select %gt3A_1967, %broadcast_in_dim3A_1969, %select_n3A_1912 : vector<16xi1>, vector<16xi32>
        %scan3A_1971 = arith.constant 31 : i32
        %mul3A_1972 = arith.constant 16 : i32
        %mul3A_1973 = arith.muli %scan3A_1971, %mul3A_1972 : i32
        %get3A_1974 = arith.index_cast %mul3A_1973 : i32 to index
        %get3A_1975 = tpu.vector_load %arg7[%get3A_1974] {strides = array<i32>} : memref<528xf32, #tpu.memory_space<vmem>>, vector<16xf32>,
        %get3A_1976 = arith.index_cast %mul3A_1973 : i32 to index
        %get3A_1977 = tpu.vector_load %arg13[%get3A_1976] {strides = array<i32>} : memref<528xf32, #tpu.memory_space<vmem>>, vector<16xf32>,
        %get3A_1978 = arith.index_cast %mul3A_1973 : i32 to index
        %get3A_1979 = tpu.vector_load %arg14[%get3A_1978] {strides = array<i32>} : memref<528xf32, #tpu.memory_space<vmem>>, vector<16xf32>,
        %get3A_1980 = arith.index_cast %mul3A_1973 : i32 to index
        %get3A_1981 = tpu.vector_load %arg15[%get3A_1980] {strides = array<i32>} : memref<528xf32, #tpu.memory_space<vmem>>, vector<16xf32>,
        %get3A_1982 = arith.index_cast %mul3A_1973 : i32 to index
        %get3A_1983 = tpu.vector_load %arg16[%get3A_1982] {strides = array<i32>} : memref<528xf32, #tpu.memory_space<vmem>>, vector<16xf32>,
        %get3A_1984 = arith.index_cast %mul3A_1973 : i32 to index
        %get3A_1985 = tpu.vector_load %arg17[%get3A_1984] {strides = array<i32>} : memref<528xf32, #tpu.memory_space<vmem>>, vector<16xf32>,
        %max3A_1986 = vector.broadcast %squeeze3A_158 : f32 to vector<16xf32>
        %max3A_1987 = arith.maximumf %max3A_1986, %get3A_1977 : vector<16xf32>
        %max3A_1988 = vector.broadcast %squeeze3A_162 : f32 to vector<16xf32>
        %max3A_1989 = arith.maximumf %max3A_1988, %get3A_1979 : vector<16xf32>
        %min3A_1990 = vector.broadcast %squeeze3A_166 : f32 to vector<16xf32>
        %min3A_1991 = arith.minimumf %min3A_1990, %get3A_1981 : vector<16xf32>
        %min3A_1992 = vector.broadcast %squeeze3A_170 : f32 to vector<16xf32>
        %min3A_1993 = arith.minimumf %min3A_1992, %get3A_1983 : vector<16xf32>
        %sub3A_1994 = arith.subf %min3A_1991, %max3A_1987 : vector<16xf32>
        %max3A_1995 = arith.constant 0.000000e+00 : f32
        %max3A_1996 = vector.broadcast %max3A_1995 : f32 to vector<16xf32>
        %max3A_1997 = arith.maximumf %sub3A_1994, %max3A_1996 : vector<16xf32>
        %sub3A_1998 = arith.subf %min3A_1993, %max3A_1989 : vector<16xf32>
        %max3A_1999 = arith.constant 0.000000e+00 : f32
        %max3A_2000 = vector.broadcast %max3A_1999 : f32 to vector<16xf32>
        %max3A_2001 = arith.maximumf %sub3A_1998, %max3A_2000 : vector<16xf32>
        %mul3A_2002 = arith.mulf %max3A_1997, %max3A_2001 : vector<16xf32>
        %add3A_2003 = vector.broadcast %mul3A_173 : f32 to vector<16xf32>
        %add3A_2004 = arith.addf %add3A_2003, %get3A_1985 : vector<16xf32>
        %sub3A_2005 = arith.subf %add3A_2004, %mul3A_2002 : vector<16xf32>
        %add3A_2006 = arith.constant 9.99999971E-10 : f32
        %add3A_2007 = vector.broadcast %add3A_2006 : f32 to vector<16xf32>
        %add3A_2008 = arith.addf %sub3A_2005, %add3A_2007 : vector<16xf32>
        %div3A_2009 = arith.divf %mul3A_2002, %add3A_2008 : vector<16xf32>
        %mul3A_2010 = arith.constant 16 : i32
        %mul3A_2011 = arith.muli %scan3A_1971, %mul3A_2010 : i32
        %add3A_2012 = vector.broadcast %mul3A_2011 : i32 to vector<16xi32>
        %add3A_2013 = arith.addi %add3A_2012, %iota3A : vector<16xi32>
        %eq3A_2014 = vector.broadcast %min3A_152 : i32 to vector<16xi32>
        %eq3A_2015 = arith.cmpi eq, %add3A_2013, %eq3A_2014 : vector<16xi32>
        %gt3A_2016 = arith.constant 6.000000e-01 : f32
        %gt3A_2017 = vector.broadcast %gt3A_2016 : f32 to vector<16xf32>
        %gt3A_2018 = arith.cmpf ogt, %div3A_2009, %gt3A_2017 : vector<16xf32>
        %or3A_2019 = arith.ori %gt3A_2018, %eq3A_2015 : vector<16xi1>
        %jit3A_2020 = arith.constant -1.000000e+00 : f32
        %broadcast_in_dim3A_2021 = vector.broadcast %jit3A_2020 : f32 to vector<16xf32>
        %select_n3A_2022 = arith.select %or3A_2019, %broadcast_in_dim3A_2021, %get3A_1975 : vector<16xi1>, vector<16xf32>
        %swap3A_2023 = arith.index_cast %mul3A_1973 : i32 to index
        %swap3A_2024 = tpu.vector_load %arg7[%swap3A_2023] {strides = array<i32>} : memref<528xf32, #tpu.memory_space<vmem>>, vector<16xf32>,
        tpu.vector_store %arg7[%swap3A_2023], %select_n3A_2022 {strides = array<i32>} : memref<528xf32, #tpu.memory_space<vmem>>, vector<16xf32>,
        %gt3A_2025 = arith.cmpf ogt, %select_n3A_2022, %select_n3A_1968 : vector<16xf32>
        %select_n3A_2026 = arith.select %gt3A_2025, %select_n3A_2022, %select_n3A_1968 : vector<16xi1>, vector<16xf32>
        %broadcast_in_dim3A_2027 = vector.broadcast %scan3A_1971 : i32 to vector<16xi32>
        %select_n3A_2028 = arith.select %gt3A_2025, %broadcast_in_dim3A_2027, %select_n3A_1970 : vector<16xi1>, vector<16xi32>
        %scan3A_2029 = arith.constant 32 : i32
        %mul3A_2030 = arith.constant 16 : i32
        %mul3A_2031 = arith.muli %scan3A_2029, %mul3A_2030 : i32
        %get3A_2032 = arith.index_cast %mul3A_2031 : i32 to index
        %get3A_2033 = tpu.vector_load %arg7[%get3A_2032] {strides = array<i32>} : memref<528xf32, #tpu.memory_space<vmem>>, vector<16xf32>,
        %get3A_2034 = arith.index_cast %mul3A_2031 : i32 to index
        %get3A_2035 = tpu.vector_load %arg13[%get3A_2034] {strides = array<i32>} : memref<528xf32, #tpu.memory_space<vmem>>, vector<16xf32>,
        %get3A_2036 = arith.index_cast %mul3A_2031 : i32 to index
        %get3A_2037 = tpu.vector_load %arg14[%get3A_2036] {strides = array<i32>} : memref<528xf32, #tpu.memory_space<vmem>>, vector<16xf32>,
        %get3A_2038 = arith.index_cast %mul3A_2031 : i32 to index
        %get3A_2039 = tpu.vector_load %arg15[%get3A_2038] {strides = array<i32>} : memref<528xf32, #tpu.memory_space<vmem>>, vector<16xf32>,
        %get3A_2040 = arith.index_cast %mul3A_2031 : i32 to index
        %get3A_2041 = tpu.vector_load %arg16[%get3A_2040] {strides = array<i32>} : memref<528xf32, #tpu.memory_space<vmem>>, vector<16xf32>,
        %get3A_2042 = arith.index_cast %mul3A_2031 : i32 to index
        %get3A_2043 = tpu.vector_load %arg17[%get3A_2042] {strides = array<i32>} : memref<528xf32, #tpu.memory_space<vmem>>, vector<16xf32>,
        %max3A_2044 = vector.broadcast %squeeze3A_158 : f32 to vector<16xf32>
        %max3A_2045 = arith.maximumf %max3A_2044, %get3A_2035 : vector<16xf32>
        %max3A_2046 = vector.broadcast %squeeze3A_162 : f32 to vector<16xf32>
        %max3A_2047 = arith.maximumf %max3A_2046, %get3A_2037 : vector<16xf32>
        %min3A_2048 = vector.broadcast %squeeze3A_166 : f32 to vector<16xf32>
        %min3A_2049 = arith.minimumf %min3A_2048, %get3A_2039 : vector<16xf32>
        %min3A_2050 = vector.broadcast %squeeze3A_170 : f32 to vector<16xf32>
        %min3A_2051 = arith.minimumf %min3A_2050, %get3A_2041 : vector<16xf32>
        %sub3A_2052 = arith.subf %min3A_2049, %max3A_2045 : vector<16xf32>
        %max3A_2053 = arith.constant 0.000000e+00 : f32
        %max3A_2054 = vector.broadcast %max3A_2053 : f32 to vector<16xf32>
        %max3A_2055 = arith.maximumf %sub3A_2052, %max3A_2054 : vector<16xf32>
        %sub3A_2056 = arith.subf %min3A_2051, %max3A_2047 : vector<16xf32>
        %max3A_2057 = arith.constant 0.000000e+00 : f32
        %max3A_2058 = vector.broadcast %max3A_2057 : f32 to vector<16xf32>
        %max3A_2059 = arith.maximumf %sub3A_2056, %max3A_2058 : vector<16xf32>
        %mul3A_2060 = arith.mulf %max3A_2055, %max3A_2059 : vector<16xf32>
        %add3A_2061 = vector.broadcast %mul3A_173 : f32 to vector<16xf32>
        %add3A_2062 = arith.addf %add3A_2061, %get3A_2043 : vector<16xf32>
        %sub3A_2063 = arith.subf %add3A_2062, %mul3A_2060 : vector<16xf32>
        %add3A_2064 = arith.constant 9.99999971E-10 : f32
        %add3A_2065 = vector.broadcast %add3A_2064 : f32 to vector<16xf32>
        %add3A_2066 = arith.addf %sub3A_2063, %add3A_2065 : vector<16xf32>
        %div3A_2067 = arith.divf %mul3A_2060, %add3A_2066 : vector<16xf32>
        %mul3A_2068 = arith.constant 16 : i32
        %mul3A_2069 = arith.muli %scan3A_2029, %mul3A_2068 : i32
        %add3A_2070 = vector.broadcast %mul3A_2069 : i32 to vector<16xi32>
        %add3A_2071 = arith.addi %add3A_2070, %iota3A : vector<16xi32>
        %eq3A_2072 = vector.broadcast %min3A_152 : i32 to vector<16xi32>
        %eq3A_2073 = arith.cmpi eq, %add3A_2071, %eq3A_2072 : vector<16xi32>
        %gt3A_2074 = arith.constant 6.000000e-01 : f32
        %gt3A_2075 = vector.broadcast %gt3A_2074 : f32 to vector<16xf32>
        %gt3A_2076 = arith.cmpf ogt, %div3A_2067, %gt3A_2075 : vector<16xf32>
        %or3A_2077 = arith.ori %gt3A_2076, %eq3A_2073 : vector<16xi1>
        %jit3A_2078 = arith.constant -1.000000e+00 : f32
        %broadcast_in_dim3A_2079 = vector.broadcast %jit3A_2078 : f32 to vector<16xf32>
        %select_n3A_2080 = arith.select %or3A_2077, %broadcast_in_dim3A_2079, %get3A_2033 : vector<16xi1>, vector<16xf32>
        %swap3A_2081 = arith.index_cast %mul3A_2031 : i32 to index
        %swap3A_2082 = tpu.vector_load %arg7[%swap3A_2081] {strides = array<i32>} : memref<528xf32, #tpu.memory_space<vmem>>, vector<16xf32>,
        tpu.vector_store %arg7[%swap3A_2081], %select_n3A_2080 {strides = array<i32>} : memref<528xf32, #tpu.memory_space<vmem>>, vector<16xf32>,
        %gt3A_2083 = arith.cmpf ogt, %select_n3A_2080, %select_n3A_2026 : vector<16xf32>
        %select_n3A_2084 = arith.select %gt3A_2083, %select_n3A_2080, %select_n3A_2026 : vector<16xi1>, vector<16xf32>
        %broadcast_in_dim3A_2085 = vector.broadcast %scan3A_2029 : i32 to vector<16xi32>
        %select_n3A_2086 = arith.select %gt3A_2083, %broadcast_in_dim3A_2085, %select_n3A_2028 : vector<16xi1>, vector<16xi32>
        %scan3A_2087 = arith.constant 33 : i32
        scf.yield %select_n3A_2084, %select_n3A_2086 : vector<16xf32>, vector<16xi32>
      }
      %scan3A_130 = arith.constant 300 : i32
      "tpu.region"() ({
        %run_scoped3A = tpu.sem_alloc : memref<!tpu.dma_semaphore, #tpu.memory_space<semaphore_mem>>
        %dma_start3A = arith.constant 0 : i32
        %dma_start3A_131 = tpu.memref_slice %arg4[%add3A, %dma_start3A] : memref<8x4816xf32, #tpu.memory_space<hbm>> -> memref<1x4816xf32, #tpu.memory_space<hbm>>
        %dma_start3A_132 = tpu.memref_squeeze %dma_start3A_131 : memref<1x4816xf32, #tpu.memory_space<hbm>> -> memref<4816xf32, #tpu.memory_space<hbm>>
        %dma_start3A_133 = arith.constant 0 : i32
        %dma_start3A_134 = tpu.memref_slice %arg4[%add3A, %dma_start3A_133] : memref<8x4816xf32, #tpu.memory_space<hbm>> -> memref<1x4816xf32, #tpu.memory_space<hbm>>
        %dma_start3A_135 = tpu.memref_squeeze %dma_start3A_134 : memref<1x4816xf32, #tpu.memory_space<hbm>> -> memref<4816xf32, #tpu.memory_space<hbm>>
        tpu.enqueue_dma source(%arg18 : memref<4816xf32, #tpu.memory_space<vmem>>) target(%dma_start3A_135 : memref<4816xf32, #tpu.memory_space<hbm>>) target_semaphore(%run_scoped3A : memref<!tpu.dma_semaphore, #tpu.memory_space<semaphore_mem>>)
        %dma_wait3A = arith.constant 0 : i32
        %dma_wait3A_136 = tpu.memref_slice %arg4[%add3A, %dma_wait3A] : memref<8x4816xf32, #tpu.memory_space<hbm>> -> memref<1x4816xf32, #tpu.memory_space<hbm>>
        %dma_wait3A_137 = tpu.memref_squeeze %dma_wait3A_136 : memref<1x4816xf32, #tpu.memory_space<hbm>> -> memref<4816xf32, #tpu.memory_space<hbm>>
        %dma_wait3A_138 = arith.constant 0 : i32
        %dma_wait3A_139 = tpu.memref_slice %arg4[%add3A, %dma_wait3A_138] : memref<8x4816xf32, #tpu.memory_space<hbm>> -> memref<1x4816xf32, #tpu.memory_space<hbm>>
        %dma_wait3A_140 = tpu.memref_squeeze %dma_wait3A_139 : memref<1x4816xf32, #tpu.memory_space<hbm>> -> memref<4816xf32, #tpu.memory_space<hbm>>
        tpu.wait_dma2 semaphore(%run_scoped3A : memref<!tpu.dma_semaphore, #tpu.memory_space<semaphore_mem>>) src(%arg18 : memref<4816xf32, #tpu.memory_space<vmem>>) dst(%dma_wait3A_140 : memref<4816xf32, #tpu.memory_space<hbm>>)
        tpu.yield
      }) : () -> ()
    } else {
    }
    return
  }
}

module attributes {stable_mosaic.version = 14 : i64} {
  func.func @_prep_body(%arg0: i32, %arg1: i32, %arg2: memref<1x1x5000x85xf32, #tpu.memory_space<vmem>>, %arg3: memref<1x5000x8xf32, #tpu.memory_space<vmem>>) attributes {dimension_semantics = [#tpu.dimension_semantics<arbitrary>, #tpu.dimension_semantics<arbitrary>], iteration_bounds = array<i64: 8, 4>, scalar_prefetch = 0 : i64, scratch_operands = 0 : i64, tpu.core_type = #tpu.core_type<tc>, window_params = [{transform_indices = @transform_0, window_bounds = array<i64: 1, 1, 5000, 85>}, {transform_indices = @transform_1, window_bounds = array<i64: 1, 5000, 8>}]} {
    %get3A = arith.constant 0 : index
    %get3A_0 = arith.constant 0 : index
    %get3A_1 = arith.constant 0 : index
    %get3A_2 = arith.constant 0 : index
    %get3A_3 = vector.load %arg2[%get3A, %get3A_0, %get3A_1, %get3A_2] : memref<1x1x5000x85xf32, #tpu.memory_space<vmem>>, vector<1x1x5000x85xf32>
    %get3A_4 = vector.shape_cast %get3A_3 : vector<1x1x5000x85xf32> to vector<5000x85xf32>
    %slice3A = vector.extract_strided_slice %get3A_4 {offsets = [0, 4], sizes = [5000, 1], strides = [1, 1]} : vector<5000x85xf32> to vector<5000x1xf32>
    %slice3A_5 = vector.extract_strided_slice %get3A_4 {offsets = [0, 5], sizes = [5000, 80], strides = [1, 1]} : vector<5000x85xf32> to vector<5000x80xf32>
    %mul3A = vector.broadcast %slice3A : vector<5000x1xf32> to vector<5000x80xf32>
    %mul3A_6 = arith.mulf %slice3A_5, %mul3A : vector<5000x80xf32>
    %reduce_max3A = arith.constant dense<0xFF800000> : vector<5000xf32>
    %reduce_max3A_7 = vector.multi_reduction <maximumf>, %mul3A_6, %reduce_max3A [1] : vector<5000x80xf32> to vector<5000xf32>
    %broadcast_in_dim3A = vector.shape_cast %reduce_max3A_7 : vector<5000xf32> to vector<5000x1xf32>
    %iota3A = tpu.iota {dimensions = array<i32: 1>} : vector<5000x80xi32>
    %eq3A = vector.broadcast %broadcast_in_dim3A : vector<5000x1xf32> to vector<5000x80xf32>
    %eq3A_8 = arith.cmpf oeq, %mul3A_6, %eq3A : vector<5000x80xf32>
    %jit3A = arith.constant 127 : i32
    %broadcast_in_dim3A_9 = vector.broadcast %jit3A : i32 to vector<5000x80xi32>
    %select_n3A = arith.select %eq3A_8, %iota3A, %broadcast_in_dim3A_9 : vector<5000x80xi1>, vector<5000x80xi32>
    %reduce_min3A = arith.constant dense<2147483647> : vector<5000xi32>
    %reduce_min3A_10 = vector.multi_reduction <minsi>, %select_n3A, %reduce_min3A [1] : vector<5000x80xi32> to vector<5000xi32>
    %broadcast_in_dim3A_11 = vector.shape_cast %reduce_min3A_10 : vector<5000xi32> to vector<5000x1xi32>
    %convert_element_type3A = arith.sitofp %broadcast_in_dim3A_11 : vector<5000x1xi32> to vector<5000x1xf32>
    %gt3A = arith.constant 3.000000e-01 : f32
    %gt3A_12 = vector.broadcast %gt3A : f32 to vector<5000x1xf32>
    %gt3A_13 = arith.cmpf ogt, %slice3A, %gt3A_12 : vector<5000x1xf32>
    %gt3A_14 = arith.constant 3.000000e-01 : f32
    %gt3A_15 = vector.broadcast %gt3A_14 : f32 to vector<5000x1xf32>
    %gt3A_16 = arith.cmpf ogt, %broadcast_in_dim3A, %gt3A_15 : vector<5000x1xf32>
    %and3A = arith.andi %gt3A_13, %gt3A_16 : vector<5000x1xi1>
    %jit3A_17 = arith.constant -1.000000e+00 : f32
    %broadcast_in_dim3A_18 = vector.broadcast %jit3A_17 : f32 to vector<5000x1xf32>
    %select_n3A_19 = arith.select %and3A, %broadcast_in_dim3A, %broadcast_in_dim3A_18 : vector<5000x1xi1>, vector<5000x1xf32>
    %slice3A_20 = vector.extract_strided_slice %get3A_4 {offsets = [0, 0], sizes = [5000, 1], strides = [1, 1]} : vector<5000x85xf32> to vector<5000x1xf32>
    %slice3A_21 = vector.extract_strided_slice %get3A_4 {offsets = [0, 1], sizes = [5000, 1], strides = [1, 1]} : vector<5000x85xf32> to vector<5000x1xf32>
    %slice3A_22 = vector.extract_strided_slice %get3A_4 {offsets = [0, 2], sizes = [5000, 1], strides = [1, 1]} : vector<5000x85xf32> to vector<5000x1xf32>
    %slice3A_23 = vector.extract_strided_slice %get3A_4 {offsets = [0, 3], sizes = [5000, 1], strides = [1, 1]} : vector<5000x85xf32> to vector<5000x1xf32>
    %div3A = arith.constant 2.000000e+00 : f32
    %div3A_24 = vector.broadcast %div3A : f32 to vector<5000x1xf32>
    %div3A_25 = arith.divf %slice3A_22, %div3A_24 : vector<5000x1xf32>
    %sub3A = arith.subf %slice3A_20, %div3A_25 : vector<5000x1xf32>
    %div3A_26 = arith.constant 2.000000e+00 : f32
    %div3A_27 = vector.broadcast %div3A_26 : f32 to vector<5000x1xf32>
    %div3A_28 = arith.divf %slice3A_23, %div3A_27 : vector<5000x1xf32>
    %sub3A_29 = arith.subf %slice3A_21, %div3A_28 : vector<5000x1xf32>
    %div3A_30 = arith.constant 2.000000e+00 : f32
    %div3A_31 = vector.broadcast %div3A_30 : f32 to vector<5000x1xf32>
    %div3A_32 = arith.divf %slice3A_22, %div3A_31 : vector<5000x1xf32>
    %add3A = arith.addf %slice3A_20, %div3A_32 : vector<5000x1xf32>
    %div3A_33 = arith.constant 2.000000e+00 : f32
    %div3A_34 = vector.broadcast %div3A_33 : f32 to vector<5000x1xf32>
    %div3A_35 = arith.divf %slice3A_23, %div3A_34 : vector<5000x1xf32>
    %add3A_36 = arith.addf %slice3A_21, %div3A_35 : vector<5000x1xf32>
    %broadcast_in_dim3A_37 = arith.constant 0.000000e+00 : f32
    %broadcast_in_dim3A_38 = vector.broadcast %broadcast_in_dim3A_37 : f32 to vector<5000x2xf32>
    %concatenate3A = tpu.concatenate %select_n3A_19, %sub3A, %sub3A_29, %add3A, %add3A_36, %convert_element_type3A, %broadcast_in_dim3A_38 in 1 : vector<5000x1xf32>, vector<5000x1xf32>, vector<5000x1xf32>, vector<5000x1xf32>, vector<5000x1xf32>, vector<5000x1xf32>, vector<5000x2xf32> -> vector<5000x8xf32>
    %swap3A = arith.constant 0 : index
    %swap3A_39 = arith.constant 0 : index
    %swap3A_40 = arith.constant 0 : index
    %swap3A_41 = vector.load %arg3[%swap3A, %swap3A_39, %swap3A_40] : memref<1x5000x8xf32, #tpu.memory_space<vmem>>, vector<1x5000x8xf32>
    %swap3A_42 = vector.shape_cast %swap3A_41 : vector<1x5000x8xf32> to vector<5000x8xf32>
    %swap3A_43 = vector.shape_cast %concatenate3A : vector<5000x8xf32> to vector<1x5000x8xf32>
    tpu.vector_store %arg3[%swap3A, %swap3A_39, %swap3A_40], %swap3A_43 {strides = array<i32>} : memref<1x5000x8xf32, #tpu.memory_space<vmem>>, vector<1x5000x8xf32>,
    return
  }
  func.func @transform_0(%arg0: i32, %arg1: i32) -> (i32, i32, i32, i32) {
    %c0_i32 = arith.constant 0 : i32
    %c0_i32_0 = arith.constant 0 : i32
    %c0_i32_1 = arith.constant 0 : i32
    return %c0_i32, %arg0, %arg1, %c0_i32_0 : i32, i32, i32, i32
  }
  func.func @transform_1(%arg0: i32, %arg1: i32) -> (i32, i32, i32) {
    %c0_i32 = arith.constant 0 : i32
    %c0_i32_0 = arith.constant 0 : i32
    return %arg0, %arg1, %c0_i32 : i32, i32, i32
  }
}

module attributes {stable_mosaic.version = 14 : i64} {
  func.func @_bisect_body(%arg0: i32, %arg1: memref<1x1x20000xf32, #tpu.memory_space<vmem>>, %arg2: memref<1x1x128xf32, #tpu.memory_space<vmem>>) attributes {dimension_semantics = [#tpu.dimension_semantics<arbitrary>], iteration_bounds = array<i64: 8>, scalar_prefetch = 0 : i64, scratch_operands = 0 : i64, tpu.core_type = #tpu.core_type<tc>, window_params = [{transform_indices = @transform_0, window_bounds = array<i64: 1, 1, 20000>}, {transform_indices = @transform_1, window_bounds = array<i64: 1, 1, 128>}]} {
    %get3A = arith.constant 0 : index
    %get3A_0 = arith.constant 0 : index
    %get3A_1 = arith.constant 0 : index
    %get3A_2 = vector.load %arg1[%get3A, %get3A_0, %get3A_1] : memref<1x1x20000xf32, #tpu.memory_space<vmem>>, vector<1x1x20000xf32>
    %get3A_3 = vector.shape_cast %get3A_2 : vector<1x1x20000xf32> to vector<1x20000xf32>
    %scan3A = arith.constant 5.120000e+02 : f32
    %scan3A_4 = arith.constant 3.000000e-01 : f32
    %scan3A_5 = arith.constant 1.000000e+00 : f32
    %scan3A_6 = arith.constant 0 : i32
    %scan3A_7 = arith.constant 22 : i32
    %scan3A_8 = arith.addi %scan3A_6, %scan3A_7 : i32
    %scan3A_9 = arith.constant 1 : i32
    %scan3A_10:2 = scf.for %scan3A_16 = %scan3A_6 to %scan3A_8 step %scan3A_9 iter_args(%scan3A_17 = %scan3A_4, %scan3A_18 = %scan3A_5) -> (f32, f32)  : i32 {
      %add3A = arith.addf %scan3A_17, %scan3A_18 : f32
      %mul3A = arith.constant 5.000000e-01 : f32
      %mul3A_19 = arith.mulf %add3A, %mul3A : f32
      %gt3A = vector.broadcast %mul3A_19 : f32 to vector<1x20000xf32>
      %gt3A_20 = arith.cmpf ogt, %get3A_3, %gt3A : vector<1x20000xf32>
      %jit3A = arith.constant 1.000000e+00 : f32
      %jit3A_21 = arith.constant 0.000000e+00 : f32
      %broadcast_in_dim3A_22 = vector.broadcast %jit3A : f32 to vector<1x20000xf32>
      %broadcast_in_dim3A_23 = vector.broadcast %jit3A_21 : f32 to vector<1x20000xf32>
      %select_n3A = arith.select %gt3A_20, %broadcast_in_dim3A_22, %broadcast_in_dim3A_23 : vector<1x20000xi1>, vector<1x20000xf32>
      %reduce_sum3A = vector.shape_cast %select_n3A : vector<1x20000xf32> to vector<1x1x20000xf32>
      %reduce_sum3A_24 = arith.constant dense<0.000000e+00> : vector<1xf32>
      %reduce_sum3A_25 = vector.multi_reduction <add>, %reduce_sum3A, %reduce_sum3A_24 [1, 2] : vector<1x1x20000xf32> to vector<1xf32>
      %reduce_sum3A_26 = vector.shape_cast %reduce_sum3A_25 : vector<1xf32> to vector<1x1x1xf32>
      %reduce_sum3A_27 = vector.extract %reduce_sum3A_26[0, 0, 0] : f32 from vector<1x1x1xf32>
      %gt3A_28 = arith.cmpf ogt, %reduce_sum3A_27, %scan3A : f32
      %select_n3A_29 = arith.select %gt3A_28, %mul3A_19, %scan3A_17 : f32
      %select_n3A_30 = arith.select %gt3A_28, %scan3A_18, %mul3A_19 : f32
      scf.yield %select_n3A_29, %select_n3A_30 : f32, f32
    }
    %broadcast_in_dim3A = vector.broadcast %scan3A_10#1 : f32 to vector<1x128xf32>
    %swap3A = arith.constant 0 : index
    %swap3A_11 = arith.constant 0 : index
    %swap3A_12 = arith.constant 0 : index
    %swap3A_13 = vector.load %arg2[%swap3A, %swap3A_11, %swap3A_12] : memref<1x1x128xf32, #tpu.memory_space<vmem>>, vector<1x1x128xf32>
    %swap3A_14 = vector.shape_cast %swap3A_13 : vector<1x1x128xf32> to vector<1x128xf32>
    %swap3A_15 = vector.shape_cast %broadcast_in_dim3A : vector<1x128xf32> to vector<1x1x128xf32>
    tpu.vector_store %arg2[%swap3A, %swap3A_11, %swap3A_12], %swap3A_15 {strides = array<i32>} : memref<1x1x128xf32, #tpu.memory_space<vmem>>, vector<1x1x128xf32>,
    return
  }
  func.func @transform_0(%arg0: i32) -> (i32, i32, i32) {
    %c0_i32 = arith.constant 0 : i32
    %c0_i32_0 = arith.constant 0 : i32
    %c0_i32_1 = arith.constant 0 : i32
    return %arg0, %c0_i32, %c0_i32_0 : i32, i32, i32
  }
  func.func @transform_1(%arg0: i32) -> (i32, i32, i32) {
    %c0_i32 = arith.constant 0 : i32
    %c0_i32_0 = arith.constant 0 : i32
    %c0_i32_1 = arith.constant 0 : i32
    return %arg0, %c0_i32, %c0_i32_0 : i32, i32, i32
  }
}

</mosaic_0001>

<sc_bundles>
// kernel: kernel.5.cloned.1.call-start
scs
__scs_entry_jumppad:
0x0: {  	(pc) =	sbr.rel $0x88, $3  }
0x1: {  	(tag) =	ssettag $0x0;
	lr =	simm.s32 $0x1  }
0x2: {  	[smem:$0x3FA0] =	sst lr;
	_ =	strace $0xD0000000  }
0x3: {  	_ = 	snop  }
0x4: {  	_ = 	snop  }
0x5: {  	_ = 	snop  }
0x6: {  	_ = 	snop  }
0x7: {  	_ = 	snop  }
__scs_overlays_trampoline_lowered:
0x8: {  	[smem:$0x3FAF] =	sst s0  }
0x9: {  	[smem:$0x3FB0] =	sst s1  }
0xa: {  	[smem:$0x3FB1] =	sst s2  }
0xb: {  	[smem:$0x3FB2] =	sst s3  }
0xc: {  	[smem:$0x3FB3] =	sst s4  }
0xd: {  	[smem:$0x3FB4] =	sst s5  }
0xe: {  	[smem:$0x3FB5] =	sst s6  }
0xf: {  	[smem:$0x3FB6] =	sst s7  }
0x10: {  	[smem:$0x3FB7] =	sst s8  }
0x11: {  	[smem:$0x3FB8] =	sst s9;
	s0 =	simm.s32 @!p0 $0x0  }
0x12: {  	s1 =	sld [smem:$0x3F9E];
	s0 =	simm.s32 @p0 $0x1  }
0x13: {  	[smem:$0x3FB9] =	sst s0;
	s0 =	simm.s32 @!p1 $0x0  }
0x14: {  	s2 =	sld [smem:$0x3F9D];
	s0 =	simm.s32 @p1 $0x1  }
0x15: {  	[smem:$0x3FBA] =	sst s0;
	s0 =	simm.s32 @!p2 $0x0  }
0x16: {  	s3 =	sld [smem:$0x3FDB];
	s0 =	simm.s32 @p2 $0x1  }
0x17: {  	s4 =	simm.s32 $0x1BF5;
	[smem:$0x3FBC] =	sst s0  }
0x18: {  	s0 =	sld [smem:$0x3F9F];
	_ =	swait.ge [sflag:s4], $0x0  }
0x19: {  	s7 =	sld [smem:$0x3FA0]  }
0x1a: {  	s8 =	sadd.s32 $0xFFFFE003, lr  }
0x1b: {  	s9 =	sadd.s32 $0xFFFFFEF7, lr;
	s5 =	simm.s32 $0xFFFFFFFF;
	p2 =	slt.u32 s8, $0xFFFFF086  }
0x1c: {  	p1 =	slt.u32 s9, $0xF7A;
	s5 =	simm.s32 @!p2 $0x0  }
0x1d: {  	s5 =	simm.s32 @p1 $0x1;
	p0 =	seq.s32 s7, s2  }
0x1e: {  	s7 =	smul.u32 @!p0 $0xF7A, s2;
	p2 =	seq.s32 @!p0 s5, $0x0  }
0x1f: {  	s9 =	smul.u32 $0xF7A, s1;
	s8 =	simm.s32 @!p0 $0x1BF5;
	p2 =	por !p2, p0  }
0x20: {  	[sflag:s8] =	ssyncset.s32 @!p0 $0xFFFFF086;
	s6 =	sadd.s32 @!p0 s3, s7;
	s7 =	simm.s32 @!p0 $0x108  }
0x21: {  	s3 =	sadd.s32 s3, s9;
	s6 =	sadd.s32 @!p0 $0x88, s6;
	s7 =	simm.s32 @p2 $0x1082  }
0x22: {  	[simem:s7], [sflag:s8] =	dma.local @!p0 [hbm:s6], $0xF7A  }
0x23: {  	s9 =	sor.u32 $0xD0000000, s2;
	s6 =	simm.s32 $0x108;
	_ =	swait.ge @!p0 [sflag:s8], $0x0  }
0x24: {  	s3 =	sadd.s32 $0x88, s3;
	s6 =	simm.s32 @!p1 $0x1082;
	[sflag:s4] =	ssyncset.s32 $0xFFFFF086  }
0x25: {  	[simem:s6], [sflag:s4] =	dma.local [hbm:s3], $0xF7A  }
0x26: {  	[smem:$0x3FA0] =	sst s1;
	(tag) =	ssettag s2;
	_ =	strace s9  }
0x27: {  	s1 =	sld [smem:$0x3FB0]  }
0x28: {  	s2 =	sld [smem:$0x3FB1]  }
0x29: {  	s4 =	sld [smem:$0x3FB3]  }
0x2a: {  	p0 =	seq.s32 s5, $0x0;
	s5 =	sld [smem:$0x3FB4]  }
0x2b: {  	s6 =	sld [smem:$0x3FB5]  }
0x2c: {  	s7 =	sld [smem:$0x3FB6]  }
0x2d: {  	s3 =	simm.s32 $0x108;
	s8 =	sld [smem:$0x3FB7]  }
0x2e: {  	s3 =	simm.s32 @!p0 $0x1082;
	s9 =	sld [smem:$0x3FB8]  }
0x2f: {  	lr =	sadd.s32 s0, s3;
	s0 =	sld [smem:$0x3FAF]  }
0x30: {  	s3 =	sld [smem:$0x3FB2]  }
0x31: {  	[smem:$0x3FBB] =	sst s10  }
0x32: {  	s10 =	sld [smem:$0x3FB9];
	_ =	sdelay $0x3  }
0x33: {  	p0 =	seq.s32 s10, $0x1;
	s10 =	sld [smem:$0x3FBB];
	_ =	sdelay $0x3  }
0x34: {  	[smem:$0x3FBB] =	sst s10  }
0x35: {  	s10 =	sld [smem:$0x3FBA];
	_ =	sdelay $0x3  }
0x36: {  	p1 =	seq.s32 s10, $0x1;
	s10 =	sld [smem:$0x3FBB];
	_ =	sdelay $0x3  }
0x37: {  	[smem:$0x3FBB] =	sst s10  }
0x38: {  	s10 =	sld [smem:$0x3FBC]  }
0x39: {  	_ = 	snop;
	(pc) =	sbr.ind lr, $3  }
0x3a: {  	_ = 	snop  }
0x3b: {  	_ = 	snop  }
0x3c: {  	p2 =	seq.s32 s10, $0x1;
	s10 =	sld [smem:$0x3FBB]  }
0x3d: {  	_ =	shalt  }
0x3e: {  	_ =	shalt  }
0x3f: {  	_ =	shalt  }
0x40: {  	_ =	shalt  }
0x41: {  	_ =	shalt  }
0x42: {  	_ =	shalt  }
0x43: {  	_ =	shalt  }
0x44: {  	_ =	shalt  }
0x45: {  	_ =	shalt  }
0x46: {  	_ =	shalt  }
0x47: {  	_ =	shalt  }
0x48: {  	_ =	shalt  }
0x49: {  	_ =	shalt  }
0x4a: {  	_ =	shalt  }
0x4b: {  	_ =	shalt  }
0x4c: {  	_ =	shalt  }
0x4d: {  	_ =	shalt  }
0x4e: {  	_ =	shalt  }
0x4f: {  	_ =	shalt  }
0x50: {  	_ =	shalt  }
0x51: {  	_ =	shalt  }
0x52: {  	_ =	shalt  }
0x53: {  	_ =	shalt  }
0x54: {  	_ =	shalt  }
0x55: {  	_ =	shalt  }
0x56: {  	_ =	shalt  }
0x57: {  	_ =	shalt  }
0x58: {  	_ =	shalt  }
0x59: {  	_ =	shalt  }
0x5a: {  	_ =	shalt  }
0x5b: {  	_ =	shalt  }
0x5c: {  	_ =	shalt  }
0x5d: {  	_ =	shalt  }
0x5e: {  	_ =	shalt  }
0x5f: {  	_ =	shalt  }
0x60: {  	_ =	shalt  }
0x61: {  	_ =	shalt  }
0x62: {  	_ =	shalt  }
0x63: {  	_ =	shalt  }
0x64: {  	_ =	shalt  }
0x65: {  	_ =	shalt  }
0x66: {  	_ =	shalt  }
0x67: {  	_ =	shalt  }
0x68: {  	_ =	shalt  }
0x69: {  	_ =	shalt  }
0x6a: {  	_ =	shalt  }
0x6b: {  	_ =	shalt  }
0x6c: {  	_ =	shalt  }
0x6d: {  	_ =	shalt  }
0x6e: {  	_ =	shalt  }
0x6f: {  	_ =	shalt  }
0x70: {  	_ =	shalt  }
0x71: {  	_ =	shalt  }
0x72: {  	_ =	shalt  }
0x73: {  	_ =	shalt  }
0x74: {  	_ =	shalt  }
0x75: {  	_ =	shalt  }
0x76: {  	_ =	shalt  }
0x77: {  	_ =	shalt  }
0x78: {  	_ =	shalt  }
0x79: {  	_ =	shalt  }
0x7a: {  	_ =	shalt  }
0x7b: {  	_ =	shalt  }
0x7c: {  	_ =	shalt  }
0x7d: {  	_ =	shalt  }
0x7e: {  	_ =	shalt  }
0x7f: {  	_ =	shalt  }
0x80: {  	_ =	shalt  }
0x81: {  	_ =	shalt  }
0x82: {  	_ =	shalt  }
0x83: {  	_ =	shalt  }
0x84: {  	_ =	shalt  }
0x85: {  	_ =	shalt  }
0x86: {  	_ =	shalt  }
0x87: {  	_ =	shalt  }
.Lfunc_end0:
.L_simem_size_0:
called_computation_lowered:
.L_overlay_start_0:
0x88: {  	s2 =	sld [smem:$0x3FD9]  }
0x89: {  	s3 =	sld [smem:$0x3FFE];
	_ =	sdelay $0x1  }
0x8a: {  	s1 =	srdreg.scid  }
0x8b: {  	s0 =	sand.u32 $0x1, s1  }
0x8c: {  	s17 =	sshll.u32 s0, $0xA;
	s2 =	sadd.s32 s3, s2  }
0x8d: {  	s2 =	sadd.s32 s2, s17  }
0x8e: {  	[smem:$0x3FC7] =	sst s2  }
0x8f: {  	_ = 	snop  }
0x90: {  	s2 =	sld [smem:$0x3FD0];
	(tm) =	ssettm $0x1  }
0x91: {  	s18 =	sld [smem:$0x3FFB];
	_ =	sdelay $0x3  }
0x92: {  	_ =	strace s18  }
0x93: {  	s3 =	sld [smem:$0x3FFC];
	_ =	sdelay $0x3  }
0x94: {  	_ =	strace s3  }
0x95: {  	s3 =	sld [smem:$0x3FFD];
	_ =	sdelay $0x3  }
0x96: {  	_ =	strace s3  }
0x97: {  	_ =	strace $0x8FFFFFFF  }
0x98: {  	s19 =	sld [smem:$0x3FDB];
	_ =	sdelay $0x1  }
0x99: {  	s4 =	simm.s32 $_scs_section_size  }
0x9a: {  	s5 =	simm.s32 $_size__tile_overlayer_lowered;
	s6 =	simm.s32 $_tile_overlayer_lowered  }
0x9b: {  	s22 =	simm.s32 $0x1BFF;
	s21 =	sshll.u32 s6, $0x1;
	s3 =	sadd.s32 s4, s19  }
0x9c: {  	s7 =	simm.s32 $0x0;
	s20 =	sshll.u32 s5, $0x1;
	s5 =	sadd.s32 s21, s3  }
0x9d: {  	[timem:s7], [sflag:s22] =	dma.local [hbm:s5], s20  }
0x9e: {  	_ =	swait.ge [sflag:s22], s20  }
0x9f: {  	s4 =	ssub.s32 $0x0, s20;
	[sflag:s22] =	ssyncset.done $0x0  }
0xa0: {  	[sflag:s22] =	ssyncadd.s32 s4;
	_ =	sdelay $0x1  }
0xa1: {  	s23 =	simm.s32 $0x1B8B  }
0xa2: {  	_ =	swait.ge [sflag:s23], $0x1  }
0xa3: {  	[sflag:s23] =	ssyncset.done $0x0  }
0xa4: {  	s25 =	simm.s32 $0x1B8E;
	s24 =	sld [smem:$0x3FFE];
	[sflag:s23] =	ssyncadd.s32 $0xFFFFFFFF  }
0xa5: {  	s26 =	simm.s32 $execute0_lowered;
	[smem:$0x3FD2] =	sst s25  }
0xa6: {  	s5 =	sshll.u32 s26, $0x1;
	_ =	strace $0x80000046;
	[dreg:$0x1] =	wrdreg $0xFFFFFFFF  }
0xa7: {  	s28 =	simm.s32 $_size_execute0_lowered;
	s3 =	sadd.s32 s3, s5;
	[dreg:$0x0] =	wrdreg $0x0  }
0xa8: {  	s5 =	sshll.u32 s28, $0x1;
	[dreg:$0x2] =	wrdreg s3  }
0xa9: {  	[dreg:$0x3] =	wrdreg s5  }
0xaa: {  	[dreg:$0x4] =	wrdreg $0xC0  }
0xab: {  	_ =	task [dreg:s7], $0x5FFFF  }
0xac: {  	[dreg:$0x1] =	wrdreg $0xFFFFFFFF  }
0xad: {  	[dreg:$0x0] =	wrdreg $0x60  }
0xae: {  	[dreg:$0x2] =	wrdreg s24  }
0xaf: {  	[dreg:$0x3] =	wrdreg s2  }
0xb0: {  	[dreg:$0x4] =	wrdreg $0x9  }
0xb1: {  	_ =	task.clear_ibuf [dreg:s7], $0x5FFFF;
	_ =	strace $0x90000046  }
0xb2: {  	s29 =	simm.s32 $0x9;
	_ =	strace $0x80000048  }
0xb3: {  	_ =	swait.ge [sflag:s29], $0x1  }
0xb4: {  	[sflag:s29] =	ssyncadd.s32 $0xFFFFFFFF  }
0xb5: {  	_ =	strace $0x90000048  }
0xb6: {  	_ =	sfence  }
0xb7: {  	s30 =	sld [smem:$0x0];
	_ =	sdelay $0x2  }
0xb8: {  	s31 =	sshll.u32 s1, $0xD;
	s1 =	sshrl.u32 s1, $0x2  }
0xb9: {  	s3 =	sand.u32 $0x4000, s31;
	s1 =	sadd.s32 s1, s30  }
0xba: {  	s0 =	sor.u32 s3, s0;
	s1 =	sshll.u32 s1, $0x11  }
0xbb: {  	s0 =	sor.u32 s1, s0  }
0xbc: {  	s0 =	sadd.s32 $0x8F2B, s0  }
0xbd: {  	[sflag:s0] =	ssyncadd.remote.s32 $0x1  }
0xbe: {  	_ =	sfence.sel $0xFFFF  }
0xbf: {  	[dreg:$0x0] =	wrdreg $0xFFFFFFFF;
	(pc) =	sbr.abs _section_cstart, $3  }
0xc0: {  	[dreg:$0x1] =	wrdreg $0xFFFFFFFF  }
0xc1: {  	_ =	task.clear_ibuf [dreg:s7], $0x2FFFF;
	_ =	strace $0x9FFFFFFF  }
0xc2: {  	(tm) =	ssettm $0x7FFFFFFF  }
0xc3: {  	_ =	shalt  }
tec
execute0_lowered:
.L_overlay_start_1:
0x0: {  	(tag) =	ssettag $0x1  }
0x1: {  	s1 =	stileid.u32  }
0x2: {  	p0 =	sgt.u32 s1, $0x3  }
.Ltmp0:
0x3: {  	_ = 	snop;
	(pc) =	sbr.rel @p0 .LBB2_15-.Ltmp0, $4  }
0x4: {  	s3 =	rddreg [dreg:$0x0]  }
0x5: {  	s6 =	rddreg [dreg:$0x1];
	s2 =	simm.s32 $0x0  }
0x6: {  	[smem:$0x7FF] =	sst s2  }
0x7: {  	s0 =	rddreg [dreg:$0x2];
	_ =	strace $0x80000047  }
0x8: {  	s4 =	srdreg.scid  }
0x9: {  	s5 =	sshll.u32 s1, $0x1;
	s11 =	simm.s32 $0x13D20;
	s12 =	simm.s32 $0x13F30  }
0xa: {  	s13 =	simm.s32 $0x14140;
	s14 =	simm.s32 $0x14350;
	s4 =	sand.u32 $0x1, s4  }
0xb: {  	s15 =	simm.s32 $0x13900;
	s16 =	simm.s32 $0x14FB0;
	s7 =	sor.u32 s4, s5  }
0xc: {  	s17 =	simm.s32 $0x0;
	s9 =	ssub.s32 $0x2, s4;
	s5 =	smul.u32 $0x27100, s7  }
0xd: {  	v0 =	vlaneseq.u32;
	s8 =	smul.u32 $0x25A, s7;
	s10 =	sshrl.u32 s9, $0x1;
	s7 =	sshll.u32 s7, $0x4  }
0xe: {  	v1 =	vmul.u32 $0x8, v0;
	s31 =	ssub.s32 s9, s10;
	s6 =	sadd.s32 s6, s7;
	s5 =	sshrl.u32 s5, $0x3  }
0xf: {  	v2 =	vimm.f32 $-1.000000000e+00;
	v3 =	vimm.f32 $0.0e+00;
	v4 =	vimm.s32 $0x0;
	s9 =	simm.s32 $0x1;
	s10 =	simm.s32 $0x13B10;
	s5 =	sadd.s32 s5, s3  }
0x10: {  	v5 =	vor.u32 $0x13800, v1;
	v6 =	vor.u32 $0x13801, v1;
	v7 =	vor.u32 $0x13802, v1;
	s8 =	sadd.s32 s8, s3;
	s7 =	smax.u32 s31, $0x1;
	s3 =	sadd.s32 $0x600, s5  }
0x11: {  	v8 =	vor.u32 $0x13803, v1;
	v9 =	vor.u32 $0x13804, v1;
	v10 =	vor.u32 $0x13805, v1;
	s4 =	sadd.s32 $0x2D10, s5;
	s5 =	sadd.s32 $0x27800, s8;
	s8 =	simm.s32 $0x13880  }
.LBB2_2:
0x12: {  	s18 =	simm.s32 $0x0  }
0x13: {  	[tilespmem:s8], [sflag:$0x1] =	stream.linear.gather [hbm4b:s6+s18], $0x80, $0x38;
	[tilespmem:$0x16280] =	vst v63  }
0x14: {  	_ =	swait.ge [sflag:s9], $0x80  }
0x15: {  	[sflag:s9] =	ssyncset.done $0x0  }
0x16: {  	s18 =	simm.s32 $0x0;
	[sflag:s9] =	ssyncadd.s32 $0xFFFFFF80  }
0x17: {  	v11 =	vld [tilespmem:$0x13880];
	[tilespmem:s18+$0x14350] =	vst v3  }
0x18: {  	[tilespmem:s18+$0x13900] =	vst v2  }
0x19: {  	[tilespmem:s18+$0x13B10] =	vst v3  }
0x1a: {  	[tilespmem:s18+$0x13D20] =	vst v3  }
0x1b: {  	s19 =	simm.s32 $0x40;
	[tilespmem:s18+$0x13F30] =	vst v3  }
.LBB2_3:
0x1c: {  	p0 =	sne.s32 s19, $0x800;
	[tilespmem:s18+$0x14140] =	vst v3;
	s18 =	sshra.s32 s19, $0x2;
	s19 =	sadd.s32 $0x40, s19  }
.Ltmp1:
0x1d: {  	[tilespmem:s18+$0x14350] =	vst v3;
	(pc) =	sbr.rel @p0 .LBB2_3-.Ltmp1, $4  }
0x1e: {  	[tilespmem:s18+$0x13900] =	vst v2  }
0x1f: {  	[tilespmem:s18+$0x13B10] =	vst v3  }
0x20: {  	[tilespmem:s18+$0x13D20] =	vst v3  }
0x21: {  	[tilespmem:s18+$0x13F30] =	vst v3  }
0x22: {  	[tilespmem:s18+$0x14140] =	vst v3;
	s18 =	simm.s32 $0x40;
	s19 =	simm.s32 $0x0  }
.LBB2_5:
0x23: {  	p0 =	sne.s32 s18, $0x4B00;
	[tilespmem:s19+$0x14FB0] =	vst v3;
	s19 =	smov.u32 s18;
	s18 =	sadd.s32 $0x40, s18  }
.Ltmp2:
0x24: {  	(pc) =	sbr.rel @p0 .LBB2_5-.Ltmp2, $2  }
0x25: {  	_ =	sdelay $0x2  }
0x26: {  	s19 =	sshra.s32 s19, $0x2  }
0x27: {  	[tilespmem:s19+$0x14FB0] =	vst v3;
	s20 =	simm.s32 $0x0  }
0x28: {  	[tilespmem:s20], [sflag:$0x1] =	stream.linear.gather [hbm4b:s3+s20], $0x13880, $0x38;
	[tilespmem:$0x16280] =	vst v63  }
0x29: {  	_ =	swait.ge [sflag:s9], $0x13880  }
0x2a: {  	[sflag:s9] =	ssyncset.done $0x0  }
0x2b: {  	s18 =	simm.s32 $0xFFFFFFF8;
	s19 =	simm.s32 $0x70;
	[sflag:s9] =	ssyncadd.s32 $0xFFFEC780  }
.LBB2_7:
0x2c: {  	s21 =	sadd.s32 $0xFFFFFF90, s19  }
0x2d: {  	v12 =	vmov s21  }
0x2e: {  	v12 =	vshll.u32 v12, $0x3  }
0x2f: {  	v12 =	vor.u32 v1, v12;
	_ =	sdelay $0x4  }
0x30: {  	v13 =	vld.idx.msk [tilespmem:v12+s2+$0x0], $0xffff;
	_ =	sdelay $0x4  }
0x31: {  	vm0 =	vgt.f32 v13, v11  }
0x32: {  	v14 =	vsel vm0, $0x1, v4  }
0x33: {  	(xrf0) =	vadd.scan.msk.s32 $0xffff, v14;
	_ =	sdelay $0x4  }
0x34: {  	v51 =	vor.u32 $0x1, v12  }
0x35: {  	s24 =	sadd.s32 $0xFFFFFFFF, s20;
	v15, _, _ =	vpop (xrf0)  }
0x36: {  	v15 =	vadd.s32 s24, v15  }
0x37: {  	vm1 =	vlt.s32 v15, $0x200  }
0x38: {  	vm1 =	vmand vm0, vm1  }
0x39: {  	v14 =	vld.idx.msk [tilespmem:v51+s2+$0x0], $0xffff  }
0x3a: {  	v16 =	vor.u32 $0x2, v12;
	_ =	sdelay $0x3  }
0x3b: {  	[tilespmem:v15+s10+$0x0] =	vst.idx.msk vm1, v14  }
0x3c: {  	v14 =	vld.idx.msk [tilespmem:v16+s2+$0x0], $0xffff  }
0x3d: {  	v52 =	vor.u32 $0x3, v12;
	_ =	sdelay $0x3  }
0x3e: {  	[tilespmem:v15+s11+$0x0] =	vst.idx.msk vm1, v14  }
0x3f: {  	v14 =	vld.idx.msk [tilespmem:v52+s2+$0x0], $0xffff  }
0x40: {  	v53 =	vor.u32 $0x4, v12;
	_ =	sdelay $0x3  }
0x41: {  	[tilespmem:v15+s12+$0x0] =	vst.idx.msk vm1, v14  }
0x42: {  	v14 =	vld.idx.msk [tilespmem:v53+s2+$0x0], $0xffff  }
0x43: {  	v12 =	vor.u32 $0x5, v12;
	_ =	sdelay $0x3  }
0x44: {  	s25 =	sadd.s32 $0xFFFFFFA0, s19;
	[tilespmem:v15+s13+$0x0] =	vst.idx.msk vm1, v14  }
0x45: {  	v54 =	vmov s25;
	v12 =	vld.idx.msk [tilespmem:v12+s2+$0x0], $0xffff  }
0x46: {  	v55 =	vmpcnt.ones.xlane vm0;
	v14 =	vshll.u32 v54, $0x3  }
0x47: {  	v14 =	vor.u32 v1, v14  }
0x48: {  	(v2sf) =	vpush v55, $0x0;
	_ =	sdelay $0x1  }
0x49: {  	[tilespmem:v15+s14+$0x0] =	vst.idx.msk vm1, v12  }
0x4a: {  	[tilespmem:v15+s15+$0x0] =	vst.idx.msk vm1, v13  }
0x4b: {  	v12 =	vld.idx.msk [tilespmem:v14+s2+$0x0], $0xffff;
	_ =	sdelay $0x4  }
0x4c: {  	vm14 =	vgt.f32 v12, v11  }
0x4d: {  	v56 =	vsel vm14, $0x1, v4  }
0x4e: {  	(xrf0) =	vadd.scan.msk.s32 $0xffff, v56;
	_ =	sdelay $0x3  }
0x4f: {  	s26 =	spop (v2sf)  }
0x50: {  	s28 =	sadd.s32 s20, s26;
	v57 =	vor.u32 $0x1, v14  }
0x51: {  	s21 =	sadd.s32 $0xFFFFFFFF, s28;
	v58, _, _ =	vpop (xrf0)  }
0x52: {  	v15 =	vadd.s32 s21, v58  }
0x53: {  	vm15 =	vlt.s32 v15, $0x200  }
0x54: {  	vm1 =	vmand vm14, vm15  }
0x55: {  	v13 =	vld.idx.msk [tilespmem:v57+s2+$0x0], $0xffff  }
0x56: {  	v59 =	vor.u32 $0x2, v14;
	_ =	sdelay $0x3  }
0x57: {  	[tilespmem:v15+s10+$0x0] =	vst.idx.msk vm1, v13  }
0x58: {  	v13 =	vld.idx.msk [tilespmem:v59+s2+$0x0], $0xffff  }
0x59: {  	v60 =	vor.u32 $0x3, v14;
	_ =	sdelay $0x3  }
0x5a: {  	[tilespmem:v15+s11+$0x0] =	vst.idx.msk vm1, v13  }
0x5b: {  	v13 =	vld.idx.msk [tilespmem:v60+s2+$0x0], $0xffff  }
0x5c: {  	v61 =	vor.u32 $0x4, v14;
	_ =	sdelay $0x3  }
0x5d: {  	[tilespmem:v15+s12+$0x0] =	vst.idx.msk vm1, v13  }
0x5e: {  	v13 =	vld.idx.msk [tilespmem:v61+s2+$0x0], $0xffff  }
0x5f: {  	v14 =	vor.u32 $0x5, v14;
	_ =	sdelay $0x3  }
0x60: {  	s29 =	sadd.s32 $0xFFFFFFB0, s19;
	[tilespmem:v15+s13+$0x0] =	vst.idx.msk vm1, v13  }
0x61: {  	v62 =	vmov s29;
	v13 =	vld.idx.msk [tilespmem:v14+s2+$0x0], $0xffff  }
0x62: {  	v63 =	vmpcnt.ones.xlane vm14;
	v14 =	vshll.u32 v62, $0x3  }
0x63: {  	v14 =	vor.u32 v1, v14  }
0x64: {  	(v2sf) =	vpush v63, $0x0;
	_ =	sdelay $0x1  }
0x65: {  	[tilespmem:v15+s14+$0x0] =	vst.idx.msk vm1, v13  }
0x66: {  	[tilespmem:v15+s15+$0x0] =	vst.idx.msk vm1, v12  }
0x67: {  	v12 =	vld.idx.msk [tilespmem:v14+s2+$0x0], $0xffff;
	_ =	sdelay $0x4  }
0x68: {  	vm4 =	vgt.f32 v12, v11  }
0x69: {  	v18 =	vsel vm4, $0x1, v4  }
0x6a: {  	(xrf0) =	vadd.scan.msk.s32 $0xffff, v18;
	_ =	sdelay $0x3  }
0x6b: {  	s30 =	spop (v2sf)  }
0x6c: {  	s20 =	sadd.s32 s28, s30;
	v19 =	vor.u32 $0x1, v14  }
0x6d: {  	s21 =	sadd.s32 $0xFFFFFFFF, s20;
	v20, _, _ =	vpop (xrf0)  }
0x6e: {  	v15 =	vadd.s32 s21, v20  }
0x6f: {  	vm5 =	vlt.s32 v15, $0x200  }
0x70: {  	vm1 =	vmand vm4, vm5  }
0x71: {  	v13 =	vld.idx.msk [tilespmem:v19+s2+$0x0], $0xffff  }
0x72: {  	v21 =	vor.u32 $0x2, v14;
	_ =	sdelay $0x3  }
0x73: {  	[tilespmem:v15+s10+$0x0] =	vst.idx.msk vm1, v13  }
0x74: {  	v13 =	vld.idx.msk [tilespmem:v21+s2+$0x0], $0xffff  }
0x75: {  	v22 =	vor.u32 $0x3, v14;
	_ =	sdelay $0x3  }
0x76: {  	[tilespmem:v15+s11+$0x0] =	vst.idx.msk vm1, v13  }
0x77: {  	v13 =	vld.idx.msk [tilespmem:v22+s2+$0x0], $0xffff  }
0x78: {  	v23 =	vor.u32 $0x4, v14;
	_ =	sdelay $0x3  }
0x79: {  	[tilespmem:v15+s12+$0x0] =	vst.idx.msk vm1, v13  }
0x7a: {  	v13 =	vld.idx.msk [tilespmem:v23+s2+$0x0], $0xffff  }
0x7b: {  	v14 =	vor.u32 $0x5, v14;
	_ =	sdelay $0x3  }
0x7c: {  	s31 =	sadd.s32 $0xFFFFFFC0, s19;
	[tilespmem:v15+s13+$0x0] =	vst.idx.msk vm1, v13  }
0x7d: {  	v24 =	vmov s31;
	v13 =	vld.idx.msk [tilespmem:v14+s2+$0x0], $0xffff  }
0x7e: {  	v25 =	vmpcnt.ones.xlane vm4;
	v14 =	vshll.u32 v24, $0x3  }
0x7f: {  	v14 =	vor.u32 v1, v14  }
0x80: {  	(v2sf) =	vpush v25, $0x0;
	_ =	sdelay $0x1  }
0x81: {  	[tilespmem:v15+s14+$0x0] =	vst.idx.msk vm1, v13  }
0x82: {  	[tilespmem:v15+s15+$0x0] =	vst.idx.msk vm1, v12  }
0x83: {  	v12 =	vld.idx.msk [tilespmem:v14+s2+$0x0], $0xffff;
	_ =	sdelay $0x4  }
0x84: {  	vm6 =	vgt.f32 v12, v11  }
0x85: {  	v26 =	vsel vm6, $0x1, v4  }
0x86: {  	(xrf0) =	vadd.scan.msk.s32 $0xffff, v26;
	_ =	sdelay $0x3  }
0x87: {  	s22 =	spop (v2sf)  }
0x88: {  	s20 =	sadd.s32 s20, s22;
	v27 =	vor.u32 $0x1, v14  }
0x89: {  	s21 =	sadd.s32 $0xFFFFFFFF, s20;
	v28, _, _ =	vpop (xrf0)  }
0x8a: {  	v15 =	vadd.s32 s21, v28  }
0x8b: {  	vm7 =	vlt.s32 v15, $0x200  }
0x8c: {  	vm1 =	vmand vm6, vm7  }
0x8d: {  	v13 =	vld.idx.msk [tilespmem:v27+s2+$0x0], $0xffff  }
0x8e: {  	v29 =	vor.u32 $0x2, v14;
	_ =	sdelay $0x3  }
0x8f: {  	[tilespmem:v15+s10+$0x0] =	vst.idx.msk vm1, v13  }
0x90: {  	v13 =	vld.idx.msk [tilespmem:v29+s2+$0x0], $0xffff  }
0x91: {  	v30 =	vor.u32 $0x3, v14;
	_ =	sdelay $0x3  }
0x92: {  	[tilespmem:v15+s11+$0x0] =	vst.idx.msk vm1, v13  }
0x93: {  	v13 =	vld.idx.msk [tilespmem:v30+s2+$0x0], $0xffff  }
0x94: {  	v31 =	vor.u32 $0x4, v14;
	_ =	sdelay $0x3  }
0x95: {  	[tilespmem:v15+s12+$0x0] =	vst.idx.msk vm1, v13  }
0x96: {  	v13 =	vld.idx.msk [tilespmem:v31+s2+$0x0], $0xffff  }
0x97: {  	v14 =	vor.u32 $0x5, v14;
	_ =	sdelay $0x3  }
0x98: {  	s23 =	sadd.s32 $0xFFFFFFD0, s19;
	[tilespmem:v15+s13+$0x0] =	vst.idx.msk vm1, v13  }
0x99: {  	v32 =	vmov s23;
	v13 =	vld.idx.msk [tilespmem:v14+s2+$0x0], $0xffff  }
0x9a: {  	v33 =	vmpcnt.ones.xlane vm6;
	v14 =	vshll.u32 v32, $0x3  }
0x9b: {  	v14 =	vor.u32 v1, v14  }
0x9c: {  	(v2sf) =	vpush v33, $0x0;
	_ =	sdelay $0x1  }
0x9d: {  	[tilespmem:v15+s14+$0x0] =	vst.idx.msk vm1, v13  }
0x9e: {  	[tilespmem:v15+s15+$0x0] =	vst.idx.msk vm1, v12  }
0x9f: {  	v12 =	vld.idx.msk [tilespmem:v14+s2+$0x0], $0xffff;
	_ =	sdelay $0x4  }
0xa0: {  	vm8 =	vgt.f32 v12, v11  }
0xa1: {  	v34 =	vsel vm8, $0x1, v4  }
0xa2: {  	(xrf0) =	vadd.scan.msk.s32 $0xffff, v34;
	_ =	sdelay $0x3  }
0xa3: {  	s24 =	spop (v2sf)  }
0xa4: {  	s20 =	sadd.s32 s20, s24;
	v35 =	vor.u32 $0x1, v14  }
0xa5: {  	s21 =	sadd.s32 $0xFFFFFFFF, s20;
	v36, _, _ =	vpop (xrf0)  }
0xa6: {  	v15 =	vadd.s32 s21, v36  }
0xa7: {  	vm9 =	vlt.s32 v15, $0x200  }
0xa8: {  	vm1 =	vmand vm8, vm9  }
0xa9: {  	v13 =	vld.idx.msk [tilespmem:v35+s2+$0x0], $0xffff  }
0xaa: {  	v37 =	vor.u32 $0x2, v14;
	_ =	sdelay $0x3  }
0xab: {  	[tilespmem:v15+s10+$0x0] =	vst.idx.msk vm1, v13  }
0xac: {  	v13 =	vld.idx.msk [tilespmem:v37+s2+$0x0], $0xffff  }
0xad: {  	v38 =	vor.u32 $0x3, v14;
	_ =	sdelay $0x3  }
0xae: {  	[tilespmem:v15+s11+$0x0] =	vst.idx.msk vm1, v13  }
0xaf: {  	v13 =	vld.idx.msk [tilespmem:v38+s2+$0x0], $0xffff  }
0xb0: {  	v39 =	vor.u32 $0x4, v14;
	_ =	sdelay $0x3  }
0xb1: {  	[tilespmem:v15+s12+$0x0] =	vst.idx.msk vm1, v13  }
0xb2: {  	v13 =	vld.idx.msk [tilespmem:v39+s2+$0x0], $0xffff  }
0xb3: {  	v14 =	vor.u32 $0x5, v14;
	_ =	sdelay $0x3  }
0xb4: {  	s25 =	sadd.s32 $0xFFFFFFE0, s19;
	[tilespmem:v15+s13+$0x0] =	vst.idx.msk vm1, v13  }
0xb5: {  	v40 =	vmov s25;
	v13 =	vld.idx.msk [tilespmem:v14+s2+$0x0], $0xffff  }
0xb6: {  	v41 =	vmpcnt.ones.xlane vm8;
	v14 =	vshll.u32 v40, $0x3  }
0xb7: {  	v14 =	vor.u32 v1, v14  }
0xb8: {  	(v2sf) =	vpush v41, $0x0;
	_ =	sdelay $0x1  }
0xb9: {  	[tilespmem:v15+s14+$0x0] =	vst.idx.msk vm1, v13  }
0xba: {  	[tilespmem:v15+s15+$0x0] =	vst.idx.msk vm1, v12  }
0xbb: {  	v12 =	vld.idx.msk [tilespmem:v14+s2+$0x0], $0xffff;
	_ =	sdelay $0x4  }
0xbc: {  	vm10 =	vgt.f32 v12, v11  }
0xbd: {  	v42 =	vsel vm10, $0x1, v4  }
0xbe: {  	(xrf0) =	vadd.scan.msk.s32 $0xffff, v42;
	_ =	sdelay $0x3  }
0xbf: {  	s26 =	spop (v2sf)  }
0xc0: {  	s20 =	sadd.s32 s20, s26;
	v43 =	vor.u32 $0x1, v14  }
0xc1: {  	s21 =	sadd.s32 $0xFFFFFFFF, s20;
	v44, _, _ =	vpop (xrf0)  }
0xc2: {  	v15 =	vadd.s32 s21, v44  }
0xc3: {  	vm11 =	vlt.s32 v15, $0x200  }
0xc4: {  	vm1 =	vmand vm10, vm11  }
0xc5: {  	v13 =	vld.idx.msk [tilespmem:v43+s2+$0x0], $0xffff  }
0xc6: {  	v45 =	vor.u32 $0x2, v14;
	_ =	sdelay $0x3  }
0xc7: {  	[tilespmem:v15+s10+$0x0] =	vst.idx.msk vm1, v13  }
0xc8: {  	v13 =	vld.idx.msk [tilespmem:v45+s2+$0x0], $0xffff  }
0xc9: {  	v46 =	vor.u32 $0x3, v14;
	_ =	sdelay $0x3  }
0xca: {  	[tilespmem:v15+s11+$0x0] =	vst.idx.msk vm1, v13  }
0xcb: {  	v13 =	vld.idx.msk [tilespmem:v46+s2+$0x0], $0xffff  }
0xcc: {  	v47 =	vor.u32 $0x4, v14;
	_ =	sdelay $0x3  }
0xcd: {  	[tilespmem:v15+s12+$0x0] =	vst.idx.msk vm1, v13  }
0xce: {  	v13 =	vld.idx.msk [tilespmem:v47+s2+$0x0], $0xffff  }
0xcf: {  	v14 =	vor.u32 $0x5, v14;
	_ =	sdelay $0x3  }
0xd0: {  	s28 =	sadd.s32 $0xFFFFFFF0, s19;
	[tilespmem:v15+s13+$0x0] =	vst.idx.msk vm1, v13  }
0xd1: {  	v48 =	vmov s28;
	v13 =	vld.idx.msk [tilespmem:v14+s2+$0x0], $0xffff  }
0xd2: {  	v49 =	vmpcnt.ones.xlane vm10;
	v14 =	vshll.u32 v48, $0x3  }
0xd3: {  	v14 =	vor.u32 v1, v14  }
0xd4: {  	(v2sf) =	vpush v49, $0x0;
	_ =	sdelay $0x1  }
0xd5: {  	[tilespmem:v15+s14+$0x0] =	vst.idx.msk vm1, v13  }
0xd6: {  	[tilespmem:v15+s15+$0x0] =	vst.idx.msk vm1, v12  }
0xd7: {  	v12 =	vld.idx.msk [tilespmem:v14+s2+$0x0], $0xffff;
	_ =	sdelay $0x4  }
0xd8: {  	vm12 =	vgt.f32 v12, v11  }
0xd9: {  	v50 =	vsel vm12, $0x1, v4  }
0xda: {  	(xrf0) =	vadd.scan.msk.s32 $0xffff, v50;
	_ =	sdelay $0x3  }
0xdb: {  	s29 =	spop (v2sf)  }
0xdc: {  	s20 =	sadd.s32 s20, s29;
	v51 =	vor.u32 $0x1, v14  }
0xdd: {  	s21 =	sadd.s32 $0xFFFFFFFF, s20;
	v52, _, _ =	vpop (xrf0)  }
0xde: {  	v15 =	vadd.s32 s21, v52  }
0xdf: {  	vm13 =	vlt.s32 v15, $0x200  }
0xe0: {  	vm1 =	vmand vm12, vm13  }
0xe1: {  	v13 =	vld.idx.msk [tilespmem:v51+s2+$0x0], $0xffff  }
0xe2: {  	v53 =	vor.u32 $0x2, v14;
	_ =	sdelay $0x3  }
0xe3: {  	[tilespmem:v15+s10+$0x0] =	vst.idx.msk vm1, v13  }
0xe4: {  	v13 =	vld.idx.msk [tilespmem:v53+s2+$0x0], $0xffff  }
0xe5: {  	v54 =	vor.u32 $0x3, v14;
	_ =	sdelay $0x3  }
0xe6: {  	[tilespmem:v15+s11+$0x0] =	vst.idx.msk vm1, v13  }
0xe7: {  	v13 =	vld.idx.msk [tilespmem:v54+s2+$0x0], $0xffff  }
0xe8: {  	v55 =	vor.u32 $0x4, v14;
	_ =	sdelay $0x3  }
0xe9: {  	[tilespmem:v15+s12+$0x0] =	vst.idx.msk vm1, v13  }
0xea: {  	v13 =	vld.idx.msk [tilespmem:v55+s2+$0x0], $0xffff  }
0xeb: {  	v14 =	vor.u32 $0x5, v14;
	_ =	sdelay $0x3  }
0xec: {  	[tilespmem:v15+s13+$0x0] =	vst.idx.msk vm1, v13  }
0xed: {  	v56 =	vmov s19;
	v13 =	vld.idx.msk [tilespmem:v14+s2+$0x0], $0xffff  }
0xee: {  	v57 =	vmpcnt.ones.xlane vm12;
	v14 =	vshll.u32 v56, $0x3  }
0xef: {  	v14 =	vor.u32 v1, v14  }
0xf0: {  	(v2sf) =	vpush v57, $0x0;
	_ =	sdelay $0x1  }
0xf1: {  	[tilespmem:v15+s14+$0x0] =	vst.idx.msk vm1, v13  }
0xf2: {  	[tilespmem:v15+s15+$0x0] =	vst.idx.msk vm1, v12  }
0xf3: {  	v12 =	vld.idx.msk [tilespmem:v14+s2+$0x0], $0xffff;
	_ =	sdelay $0x4  }
0xf4: {  	vm14 =	vgt.f32 v12, v11  }
0xf5: {  	v58 =	vsel vm14, $0x1, v4  }
0xf6: {  	(xrf0) =	vadd.scan.msk.s32 $0xffff, v58;
	_ =	sdelay $0x3  }
0xf7: {  	s30 =	spop (v2sf)  }
0xf8: {  	s20 =	sadd.s32 s20, s30;
	v59 =	vor.u32 $0x1, v14  }
0xf9: {  	s21 =	sadd.s32 $0xFFFFFFFF, s20;
	v60, _, _ =	vpop (xrf0)  }
0xfa: {  	v15 =	vadd.s32 s21, v60  }
0xfb: {  	vm15 =	vlt.s32 v15, $0x200  }
0xfc: {  	vm1 =	vmand vm14, vm15  }
0xfd: {  	v13 =	vld.idx.msk [tilespmem:v59+s2+$0x0], $0xffff  }
0xfe: {  	v61 =	vor.u32 $0x2, v14;
	_ =	sdelay $0x3  }
0xff: {  	[tilespmem:v15+s10+$0x0] =	vst.idx.msk vm1, v13  }
0x100: {  	v13 =	vld.idx.msk [tilespmem:v61+s2+$0x0], $0xffff  }
0x101: {  	v62 =	vor.u32 $0x3, v14;
	_ =	sdelay $0x3  }
0x102: {  	[tilespmem:v15+s11+$0x0] =	vst.idx.msk vm1, v13  }
0x103: {  	v63 =	vmpcnt.ones.xlane vm14;
	v13 =	vld.idx.msk [tilespmem:v62+s2+$0x0], $0xffff  }
0x104: {  	v17 =	vor.u32 $0x4, v14  }
0x105: {  	(v2sf) =	vpush v63, $0x0;
	_ =	sdelay $0x2  }
0x106: {  	[tilespmem:v15+s12+$0x0] =	vst.idx.msk vm1, v13  }
0x107: {  	v13 =	vld.idx.msk [tilespmem:v17+s2+$0x0], $0xffff  }
0x108: {  	v14 =	vor.u32 $0x5, v14;
	_ =	sdelay $0x3  }
0x109: {  	[tilespmem:v15+s13+$0x0] =	vst.idx.msk vm1, v13  }
0x10a: {  	s18 =	sadd.s32 $0x8, s18;
	v13 =	vld.idx.msk [tilespmem:v14+s2+$0x0], $0xffff  }
0x10b: {  	p0 =	slt.u32 s18, $0x268  }
.Ltmp3:
0x10c: {  	_ = 	snop;
	(pc) =	sbr.rel @p0 .LBB2_7-.Ltmp3, $3  }
0x10d: {  	_ =	sdelay $0x1  }
0x10e: {  	s31 =	spop (v2sf);
	[tilespmem:v15+s14+$0x0] =	vst.idx.msk vm1, v13  }
0x10f: {  	s19 =	sadd.s32 $0x80, s19;
	s20 =	sadd.s32 s20, s31;
	[tilespmem:v15+s15+$0x0] =	vst.idx.msk vm1, v12  }
0x110: {  	_ =	sdelay $0x3  }
0x111: {  	v12 =	vld.idx.msk [tilespmem:v5+s2+$0x0], $0xffff;
	_ =	sdelay $0x4  }
0x112: {  	vm0 =	vgt.f32 v12, v11  }
0x113: {  	v13 =	vsel vm0, $0x1, v4  }
0x114: {  	(xrf0) =	vadd.scan.msk.s32 $0xffff, v13;
	_ =	sdelay $0x5  }
0x115: {  	s18 =	sadd.s32 $0xFFFFFFFF, s20;
	v13, _, _ =	vpop (xrf0)  }
0x116: {  	v13 =	vadd.s32 s18, v13  }
0x117: {  	vm1 =	vlt.s32 v13, $0x200  }
0x118: {  	vm1 =	vmand vm0, vm1  }
0x119: {  	v14 =	vld.idx.msk [tilespmem:v6+s2+$0x0], $0xffff;
	_ =	sdelay $0x4  }
0x11a: {  	[tilespmem:v13+s10+$0x0] =	vst.idx.msk vm1, v14  }
0x11b: {  	v14 =	vld.idx.msk [tilespmem:v7+s2+$0x0], $0xffff;
	_ =	sdelay $0x4  }
0x11c: {  	[tilespmem:v13+s11+$0x0] =	vst.idx.msk vm1, v14  }
0x11d: {  	v14 =	vld.idx.msk [tilespmem:v8+s2+$0x0], $0xffff  }
0x11e: {  	v15 =	vmpcnt.ones.xlane vm0;
	_ =	sdelay $0x1  }
0x11f: {  	(v2sf) =	vpush v15, $0x0;
	_ =	sdelay $0x1  }
0x120: {  	[tilespmem:v13+s12+$0x0] =	vst.idx.msk vm1, v14  }
0x121: {  	v14 =	vld.idx.msk [tilespmem:v9+s2+$0x0], $0xffff;
	_ =	sdelay $0x4  }
0x122: {  	[tilespmem:v13+s13+$0x0] =	vst.idx.msk vm1, v14  }
0x123: {  	v14 =	vld.idx.msk [tilespmem:v10+s2+$0x0], $0xffff;
	_ =	sdelay $0x4  }
0x124: {  	[tilespmem:v13+s14+$0x0] =	vst.idx.msk vm1, v14  }
0x125: {  	s31 =	spop (v2sf);
	[tilespmem:v13+s15+$0x0] =	vst.idx.msk vm1, v12  }
0x126: {  	[tilespmem:s2], [sflag:$0x1] =	stream.linear.gather [hbm4b:s4+s2], $0x13880, $0x38;
	[tilespmem:$0x16280] =	vst v63  }
0x127: {  	_ =	swait.ge [sflag:s9], $0x13880  }
0x128: {  	s19 =	simm.s32 $0x70;
	[sflag:s9] =	ssyncset.done $0x0  }
0x129: {  	s18 =	simm.s32 $0xFFFFFFF8;
	s20 =	sadd.s32 s20, s31;
	[sflag:s9] =	ssyncadd.s32 $0xFFFEC780  }
.LBB2_9:
0x12a: {  	s21 =	sadd.s32 $0xFFFFFF90, s19  }
0x12b: {  	v12 =	vmov s21  }
0x12c: {  	v12 =	vshll.u32 v12, $0x3  }
0x12d: {  	v12 =	vor.u32 v1, v12;
	_ =	sdelay $0x4  }
0x12e: {  	v13 =	vld.idx.msk [tilespmem:v12+s2+$0x0], $0xffff;
	_ =	sdelay $0x4  }
0x12f: {  	vm0 =	vgt.f32 v13, v11  }
0x130: {  	v14 =	vsel vm0, $0x1, v4  }
0x131: {  	(xrf0) =	vadd.scan.msk.s32 $0xffff, v14;
	_ =	sdelay $0x4  }
0x132: {  	v51 =	vor.u32 $0x1, v12  }
0x133: {  	s24 =	sadd.s32 $0xFFFFFFFF, s20;
	v15, _, _ =	vpop (xrf0)  }
0x134: {  	v15 =	vadd.s32 s24, v15  }
0x135: {  	vm1 =	vlt.s32 v15, $0x200  }
0x136: {  	vm1 =	vmand vm0, vm1  }
0x137: {  	v14 =	vld.idx.msk [tilespmem:v51+s2+$0x0], $0xffff  }
0x138: {  	v16 =	vor.u32 $0x2, v12;
	_ =	sdelay $0x3  }
0x139: {  	[tilespmem:v15+s10+$0x0] =	vst.idx.msk vm1, v14  }
0x13a: {  	v14 =	vld.idx.msk [tilespmem:v16+s2+$0x0], $0xffff  }
0x13b: {  	v52 =	vor.u32 $0x3, v12;
	_ =	sdelay $0x3  }
0x13c: {  	[tilespmem:v15+s11+$0x0] =	vst.idx.msk vm1, v14  }
0x13d: {  	v14 =	vld.idx.msk [tilespmem:v52+s2+$0x0], $0xffff  }
0x13e: {  	v53 =	vor.u32 $0x4, v12;
	_ =	sdelay $0x3  }
0x13f: {  	[tilespmem:v15+s12+$0x0] =	vst.idx.msk vm1, v14  }
0x140: {  	v14 =	vld.idx.msk [tilespmem:v53+s2+$0x0], $0xffff  }
0x141: {  	v12 =	vor.u32 $0x5, v12;
	_ =	sdelay $0x3  }
0x142: {  	s25 =	sadd.s32 $0xFFFFFFA0, s19;
	[tilespmem:v15+s13+$0x0] =	vst.idx.msk vm1, v14  }
0x143: {  	v54 =	vmov s25;
	v12 =	vld.idx.msk [tilespmem:v12+s2+$0x0], $0xffff  }
0x144: {  	v55 =	vmpcnt.ones.xlane vm0;
	v14 =	vshll.u32 v54, $0x3  }
0x145: {  	v14 =	vor.u32 v1, v14  }
0x146: {  	(v2sf) =	vpush v55, $0x0;
	_ =	sdelay $0x1  }
0x147: {  	[tilespmem:v15+s14+$0x0] =	vst.idx.msk vm1, v12  }
0x148: {  	[tilespmem:v15+s15+$0x0] =	vst.idx.msk vm1, v13  }
0x149: {  	v12 =	vld.idx.msk [tilespmem:v14+s2+$0x0], $0xffff;
	_ =	sdelay $0x4  }
0x14a: {  	vm14 =	vgt.f32 v12, v11  }
0x14b: {  	v56 =	vsel vm14, $0x1, v4  }
0x14c: {  	(xrf0) =	vadd.scan.msk.s32 $0xffff, v56;
	_ =	sdelay $0x3  }
0x14d: {  	s26 =	spop (v2sf)  }
0x14e: {  	s28 =	sadd.s32 s20, s26;
	v57 =	vor.u32 $0x1, v14  }
0x14f: {  	s21 =	sadd.s32 $0xFFFFFFFF, s28;
	v58, _, _ =	vpop (xrf0)  }
0x150: {  	v15 =	vadd.s32 s21, v58  }
0x151: {  	vm15 =	vlt.s32 v15, $0x200  }
0x152: {  	vm1 =	vmand vm14, vm15  }
0x153: {  	v13 =	vld.idx.msk [tilespmem:v57+s2+$0x0], $0xffff  }
0x154: {  	v59 =	vor.u32 $0x2, v14;
	_ =	sdelay $0x3  }
0x155: {  	[tilespmem:v15+s10+$0x0] =	vst.idx.msk vm1, v13  }
0x156: {  	v13 =	vld.idx.msk [tilespmem:v59+s2+$0x0], $0xffff  }
0x157: {  	v60 =	vor.u32 $0x3, v14;
	_ =	sdelay $0x3  }
0x158: {  	[tilespmem:v15+s11+$0x0] =	vst.idx.msk vm1, v13  }
0x159: {  	v13 =	vld.idx.msk [tilespmem:v60+s2+$0x0], $0xffff  }
0x15a: {  	v61 =	vor.u32 $0x4, v14;
	_ =	sdelay $0x3  }
0x15b: {  	[tilespmem:v15+s12+$0x0] =	vst.idx.msk vm1, v13  }
0x15c: {  	v13 =	vld.idx.msk [tilespmem:v61+s2+$0x0], $0xffff  }
0x15d: {  	v14 =	vor.u32 $0x5, v14;
	_ =	sdelay $0x3  }
0x15e: {  	s29 =	sadd.s32 $0xFFFFFFB0, s19;
	[tilespmem:v15+s13+$0x0] =	vst.idx.msk vm1, v13  }
0x15f: {  	v62 =	vmov s29;
	v13 =	vld.idx.msk [tilespmem:v14+s2+$0x0], $0xffff  }
0x160: {  	v63 =	vmpcnt.ones.xlane vm14;
	v14 =	vshll.u32 v62, $0x3  }
0x161: {  	v14 =	vor.u32 v1, v14  }
0x162: {  	(v2sf) =	vpush v63, $0x0;
	_ =	sdelay $0x1  }
0x163: {  	[tilespmem:v15+s14+$0x0] =	vst.idx.msk vm1, v13  }
0x164: {  	[tilespmem:v15+s15+$0x0] =	vst.idx.msk vm1, v12  }
0x165: {  	v12 =	vld.idx.msk [tilespmem:v14+s2+$0x0], $0xffff;
	_ =	sdelay $0x4  }
0x166: {  	vm4 =	vgt.f32 v12, v11  }
0x167: {  	v18 =	vsel vm4, $0x1, v4  }
0x168: {  	(xrf0) =	vadd.scan.msk.s32 $0xffff, v18;
	_ =	sdelay $0x3  }
0x169: {  	s30 =	spop (v2sf)  }
0x16a: {  	s20 =	sadd.s32 s28, s30;
	v19 =	vor.u32 $0x1, v14  }
0x16b: {  	s21 =	sadd.s32 $0xFFFFFFFF, s20;
	v20, _, _ =	vpop (xrf0)  }
0x16c: {  	v15 =	vadd.s32 s21, v20  }
0x16d: {  	vm5 =	vlt.s32 v15, $0x200  }
0x16e: {  	vm1 =	vmand vm4, vm5  }
0x16f: {  	v13 =	vld.idx.msk [tilespmem:v19+s2+$0x0], $0xffff  }
0x170: {  	v21 =	vor.u32 $0x2, v14;
	_ =	sdelay $0x3  }
0x171: {  	[tilespmem:v15+s10+$0x0] =	vst.idx.msk vm1, v13  }
0x172: {  	v13 =	vld.idx.msk [tilespmem:v21+s2+$0x0], $0xffff  }
0x173: {  	v22 =	vor.u32 $0x3, v14;
	_ =	sdelay $0x3  }
0x174: {  	[tilespmem:v15+s11+$0x0] =	vst.idx.msk vm1, v13  }
0x175: {  	v13 =	vld.idx.msk [tilespmem:v22+s2+$0x0], $0xffff  }
0x176: {  	v23 =	vor.u32 $0x4, v14;
	_ =	sdelay $0x3  }
0x177: {  	[tilespmem:v15+s12+$0x0] =	vst.idx.msk vm1, v13  }
0x178: {  	v13 =	vld.idx.msk [tilespmem:v23+s2+$0x0], $0xffff  }
0x179: {  	v14 =	vor.u32 $0x5, v14;
	_ =	sdelay $0x3  }
0x17a: {  	s31 =	sadd.s32 $0xFFFFFFC0, s19;
	[tilespmem:v15+s13+$0x0] =	vst.idx.msk vm1, v13  }
0x17b: {  	v24 =	vmov s31;
	v13 =	vld.idx.msk [tilespmem:v14+s2+$0x0], $0xffff  }
0x17c: {  	v25 =	vmpcnt.ones.xlane vm4;
	v14 =	vshll.u32 v24, $0x3  }
0x17d: {  	v14 =	vor.u32 v1, v14  }
0x17e: {  	(v2sf) =	vpush v25, $0x0;
	_ =	sdelay $0x1  }
0x17f: {  	[tilespmem:v15+s14+$0x0] =	vst.idx.msk vm1, v13  }
0x180: {  	[tilespmem:v15+s15+$0x0] =	vst.idx.msk vm1, v12  }
0x181: {  	v12 =	vld.idx.msk [tilespmem:v14+s2+$0x0], $0xffff;
	_ =	sdelay $0x4  }
0x182: {  	vm6 =	vgt.f32 v12, v11  }
0x183: {  	v26 =	vsel vm6, $0x1, v4  }
0x184: {  	(xrf0) =	vadd.scan.msk.s32 $0xffff, v26;
	_ =	sdelay $0x3  }
0x185: {  	s22 =	spop (v2sf)  }
0x186: {  	s20 =	sadd.s32 s20, s22;
	v27 =	vor.u32 $0x1, v14  }
0x187: {  	s21 =	sadd.s32 $0xFFFFFFFF, s20;
	v28, _, _ =	vpop (xrf0)  }
0x188: {  	v15 =	vadd.s32 s21, v28  }
0x189: {  	vm7 =	vlt.s32 v15, $0x200  }
0x18a: {  	vm1 =	vmand vm6, vm7  }
0x18b: {  	v13 =	vld.idx.msk [tilespmem:v27+s2+$0x0], $0xffff  }
0x18c: {  	v29 =	vor.u32 $0x2, v14;
	_ =	sdelay $0x3  }
0x18d: {  	[tilespmem:v15+s10+$0x0] =	vst.idx.msk vm1, v13  }
0x18e: {  	v13 =	vld.idx.msk [tilespmem:v29+s2+$0x0], $0xffff  }
0x18f: {  	v30 =	vor.u32 $0x3, v14;
	_ =	sdelay $0x3  }
0x190: {  	[tilespmem:v15+s11+$0x0] =	vst.idx.msk vm1, v13  }
0x191: {  	v13 =	vld.idx.msk [tilespmem:v30+s2+$0x0], $0xffff  }
0x192: {  	v31 =	vor.u32 $0x4, v14;
	_ =	sdelay $0x3  }
0x193: {  	[tilespmem:v15+s12+$0x0] =	vst.idx.msk vm1, v13  }
0x194: {  	v13 =	vld.idx.msk [tilespmem:v31+s2+$0x0], $0xffff  }
0x195: {  	v14 =	vor.u32 $0x5, v14;
	_ =	sdelay $0x3  }
0x196: {  	s23 =	sadd.s32 $0xFFFFFFD0, s19;
	[tilespmem:v15+s13+$0x0] =	vst.idx.msk vm1, v13  }
0x197: {  	v32 =	vmov s23;
	v13 =	vld.idx.msk [tilespmem:v14+s2+$0x0], $0xffff  }
0x198: {  	v33 =	vmpcnt.ones.xlane vm6;
	v14 =	vshll.u32 v32, $0x3  }
0x199: {  	v14 =	vor.u32 v1, v14  }
0x19a: {  	(v2sf) =	vpush v33, $0x0;
	_ =	sdelay $0x1  }
0x19b: {  	[tilespmem:v15+s14+$0x0] =	vst.idx.msk vm1, v13  }
0x19c: {  	[tilespmem:v15+s15+$0x0] =	vst.idx.msk vm1, v12  }
0x19d: {  	v12 =	vld.idx.msk [tilespmem:v14+s2+$0x0], $0xffff;
	_ =	sdelay $0x4  }
0x19e: {  	vm8 =	vgt.f32 v12, v11  }
0x19f: {  	v34 =	vsel vm8, $0x1, v4  }
0x1a0: {  	(xrf0) =	vadd.scan.msk.s32 $0xffff, v34;
	_ =	sdelay $0x3  }
0x1a1: {  	s24 =	spop (v2sf)  }
0x1a2: {  	s20 =	sadd.s32 s20, s24;
	v35 =	vor.u32 $0x1, v14  }
0x1a3: {  	s21 =	sadd.s32 $0xFFFFFFFF, s20;
	v36, _, _ =	vpop (xrf0)  }
0x1a4: {  	v15 =	vadd.s32 s21, v36  }
0x1a5: {  	vm9 =	vlt.s32 v15, $0x200  }
0x1a6: {  	vm1 =	vmand vm8, vm9  }
0x1a7: {  	v13 =	vld.idx.msk [tilespmem:v35+s2+$0x0], $0xffff  }
0x1a8: {  	v37 =	vor.u32 $0x2, v14;
	_ =	sdelay $0x3  }
0x1a9: {  	[tilespmem:v15+s10+$0x0] =	vst.idx.msk vm1, v13  }
0x1aa: {  	v13 =	vld.idx.msk [tilespmem:v37+s2+$0x0], $0xffff  }
0x1ab: {  	v38 =	vor.u32 $0x3, v14;
	_ =	sdelay $0x3  }
0x1ac: {  	[tilespmem:v15+s11+$0x0] =	vst.idx.msk vm1, v13  }
0x1ad: {  	v13 =	vld.idx.msk [tilespmem:v38+s2+$0x0], $0xffff  }
0x1ae: {  	v39 =	vor.u32 $0x4, v14;
	_ =	sdelay $0x3  }
0x1af: {  	[tilespmem:v15+s12+$0x0] =	vst.idx.msk vm1, v13  }
0x1b0: {  	v13 =	vld.idx.msk [tilespmem:v39+s2+$0x0], $0xffff  }
0x1b1: {  	v14 =	vor.u32 $0x5, v14;
	_ =	sdelay $0x3  }
0x1b2: {  	s25 =	sadd.s32 $0xFFFFFFE0, s19;
	[tilespmem:v15+s13+$0x0] =	vst.idx.msk vm1, v13  }
0x1b3: {  	v40 =	vmov s25;
	v13 =	vld.idx.msk [tilespmem:v14+s2+$0x0], $0xffff  }
0x1b4: {  	v41 =	vmpcnt.ones.xlane vm8;
	v14 =	vshll.u32 v40, $0x3  }
0x1b5: {  	v14 =	vor.u32 v1, v14  }
0x1b6: {  	(v2sf) =	vpush v41, $0x0;
	_ =	sdelay $0x1  }
0x1b7: {  	[tilespmem:v15+s14+$0x0] =	vst.idx.msk vm1, v13  }
0x1b8: {  	[tilespmem:v15+s15+$0x0] =	vst.idx.msk vm1, v12  }
0x1b9: {  	v12 =	vld.idx.msk [tilespmem:v14+s2+$0x0], $0xffff;
	_ =	sdelay $0x4  }
0x1ba: {  	vm10 =	vgt.f32 v12, v11  }
0x1bb: {  	v42 =	vsel vm10, $0x1, v4  }
0x1bc: {  	(xrf0) =	vadd.scan.msk.s32 $0xffff, v42;
	_ =	sdelay $0x3  }
0x1bd: {  	s26 =	spop (v2sf)  }
0x1be: {  	s20 =	sadd.s32 s20, s26;
	v43 =	vor.u32 $0x1, v14  }
0x1bf: {  	s21 =	sadd.s32 $0xFFFFFFFF, s20;
	v44, _, _ =	vpop (xrf0)  }
0x1c0: {  	v15 =	vadd.s32 s21, v44  }
0x1c1: {  	vm11 =	vlt.s32 v15, $0x200  }
0x1c2: {  	vm1 =	vmand vm10, vm11  }
0x1c3: {  	v13 =	vld.idx.msk [tilespmem:v43+s2+$0x0], $0xffff  }
0x1c4: {  	v45 =	vor.u32 $0x2, v14;
	_ =	sdelay $0x3  }
0x1c5: {  	[tilespmem:v15+s10+$0x0] =	vst.idx.msk vm1, v13  }
0x1c6: {  	v13 =	vld.idx.msk [tilespmem:v45+s2+$0x0], $0xffff  }
0x1c7: {  	v46 =	vor.u32 $0x3, v14;
	_ =	sdelay $0x3  }
0x1c8: {  	[tilespmem:v15+s11+$0x0] =	vst.idx.msk vm1, v13  }
0x1c9: {  	v13 =	vld.idx.msk [tilespmem:v46+s2+$0x0], $0xffff  }
0x1ca: {  	v47 =	vor.u32 $0x4, v14;
	_ =	sdelay $0x3  }
0x1cb: {  	[tilespmem:v15+s12+$0x0] =	vst.idx.msk vm1, v13  }
0x1cc: {  	v13 =	vld.idx.msk [tilespmem:v47+s2+$0x0], $0xffff  }
0x1cd: {  	v14 =	vor.u32 $0x5, v14;
	_ =	sdelay $0x3  }
0x1ce: {  	s28 =	sadd.s32 $0xFFFFFFF0, s19;
	[tilespmem:v15+s13+$0x0] =	vst.idx.msk vm1, v13  }
0x1cf: {  	v48 =	vmov s28;
	v13 =	vld.idx.msk [tilespmem:v14+s2+$0x0], $0xffff  }
0x1d0: {  	v49 =	vmpcnt.ones.xlane vm10;
	v14 =	vshll.u32 v48, $0x3  }
0x1d1: {  	v14 =	vor.u32 v1, v14  }
0x1d2: {  	(v2sf) =	vpush v49, $0x0;
	_ =	sdelay $0x1  }
0x1d3: {  	[tilespmem:v15+s14+$0x0] =	vst.idx.msk vm1, v13  }
0x1d4: {  	[tilespmem:v15+s15+$0x0] =	vst.idx.msk vm1, v12  }
0x1d5: {  	v12 =	vld.idx.msk [tilespmem:v14+s2+$0x0], $0xffff;
	_ =	sdelay $0x4  }
0x1d6: {  	vm12 =	vgt.f32 v12, v11  }
0x1d7: {  	v50 =	vsel vm12, $0x1, v4  }
0x1d8: {  	(xrf0) =	vadd.scan.msk.s32 $0xffff, v50;
	_ =	sdelay $0x3  }
0x1d9: {  	s29 =	spop (v2sf)  }
0x1da: {  	s20 =	sadd.s32 s20, s29;
	v51 =	vor.u32 $0x1, v14  }
0x1db: {  	s21 =	sadd.s32 $0xFFFFFFFF, s20;
	v52, _, _ =	vpop (xrf0)  }
0x1dc: {  	v15 =	vadd.s32 s21, v52  }
0x1dd: {  	vm13 =	vlt.s32 v15, $0x200  }
0x1de: {  	vm1 =	vmand vm12, vm13  }
0x1df: {  	v13 =	vld.idx.msk [tilespmem:v51+s2+$0x0], $0xffff  }
0x1e0: {  	v53 =	vor.u32 $0x2, v14;
	_ =	sdelay $0x3  }
0x1e1: {  	[tilespmem:v15+s10+$0x0] =	vst.idx.msk vm1, v13  }
0x1e2: {  	v13 =	vld.idx.msk [tilespmem:v53+s2+$0x0], $0xffff  }
0x1e3: {  	v54 =	vor.u32 $0x3, v14;
	_ =	sdelay $0x3  }
0x1e4: {  	[tilespmem:v15+s11+$0x0] =	vst.idx.msk vm1, v13  }
0x1e5: {  	v13 =	vld.idx.msk [tilespmem:v54+s2+$0x0], $0xffff  }
0x1e6: {  	v55 =	vor.u32 $0x4, v14;
	_ =	sdelay $0x3  }
0x1e7: {  	[tilespmem:v15+s12+$0x0] =	vst.idx.msk vm1, v13  }
0x1e8: {  	v13 =	vld.idx.msk [tilespmem:v55+s2+$0x0], $0xffff  }
0x1e9: {  	v14 =	vor.u32 $0x5, v14;
	_ =	sdelay $0x3  }
0x1ea: {  	[tilespmem:v15+s13+$0x0] =	vst.idx.msk vm1, v13  }
0x1eb: {  	v56 =	vmov s19;
	v13 =	vld.idx.msk [tilespmem:v14+s2+$0x0], $0xffff  }
0x1ec: {  	v57 =	vmpcnt.ones.xlane vm12;
	v14 =	vshll.u32 v56, $0x3  }
0x1ed: {  	v14 =	vor.u32 v1, v14  }
0x1ee: {  	(v2sf) =	vpush v57, $0x0;
	_ =	sdelay $0x1  }
0x1ef: {  	[tilespmem:v15+s14+$0x0] =	vst.idx.msk vm1, v13  }
0x1f0: {  	[tilespmem:v15+s15+$0x0] =	vst.idx.msk vm1, v12  }
0x1f1: {  	v12 =	vld.idx.msk [tilespmem:v14+s2+$0x0], $0xffff;
	_ =	sdelay $0x4  }
0x1f2: {  	vm14 =	vgt.f32 v12, v11  }
0x1f3: {  	v58 =	vsel vm14, $0x1, v4  }
0x1f4: {  	(xrf0) =	vadd.scan.msk.s32 $0xffff, v58;
	_ =	sdelay $0x3  }
0x1f5: {  	s30 =	spop (v2sf)  }
0x1f6: {  	s20 =	sadd.s32 s20, s30;
	v59 =	vor.u32 $0x1, v14  }
0x1f7: {  	s21 =	sadd.s32 $0xFFFFFFFF, s20;
	v60, _, _ =	vpop (xrf0)  }
0x1f8: {  	v15 =	vadd.s32 s21, v60  }
0x1f9: {  	vm15 =	vlt.s32 v15, $0x200  }
0x1fa: {  	vm1 =	vmand vm14, vm15  }
0x1fb: {  	v13 =	vld.idx.msk [tilespmem:v59+s2+$0x0], $0xffff  }
0x1fc: {  	v61 =	vor.u32 $0x2, v14;
	_ =	sdelay $0x3  }
0x1fd: {  	[tilespmem:v15+s10+$0x0] =	vst.idx.msk vm1, v13  }
0x1fe: {  	v13 =	vld.idx.msk [tilespmem:v61+s2+$0x0], $0xffff  }
0x1ff: {  	v62 =	vor.u32 $0x3, v14;
	_ =	sdelay $0x3  }
0x200: {  	[tilespmem:v15+s11+$0x0] =	vst.idx.msk vm1, v13  }
0x201: {  	v63 =	vmpcnt.ones.xlane vm14;
	v13 =	vld.idx.msk [tilespmem:v62+s2+$0x0], $0xffff  }
0x202: {  	v17 =	vor.u32 $0x4, v14  }
0x203: {  	(v2sf) =	vpush v63, $0x0;
	_ =	sdelay $0x2  }
0x204: {  	[tilespmem:v15+s12+$0x0] =	vst.idx.msk vm1, v13  }
0x205: {  	v13 =	vld.idx.msk [tilespmem:v17+s2+$0x0], $0xffff  }
0x206: {  	v14 =	vor.u32 $0x5, v14;
	_ =	sdelay $0x3  }
0x207: {  	[tilespmem:v15+s13+$0x0] =	vst.idx.msk vm1, v13  }
0x208: {  	s18 =	sadd.s32 $0x8, s18;
	v13 =	vld.idx.msk [tilespmem:v14+s2+$0x0], $0xffff  }
0x209: {  	p0 =	slt.u32 s18, $0x268  }
.Ltmp4:
0x20a: {  	_ = 	snop;
	(pc) =	sbr.rel @p0 .LBB2_9-.Ltmp4, $3  }
0x20b: {  	_ =	sdelay $0x1  }
0x20c: {  	s31 =	spop (v2sf);
	[tilespmem:v15+s14+$0x0] =	vst.idx.msk vm1, v13  }
0x20d: {  	s19 =	sadd.s32 $0x80, s19;
	s20 =	sadd.s32 s20, s31;
	[tilespmem:v15+s15+$0x0] =	vst.idx.msk vm1, v12  }
0x20e: {  	_ =	sdelay $0x2  }
0x20f: {  	s18 =	simm.s32 $0x0  }
0x210: {  	v12 =	vld.idx.msk [tilespmem:v5+s18+$0x0], $0xffff;
	_ =	sdelay $0x4  }
0x211: {  	vm0 =	vgt.f32 v12, v11  }
0x212: {  	v11 =	vsel vm0, $0x1, v4  }
0x213: {  	(xrf0) =	vadd.scan.msk.s32 $0xffff, v11;
	_ =	sdelay $0x5  }
0x214: {  	s19 =	sadd.s32 $0xFFFFFFFF, s20;
	v11, _, _ =	vpop (xrf0)  }
0x215: {  	v11 =	vadd.s32 s19, v11  }
0x216: {  	vm1 =	vlt.s32 v11, $0x200  }
0x217: {  	vm0 =	vmand vm0, vm1  }
0x218: {  	v13 =	vld.idx.msk [tilespmem:v6+s18+$0x0], $0xffff;
	_ =	sdelay $0x4  }
0x219: {  	[tilespmem:v11+s10+$0x0] =	vst.idx.msk vm0, v13  }
0x21a: {  	v13 =	vld.idx.msk [tilespmem:v7+s18+$0x0], $0xffff;
	_ =	sdelay $0x4  }
0x21b: {  	[tilespmem:v11+s11+$0x0] =	vst.idx.msk vm0, v13  }
0x21c: {  	v13 =	vld.idx.msk [tilespmem:v8+s18+$0x0], $0xffff;
	_ =	sdelay $0x4  }
0x21d: {  	[tilespmem:v11+s12+$0x0] =	vst.idx.msk vm0, v13  }
0x21e: {  	v13 =	vld.idx.msk [tilespmem:v9+s18+$0x0], $0xffff;
	_ =	sdelay $0x4  }
0x21f: {  	[tilespmem:v11+s13+$0x0] =	vst.idx.msk vm0, v13  }
0x220: {  	v13 =	vld.idx.msk [tilespmem:v10+s18+$0x0], $0xffff;
	_ =	sdelay $0x4  }
0x221: {  	[tilespmem:v11+s14+$0x0] =	vst.idx.msk vm0, v13  }
0x222: {  	s22 =	simm.s32 $0x0;
	[tilespmem:v11+s15+$0x0] =	vst.idx.msk vm0, v12  }
0x223: {  	v12 =	vld [tilespmem:s22+$0x13900]  }
0x224: {  	v11 =	vld [tilespmem:s22+$0x14350]  }
0x225: {  	v13 =	vld [tilespmem:s22+$0x13B10]  }
0x226: {  	v15 =	vld [tilespmem:s22+$0x13D20]  }
0x227: {  	v16 =	vld [tilespmem:s22+$0x13F30]  }
0x228: {  	s20 =	simm.s32 $0x10;
	v17 =	vld [tilespmem:s22+$0x14140]  }
0x229: {  	v18 =	vld [tilespmem:s20+$0x14350]  }
0x22a: {  	v19 =	vld [tilespmem:s20+$0x13900];
	v20 =	vmul.f32 $4.096000000e+03, v11  }
0x22b: {  	v21 =	vld [tilespmem:s20+$0x13B10]  }
0x22c: {  	v22 =	vld [tilespmem:s20+$0x13D20];
	v13 =	vadd.f32 v20, v13;
	v15 =	vadd.f32 v15, v20  }
0x22d: {  	v24 =	vimm.f32 $-3.000000010e+38;
	v23 =	vld [tilespmem:s20+$0x13F30];
	v25 =	vadd.f32 v16, v20;
	v17 =	vadd.f32 v17, v20  }
0x22e: {  	v26 =	vimm.s32 $0x0;
	s19 =	simm.s32 $0x20;
	v14 =	vld [tilespmem:s20+$0x14140];
	vm14 =	vgt.f32 v12, v24;
	v18 =	vmul.f32 $4.096000000e+03, v18;
	[tilespmem:s22+$0x14560] =	vst v13  }
0x22f: {  	v12 =	vsel vm14, v12, v24;
	v62 =	vsub.f32 v25, v13;
	v63 =	vsub.f32 v17, v15;
	v11 =	vld [tilespmem:s19+$0x13900];
	[tilespmem:s22+$0x14770] =	vst v15  }
0x230: {  	v20 =	vsel vm14, s18, v26;
	vm15 =	vgt.f32 v19, v12;
	v16 =	vld [tilespmem:s19+$0x14350];
	[tilespmem:s22+$0x14980] =	vst v25  }
0x231: {  	s21 =	simm.s32 $0x1;
	v13 =	vsel vm15, v19, v12;
	v19 =	vadd.f32 v22, v18;
	v22 =	vmul.f32 v63, v62;
	v15 =	vld [tilespmem:s19+$0x13B10];
	[tilespmem:s22+$0x14B90] =	vst v17  }
0x232: {  	s23 =	simm.s32 $0xC0;
	s24 =	simm.s32 $0x100;
	v12 =	vsel vm15, s21, v20;
	v20 =	vadd.f32 v18, v21;
	v21 =	vadd.f32 v23, v18;
	v17 =	vld [tilespmem:s19+$0x13D20]  }
.LBB2_11:
0x233: {  	p0 =	sne.s32 s24, $0x800;
	v23 =	vld [tilespmem:s19+$0x13F30];
	v24 =	vadd.f32 v14, v18;
	[tilespmem:s22+$0x14DA0] =	vst v22;
	s22 =	smov.u32 s24;
	s24 =	sadd.s32 $0x40, s24  }
.Ltmp5:
0x234: {  	s25 =	sshra.s32 s23, $0x2;
	v14 =	vld [tilespmem:s19+$0x14140];
	vm0 =	vgt.f32 v11, v13;
	[tilespmem:s20+$0x14560] =	vst v20;
	v22 =	vsub.f32 v21, v20;
	s23 =	smov.u32 s22;
	(pc) =	sbr.rel @p0 .LBB2_11-.Ltmp5, $4  }
0x235: {  	s21 =	sadd.s32 $0x1, s21;
	s22 =	smov.u32 s20;
	v18 =	vmul.f32 $4.096000000e+03, v16;
	v13 =	vsel vm0, v11, v13;
	v11 =	vld [tilespmem:s25+$0x13900];
	[tilespmem:s20+$0x14770] =	vst v19;
	v25 =	vsub.f32 v24, v19;
	s20 =	smov.u32 s19  }
0x236: {  	v12 =	vsel vm0, s21, v12;
	s19 =	smov.u32 s25;
	v16 =	vld [tilespmem:s25+$0x14350];
	[tilespmem:s22+$0x14980] =	vst v21  }
0x237: {  	v20 =	vadd.f32 v18, v15;
	v15 =	vld [tilespmem:s19+$0x13B10];
	v19 =	vadd.f32 v17, v18;
	[tilespmem:s22+$0x14B90] =	vst v24;
	v22 =	vmul.f32 v25, v22  }
0x238: {  	v17 =	vld [tilespmem:s19+$0x13D20];
	v21 =	vadd.f32 v23, v18  }
0x239: {  	v23 =	vld [tilespmem:s19+$0x13F30];
	[tilespmem:s22+$0x14DA0] =	vst v22;
	v14 =	vadd.f32 v14, v18  }
0x23a: {  	s30 =	sshra.s32 s23, $0x2;
	v22 =	vld [tilespmem:s19+$0x14140];
	[tilespmem:s20+$0x14560] =	vst v20  }
0x23b: {  	v52 =	vsub.f32 v21, v20;
	v24 =	vld [tilespmem:s30+$0x13900];
	[tilespmem:s20+$0x14770] =	vst v19;
	v53 =	vsub.f32 v14, v19  }
0x23c: {  	v51 =	vld [tilespmem:s30+$0x14350];
	[tilespmem:s20+$0x14980] =	vst v21  }
0x23d: {  	v54 =	vld [tilespmem:s30+$0x13B10];
	[tilespmem:s20+$0x14B90] =	vst v14;
	v14 =	vmul.f32 $4.096000000e+03, v16;
	v55 =	vmul.f32 v53, v52  }
0x23e: {  	v56 =	vld [tilespmem:s30+$0x13D20]  }
0x23f: {  	v57 =	vld [tilespmem:s30+$0x13F30];
	v15 =	vadd.f32 v14, v15;
	v17 =	vadd.f32 v17, v14;
	[tilespmem:s20+$0x14DA0] =	vst v55  }
0x240: {  	v58 =	vadd.f32 v23, v14;
	v14 =	vadd.f32 v22, v14;
	v59 =	vld [tilespmem:s30+$0x14140];
	_ =	sdelay $0x1  }
0x241: {  	[tilespmem:s19+$0x14560] =	vst v15;
	v15 =	vsub.f32 v58, v15;
	v18 =	vmul.f32 $4.096000000e+03, v51;
	v60 =	vsub.f32 v14, v17  }
0x242: {  	[tilespmem:s19+$0x14770] =	vst v17  }
0x243: {  	[tilespmem:s19+$0x14980] =	vst v58;
	v61 =	vadd.f32 v18, v54;
	v62 =	vadd.f32 v56, v18;
	v15 =	vmul.f32 v60, v15  }
0x244: {  	[tilespmem:s19+$0x14B90] =	vst v14;
	v14 =	vadd.f32 v57, v18;
	v18 =	vadd.f32 v59, v18  }
0x245: {  	[tilespmem:s19+$0x14DA0] =	vst v15  }
0x246: {  	v15 =	vsub.f32 v14, v61;
	[tilespmem:s30+$0x14560] =	vst v61;
	v63 =	vsub.f32 v18, v62  }
0x247: {  	vm0 =	vgt.f32 v11, v13;
	[tilespmem:s30+$0x14770] =	vst v62  }
0x248: {  	s31 =	sadd.s32 $0x1, s21;
	v11 =	vsel vm0, v11, v13;
	[tilespmem:s30+$0x14980] =	vst v14;
	v13 =	vmul.f32 v63, v15  }
0x249: {  	v12 =	vsel vm0, s31, v12;
	vm15 =	vgt.f32 v24, v11;
	s19 =	sadd.s32 $0x1, s31;
	[tilespmem:s30+$0x14B90] =	vst v18  }
0x24a: {  	v11 =	vsel vm15, v24, v11;
	v12 =	vsel vm15, s19, v12;
	[tilespmem:s30+$0x14DA0] =	vst v13  }
.LBB2_13:
0x24b: {  	(xrf0) =	vmax.scan.msk.f32 $0xffff, v11;
	_ =	sdelay $0x5  }
0x24c: {  	v13, _, _ =	vpop (xrf0)  }
0x24d: {  	v14 =	vbroadcast v13, $0xF  }
0x24e: {  	v12 =	vshll.u32 v12, $0x4;
	v15 =	vor.u32 $0x80000000, v0  }
0x24f: {  	vm0 =	veq.f32 v11, v14;
	v11 =	vxor.u32 v15, v12  }
0x250: {  	v11 =	vnsel vm0, $0xC0000000, v11  }
0x251: {  	(xrf0) =	vmin.scan.msk.u32 $0xffff, v11;
	_ =	sdelay $0x5  }
0x252: {  	(v2sf) =	vpush v13, $0xF;
	v11, _, _ =	vpop (xrf0)  }
0x253: {  	(v2sf) =	vpush v11, $0xF;
	_ =	sdelay $0xd  }
0x254: {  	s19 =	spop (v2sf)  }
0x255: {  	s20 =	spop (v2sf)  }
0x256: {  	s20 =	sxor.u32 $0x80000000, s20  }
0x257: {  	p0 =	slt.s32 s20, $0x1FF  }
0x258: {  	s20 =	simm.s32 @!p0 $0x1FF;
	p0 =	sgt.f32 s19, $0.0e+00;
	_ =	sdelay $0x1  }
0x259: {  	v15 =	vld @p0 [tilespmem:s20+$0x13B10]  }
0x25a: {  	v17 =	vld.msk @p0 [tilespmem:s20+$0x13D20 ss:$0x0], $0xffff  }
0x25b: {  	v18 =	vld.msk @p0 [tilespmem:s20+$0x13F30 ss:$0x0], $0xffff  }
0x25c: {  	v19 =	vld.msk @p0 [tilespmem:s20+$0x14140 ss:$0x0], $0xffff  }
0x25d: {  	v11 =	vld [tilespmem:s20+$0x14560];
	vm0 =	vmmov @p0 $0x1  }
0x25e: {  	v20 =	vld.msk @p0 [tilespmem:s20+$0x14350 ss:$0x0], $0xffff;
	v15 =	vnsel @p0 vm0, $0x0, v15;
	vm0 =	vcmask @p0 $0x318  }
0x25f: {  	v12 =	vld [tilespmem:s20+$0x14770];
	v15 =	vsel @p0 vm0, v15, v17;
	vm0 =	vcmask @p0 $0x718  }
0x260: {  	v13 =	vld [tilespmem:s20+$0x14980];
	v15 =	vsel @p0 vm0, v15, v18;
	vm0 =	vcmask @p0 $0xB18  }
0x261: {  	v16 =	vld [tilespmem:s20+$0x14B90];
	v15 =	vsel @p0 vm0, v15, v19;
	vm0 =	vcmask @p0 $0xF18  }
0x262: {  	v14 =	vsel @p0 vm0, v15, v14;
	vm0 =	vcmask @p0 $0x1318  }
0x263: {  	s19 =	sshra.s32 @p0 s18, $0x2;
	(v2sf) =	vpush v11, $0x0;
	v14 =	vsel @p0 vm0, v14, v20  }
0x264: {  	(v2sf) =	vpush v12, $0x0;
	[tilespmem:s19+$0x14FB0] =	vst @p0 v14  }
0x265: {  	(v2sf) =	vpush v13, $0x0;
	v52 =	vld [tilespmem:$0x14560]  }
0x266: {  	(v2sf) =	vpush v16, $0x0;
	v53 =	vld [tilespmem:$0x14770]  }
0x267: {  	v54 =	vld [tilespmem:$0x14980]  }
0x268: {  	v55 =	vld [tilespmem:$0x14B90]  }
0x269: {  	v14 =	vbroadcast v11, $0x0;
	v11 =	vld [tilespmem:$0x14DA0]  }
0x26a: {  	v57 =	vld [tilespmem:$0x14570]  }
0x26b: {  	v21 =	vld [tilespmem:$0x14780]  }
0x26c: {  	v58 =	vld [tilespmem:$0x14990]  }
0x26d: {  	v22 =	vld [tilespmem:$0x14580]  }
0x26e: {  	v23 =	vld [tilespmem:$0x14790]  }
0x26f: {  	v29 =	vld [tilespmem:$0x147A0]  }
0x270: {  	v30 =	vld [tilespmem:$0x149B0]  }
0x271: {  	v12 =	vbroadcast v12, $0x0;
	v45 =	vld [tilespmem:$0x147C0]  }
0x272: {  	v15 =	vbroadcast v13, $0x0;
	v13 =	vbroadcast v16, $0x0;
	v59 =	vld [tilespmem:$0x14BA0];
	s31 =	spop (v2sf)  }
0x273: {  	v44 =	vor.u32 $0x10, v0;
	v60 =	vld [tilespmem:$0x14DB0];
	v56 =	vmax.f32 v14, v52;
	v18 =	vmax.f32 v12, v53;
	s21 =	spop (v2sf)  }
0x274: {  	v62 =	vld [tilespmem:$0x149A0];
	v19 =	vmin.f32 v15, v54;
	v20 =	vmin.f32 v13, v55;
	v17 =	vmax.f32 v14, v57;
	s22 =	spop (v2sf)  }
0x275: {  	v63 =	vld [tilespmem:$0x14BB0];
	v21 =	vmax.f32 v12, v21;
	v25 =	vmax.f32 v14, v22;
	v26 =	vmax.f32 v12, v23;
	s23 =	spop (v2sf);
	s19 =	ssub.f32 s22, s31  }
0x276: {  	v28 =	vld [tilespmem:$0x14590];
	v22 =	vmax.f32 v12, v29;
	v23 =	vmin.f32 v15, v30;
	v54 =	vmax.f32 v12, v45;
	s21 =	ssub.f32 s23, s21  }
0x277: {  	v31 =	vld [tilespmem:$0x14BC0];
	v16 =	vsub.f32 v19, v56;
	v18 =	vsub.f32 v20, v18;
	v19 =	vmin.f32 v15, v58  }
0x278: {  	v36 =	vld [tilespmem:$0x145A0];
	v57 =	vor.u32 $0x20, v0;
	v20 =	vmin.f32 v13, v59;
	v17 =	vsub.f32 v19, v17;
	s19 =	smul.f32 s21, s19  }
0x279: {  	v34 =	vld [tilespmem:$0x14DD0];
	v61 =	vsub.f32 v20, v21;
	v16 =	vmax.f32 v16, $0.0e+00;
	v18 =	vmax.f32 v18, $0.0e+00  }
0x27a: {  	v37 =	vld [tilespmem:$0x147B0];
	v21 =	vmin.f32 v13, v63;
	v16 =	vmul.f32 v18, v16;
	v11 =	vadd.f32 s19, v11  }
0x27b: {  	v30 =	vld [tilespmem:$0x149D0];
	v20 =	vmin.f32 v15, v62;
	v27 =	vsub.f32 v21, v26;
	v21 =	vmax.f32 v14, v28  }
0x27c: {  	v39 =	vld [tilespmem:$0x149C0];
	v17 =	vmax.f32 v17, $0.0e+00;
	v19 =	vmax.f32 v61, $0.0e+00;
	v11 =	vsub.f32 v11, v16  }
0x27d: {  	v43 =	vld [tilespmem:$0x14DE0];
	v18 =	vmin.f32 v13, v31;
	v35 =	vsub.f32 v23, v21;
	v21 =	vmax.f32 v14, v36  }
0x27e: {  	v51 =	vld [tilespmem:$0x14DF0];
	v17 =	vmul.f32 v19, v17;
	v19 =	vsub.f32 v20, v25;
	v11 =	vadd.f32 $9.999999710e-10, v11  }
0x27f: {  	v28 =	vld [tilespmem:$0x145B0];
	v20 =	vmax.f32 v27, $0.0e+00;
	v18 =	vsub.f32 v18, v22;
	v22 =	vmax.f32 v12, v37  }
0x280: {  	v31 =	vld [tilespmem:$0x14BE0];
	v55 =	vmin.f32 v15, v30;
	(erf) = vrcp.f32 v11;
	v11 =	vadd.f32 s19, v60  }
0x281: {  	v24 =	vld [tilespmem:$0x14DC0];
	v38 =	vmax.f32 v35, $0.0e+00;
	v35 =	vor.u32 $0x50, v0;
	v19 =	vmax.f32 v19, $0.0e+00  }
0x282: {  	v63 =	vld [tilespmem:$0x14E00];
	v19 =	vmul.f32 v20, v19;
	v20 =	vmin.f32 v15, v39;
	v11 =	vsub.f32 v11, v17  }
0x283: {  	v42 =	vld [tilespmem:$0x14BD0];
	v18 =	vmax.f32 v18, $0.0e+00;
	v20 =	vsub.f32 v20, v21;
	v41 =	vadd.f32 s19, v34  }
0x284: {  	v27 =	vmul.f32 v18, v38;
	v21 =	vadd.f32 s19, v51;
	v51 =	vld [tilespmem:$0x14A00];
	v11 =	vadd.f32 $9.999999710e-10, v11  }
0x285: {  	v36 =	vld [tilespmem:$0x145D0];
	v52 =	vmax.f32 v14, v28;
	v56 =	vmin.f32 v13, v31;
	v50 =	vadd.f32 s19, v43  }
0x286: {  	v45 =	vld [tilespmem:$0x145E0];
	v18 =	vsub.f32 v41, v27;
	(erf) = vrcp.f32 v11;
	v11 =	vadd.f32 s19, v24  }
0x287: {  	v34 =	vor.u32 $0x30, v0;
	v43 =	vadd.f32 s19, v63;
	v48 =	vmax.f32 v20, $0.0e+00  }
0x288: {  	v18 =	vadd.f32 $9.999999710e-10, v18;
	v24 =	vsub.f32 v11, v19;
	v11 =	vmov s20  }
0x289: {  	v31 =	vmin.f32 v15, v51;
	vm13 =	veq.s32 v11, v0;
	vm14 =	veq.s32 v11, v44  }
0x28a: {  	v58 =	vld [tilespmem:$0x145C0];
	vm4 =	veq.s32 v11, v57;
	vm5 =	veq.s32 v11, v34;
	v44 =	vmax.f32 v14, v36  }
0x28b: {  	v39 =	vld [tilespmem:$0x149F0];
	v32 =	vpop (erf);
	v57 =	vmax.f32 v14, v45;
	v33 =	vadd.f32 $9.999999710e-10, v24;
	v24 =	vmin.f32 v13, v42  }
0x28c: {  	v25 =	vld [tilespmem:$0x13900];
	v16 =	vmul.f32 v32, v16;
	v31 =	vsub.f32 v31, v57;
	v47 =	vsub.f32 v24, v22  }
0x28d: {  	v62 =	vld [tilespmem:$0x14BF0];
	vm9 =	veq.s32 v11, v35;
	v22 =	vsub.f32 v55, v52;
	v24 =	vsub.f32 v56, v54  }
0x28e: {  	v53 =	vld [tilespmem:$0x13920];
	(erf) = vrcp.f32 v33;
	vm1 =	vgt.f32 v16, $6.000000240e-01;
	v31 =	vmax.f32 v31, $0.0e+00  }
0x28f: {  	v26 =	vld [tilespmem:$0x13910];
	vm0 =	vmor vm13, vm1;
	(erf) = vrcp.f32 v18;
	v49 =	vmax.f32 v47, $0.0e+00  }
0x290: {  	v45 =	vld [tilespmem:$0x14810];
	v22 =	vmax.f32 v22, $0.0e+00;
	v24 =	vmax.f32 v24, $0.0e+00;
	v47 =	vmin.f32 v15, v39  }
0x291: {  	v33 =	vld [tilespmem:$0x14C00];
	v16 =	vsel vm0, $0xBF800000, v25;
	v20 =	vmul.f32 v49, v48;
	v22 =	vmul.f32 v24, v22  }
0x292: {  	v60 =	vld [tilespmem:$0x149E0];
	v25 =	vmax.f32 v14, v58;
	v24 =	vmin.f32 v13, v62;
	v30 =	vsub.f32 v47, v44;
	v40 =	vpop (erf)  }
0x293: {  	v58 =	vld [tilespmem:$0x145F0];
	v47 =	vor.u32 $0x60, v0;
	vm0 =	vgt.f32 v16, $-3.000000010e+38;
	v17 =	vmul.f32 v40, v17  }
0x294: {  	v52 =	vld [tilespmem:$0x14C10];
	vm10 =	veq.s32 v11, v47;
	v29 =	vnsel vm0, $0xFF61B1E6, v16;
	v18 =	vsub.f32 v50, v20  }
0x295: {  	v59 =	vld [tilespmem:$0x147D0];
	v21 =	vsub.f32 v21, v22;
	v30 =	vmax.f32 v30, $0.0e+00;
	vm15 =	vgt.f32 v17, $6.000000240e-01  }
0x296: {  	v32 =	vld [tilespmem:$0x147E0];
	v48 =	vmin.f32 v13, v33;
	v33 =	vmax.f32 v12, v45;
	vm0 =	vmor vm14, vm15  }
0x297: {  	v42 =	vld [tilespmem:$0x14E10];
	v61 =	vadd.f32 $9.999999710e-10, v18;
	v21 =	vadd.f32 $9.999999710e-10, v21;
	v17 =	vsel vm0, $0xBF800000, v26  }
0x298: {  	v63 =	vld [tilespmem:$0x14C20];
	v39 =	vmax.f32 v14, v58;
	v26 =	vmin.f32 v15, v60;
	vm0 =	vgt.f32 v17, v29  }
0x299: {  	v49 =	vld [tilespmem:$0x147F0];
	v46 =	vpop (erf);
	(erf) = vrcp.f32 v61;
	v25 =	vsub.f32 v26, v25;
	v26 =	vmin.f32 v13, v52  }
0x29a: {  	v51 =	vld [tilespmem:$0x14E40];
	v19 =	vmul.f32 v46, v19;
	v29 =	vsel vm0, v17, v29;
	v37 =	vsel vm0, $0x1, v4;
	v38 =	vpop (erf)  }
0x29b: {  	v55 =	vld [tilespmem:$0x14E20];
	(erf) = vrcp.f32 v21;
	v46 =	vmax.f32 v12, v32;
	v27 =	vmul.f32 v38, v27  }
0x29c: {  	v62 =	vld [tilespmem:$0x14A10];
	v41 =	vmax.f32 v25, $0.0e+00;
	v28 =	vsub.f32 v48, v46;
	v25 =	vadd.f32 s19, v42  }
0x29d: {  	v44 =	vld [tilespmem:$0x14600];
	v42 =	vmin.f32 v13, v63;
	vm2 =	vgt.f32 v19, $6.000000240e-01;
	v19 =	vmax.f32 v12, v59  }
0x29e: {  	v40 =	vld [tilespmem:$0x13930];
	v59 =	vmax.f32 v12, v49;
	vm1 =	vmor vm4, vm2;
	v19 =	vsub.f32 v24, v19  }
0x29f: {  	v60 =	vld [tilespmem:$0x14800];
	vm6 =	vgt.f32 v27, $6.000000240e-01;
	v28 =	vmax.f32 v28, $0.0e+00;
	v18 =	vsel vm1, $0xBF800000, v53  }
0x2a0: {  	v46 =	vld [tilespmem:$0x14A20];
	vm0 =	vmor vm5, vm6;
	v53 =	vor.u32 $0x40, v0;
	v28 =	vmul.f32 v28, v30  }
0x2a1: {  	v30 =	vadd.f32 s19, v55;
	vm1 =	vgt.f32 v18, v29;
	v19 =	vmax.f32 v19, $0.0e+00  }
0x2a2: {  	vm7 =	veq.s32 v11, v53;
	v53 =	vmax.f32 v14, v44;
	v29 =	vsel vm1, v18, v29  }
0x2a3: {  	v24 =	vsel vm1, $0x2, v37;
	v27 =	vmul.f32 v19, v41;
	v19 =	vsel vm0, $0xBF800000, v40  }
0x2a4: {  	v56 =	vsub.f32 v25, v28;
	v25 =	vsub.f32 v26, v59;
	v41 =	vmax.f32 v12, v60  }
0x2a5: {  	v38 =	vld [tilespmem:$0x14E30];
	v26 =	vmin.f32 v15, v62;
	v34 =	vmin.f32 v15, v46;
	v59 =	vadd.f32 s19, v51  }
0x2a6: {  	v46 =	vld [tilespmem:$0x14C50];
	vm0 =	vgt.f32 v19, v29;
	v26 =	vsub.f32 v26, v39;
	v21 =	vsub.f32 v43, v27  }
0x2a7: {  	v54 =	vld [tilespmem:$0x13940];
	v50 =	vpop (erf);
	v29 =	vsel vm0, v19, v29;
	v25 =	vmax.f32 v25, $0.0e+00;
	v24 =	vsel vm0, $0x3, v24  }
0x2a8: {  	v48 =	vld [tilespmem:$0x14C30];
	v20 =	vmul.f32 v50, v20;
	v61 =	vpop (erf);
	v25 =	vmul.f32 v25, v31;
	v31 =	vsub.f32 v42, v41  }
0x2a9: {  	v26 =	vmax.f32 v26, $0.0e+00;
	v21 =	vadd.f32 $9.999999710e-10, v21;
	v22 =	vmul.f32 v61, v22  }
0x2aa: {  	v55 =	vld [tilespmem:$0x14A30];
	vm8 =	vgt.f32 v20, $6.000000240e-01;
	v37 =	vsub.f32 v30, v25;
	v31 =	vmax.f32 v31, $0.0e+00  }
0x2ab: {  	v36 =	vld [tilespmem:$0x13950];
	v30 =	vadd.f32 s19, v38;
	v35 =	vmin.f32 v13, v46;
	(erf) = vrcp.f32 v21  }
0x2ac: {  	vm1 =	vmor vm7, vm8;
	v21 =	vadd.f32 $9.999999710e-10, v56;
	vm3 =	vgt.f32 v22, $6.000000240e-01  }
0x2ad: {  	v42 =	vld [tilespmem:$0x14830];
	v26 =	vmul.f32 v31, v26;
	v31 =	vmin.f32 v13, v48;
	v20 =	vsel vm1, $0xBF800000, v54  }
0x2ae: {  	v46 =	vld [tilespmem:$0x14850];
	vm2 =	vmor vm9, vm3;
	v22 =	vadd.f32 $9.999999710e-10, v37;
	v37 =	vor.u32 $0x70, v0  }
0x2af: {  	v56 =	vld [tilespmem:$0x14C40];
	v31 =	vsub.f32 v31, v33;
	v33 =	vmin.f32 v15, v55;
	vm1 =	vgt.f32 v20, v29  }
0x2b0: {  	v54 =	vld [tilespmem:$0x14610];
	(erf) = vrcp.f32 v21;
	v21 =	vsel vm2, $0xBF800000, v36;
	v30 =	vsub.f32 v30, v26  }
0x2b1: {  	v36 =	vld [tilespmem:$0x14820];
	vm11 =	veq.s32 v11, v37;
	v29 =	vsel vm1, v20, v29;
	v58 =	vmax.f32 v31, $0.0e+00  }
0x2b2: {  	v45 =	vld [tilespmem:$0x14A40];
	v24 =	vsel vm1, $0x4, v24;
	vm2 =	vgt.f32 v21, v29;
	v52 =	vadd.f32 $9.999999710e-10, v30  }
0x2b3: {  	v30 =	vsub.f32 v34, v53;
	v32 =	vmax.f32 v12, v46;
	v29 =	vsel vm2, v21, v29  }
0x2b4: {  	v34 =	vmin.f32 v13, v56;
	v51 =	vsel vm2, $0x5, v24;
	v56 =	vor.u32 $0x90, v0  }
0x2b5: {  	v57 =	vmax.f32 v30, $0.0e+00;
	v63 =	vmax.f32 v14, v54;
	vm9 =	veq.s32 v11, v56  }
0x2b6: {  	v40 =	vld [tilespmem:$0x13960];
	v41 =	vmax.f32 v12, v36;
	v30 =	vsub.f32 v33, v63;
	v36 =	vmax.f32 v12, v42  }
0x2b7: {  	v61 =	vld [tilespmem:$0x14E50];
	v44 =	vsub.f32 v34, v41;
	v34 =	vmin.f32 v15, v45;
	v35 =	vsub.f32 v35, v36;
	v43 =	vpop (erf)  }
0x2b8: {  	v49 =	vld [tilespmem:$0x13970];
	(erf) = vrcp.f32 v22;
	v47 =	vmax.f32 v30, $0.0e+00;
	v27 =	vmul.f32 v43, v27  }
0x2b9: {  	v63 =	vld [tilespmem:$0x14C60];
	v43 =	vor.u32 $0x80, v0;
	v48 =	vmax.f32 v44, $0.0e+00;
	v50 =	vpop (erf);
	(erf) = vrcp.f32 v52  }
0x2ba: {  	v53 =	vld [tilespmem:$0x14E60];
	vm14 =	veq.s32 v11, v43;
	vm4 =	vgt.f32 v27, $6.000000240e-01;
	v23 =	vmul.f32 v50, v28  }
0x2bb: {  	v43 =	vor.u32 $0xA0, v0;
	v28 =	vmul.f32 v58, v57;
	v57 =	vld [tilespmem:$0x14630];
	vm3 =	vmor vm10, vm4  }
0x2bc: {  	v50 =	vadd.f32 s19, v61;
	v58 =	vld [tilespmem:$0x14840];
	v22 =	vsel vm3, $0xBF800000, v40;
	vm12 =	vgt.f32 v23, $6.000000240e-01  }
0x2bd: {  	v45 =	vld [tilespmem:$0x14640];
	v62 =	vsub.f32 v59, v28;
	vm0 =	vgt.f32 v22, v29;
	vm3 =	vmor vm11, vm12  }
0x2be: {  	v61 =	vld [tilespmem:$0x14A50];
	v31 =	vmin.f32 v13, v63;
	v29 =	vsel vm0, v22, v29;
	v23 =	vsel vm3, $0xBF800000, v49  }
0x2bf: {  	v40 =	vld [tilespmem:$0x14620];
	v27 =	vadd.f32 $9.999999710e-10, v62;
	v62 =	vadd.f32 s19, v53;
	v30 =	vsel vm0, $0x6, v51  }
0x2c0: {  	v53 =	vor.u32 $0xB0, v0;
	vm13 =	vgt.f32 v23, v29;
	v36 =	vmax.f32 v14, v57  }
0x2c1: {  	v38 =	vld [tilespmem:$0x14E70];
	v33 =	vmax.f32 v12, v58;
	v60 =	vpop (erf);
	(erf) = vrcp.f32 v27;
	v27 =	vmul.f32 v48, v47  }
0x2c2: {  	v51 =	vld [tilespmem:$0x14C70];
	v29 =	vsel vm13, v23, v29;
	v30 =	vsel vm13, $0x7, v30;
	v31 =	vsub.f32 v31, v33  }
0x2c3: {  	vm13 =	veq.s32 v11, v43;
	v33 =	vmax.f32 v14, v45;
	v25 =	vmul.f32 v60, v25  }
0x2c4: {  	v49 =	vld [tilespmem:$0x13980];
	v54 =	vmax.f32 v14, v40;
	v60 =	vmax.f32 v35, $0.0e+00;
	v35 =	vmin.f32 v15, v61  }
0x2c5: {  	v48 =	vld [tilespmem:$0x14A60];
	v52 =	vpop (erf);
	v34 =	vsub.f32 v34, v54;
	v44 =	vsub.f32 v35, v36;
	v47 =	vmax.f32 v31, $0.0e+00  }
0x2c6: {  	v55 =	vld [tilespmem:$0x13990];
	vm15 =	vgt.f32 v25, $6.000000240e-01;
	v26 =	vmul.f32 v52, v26;
	v25 =	vsub.f32 v50, v27  }
0x2c7: {  	v40 =	vld [tilespmem:$0x14650];
	v50 =	vadd.f32 s19, v38;
	v38 =	vmin.f32 v13, v51;
	vm8 =	vmor vm14, vm15  }
0x2c8: {  	v46 =	vld [tilespmem:$0x14870];
	v59 =	vmax.f32 v34, $0.0e+00;
	vm15 =	veq.s32 v11, v53;
	v32 =	vsub.f32 v38, v32  }
0x2c9: {  	v54 =	vld [tilespmem:$0x14860];
	v24 =	vsel vm8, $0xBF800000, v49;
	v25 =	vadd.f32 $9.999999710e-10, v25;
	vm10 =	vgt.f32 v26, $6.000000240e-01  }
0x2ca: {  	v52 =	vld [tilespmem:$0x14E80];
	v34 =	vmul.f32 v60, v59;
	v31 =	vmin.f32 v15, v48;
	vm11 =	vgt.f32 v24, v29  }
0x2cb: {  	v51 =	vld [tilespmem:$0x14EA0];
	vm2 =	vmor vm9, vm10;
	v31 =	vsub.f32 v31, v33;
	v58 =	vmax.f32 v32, $0.0e+00  }
0x2cc: {  	v61 =	vmax.f32 v14, v40;
	(erf) = vrcp.f32 v25;
	v29 =	vsel vm11, v24, v29  }
0x2cd: {  	v42 =	vld [tilespmem:$0x139A0];
	v25 =	vsel vm2, $0xBF800000, v55;
	v26 =	vsub.f32 v62, v34;
	v30 =	vsel vm11, $0x8, v30  }
0x2ce: {  	v59 =	vld [tilespmem:$0x14E90];
	v37 =	vmax.f32 v12, v54;
	v54 =	vmax.f32 v12, v46;
	vm12 =	vgt.f32 v25, v29  }
0x2cf: {  	v62 =	vld [tilespmem:$0x14660];
	v57 =	vmax.f32 v31, $0.0e+00;
	v60 =	vadd.f32 s19, v52;
	v41 =	vpop (erf);
	v26 =	vadd.f32 $9.999999710e-10, v26  }
0x2d0: {  	v33 =	vadd.f32 s19, v51;
	v29 =	vsel vm12, v25, v29;
	v28 =	vmul.f32 v41, v28;
	v41 =	vld [tilespmem:$0x14A70]  }
0x2d1: {  	v51 =	vld [tilespmem:$0x14890];
	v30 =	vsel vm12, $0x9, v30;
	(erf) = vrcp.f32 v26;
	v26 =	vmax.f32 v44, $0.0e+00  }
0x2d2: {  	v31 =	vmul.f32 v58, v57;
	vm14 =	vgt.f32 v28, $6.000000240e-01;
	v36 =	vmul.f32 v47, v26  }
0x2d3: {  	v32 =	vadd.f32 s19, v59;
	v44 =	vld [tilespmem:$0x148A0];
	v47 =	vor.u32 $0xC0, v0;
	vm0 =	vmor vm13, vm14  }
0x2d4: {  	v39 =	vld [tilespmem:$0x139B0];
	v52 =	vmax.f32 v14, v62;
	v26 =	vsel vm0, $0xBF800000, v42;
	v28 =	vsub.f32 v50, v36  }
0x2d5: {  	vm6 =	veq.s32 v11, v47;
	v42 =	vld [tilespmem:$0x14C80];
	vm0 =	vgt.f32 v26, v29;
	v63 =	vmin.f32 v15, v41  }
0x2d6: {  	v53 =	vld [tilespmem:$0x14670];
	v41 =	vmax.f32 v12, v51;
	v49 =	vpop (erf);
	v29 =	vsel vm0, v26, v29;
	v28 =	vadd.f32 $9.999999710e-10, v28  }
0x2d7: {  	v48 =	vld [tilespmem:$0x14A80];
	v35 =	vsub.f32 v63, v61;
	v61 =	vor.u32 $0xD0, v0;
	v27 =	vmul.f32 v49, v27  }
0x2d8: {  	v30 =	vsel vm0, $0xA, v30;
	v63 =	vld [tilespmem:$0x14EB0];
	v44 =	vmax.f32 v12, v44;
	vm9 =	veq.s32 v11, v61  }
0x2d9: {  	(erf) = vrcp.f32 v28;
	v28 =	vsub.f32 v60, v31;
	vm4 =	vgt.f32 v27, $6.000000240e-01  }
0x2da: {  	v49 =	vld [tilespmem:$0x14C90];
	v35 =	vmax.f32 v35, $0.0e+00;
	v45 =	vmin.f32 v13, v42;
	vm1 =	vmor vm15, vm4  }
0x2db: {  	v57 =	vld [tilespmem:$0x14A90];
	v55 =	vpop (erf);
	v37 =	vsub.f32 v45, v37;
	v50 =	vadd.f32 $9.999999710e-10, v28;
	v45 =	vmax.f32 v14, v53  }
0x2dc: {  	v27 =	vsel vm1, $0xBF800000, v39;
	v34 =	vmul.f32 v55, v34;
	v39 =	vmin.f32 v15, v48  }
0x2dd: {  	v56 =	vld [tilespmem:$0x139C0];
	v53 =	vadd.f32 s19, v63;
	vm5 =	vgt.f32 v27, v29;
	v37 =	vmax.f32 v37, $0.0e+00  }
0x2de: {  	v60 =	vld [tilespmem:$0x14CA0];
	(erf) = vrcp.f32 v50;
	vm7 =	vgt.f32 v34, $6.000000240e-01;
	v35 =	vmul.f32 v37, v35  }
0x2df: {  	v55 =	vld [tilespmem:$0x14880];
	v29 =	vsel vm5, v27, v29;
	v30 =	vsel vm5, $0xB, v30;
	v34 =	vmin.f32 v13, v49  }
0x2e0: {  	v50 =	vld [tilespmem:$0x14680];
	v37 =	vsub.f32 v39, v52;
	v39 =	vmin.f32 v15, v57;
	v49 =	vor.u32 $0xE0, v0  }
0x2e1: {  	v52 =	vld [tilespmem:$0x14AA0];
	vm1 =	vmor vm6, vm7;
	v34 =	vsub.f32 v34, v54;
	v39 =	vsub.f32 v39, v45  }
0x2e2: {  	vm11 =	veq.s32 v11, v49;
	v28 =	vsel vm1, $0xBF800000, v56;
	v32 =	vsub.f32 v32, v35  }
0x2e3: {  	v37 =	vmax.f32 v37, $0.0e+00;
	vm8 =	vgt.f32 v28, v29;
	v34 =	vmax.f32 v34, $0.0e+00  }
0x2e4: {  	v54 =	vld [tilespmem:$0x14CB0];
	v47 =	vmax.f32 v12, v55;
	v39 =	vmax.f32 v39, $0.0e+00;
	v56 =	vpop (erf);
	v32 =	vadd.f32 $9.999999710e-10, v32  }
0x2e5: {  	v43 =	vld [tilespmem:$0x139D0];
	v58 =	vsel vm8, v28, v29;
	v38 =	vmax.f32 v14, v50;
	v59 =	vmul.f32 v56, v36  }
0x2e6: {  	v63 =	vld [tilespmem:$0x14CC0];
	v36 =	vmin.f32 v13, v60;
	v42 =	vmin.f32 v15, v52;
	(erf) = vrcp.f32 v32  }
0x2e7: {  	v60 =	vld [tilespmem:$0x14690];
	v32 =	vmul.f32 v34, v37;
	v36 =	vsub.f32 v36, v47;
	vm10 =	vgt.f32 v59, $6.000000240e-01  }
0x2e8: {  	v46 =	vld [tilespmem:$0x139E0];
	v34 =	vsel vm8, $0xC, v30;
	v61 =	vsub.f32 v42, v38;
	vm0 =	vmor vm9, vm10  }
0x2e9: {  	v51 =	vld [tilespmem:$0x14ED0];
	v62 =	vsub.f32 v33, v32;
	v48 =	vpop (erf);
	v36 =	vmax.f32 v36, $0.0e+00;
	v33 =	vmin.f32 v13, v54  }
0x2ea: {  	v37 =	vld [tilespmem:$0x146B0];
	v29 =	vsel vm0, $0xBF800000, v43;
	v31 =	vmul.f32 v48, v31;
	v36 =	vmul.f32 v36, v39  }
0x2eb: {  	v59 =	vld [tilespmem:$0x14EC0];
	v33 =	vsub.f32 v33, v41;
	v41 =	vmin.f32 v13, v63;
	v30 =	vadd.f32 $9.999999710e-10, v62  }
0x2ec: {  	v45 =	vld [tilespmem:$0x148B0];
	vm13 =	vgt.f32 v29, v58;
	v40 =	vmax.f32 v14, v60;
	vm12 =	vgt.f32 v31, $6.000000240e-01  }
0x2ed: {  	v54 =	vld [tilespmem:$0x14AC0];
	v55 =	vsel vm13, v29, v58;
	v31 =	vsub.f32 v53, v36;
	v58 =	vor.u32 $0xF0, v0  }
0x2ee: {  	v43 =	vld [tilespmem:$0x14EE0];
	v34 =	vsel vm13, $0xD, v34;
	v33 =	vmax.f32 v33, $0.0e+00;
	v53 =	vsub.f32 v41, v44  }
0x2ef: {  	v62 =	vld [tilespmem:$0x14AB0];
	v37 =	vmax.f32 v14, v37;
	vm0 =	vmor vm11, vm12;
	(erf) = vrcp.f32 v30  }
0x2f0: {  	v52 =	vld [tilespmem:$0x146A0];
	vm14 =	veq.s32 v11, v58;
	v49 =	vadd.f32 s19, v59;
	v58 =	vadd.f32 s19, v51  }
0x2f1: {  	v63 =	vld [tilespmem:$0x148C0];
	v30 =	vsel vm0, $0xBF800000, v46;
	v31 =	vadd.f32 $9.999999710e-10, v31;
	v46 =	vor.u32 $0x100, v0  }
0x2f2: {  	v41 =	vmin.f32 v15, v54;
	vm0 =	vgt.f32 v30, v55;
	vm7 =	veq.s32 v11, v46  }
0x2f3: {  	v56 =	vld [tilespmem:$0x139F0];
	v43 =	vadd.f32 s19, v43;
	v57 =	vpop (erf);
	v39 =	vsel vm0, v30, v55;
	(erf) = vrcp.f32 v31  }
0x2f4: {  	v34 =	vsel vm0, $0xE, v34;
	v38 =	vmin.f32 v15, v62;
	v55 =	vld [tilespmem:$0x14CD0];
	v35 =	vmul.f32 v57, v35  }
0x2f5: {  	v62 =	vmax.f32 v14, v52;
	v52 =	vmax.f32 v12, v45;
	v38 =	vsub.f32 v38, v40  }
0x2f6: {  	v57 =	vmax.f32 v53, $0.0e+00;
	v53 =	vld [tilespmem:$0x14AD0];
	v40 =	vmax.f32 v12, v63;
	vm15 =	vgt.f32 v35, $6.000000240e-01  }
0x2f7: {  	v63 =	vor.u32 $0x120, v0;
	v35 =	vmax.f32 v61, $0.0e+00;
	vm1 =	vmor vm14, vm15  }
0x2f8: {  	vm12 =	veq.s32 v11, v63;
	v35 =	vmul.f32 v33, v35;
	v31 =	vsel vm1, $0xBF800000, v56  }
0x2f9: {  	v56 =	vmax.f32 v38, $0.0e+00;
	v44 =	vmin.f32 v13, v55;
	vm6 =	vgt.f32 v31, v39  }
0x2fa: {  	v48 =	vld [tilespmem:$0x13A00];
	v50 =	vpop (erf);
	v33 =	vsub.f32 v49, v35;
	v38 =	vmul.f32 v57, v56;
	v54 =	vsub.f32 v44, v52  }
0x2fb: {  	v55 =	vld [tilespmem:$0x14CE0];
	v45 =	vmin.f32 v15, v53;
	v32 =	vmul.f32 v50, v32;
	v39 =	vsel vm6, v31, v39  }
0x2fc: {  	v56 =	vld [tilespmem:$0x14EF0];
	v47 =	vsel vm6, $0xF, v34;
	v37 =	vsub.f32 v45, v37;
	v33 =	vadd.f32 $9.999999710e-10, v33  }
0x2fd: {  	v61 =	vsub.f32 v58, v38;
	v58 =	vmax.f32 v54, $0.0e+00;
	vm8 =	vgt.f32 v32, $6.000000240e-01  }
0x2fe: {  	v46 =	vld [tilespmem:$0x13A10];
	v59 =	vpop (erf);
	v37 =	vmax.f32 v37, $0.0e+00;
	vm1 =	vmor vm7, vm8;
	(erf) = vrcp.f32 v33  }
0x2ff: {  	v60 =	vmul.f32 v59, v36;
	v36 =	vsub.f32 v41, v62;
	v34 =	vadd.f32 $9.999999710e-10, v61;
	v59 =	vld [tilespmem:$0x146C0]  }
0x300: {  	v61 =	vld [tilespmem:$0x14AE0];
	v42 =	vmin.f32 v13, v55;
	v32 =	vsel vm1, $0xBF800000, v48;
	v48 =	vor.u32 $0x110, v0  }
0x301: {  	v62 =	vld [tilespmem:$0x14CF0];
	v40 =	vsub.f32 v42, v40;
	v44 =	vadd.f32 s19, v56;
	vm9 =	vgt.f32 v32, v39  }
0x302: {  	v52 =	vld [tilespmem:$0x14F00];
	vm10 =	veq.s32 v11, v48;
	vm11 =	vgt.f32 v60, $6.000000240e-01;
	v57 =	vmax.f32 v36, $0.0e+00  }
0x303: {  	v55 =	vld [tilespmem:$0x146D0];
	(erf) = vrcp.f32 v34;
	vm1 =	vmor vm10, vm11;
	v36 =	vmul.f32 v58, v57  }
0x304: {  	v60 =	vld [tilespmem:$0x148D0];
	v39 =	vsel vm9, v32, v39;
	v40 =	vmax.f32 v40, $0.0e+00;
	v33 =	vsel vm1, $0xBF800000, v46  }
0x305: {  	v37 =	vmul.f32 v40, v37;
	v43 =	vsub.f32 v43, v36;
	vm1 =	vgt.f32 v33, v39  }
0x306: {  	v50 =	vld [tilespmem:$0x14F10];
	v41 =	vmax.f32 v14, v59;
	v34 =	vmin.f32 v15, v61;
	v46 =	vmin.f32 v13, v62  }
0x307: {  	v58 =	vld [tilespmem:$0x14AF0];
	v59 =	vadd.f32 s19, v52;
	v62 =	vor.u32 $0x130, v0;
	v34 =	vsub.f32 v34, v41  }
0x308: {  	v56 =	vld [tilespmem:$0x148E0];
	v57 =	vsub.f32 v44, v37;
	v39 =	vsel vm1, v33, v39;
	vm14 =	veq.s32 v11, v62  }
0x309: {  	v41 =	vmax.f32 v14, v55;
	v55 =	vsel vm9, $0x10, v47;
	v48 =	vmax.f32 v12, v60;
	v60 =	vld [tilespmem:$0x14D00]  }
0x30a: {  	v43 =	vadd.f32 $9.999999710e-10, v43;
	v54 =	vsub.f32 v46, v48;
	v34 =	vmax.f32 v34, $0.0e+00;
	v49 =	vpop (erf)  }
0x30b: {  	v53 =	vld [tilespmem:$0x13A20];
	v42 =	vadd.f32 $9.999999710e-10, v57;
	v57 =	vadd.f32 s19, v50;
	v35 =	vmul.f32 v49, v35  }
0x30c: {  	(erf) = vrcp.f32 v43;
	v43 =	vmin.f32 v15, v58;
	v40 =	vmax.f32 v54, $0.0e+00  }
0x30d: {  	(erf) = vrcp.f32 v42;
	v40 =	vmul.f32 v40, v34;
	v61 =	vpop (erf);
	vm13 =	vgt.f32 v35, $6.000000240e-01  }
0x30e: {  	v38 =	vmul.f32 v61, v38;
	v35 =	vmax.f32 v12, v56;
	v51 =	vmin.f32 v13, v60  }
0x30f: {  	v63 =	vld [tilespmem:$0x13A30];
	vm2 =	vmor vm12, vm13;
	v44 =	vsub.f32 v59, v40;
	v54 =	vsub.f32 v51, v35  }
0x310: {  	v50 =	vld [tilespmem:$0x14D10];
	v59 =	vor.u32 $0x140, v0;
	v34 =	vsel vm2, $0xBF800000, v53;
	vm15 =	vgt.f32 v38, $6.000000240e-01  }
0x311: {  	v60 =	vld [tilespmem:$0x148F0];
	v53 =	vsub.f32 v43, v41;
	v43 =	vsel vm1, $0x11, v55;
	vm8 =	veq.s32 v11, v59  }
0x312: {  	v61 =	vld [tilespmem:$0x14B00];
	vm2 =	vgt.f32 v34, v39;
	v49 =	vadd.f32 $9.999999710e-10, v44;
	vm7 =	vmor vm14, vm15  }
0x313: {  	v58 =	vld [tilespmem:$0x146E0];
	v41 =	vmax.f32 v54, $0.0e+00;
	v54 =	vor.u32 $0x150, v0;
	v39 =	vsel vm2, v34, v39  }
0x314: {  	v59 =	vld [tilespmem:$0x14D20];
	v35 =	vsel vm7, $0xBF800000, v63;
	v38 =	vmax.f32 v53, $0.0e+00;
	v43 =	vsel vm2, $0x12, v43  }
0x315: {  	v52 =	vld [tilespmem:$0x13A40];
	vm11 =	veq.s32 v11, v54;
	v54 =	vor.u32 $0x170, v0;
	(erf) = vrcp.f32 v49  }
0x316: {  	v51 =	vld [tilespmem:$0x146F0];
	v41 =	vmul.f32 v41, v38;
	vm0 =	vgt.f32 v35, v39;
	v48 =	vmax.f32 v12, v60  }
0x317: {  	v63 =	vld [tilespmem:$0x14F20];
	v46 =	vmin.f32 v15, v61;
	vm6 =	veq.s32 v11, v54;
	v56 =	vpop (erf);
	v39 =	vsel vm0, v35, v39  }
0x318: {  	v49 =	vld [tilespmem:$0x14F30];
	v43 =	vsel vm0, $0x13, v43;
	v36 =	vmul.f32 v56, v36;
	v38 =	vsub.f32 v57, v41  }
0x319: {  	v54 =	vld [tilespmem:$0x14D60];
	v62 =	vpop (erf);
	v56 =	vmax.f32 v14, v58;
	v58 =	vmin.f32 v13, v50;
	v50 =	vmin.f32 v13, v59  }
0x31a: {  	v44 =	vld [tilespmem:$0x13A50];
	v37 =	vmul.f32 v62, v37;
	v46 =	vsub.f32 v46, v56;
	v48 =	vsub.f32 v58, v48  }
0x31b: {  	v57 =	vld [tilespmem:$0x14B10];
	v62 =	vmax.f32 v14, v51;
	vm9 =	vgt.f32 v36, $6.000000240e-01;
	v38 =	vadd.f32 $9.999999710e-10, v38  }
0x31c: {  	v53 =	vld [tilespmem:$0x14920];
	v45 =	vadd.f32 s19, v63;
	vm1 =	vmor vm8, vm9;
	vm12 =	vgt.f32 v37, $6.000000240e-01  }
0x31d: {  	v63 =	vld [tilespmem:$0x14B20];
	v60 =	vmax.f32 v46, $0.0e+00;
	v61 =	vmax.f32 v48, $0.0e+00;
	v49 =	vadd.f32 s19, v49  }
0x31e: {  	v48 =	vld [tilespmem:$0x14910];
	v54 =	vmin.f32 v13, v54;
	v36 =	vsel vm1, $0xBF800000, v52;
	vm1 =	vmor vm11, vm12  }
0x31f: {  	v52 =	vor.u32 $0x160, v0;
	vm10 =	vgt.f32 v36, v39;
	v37 =	vsel vm1, $0xBF800000, v44;
	v44 =	vld [tilespmem:$0x14700]  }
0x320: {  	vm13 =	veq.s32 v11, v52;
	v42 =	vmin.f32 v15, v57;
	v57 =	vld [tilespmem:$0x14D30];
	v39 =	vsel vm10, v36, v39  }
0x321: {  	v42 =	vsub.f32 v42, v62;
	v43 =	vsel vm10, $0x14, v43;
	v55 =	vpop (erf);
	(erf) = vrcp.f32 v38;
	v38 =	vld [tilespmem:$0x14900]  }
0x322: {  	v47 =	vld [tilespmem:$0x13A60];
	vm15 =	vgt.f32 v37, v39;
	v51 =	vmin.f32 v15, v63;
	v40 =	vmul.f32 v55, v40  }
0x323: {  	v59 =	vld [tilespmem:$0x14710];
	v42 =	vmax.f32 v42, $0.0e+00;
	v48 =	vmax.f32 v12, v48;
	v39 =	vsel vm15, v37, v39  }
0x324: {  	v56 =	vld [tilespmem:$0x14F50];
	v43 =	vsel vm15, $0x15, v43;
	vm14 =	vgt.f32 v40, $6.000000240e-01;
	v40 =	vmul.f32 v61, v60  }
0x325: {  	v61 =	vld [tilespmem:$0x14B30];
	v44 =	vmax.f32 v14, v44;
	v55 =	vmin.f32 v13, v57;
	v57 =	vmax.f32 v12, v53  }
0x326: {  	v62 =	vld [tilespmem:$0x14D40];
	v44 =	vsub.f32 v51, v44;
	v48 =	vsub.f32 v55, v48;
	v38 =	vmax.f32 v12, v38  }
0x327: {  	v63 =	vld [tilespmem:$0x14F40];
	vm2 =	vmor vm13, vm14;
	v45 =	vsub.f32 v45, v40;
	v58 =	vsub.f32 v50, v38  }
0x328: {  	v38 =	vsel vm2, $0xBF800000, v47;
	v44 =	vmax.f32 v44, $0.0e+00;
	v50 =	vmax.f32 v14, v59  }
0x329: {  	v48 =	vmax.f32 v48, $0.0e+00;
	v45 =	vadd.f32 $9.999999710e-10, v45;
	v46 =	vmax.f32 v58, $0.0e+00  }
0x32a: {  	v47 =	vmin.f32 v15, v61;
	v58 =	vld [tilespmem:$0x13A70];
	v61 =	vadd.f32 s19, v56;
	v42 =	vmul.f32 v46, v42  }
0x32b: {  	v56 =	vld [tilespmem:$0x14B40];
	v60 =	vpop (erf);
	(erf) = vrcp.f32 v45;
	v46 =	vmin.f32 v13, v62;
	v47 =	vsub.f32 v47, v50  }
0x32c: {  	v59 =	vadd.f32 s19, v63;
	v45 =	vld [tilespmem:$0x14720];
	v41 =	vmul.f32 v60, v41;
	v46 =	vsub.f32 v46, v57  }
0x32d: {  	vm8 =	vgt.f32 v38, v39;
	v50 =	vld [tilespmem:$0x14940];
	v49 =	vsub.f32 v49, v42;
	v47 =	vmax.f32 v47, $0.0e+00  }
0x32e: {  	vm7 =	vgt.f32 v41, $6.000000240e-01;
	v41 =	vmul.f32 v48, v44;
	v46 =	vmax.f32 v46, $0.0e+00  }
0x32f: {  	v62 =	vsel vm8, v38, v39;
	v60 =	vadd.f32 $9.999999710e-10, v49;
	v46 =	vmul.f32 v46, v47  }
0x330: {  	v53 =	vld [tilespmem:$0x14F60];
	vm2 =	vmor vm6, vm7;
	v52 =	vmin.f32 v15, v56;
	v44 =	vsub.f32 v59, v41  }
0x331: {  	v48 =	vld [tilespmem:$0x13A80];
	v39 =	vsel vm2, $0xBF800000, v58;
	v59 =	vor.u32 $0x180, v0;
	v45 =	vmax.f32 v14, v45  }
0x332: {  	v49 =	vld [tilespmem:$0x14930];
	v50 =	vmax.f32 v12, v50;
	v47 =	vsub.f32 v61, v46;
	v44 =	vadd.f32 $9.999999710e-10, v44  }
0x333: {  	v56 =	vld [tilespmem:$0x14950];
	(erf) = vrcp.f32 v60;
	vm9 =	vgt.f32 v39, v62;
	vm10 =	veq.s32 v11, v59  }
0x334: {  	v58 =	vld [tilespmem:$0x14D50];
	v60 =	vsel vm8, $0x16, v43;
	v57 =	vadd.f32 $9.999999710e-10, v47;
	v63 =	vpop (erf);
	(erf) = vrcp.f32 v44  }
0x335: {  	v45 =	vsub.f32 v52, v45;
	v52 =	vld [tilespmem:$0x14740];
	v59 =	vadd.f32 s19, v53;
	v40 =	vmul.f32 v63, v40  }
0x336: {  	v53 =	vld [tilespmem:$0x14B60];
	v50 =	vsub.f32 v54, v50;
	v61 =	vsel vm9, v39, v62;
	(erf) = vrcp.f32 v57  }
0x337: {  	v54 =	vld [tilespmem:$0x14D80];
	v62 =	vsel vm9, $0x17, v60;
	v60 =	vor.u32 $0x1A0, v0;
	vm11 =	vgt.f32 v40, $6.000000240e-01  }
0x338: {  	v45 =	vmax.f32 v45, $0.0e+00;
	vm6 =	veq.s32 v11, v60;
	v44 =	vld [tilespmem:$0x14730];
	vm1 =	vmor vm10, vm11  }
0x339: {  	v49 =	vmax.f32 v12, v49;
	v47 =	vmin.f32 v13, v58;
	v40 =	vsel vm1, $0xBF800000, v48;
	v48 =	vld [tilespmem:$0x14B50]  }
0x33a: {  	v50 =	vmax.f32 v50, $0.0e+00;
	v57 =	vld [tilespmem:$0x14F80];
	v47 =	vsub.f32 v47, v49;
	vm12 =	vgt.f32 v40, v61  }
0x33b: {  	v56 =	vmax.f32 v12, v56;
	v63 =	vor.u32 $0x190, v0;
	v43 =	vsel vm12, v40, v61;
	v61 =	vld [tilespmem:$0x14D70]  }
0x33c: {  	v49 =	vld [tilespmem:$0x14F70];
	v52 =	vmax.f32 v14, v52;
	v53 =	vmin.f32 v15, v53;
	v47 =	vmax.f32 v47, $0.0e+00;
	v55 =	vpop (erf)  }
0x33d: {  	vm13 =	veq.s32 v11, v63;
	v52 =	vsub.f32 v53, v52;
	v53 =	vld [tilespmem:$0x14760];
	v45 =	vmul.f32 v47, v45;
	v58 =	vpop (erf)  }
0x33e: {  	v44 =	vmax.f32 v14, v44;
	v41 =	vmul.f32 v58, v41;
	v48 =	vmin.f32 v15, v48;
	v58 =	vld [tilespmem:$0x14960]  }
0x33f: {  	v51 =	vsel vm12, $0x18, v62;
	v42 =	vmul.f32 v55, v42;
	v62 =	vpop (erf);
	v44 =	vsub.f32 v48, v44;
	v48 =	vld [tilespmem:$0x14B70]  }
0x340: {  	vm7 =	vgt.f32 v41, $6.000000240e-01;
	v41 =	vmul.f32 v62, v46;
	v46 =	vld [tilespmem:$0x14750];
	v55 =	vmin.f32 v13, v61  }
0x341: {  	v63 =	vor.u32 $0x1B0, v0;
	v47 =	vsub.f32 v59, v45;
	v55 =	vsub.f32 v55, v56;
	v56 =	vld [tilespmem:$0x14B80]  }
0x342: {  	vm8 =	veq.s32 v11, v63;
	v63 =	vld [tilespmem:$0x14D90];
	v60 =	vadd.f32 s19, v49;
	v44 =	vmax.f32 v44, $0.0e+00  }
0x343: {  	vm14 =	vgt.f32 v42, $6.000000240e-01;
	v47 =	vadd.f32 $9.999999710e-10, v47;
	v42 =	vmul.f32 v50, v44;
	v44 =	vld [tilespmem:$0x14970]  }
0x344: {  	[tilespmem:$0x13900] =	vst v16;
	v61 =	vmax.f32 v52, $0.0e+00;
	v62 =	vmax.f32 v55, $0.0e+00;
	v59 =	vmax.f32 v12, v58  }
0x345: {  	[tilespmem:$0x13910] =	vst v17;
	v17 =	vmul.f32 v62, v61;
	v52 =	vmin.f32 v15, v48;
	v16 =	vsub.f32 v60, v42  }
0x346: {  	v46 =	vmax.f32 v14, v46;
	v14 =	vmax.f32 v14, v53;
	v15 =	vmin.f32 v15, v56  }
0x347: {  	[tilespmem:$0x13920] =	vst v18;
	v60 =	vmin.f32 v13, v54;
	v13 =	vmin.f32 v13, v63;
	v14 =	vsub.f32 v15, v14;
	v15 =	vld [tilespmem:$0x14FA0]  }
0x348: {  	[tilespmem:$0x13930] =	vst v19;
	v63 =	vadd.f32 s19, v57;
	v61 =	vsub.f32 v60, v59;
	v56 =	vld [tilespmem:$0x14F90];
	v12 =	vmax.f32 v12, v44  }
0x349: {  	[tilespmem:$0x13940] =	vst v20;
	(erf) = vrcp.f32 v47;
	v16 =	vadd.f32 $9.999999710e-10, v16;
	v12 =	vsub.f32 v13, v12  }
0x34a: {  	[tilespmem:$0x13950] =	vst v21;
	v55 =	vsub.f32 v52, v46;
	v47 =	vsub.f32 v63, v17;
	v46 =	vmax.f32 v61, $0.0e+00  }
0x34b: {  	[tilespmem:$0x13960] =	vst v22;
	(erf) = vrcp.f32 v16;
	v14 =	vmax.f32 v14, $0.0e+00;
	v12 =	vmax.f32 v12, $0.0e+00  }
0x34c: {  	[tilespmem:$0x13970] =	vst v23;
	v13 =	vmax.f32 v55, $0.0e+00;
	v12 =	vmul.f32 v12, v14;
	v15 =	vadd.f32 s19, v15  }
0x34d: {  	[tilespmem:$0x13980] =	vst v24;
	v13 =	vmul.f32 v46, v13;
	v19 =	vadd.f32 s19, v56  }
0x34e: {  	[tilespmem:$0x13990] =	vst v25;
	v62 =	vld [tilespmem:$0x13A90];
	v14 =	vadd.f32 $9.999999710e-10, v47;
	v15 =	vsub.f32 v15, v12  }
0x34f: {  	[tilespmem:$0x139A0] =	vst v26;
	vm15 =	vmor vm13, vm14;
	vm0 =	vmor vm6, vm7;
	v48 =	vld [tilespmem:$0x13AA0];
	v19 =	vsub.f32 v19, v13  }
0x350: {  	[tilespmem:$0x139B0] =	vst v27;
	vm9 =	vgt.f32 v41, $6.000000240e-01;
	(erf) = vrcp.f32 v14;
	v15 =	vadd.f32 $9.999999710e-10, v15  }
0x351: {  	[tilespmem:$0x139C0] =	vst v28;
	v58 =	vor.u32 $0x1E0, v0;
	v52 =	vor.u32 $0x1C0, v0;
	v19 =	vadd.f32 $9.999999710e-10, v19  }
0x352: {  	[tilespmem:$0x139D0] =	vst v29;
	vm2 =	vmor vm8, vm9;
	vm6 =	veq.s32 v11, v58;
	vm11 =	veq.s32 v11, v52;
	v50 =	vpop (erf)  }
0x353: {  	[tilespmem:$0x139E0] =	vst v30;
	v49 =	vsel vm15, $0xBF800000, v62;
	v20 =	vmul.f32 v50, v45;
	v14 =	vld [tilespmem:$0x13AB0];
	(erf) = vrcp.f32 v19  }
0x354: {  	[tilespmem:$0x139F0] =	vst v31;
	v18 =	vsel vm0, $0xBF800000, v48;
	v62 =	vor.u32 $0x1F0, v0;
	(erf) = vrcp.f32 v15;
	v15 =	vpop (erf)  }
0x355: {  	[tilespmem:$0x13A00] =	vst v32;
	v53 =	vld [tilespmem:$0x13AC0];
	vm10 =	vgt.f32 v49, v43;
	vm9 =	veq.s32 v11, v62;
	v15 =	vmul.f32 v15, v42  }
0x356: {  	[tilespmem:$0x13A10] =	vst v33;
	v21 =	vsel vm10, v49, v43;
	v54 =	vsel vm10, $0x19, v51;
	v56 =	vor.u32 $0x1D0, v0  }
0x357: {  	[tilespmem:$0x13A20] =	vst v34;
	v55 =	vld [tilespmem:$0x13AD0];
	vm12 =	vgt.f32 v20, $6.000000240e-01;
	vm0 =	vgt.f32 v18, v21;
	vm13 =	veq.s32 v11, v56  }
0x358: {  	[tilespmem:$0x13A30] =	vst v35;
	vm1 =	vmor vm11, vm12;
	v21 =	vsel vm0, v18, v21;
	v14 =	vsel vm2, $0xBF800000, v14  }
0x359: {  	[tilespmem:$0x13A40] =	vst v36;
	v22 =	vsel vm0, $0x1A, v54;
	vm14 =	vgt.f32 v14, v21;
	vm15 =	vgt.f32 v15, $6.000000240e-01;
	v15 =	vpop (erf)  }
0x35a: {  	[tilespmem:$0x13A50] =	vst v37;
	v57 =	vld [tilespmem:$0x13AE0];
	v19 =	vsel vm1, $0xBF800000, v53;
	v21 =	vsel vm14, v14, v21;
	v15 =	vmul.f32 v15, v17  }
0x35b: {  	[tilespmem:$0x13A60] =	vst v38;
	v22 =	vsel vm14, $0x1B, v22;
	vm1 =	vgt.f32 v19, v21;
	vm5 =	vmor vm13, vm15  }
0x35c: {  	[tilespmem:$0x13A70] =	vst v39;
	v21 =	vsel vm1, v19, v21;
	v20 =	vsel vm5, $0xBF800000, v55;
	v59 =	vpop (erf);
	vm8 =	vgt.f32 v15, $6.000000240e-01;
	v15 =	vld [tilespmem:$0x13AF0]  }
0x35d: {  	[tilespmem:$0x13AB0] =	vst v14;
	v14 =	vor.u32 $0x200, v0;
	vm7 =	vgt.f32 v20, v21;
	v13 =	vmul.f32 v59, v13  }
0x35e: {  	[tilespmem:$0x13A80] =	vst v40;
	v63 =	vld [tilespmem:$0x13B00];
	vm11 =	veq.s32 v11, v14;
	v21 =	vsel vm7, v20, v21;
	v60 =	vpop (erf);
	vm0 =	vmor vm6, vm8  }
0x35f: {  	s18 =	sadd.s32 $0x40, s18;
	[tilespmem:$0x13A90] =	vst v49;
	v12 =	vmul.f32 v60, v12;
	vm10 =	vgt.f32 v13, $6.000000240e-01;
	v61 =	vsel vm0, $0xBF800000, v57  }
0x360: {  	p0 =	sne.s32 s18, $0x4B00;
	[tilespmem:$0x13AA0] =	vst v18;
	v22 =	vsel vm1, $0x1C, v22;
	vm2 =	vmor vm9, vm10;
	vm0 =	vgt.f32 v61, v21  }
.Ltmp6:
0x361: {  	[tilespmem:$0x13AC0] =	vst v19;
	vm12 =	vgt.f32 v12, $6.000000240e-01;
	v13 =	vsel vm0, v61, v21;
	v15 =	vsel vm2, $0xBF800000, v15;
	(pc) =	sbr.rel @p0 .LBB2_13-.Ltmp6, $4  }
0x362: {  	[tilespmem:$0x13AD0] =	vst v20;
	v11 =	vsel vm7, $0x1D, v22;
	vm13 =	vmor vm11, vm12;
	vm14 =	vgt.f32 v15, v13  }
0x363: {  	[tilespmem:$0x13AE0] =	vst v61;
	v11 =	vsel vm0, $0x1E, v11;
	v12 =	vsel vm14, v15, v13;
	v13 =	vsel vm13, $0xBF800000, v63  }
0x364: {  	[tilespmem:$0x13AF0] =	vst v15;
	v14 =	vsel vm14, $0x1F, v11;
	vm15 =	vgt.f32 v13, v12  }
0x365: {  	[tilespmem:$0x13B00] =	vst v13;
	v11 =	vsel vm15, v13, v12;
	v12 =	vsel vm15, $0x20, v14  }
0x366: {  	s17 =	sadd.s32 $0x1, s17  }
0x367: {  	p0 =	sne.s32 s17, s7  }
.Ltmp7:
0x368: {  	_ = 	snop;
	(pc) =	sbr.rel @p0 .LBB2_2-.Ltmp7, $4  }
0x369: {  	[hbm4b:s5+s2] =	stream.linear.scatter [tilespmem:s16], [sflag:$0x1], $0x12D0, $0x38;
	[tilespmem:$0x16280] =	vst v63  }
0x36a: {  	_ =	swait.ge [sflag:s9], $0x12D0  }
0x36b: {  	[sflag:s9] =	ssyncset.done $0x0  }
0x36c: {  	[sflag:s9] =	ssyncadd.s32 $0xFFFFED30  }
.LBB2_15:
0x36d: {  	_ =	sfence.sel $0x180000  }
0x36e: {  	[bflag:$0x0] =	sbarrier.arrive $0xFFFF  }
0x36f: {  	p0 =	sne.s32 s1, $0x0;
	_ =	strace $0x90000047  }
0x370: {  	s0 =	sadd.s32 @!p0 $0x100000, s0;
	[bflag:$0x2] =	sbarrier.arrive $0xFFFF  }
0x371: {  	[sflag:s0] =	ssyncadd.tile.s32 @!p0 $0x1;
	_ =	shalt  }
.Lfunc_end2:
_tile_overlayer_lowered:
.L_overlay_start_2:
0x372: {  	(tag) =	ssettag $0x2  }
0x373: {  	s0 =	rddreg [dreg:$0x0];
	s2 =	stileid.u32  }
0x374: {  	s1 =	rddreg [dreg:$0x1];
	p0 =	sne.s32 s2, $0x0  }
0x375: {  	s3 =	rddreg [dreg:$0x2];
	[bflag:$0x3] =	sbarrier.arrive $0xFFFF;
	s2 =	simm.s32 @!p0 $0x1C01  }
0x376: {  	[timem:s3], [sflag:s2] =	dma.local @!p0 [hbm:s0], s1  }
0x377: {  	s0 =	simm.s32 @!p0 $0x1  }
0x378: {  	_ =	swait.ge @!p0 [sflag:s0], s1  }
0x379: {  	s1 =	ssub.s32 @!p0 $0x0, s1;
	[sflag:s0] =	ssyncset.done @!p0 $0x0  }
0x37a: {  	[sflag:s0] =	ssyncadd.s32 @!p0 s1  }
0x37b: {  	[bflag:$0x3] =	sbarrier.arrive $0xFFFF  }
0x37c: {  	_ =	shalt  }

</sc_bundles>
